<compile_context>
chip_gen: v7x
topology: tpu7x:2x2x1
jax: 0.10.2.dev20260603
libtpu: 0.0.44.dev20260713+nightly
codegen_flags: <defaults>
</compile_context>

<pallas_src>
import functools

import jax
import jax.numpy as jnp
from jax import lax
from jax.experimental import pallas as pl
from jax.experimental.pallas import tpu as pltpu
from jax.experimental.pallas import tpu_sc as plsc


_NB = 16
_NW = 32
_SEQ_PAD = 56


@jax.jit
def _sc_gather(token_ids, weight):
    bsz, seq = token_ids.shape
    d = weight.shape[1]
    b_per_w = bsz // _NW
    n_rounds = b_per_w // _NB
    half = n_rounds // 2

    mesh = plsc.VectorSubcoreMesh(core_axis_name="c", subcore_axis_name="s")

    @functools.partial(
        pl.kernel,
        out_type=jax.ShapeDtypeStruct((bsz * _SEQ_PAD, 128), jnp.float32),
        mesh=mesh,
        scratch_types=[
            pltpu.VMEM((b_per_w, seq), jnp.int32),
            pltpu.VMEM((_NB, seq, d), jnp.float32),
            pltpu.VMEM((_NB, seq, d), jnp.float32),
            pltpu.SemaphoreType.DMA,
            pltpu.SemaphoreType.DMA,
            pltpu.SemaphoreType.DMA,
            pltpu.SemaphoreType.DMA,
        ],
        compiler_params=pltpu.CompilerParams(use_tc_tiling_on_sc=False),
    )
    def k(weight_hbm, idx_hbm, out_hbm, idx_v, buf0, buf1, gs0, gs1, os0, os1):
        num_cores = mesh.num_cores
        wid = lax.axis_index("s") * num_cores + lax.axis_index("c")
        bat0 = wid * b_per_w
        pltpu.sync_copy(idx_hbm.at[pl.ds(bat0, b_per_w)], idx_v)

        def fire(g, buf, sem):
            for j in range(_NB):
                pltpu.async_copy(
                    weight_hbm.at[idx_v.at[g * _NB + j]],
                    buf.at[j],
                    sem,
                )

        def drain_gather(buf, sem):
            for j in range(_NB):
                pltpu.make_async_copy(
                    weight_hbm.at[pl.ds(0, seq)], buf.at[j], sem).wait()

        def out_copies(g, buf, sem):
            for j in range(_NB):
                row0 = (bat0 + g * _NB + j) * _SEQ_PAD
                pltpu.async_copy(
                    buf.at[j],
                    out_hbm.at[pl.ds(row0, seq), pl.ds(0, d)],
                    sem,
                )

        def wait_out(buf, sem):
            for j in range(_NB):
                pltpu.make_async_copy(
                    buf.at[j],
                    out_hbm.at[pl.ds(0, seq), pl.ds(0, d)],
                    sem).wait()

        fire(0, buf0, gs0)

        @pl.loop(0, half)
        def _h(h):
            a = 2 * h
            b = a + 1

            @pl.when(h > 0)
            def _():
                wait_out(buf1, os1)

            fire(b, buf1, gs1)
            drain_gather(buf0, gs0)
            out_copies(a, buf0, os0)
            drain_gather(buf1, gs1)
            wait_out(buf0, os0)

            @pl.when(h + 1 < half)
            def _():
                fire(a + 2, buf0, gs0)

            out_copies(b, buf1, os1)

        wait_out(buf1, os1)

    return k(weight, token_ids)


def kernel(token_ids, weight):
    bsz, seq = token_ids.shape
    d = weight.shape[1]
    idx = token_ids.astype(jnp.int32)
    assert bsz % (_NW * _NB * 2) == 0 and seq <= _SEQ_PAD
    out = _sc_gather(idx, weight)
    return out.reshape(bsz, _SEQ_PAD, 128)[:, :seq, :d]

# --- scband reference (transcript-rebuilt; emitter-appended) ---
"""Pipeline reference for scband-embedding-18253611008715 (READ-ONLY COPY).

The authoritative reference and input builder live on the scoring server;
editing this copy changes nothing except your own understanding.
"""

import jax, jax.numpy as jnp
import numpy as np


def setup_inputs(seed: int = 0) -> dict:
    key = jax.random.key(seed)
    k1, k2 = jax.random.split(key)
    token_ids = jax.random.randint(k1, (16384, 50), 0, 1000000, dtype=jnp.int64)
    # trunc_normal(mean=0, std=1, a=-3, b=3) approximated with truncated normal
    weight = jax.random.truncated_normal(k2, -3.0, 3.0, (1000000, 32), dtype=jnp.float32)
    return {"token_ids": token_ids, "weight": weight}


def reference(token_ids, weight):
    # out = self.weight[token_ids]
    out = jnp.take(weight, token_ids, axis=0)
    return out

if __name__ == "__main__":
    import jax
    _d = setup_inputs()
    print(jax.jit(kernel)(*tuple(_d.values())))

</pallas_src>

<mosaic_0001>
#map = affine_map<(d0, d1) -> (0, 0)>
module attributes {stable_mosaic.version = 14 : i64} {
  func.func @k(%arg0: i32, %arg1: i32, %arg2: memref<1000000x32xf32, #tpu.memory_space<hbm>>, %arg3: memref<16384x50xi32, #tpu.memory_space<hbm>>, %arg4: memref<917504x128xf32, #tpu.memory_space<hbm>>, %arg5: memref<512x50xi32, #tpu.memory_space<vmem>>, %arg6: memref<16x50x32xf32, #tpu.memory_space<vmem>>, %arg7: memref<16x50x32xf32, #tpu.memory_space<vmem>>, %arg8: memref<!tpu.dma_semaphore, #tpu.memory_space<semaphore_mem>>, %arg9: memref<!tpu.dma_semaphore, #tpu.memory_space<semaphore_mem>>, %arg10: memref<!tpu.dma_semaphore, #tpu.memory_space<semaphore_mem>>, %arg11: memref<!tpu.dma_semaphore, #tpu.memory_space<semaphore_mem>>) attributes {dimension_semantics = [#tpu.dimension_semantics<core_parallel>, #tpu.dimension_semantics<subcore_parallel>], iteration_bounds = array<i64: 2, 16>, scalar_prefetch = 0 : i64, scratch_operands = 7 : i64, tpu.core_type = #tpu.core_type<sc_vector_subcore>, window_params = [{transform_indices = #map}, {transform_indices = #map}, {transform_indices = #map}]} {
    %mul3A = arith.constant 2 : i32
    %mul3A_0 = arith.muli %arg1, %mul3A : i32
    %add3A = arith.addi %mul3A_0, %arg0 : i32
    %mul3A_1 = arith.constant 512 : i32
    %mul3A_2 = arith.muli %add3A, %mul3A_1 : i32
    "tpu.region"() ({
      %run_scoped3A = tpu.sem_alloc : memref<!tpu.dma_semaphore, #tpu.memory_space<semaphore_mem>>
      %dma_start3A_437 = arith.constant 0 : i32
      %dma_start3A_438 = tpu.memref_slice %arg3[%mul3A_2, %dma_start3A_437] : memref<16384x50xi32, #tpu.memory_space<hbm>> -> memref<512x50xi32, #tpu.memory_space<hbm>>
      %dma_start3A_439 = arith.constant 0 : i32
      %dma_start3A_440 = tpu.memref_slice %arg3[%mul3A_2, %dma_start3A_439] : memref<16384x50xi32, #tpu.memory_space<hbm>> -> memref<512x50xi32, #tpu.memory_space<hbm>>
      tpu.enqueue_dma source(%dma_start3A_440 : memref<512x50xi32, #tpu.memory_space<hbm>>) target(%arg5 : memref<512x50xi32, #tpu.memory_space<vmem>>) target_semaphore(%run_scoped3A : memref<!tpu.dma_semaphore, #tpu.memory_space<semaphore_mem>>)
      %dma_wait3A_441 = arith.constant 0 : i32
      %dma_wait3A_442 = tpu.memref_slice %arg3[%mul3A_2, %dma_wait3A_441] : memref<16384x50xi32, #tpu.memory_space<hbm>> -> memref<512x50xi32, #tpu.memory_space<hbm>>
      %dma_wait3A_443 = arith.constant 0 : i32
      %dma_wait3A_444 = tpu.memref_slice %arg3[%mul3A_2, %dma_wait3A_443] : memref<16384x50xi32, #tpu.memory_space<hbm>> -> memref<512x50xi32, #tpu.memory_space<hbm>>
      tpu.wait_dma2 semaphore(%run_scoped3A : memref<!tpu.dma_semaphore, #tpu.memory_space<semaphore_mem>>) src(%dma_wait3A_444 : memref<512x50xi32, #tpu.memory_space<hbm>>) dst(%arg5 : memref<512x50xi32, #tpu.memory_space<vmem>>)
      tpu.yield
    }) : () -> ()
    %dma_start3A = arith.constant 0 : i32
    %dma_start3A_3 = arith.constant 0 : i32
    %dma_start3A_4 = arith.constant 0 : i32
    %dma_start3A_5 = arith.constant 0 : i32
    %dma_start3A_6 = tpu.memref_slice %arg6[%dma_start3A_3, %dma_start3A_4, %dma_start3A_5] : memref<16x50x32xf32, #tpu.memory_space<vmem>> -> memref<1x50x32xf32, #tpu.memory_space<vmem>>
    %dma_start3A_7 = tpu.memref_squeeze %dma_start3A_6 : memref<1x50x32xf32, #tpu.memory_space<vmem>> -> memref<50x32xf32, #tpu.memory_space<vmem>>
    %dma_start3A_8 = arith.constant 0 : i32
    %dma_start3A_9 = tpu.memref_slice %arg5[%dma_start3A, %dma_start3A_8] : memref<512x50xi32, #tpu.memory_space<vmem>> -> memref<1x50xi32, #tpu.memory_space<vmem>>
    %dma_start3A_10 = tpu.memref_squeeze %dma_start3A_9 : memref<1x50xi32, #tpu.memory_space<vmem>> -> memref<50xi32, #tpu.memory_space<vmem>>
    %dma_start3A_11 = arith.constant 0 : i32
    %dma_start3A_12 = arith.constant 0 : i32
    %dma_start3A_13 = tpu.memref_slice %arg2[%dma_start3A_11, %dma_start3A_12] : memref<1000000x32xf32, #tpu.memory_space<hbm>> -> memref<1000000x32xf32, #tpu.memory_space<hbm>>
    tpu.enqueue_indirect_dma source(%dma_start3A_13 : memref<1000000x32xf32, #tpu.memory_space<hbm>>) target(%dma_start3A_7 : memref<50x32xf32, #tpu.memory_space<vmem>>) offsets(%dma_start3A_10 : memref<50xi32, #tpu.memory_space<vmem>>) semaphore(%arg8 : memref<!tpu.dma_semaphore, #tpu.memory_space<semaphore_mem>>)
    %dma_start3A_14 = arith.constant 1 : i32
    %dma_start3A_15 = arith.constant 1 : i32
    %dma_start3A_16 = arith.constant 0 : i32
    %dma_start3A_17 = arith.constant 0 : i32
    %dma_start3A_18 = tpu.memref_slice %arg6[%dma_start3A_15, %dma_start3A_16, %dma_start3A_17] : memref<16x50x32xf32, #tpu.memory_space<vmem>> -> memref<1x50x32xf32, #tpu.memory_space<vmem>>
    %dma_start3A_19 = tpu.memref_squeeze %dma_start3A_18 : memref<1x50x32xf32, #tpu.memory_space<vmem>> -> memref<50x32xf32, #tpu.memory_space<vmem>>
    %dma_start3A_20 = arith.constant 0 : i32
    %dma_start3A_21 = tpu.memref_slice %arg5[%dma_start3A_14, %dma_start3A_20] : memref<512x50xi32, #tpu.memory_space<vmem>> -> memref<1x50xi32, #tpu.memory_space<vmem>>
    %dma_start3A_22 = tpu.memref_squeeze %dma_start3A_21 : memref<1x50xi32, #tpu.memory_space<vmem>> -> memref<50xi32, #tpu.memory_space<vmem>>
    %dma_start3A_23 = arith.constant 0 : i32
    %dma_start3A_24 = arith.constant 0 : i32
    %dma_start3A_25 = tpu.memref_slice %arg2[%dma_start3A_23, %dma_start3A_24] : memref<1000000x32xf32, #tpu.memory_space<hbm>> -> memref<1000000x32xf32, #tpu.memory_space<hbm>>
    tpu.enqueue_indirect_dma source(%dma_start3A_25 : memref<1000000x32xf32, #tpu.memory_space<hbm>>) target(%dma_start3A_19 : memref<50x32xf32, #tpu.memory_space<vmem>>) offsets(%dma_start3A_22 : memref<50xi32, #tpu.memory_space<vmem>>) semaphore(%arg8 : memref<!tpu.dma_semaphore, #tpu.memory_space<semaphore_mem>>)
    %dma_start3A_26 = arith.constant 2 : i32
    %dma_start3A_27 = arith.constant 2 : i32
    %dma_start3A_28 = arith.constant 0 : i32
    %dma_start3A_29 = arith.constant 0 : i32
    %dma_start3A_30 = tpu.memref_slice %arg6[%dma_start3A_27, %dma_start3A_28, %dma_start3A_29] : memref<16x50x32xf32, #tpu.memory_space<vmem>> -> memref<1x50x32xf32, #tpu.memory_space<vmem>>
    %dma_start3A_31 = tpu.memref_squeeze %dma_start3A_30 : memref<1x50x32xf32, #tpu.memory_space<vmem>> -> memref<50x32xf32, #tpu.memory_space<vmem>>
    %dma_start3A_32 = arith.constant 0 : i32
    %dma_start3A_33 = tpu.memref_slice %arg5[%dma_start3A_26, %dma_start3A_32] : memref<512x50xi32, #tpu.memory_space<vmem>> -> memref<1x50xi32, #tpu.memory_space<vmem>>
    %dma_start3A_34 = tpu.memref_squeeze %dma_start3A_33 : memref<1x50xi32, #tpu.memory_space<vmem>> -> memref<50xi32, #tpu.memory_space<vmem>>
    %dma_start3A_35 = arith.constant 0 : i32
    %dma_start3A_36 = arith.constant 0 : i32
    %dma_start3A_37 = tpu.memref_slice %arg2[%dma_start3A_35, %dma_start3A_36] : memref<1000000x32xf32, #tpu.memory_space<hbm>> -> memref<1000000x32xf32, #tpu.memory_space<hbm>>
    tpu.enqueue_indirect_dma source(%dma_start3A_37 : memref<1000000x32xf32, #tpu.memory_space<hbm>>) target(%dma_start3A_31 : memref<50x32xf32, #tpu.memory_space<vmem>>) offsets(%dma_start3A_34 : memref<50xi32, #tpu.memory_space<vmem>>) semaphore(%arg8 : memref<!tpu.dma_semaphore, #tpu.memory_space<semaphore_mem>>)
    %dma_start3A_38 = arith.constant 3 : i32
    %dma_start3A_39 = arith.constant 3 : i32
    %dma_start3A_40 = arith.constant 0 : i32
    %dma_start3A_41 = arith.constant 0 : i32
    %dma_start3A_42 = tpu.memref_slice %arg6[%dma_start3A_39, %dma_start3A_40, %dma_start3A_41] : memref<16x50x32xf32, #tpu.memory_space<vmem>> -> memref<1x50x32xf32, #tpu.memory_space<vmem>>
    %dma_start3A_43 = tpu.memref_squeeze %dma_start3A_42 : memref<1x50x32xf32, #tpu.memory_space<vmem>> -> memref<50x32xf32, #tpu.memory_space<vmem>>
    %dma_start3A_44 = arith.constant 0 : i32
    %dma_start3A_45 = tpu.memref_slice %arg5[%dma_start3A_38, %dma_start3A_44] : memref<512x50xi32, #tpu.memory_space<vmem>> -> memref<1x50xi32, #tpu.memory_space<vmem>>
    %dma_start3A_46 = tpu.memref_squeeze %dma_start3A_45 : memref<1x50xi32, #tpu.memory_space<vmem>> -> memref<50xi32, #tpu.memory_space<vmem>>
    %dma_start3A_47 = arith.constant 0 : i32
    %dma_start3A_48 = arith.constant 0 : i32
    %dma_start3A_49 = tpu.memref_slice %arg2[%dma_start3A_47, %dma_start3A_48] : memref<1000000x32xf32, #tpu.memory_space<hbm>> -> memref<1000000x32xf32, #tpu.memory_space<hbm>>
    tpu.enqueue_indirect_dma source(%dma_start3A_49 : memref<1000000x32xf32, #tpu.memory_space<hbm>>) target(%dma_start3A_43 : memref<50x32xf32, #tpu.memory_space<vmem>>) offsets(%dma_start3A_46 : memref<50xi32, #tpu.memory_space<vmem>>) semaphore(%arg8 : memref<!tpu.dma_semaphore, #tpu.memory_space<semaphore_mem>>)
    %dma_start3A_50 = arith.constant 4 : i32
    %dma_start3A_51 = arith.constant 4 : i32
    %dma_start3A_52 = arith.constant 0 : i32
    %dma_start3A_53 = arith.constant 0 : i32
    %dma_start3A_54 = tpu.memref_slice %arg6[%dma_start3A_51, %dma_start3A_52, %dma_start3A_53] : memref<16x50x32xf32, #tpu.memory_space<vmem>> -> memref<1x50x32xf32, #tpu.memory_space<vmem>>
    %dma_start3A_55 = tpu.memref_squeeze %dma_start3A_54 : memref<1x50x32xf32, #tpu.memory_space<vmem>> -> memref<50x32xf32, #tpu.memory_space<vmem>>
    %dma_start3A_56 = arith.constant 0 : i32
    %dma_start3A_57 = tpu.memref_slice %arg5[%dma_start3A_50, %dma_start3A_56] : memref<512x50xi32, #tpu.memory_space<vmem>> -> memref<1x50xi32, #tpu.memory_space<vmem>>
    %dma_start3A_58 = tpu.memref_squeeze %dma_start3A_57 : memref<1x50xi32, #tpu.memory_space<vmem>> -> memref<50xi32, #tpu.memory_space<vmem>>
    %dma_start3A_59 = arith.constant 0 : i32
    %dma_start3A_60 = arith.constant 0 : i32
    %dma_start3A_61 = tpu.memref_slice %arg2[%dma_start3A_59, %dma_start3A_60] : memref<1000000x32xf32, #tpu.memory_space<hbm>> -> memref<1000000x32xf32, #tpu.memory_space<hbm>>
    tpu.enqueue_indirect_dma source(%dma_start3A_61 : memref<1000000x32xf32, #tpu.memory_space<hbm>>) target(%dma_start3A_55 : memref<50x32xf32, #tpu.memory_space<vmem>>) offsets(%dma_start3A_58 : memref<50xi32, #tpu.memory_space<vmem>>) semaphore(%arg8 : memref<!tpu.dma_semaphore, #tpu.memory_space<semaphore_mem>>)
    %dma_start3A_62 = arith.constant 5 : i32
    %dma_start3A_63 = arith.constant 5 : i32
    %dma_start3A_64 = arith.constant 0 : i32
    %dma_start3A_65 = arith.constant 0 : i32
    %dma_start3A_66 = tpu.memref_slice %arg6[%dma_start3A_63, %dma_start3A_64, %dma_start3A_65] : memref<16x50x32xf32, #tpu.memory_space<vmem>> -> memref<1x50x32xf32, #tpu.memory_space<vmem>>
    %dma_start3A_67 = tpu.memref_squeeze %dma_start3A_66 : memref<1x50x32xf32, #tpu.memory_space<vmem>> -> memref<50x32xf32, #tpu.memory_space<vmem>>
    %dma_start3A_68 = arith.constant 0 : i32
    %dma_start3A_69 = tpu.memref_slice %arg5[%dma_start3A_62, %dma_start3A_68] : memref<512x50xi32, #tpu.memory_space<vmem>> -> memref<1x50xi32, #tpu.memory_space<vmem>>
    %dma_start3A_70 = tpu.memref_squeeze %dma_start3A_69 : memref<1x50xi32, #tpu.memory_space<vmem>> -> memref<50xi32, #tpu.memory_space<vmem>>
    %dma_start3A_71 = arith.constant 0 : i32
    %dma_start3A_72 = arith.constant 0 : i32
    %dma_start3A_73 = tpu.memref_slice %arg2[%dma_start3A_71, %dma_start3A_72] : memref<1000000x32xf32, #tpu.memory_space<hbm>> -> memref<1000000x32xf32, #tpu.memory_space<hbm>>
    tpu.enqueue_indirect_dma source(%dma_start3A_73 : memref<1000000x32xf32, #tpu.memory_space<hbm>>) target(%dma_start3A_67 : memref<50x32xf32, #tpu.memory_space<vmem>>) offsets(%dma_start3A_70 : memref<50xi32, #tpu.memory_space<vmem>>) semaphore(%arg8 : memref<!tpu.dma_semaphore, #tpu.memory_space<semaphore_mem>>)
    %dma_start3A_74 = arith.constant 6 : i32
    %dma_start3A_75 = arith.constant 6 : i32
    %dma_start3A_76 = arith.constant 0 : i32
    %dma_start3A_77 = arith.constant 0 : i32
    %dma_start3A_78 = tpu.memref_slice %arg6[%dma_start3A_75, %dma_start3A_76, %dma_start3A_77] : memref<16x50x32xf32, #tpu.memory_space<vmem>> -> memref<1x50x32xf32, #tpu.memory_space<vmem>>
    %dma_start3A_79 = tpu.memref_squeeze %dma_start3A_78 : memref<1x50x32xf32, #tpu.memory_space<vmem>> -> memref<50x32xf32, #tpu.memory_space<vmem>>
    %dma_start3A_80 = arith.constant 0 : i32
    %dma_start3A_81 = tpu.memref_slice %arg5[%dma_start3A_74, %dma_start3A_80] : memref<512x50xi32, #tpu.memory_space<vmem>> -> memref<1x50xi32, #tpu.memory_space<vmem>>
    %dma_start3A_82 = tpu.memref_squeeze %dma_start3A_81 : memref<1x50xi32, #tpu.memory_space<vmem>> -> memref<50xi32, #tpu.memory_space<vmem>>
    %dma_start3A_83 = arith.constant 0 : i32
    %dma_start3A_84 = arith.constant 0 : i32
    %dma_start3A_85 = tpu.memref_slice %arg2[%dma_start3A_83, %dma_start3A_84] : memref<1000000x32xf32, #tpu.memory_space<hbm>> -> memref<1000000x32xf32, #tpu.memory_space<hbm>>
    tpu.enqueue_indirect_dma source(%dma_start3A_85 : memref<1000000x32xf32, #tpu.memory_space<hbm>>) target(%dma_start3A_79 : memref<50x32xf32, #tpu.memory_space<vmem>>) offsets(%dma_start3A_82 : memref<50xi32, #tpu.memory_space<vmem>>) semaphore(%arg8 : memref<!tpu.dma_semaphore, #tpu.memory_space<semaphore_mem>>)
    %dma_start3A_86 = arith.constant 7 : i32
    %dma_start3A_87 = arith.constant 7 : i32
    %dma_start3A_88 = arith.constant 0 : i32
    %dma_start3A_89 = arith.constant 0 : i32
    %dma_start3A_90 = tpu.memref_slice %arg6[%dma_start3A_87, %dma_start3A_88, %dma_start3A_89] : memref<16x50x32xf32, #tpu.memory_space<vmem>> -> memref<1x50x32xf32, #tpu.memory_space<vmem>>
    %dma_start3A_91 = tpu.memref_squeeze %dma_start3A_90 : memref<1x50x32xf32, #tpu.memory_space<vmem>> -> memref<50x32xf32, #tpu.memory_space<vmem>>
    %dma_start3A_92 = arith.constant 0 : i32
    %dma_start3A_93 = tpu.memref_slice %arg5[%dma_start3A_86, %dma_start3A_92] : memref<512x50xi32, #tpu.memory_space<vmem>> -> memref<1x50xi32, #tpu.memory_space<vmem>>
    %dma_start3A_94 = tpu.memref_squeeze %dma_start3A_93 : memref<1x50xi32, #tpu.memory_space<vmem>> -> memref<50xi32, #tpu.memory_space<vmem>>
    %dma_start3A_95 = arith.constant 0 : i32
    %dma_start3A_96 = arith.constant 0 : i32
    %dma_start3A_97 = tpu.memref_slice %arg2[%dma_start3A_95, %dma_start3A_96] : memref<1000000x32xf32, #tpu.memory_space<hbm>> -> memref<1000000x32xf32, #tpu.memory_space<hbm>>
    tpu.enqueue_indirect_dma source(%dma_start3A_97 : memref<1000000x32xf32, #tpu.memory_space<hbm>>) target(%dma_start3A_91 : memref<50x32xf32, #tpu.memory_space<vmem>>) offsets(%dma_start3A_94 : memref<50xi32, #tpu.memory_space<vmem>>) semaphore(%arg8 : memref<!tpu.dma_semaphore, #tpu.memory_space<semaphore_mem>>)
    %dma_start3A_98 = arith.constant 8 : i32
    %dma_start3A_99 = arith.constant 8 : i32
    %dma_start3A_100 = arith.constant 0 : i32
    %dma_start3A_101 = arith.constant 0 : i32
    %dma_start3A_102 = tpu.memref_slice %arg6[%dma_start3A_99, %dma_start3A_100, %dma_start3A_101] : memref<16x50x32xf32, #tpu.memory_space<vmem>> -> memref<1x50x32xf32, #tpu.memory_space<vmem>>
    %dma_start3A_103 = tpu.memref_squeeze %dma_start3A_102 : memref<1x50x32xf32, #tpu.memory_space<vmem>> -> memref<50x32xf32, #tpu.memory_space<vmem>>
    %dma_start3A_104 = arith.constant 0 : i32
    %dma_start3A_105 = tpu.memref_slice %arg5[%dma_start3A_98, %dma_start3A_104] : memref<512x50xi32, #tpu.memory_space<vmem>> -> memref<1x50xi32, #tpu.memory_space<vmem>>
    %dma_start3A_106 = tpu.memref_squeeze %dma_start3A_105 : memref<1x50xi32, #tpu.memory_space<vmem>> -> memref<50xi32, #tpu.memory_space<vmem>>
    %dma_start3A_107 = arith.constant 0 : i32
    %dma_start3A_108 = arith.constant 0 : i32
    %dma_start3A_109 = tpu.memref_slice %arg2[%dma_start3A_107, %dma_start3A_108] : memref<1000000x32xf32, #tpu.memory_space<hbm>> -> memref<1000000x32xf32, #tpu.memory_space<hbm>>
    tpu.enqueue_indirect_dma source(%dma_start3A_109 : memref<1000000x32xf32, #tpu.memory_space<hbm>>) target(%dma_start3A_103 : memref<50x32xf32, #tpu.memory_space<vmem>>) offsets(%dma_start3A_106 : memref<50xi32, #tpu.memory_space<vmem>>) semaphore(%arg8 : memref<!tpu.dma_semaphore, #tpu.memory_space<semaphore_mem>>)
    %dma_start3A_110 = arith.constant 9 : i32
    %dma_start3A_111 = arith.constant 9 : i32
    %dma_start3A_112 = arith.constant 0 : i32
    %dma_start3A_113 = arith.constant 0 : i32
    %dma_start3A_114 = tpu.memref_slice %arg6[%dma_start3A_111, %dma_start3A_112, %dma_start3A_113] : memref<16x50x32xf32, #tpu.memory_space<vmem>> -> memref<1x50x32xf32, #tpu.memory_space<vmem>>
    %dma_start3A_115 = tpu.memref_squeeze %dma_start3A_114 : memref<1x50x32xf32, #tpu.memory_space<vmem>> -> memref<50x32xf32, #tpu.memory_space<vmem>>
    %dma_start3A_116 = arith.constant 0 : i32
    %dma_start3A_117 = tpu.memref_slice %arg5[%dma_start3A_110, %dma_start3A_116] : memref<512x50xi32, #tpu.memory_space<vmem>> -> memref<1x50xi32, #tpu.memory_space<vmem>>
    %dma_start3A_118 = tpu.memref_squeeze %dma_start3A_117 : memref<1x50xi32, #tpu.memory_space<vmem>> -> memref<50xi32, #tpu.memory_space<vmem>>
    %dma_start3A_119 = arith.constant 0 : i32
    %dma_start3A_120 = arith.constant 0 : i32
    %dma_start3A_121 = tpu.memref_slice %arg2[%dma_start3A_119, %dma_start3A_120] : memref<1000000x32xf32, #tpu.memory_space<hbm>> -> memref<1000000x32xf32, #tpu.memory_space<hbm>>
    tpu.enqueue_indirect_dma source(%dma_start3A_121 : memref<1000000x32xf32, #tpu.memory_space<hbm>>) target(%dma_start3A_115 : memref<50x32xf32, #tpu.memory_space<vmem>>) offsets(%dma_start3A_118 : memref<50xi32, #tpu.memory_space<vmem>>) semaphore(%arg8 : memref<!tpu.dma_semaphore, #tpu.memory_space<semaphore_mem>>)
    %dma_start3A_122 = arith.constant 10 : i32
    %dma_start3A_123 = arith.constant 10 : i32
    %dma_start3A_124 = arith.constant 0 : i32
    %dma_start3A_125 = arith.constant 0 : i32
    %dma_start3A_126 = tpu.memref_slice %arg6[%dma_start3A_123, %dma_start3A_124, %dma_start3A_125] : memref<16x50x32xf32, #tpu.memory_space<vmem>> -> memref<1x50x32xf32, #tpu.memory_space<vmem>>
    %dma_start3A_127 = tpu.memref_squeeze %dma_start3A_126 : memref<1x50x32xf32, #tpu.memory_space<vmem>> -> memref<50x32xf32, #tpu.memory_space<vmem>>
    %dma_start3A_128 = arith.constant 0 : i32
    %dma_start3A_129 = tpu.memref_slice %arg5[%dma_start3A_122, %dma_start3A_128] : memref<512x50xi32, #tpu.memory_space<vmem>> -> memref<1x50xi32, #tpu.memory_space<vmem>>
    %dma_start3A_130 = tpu.memref_squeeze %dma_start3A_129 : memref<1x50xi32, #tpu.memory_space<vmem>> -> memref<50xi32, #tpu.memory_space<vmem>>
    %dma_start3A_131 = arith.constant 0 : i32
    %dma_start3A_132 = arith.constant 0 : i32
    %dma_start3A_133 = tpu.memref_slice %arg2[%dma_start3A_131, %dma_start3A_132] : memref<1000000x32xf32, #tpu.memory_space<hbm>> -> memref<1000000x32xf32, #tpu.memory_space<hbm>>
    tpu.enqueue_indirect_dma source(%dma_start3A_133 : memref<1000000x32xf32, #tpu.memory_space<hbm>>) target(%dma_start3A_127 : memref<50x32xf32, #tpu.memory_space<vmem>>) offsets(%dma_start3A_130 : memref<50xi32, #tpu.memory_space<vmem>>) semaphore(%arg8 : memref<!tpu.dma_semaphore, #tpu.memory_space<semaphore_mem>>)
    %dma_start3A_134 = arith.constant 11 : i32
    %dma_start3A_135 = arith.constant 11 : i32
    %dma_start3A_136 = arith.constant 0 : i32
    %dma_start3A_137 = arith.constant 0 : i32
    %dma_start3A_138 = tpu.memref_slice %arg6[%dma_start3A_135, %dma_start3A_136, %dma_start3A_137] : memref<16x50x32xf32, #tpu.memory_space<vmem>> -> memref<1x50x32xf32, #tpu.memory_space<vmem>>
    %dma_start3A_139 = tpu.memref_squeeze %dma_start3A_138 : memref<1x50x32xf32, #tpu.memory_space<vmem>> -> memref<50x32xf32, #tpu.memory_space<vmem>>
    %dma_start3A_140 = arith.constant 0 : i32
    %dma_start3A_141 = tpu.memref_slice %arg5[%dma_start3A_134, %dma_start3A_140] : memref<512x50xi32, #tpu.memory_space<vmem>> -> memref<1x50xi32, #tpu.memory_space<vmem>>
    %dma_start3A_142 = tpu.memref_squeeze %dma_start3A_141 : memref<1x50xi32, #tpu.memory_space<vmem>> -> memref<50xi32, #tpu.memory_space<vmem>>
    %dma_start3A_143 = arith.constant 0 : i32
    %dma_start3A_144 = arith.constant 0 : i32
    %dma_start3A_145 = tpu.memref_slice %arg2[%dma_start3A_143, %dma_start3A_144] : memref<1000000x32xf32, #tpu.memory_space<hbm>> -> memref<1000000x32xf32, #tpu.memory_space<hbm>>
    tpu.enqueue_indirect_dma source(%dma_start3A_145 : memref<1000000x32xf32, #tpu.memory_space<hbm>>) target(%dma_start3A_139 : memref<50x32xf32, #tpu.memory_space<vmem>>) offsets(%dma_start3A_142 : memref<50xi32, #tpu.memory_space<vmem>>) semaphore(%arg8 : memref<!tpu.dma_semaphore, #tpu.memory_space<semaphore_mem>>)
    %dma_start3A_146 = arith.constant 12 : i32
    %dma_start3A_147 = arith.constant 12 : i32
    %dma_start3A_148 = arith.constant 0 : i32
    %dma_start3A_149 = arith.constant 0 : i32
    %dma_start3A_150 = tpu.memref_slice %arg6[%dma_start3A_147, %dma_start3A_148, %dma_start3A_149] : memref<16x50x32xf32, #tpu.memory_space<vmem>> -> memref<1x50x32xf32, #tpu.memory_space<vmem>>
    %dma_start3A_151 = tpu.memref_squeeze %dma_start3A_150 : memref<1x50x32xf32, #tpu.memory_space<vmem>> -> memref<50x32xf32, #tpu.memory_space<vmem>>
    %dma_start3A_152 = arith.constant 0 : i32
    %dma_start3A_153 = tpu.memref_slice %arg5[%dma_start3A_146, %dma_start3A_152] : memref<512x50xi32, #tpu.memory_space<vmem>> -> memref<1x50xi32, #tpu.memory_space<vmem>>
    %dma_start3A_154 = tpu.memref_squeeze %dma_start3A_153 : memref<1x50xi32, #tpu.memory_space<vmem>> -> memref<50xi32, #tpu.memory_space<vmem>>
    %dma_start3A_155 = arith.constant 0 : i32
    %dma_start3A_156 = arith.constant 0 : i32
    %dma_start3A_157 = tpu.memref_slice %arg2[%dma_start3A_155, %dma_start3A_156] : memref<1000000x32xf32, #tpu.memory_space<hbm>> -> memref<1000000x32xf32, #tpu.memory_space<hbm>>
    tpu.enqueue_indirect_dma source(%dma_start3A_157 : memref<1000000x32xf32, #tpu.memory_space<hbm>>) target(%dma_start3A_151 : memref<50x32xf32, #tpu.memory_space<vmem>>) offsets(%dma_start3A_154 : memref<50xi32, #tpu.memory_space<vmem>>) semaphore(%arg8 : memref<!tpu.dma_semaphore, #tpu.memory_space<semaphore_mem>>)
    %dma_start3A_158 = arith.constant 13 : i32
    %dma_start3A_159 = arith.constant 13 : i32
    %dma_start3A_160 = arith.constant 0 : i32
    %dma_start3A_161 = arith.constant 0 : i32
    %dma_start3A_162 = tpu.memref_slice %arg6[%dma_start3A_159, %dma_start3A_160, %dma_start3A_161] : memref<16x50x32xf32, #tpu.memory_space<vmem>> -> memref<1x50x32xf32, #tpu.memory_space<vmem>>
    %dma_start3A_163 = tpu.memref_squeeze %dma_start3A_162 : memref<1x50x32xf32, #tpu.memory_space<vmem>> -> memref<50x32xf32, #tpu.memory_space<vmem>>
    %dma_start3A_164 = arith.constant 0 : i32
    %dma_start3A_165 = tpu.memref_slice %arg5[%dma_start3A_158, %dma_start3A_164] : memref<512x50xi32, #tpu.memory_space<vmem>> -> memref<1x50xi32, #tpu.memory_space<vmem>>
    %dma_start3A_166 = tpu.memref_squeeze %dma_start3A_165 : memref<1x50xi32, #tpu.memory_space<vmem>> -> memref<50xi32, #tpu.memory_space<vmem>>
    %dma_start3A_167 = arith.constant 0 : i32
    %dma_start3A_168 = arith.constant 0 : i32
    %dma_start3A_169 = tpu.memref_slice %arg2[%dma_start3A_167, %dma_start3A_168] : memref<1000000x32xf32, #tpu.memory_space<hbm>> -> memref<1000000x32xf32, #tpu.memory_space<hbm>>
    tpu.enqueue_indirect_dma source(%dma_start3A_169 : memref<1000000x32xf32, #tpu.memory_space<hbm>>) target(%dma_start3A_163 : memref<50x32xf32, #tpu.memory_space<vmem>>) offsets(%dma_start3A_166 : memref<50xi32, #tpu.memory_space<vmem>>) semaphore(%arg8 : memref<!tpu.dma_semaphore, #tpu.memory_space<semaphore_mem>>)
    %dma_start3A_170 = arith.constant 14 : i32
    %dma_start3A_171 = arith.constant 14 : i32
    %dma_start3A_172 = arith.constant 0 : i32
    %dma_start3A_173 = arith.constant 0 : i32
    %dma_start3A_174 = tpu.memref_slice %arg6[%dma_start3A_171, %dma_start3A_172, %dma_start3A_173] : memref<16x50x32xf32, #tpu.memory_space<vmem>> -> memref<1x50x32xf32, #tpu.memory_space<vmem>>
    %dma_start3A_175 = tpu.memref_squeeze %dma_start3A_174 : memref<1x50x32xf32, #tpu.memory_space<vmem>> -> memref<50x32xf32, #tpu.memory_space<vmem>>
    %dma_start3A_176 = arith.constant 0 : i32
    %dma_start3A_177 = tpu.memref_slice %arg5[%dma_start3A_170, %dma_start3A_176] : memref<512x50xi32, #tpu.memory_space<vmem>> -> memref<1x50xi32, #tpu.memory_space<vmem>>
    %dma_start3A_178 = tpu.memref_squeeze %dma_start3A_177 : memref<1x50xi32, #tpu.memory_space<vmem>> -> memref<50xi32, #tpu.memory_space<vmem>>
    %dma_start3A_179 = arith.constant 0 : i32
    %dma_start3A_180 = arith.constant 0 : i32
    %dma_start3A_181 = tpu.memref_slice %arg2[%dma_start3A_179, %dma_start3A_180] : memref<1000000x32xf32, #tpu.memory_space<hbm>> -> memref<1000000x32xf32, #tpu.memory_space<hbm>>
    tpu.enqueue_indirect_dma source(%dma_start3A_181 : memref<1000000x32xf32, #tpu.memory_space<hbm>>) target(%dma_start3A_175 : memref<50x32xf32, #tpu.memory_space<vmem>>) offsets(%dma_start3A_178 : memref<50xi32, #tpu.memory_space<vmem>>) semaphore(%arg8 : memref<!tpu.dma_semaphore, #tpu.memory_space<semaphore_mem>>)
    %dma_start3A_182 = arith.constant 15 : i32
    %dma_start3A_183 = arith.constant 15 : i32
    %dma_start3A_184 = arith.constant 0 : i32
    %dma_start3A_185 = arith.constant 0 : i32
    %dma_start3A_186 = tpu.memref_slice %arg6[%dma_start3A_183, %dma_start3A_184, %dma_start3A_185] : memref<16x50x32xf32, #tpu.memory_space<vmem>> -> memref<1x50x32xf32, #tpu.memory_space<vmem>>
    %dma_start3A_187 = tpu.memref_squeeze %dma_start3A_186 : memref<1x50x32xf32, #tpu.memory_space<vmem>> -> memref<50x32xf32, #tpu.memory_space<vmem>>
    %dma_start3A_188 = arith.constant 0 : i32
    %dma_start3A_189 = tpu.memref_slice %arg5[%dma_start3A_182, %dma_start3A_188] : memref<512x50xi32, #tpu.memory_space<vmem>> -> memref<1x50xi32, #tpu.memory_space<vmem>>
    %dma_start3A_190 = tpu.memref_squeeze %dma_start3A_189 : memref<1x50xi32, #tpu.memory_space<vmem>> -> memref<50xi32, #tpu.memory_space<vmem>>
    %dma_start3A_191 = arith.constant 0 : i32
    %dma_start3A_192 = arith.constant 0 : i32
    %dma_start3A_193 = tpu.memref_slice %arg2[%dma_start3A_191, %dma_start3A_192] : memref<1000000x32xf32, #tpu.memory_space<hbm>> -> memref<1000000x32xf32, #tpu.memory_space<hbm>>
    tpu.enqueue_indirect_dma source(%dma_start3A_193 : memref<1000000x32xf32, #tpu.memory_space<hbm>>) target(%dma_start3A_187 : memref<50x32xf32, #tpu.memory_space<vmem>>) offsets(%dma_start3A_190 : memref<50xi32, #tpu.memory_space<vmem>>) semaphore(%arg8 : memref<!tpu.dma_semaphore, #tpu.memory_space<semaphore_mem>>)
    %scan3A = arith.constant 0 : i32
    %scan3A_194 = arith.constant 16 : i32
    %scan3A_195 = arith.addi %scan3A, %scan3A_194 : i32
    %scan3A_196 = arith.constant 1 : i32
    scf.for %scan3A_437 = %scan3A to %scan3A_195 step %scan3A_196  : i32 {
      %mul3A_438 = arith.constant 1 : i32
      %mul3A_439 = arith.muli %scan3A_437, %mul3A_438 : i32
      %add3A_440 = arith.constant 0 : i32
      %add3A_441 = arith.addi %add3A_440, %mul3A_439 : i32
      %mul3A_442 = arith.constant 2 : i32
      %mul3A_443 = arith.muli %mul3A_442, %add3A_441 : i32
      %add3A_444 = arith.constant 1 : i32
      %add3A_445 = arith.addi %mul3A_443, %add3A_444 : i32
      %gt3A = arith.constant 0 : i32
      %gt3A_446 = arith.cmpi sgt, %add3A_441, %gt3A : i32
      %convert_element_type3A = arith.extui %gt3A_446 : i1 to i32
      %cond3A = arith.constant 0 : i32
      %cond3A_447 = arith.cmpi ne, %convert_element_type3A, %cond3A : i32
      scf.if %cond3A_447 {
        %dma_wait3A_2054 = arith.constant 0 : i32
        %dma_wait3A_2055 = arith.constant 0 : i32
        %dma_wait3A_2056 = arith.constant 0 : i32
        %dma_wait3A_2057 = tpu.memref_slice %arg7[%dma_wait3A_2054, %dma_wait3A_2055, %dma_wait3A_2056] : memref<16x50x32xf32, #tpu.memory_space<vmem>> -> memref<1x50x32xf32, #tpu.memory_space<vmem>>
        %dma_wait3A_2058 = tpu.memref_squeeze %dma_wait3A_2057 : memref<1x50x32xf32, #tpu.memory_space<vmem>> -> memref<50x32xf32, #tpu.memory_space<vmem>>
        %dma_wait3A_2059 = arith.constant 0 : i32
        %dma_wait3A_2060 = arith.constant 0 : i32
        %dma_wait3A_2061 = tpu.memref_slice %arg4[%dma_wait3A_2059, %dma_wait3A_2060] : memref<917504x128xf32, #tpu.memory_space<hbm>> -> memref<50x32xf32, #tpu.memory_space<hbm>>
        %dma_wait3A_2062 = arith.constant 0 : i32
        %dma_wait3A_2063 = arith.constant 0 : i32
        %dma_wait3A_2064 = tpu.memref_slice %arg4[%dma_wait3A_2062, %dma_wait3A_2063] : memref<917504x128xf32, #tpu.memory_space<hbm>> -> memref<50x32xf32, #tpu.memory_space<hbm>>
        %dma_wait3A_2065 = arith.constant 0 : i32
        %dma_wait3A_2066 = arith.constant 0 : i32
        %dma_wait3A_2067 = tpu.memref_slice %arg7[%dma_wait3A_2054, %dma_wait3A_2065, %dma_wait3A_2066] : memref<16x50x32xf32, #tpu.memory_space<vmem>> -> memref<1x50x32xf32, #tpu.memory_space<vmem>>
        %dma_wait3A_2068 = tpu.memref_squeeze %dma_wait3A_2067 : memref<1x50x32xf32, #tpu.memory_space<vmem>> -> memref<50x32xf32, #tpu.memory_space<vmem>>
        tpu.wait_dma2 semaphore(%arg11 : memref<!tpu.dma_semaphore, #tpu.memory_space<semaphore_mem>>) src(%dma_wait3A_2068 : memref<50x32xf32, #tpu.memory_space<vmem>>) dst(%dma_wait3A_2064 : memref<50x32xf32, #tpu.memory_space<hbm>>)
        %dma_wait3A_2069 = arith.constant 1 : i32
        %dma_wait3A_2070 = arith.constant 0 : i32
        %dma_wait3A_2071 = arith.constant 0 : i32
        %dma_wait3A_2072 = tpu.memref_slice %arg7[%dma_wait3A_2069, %dma_wait3A_2070, %dma_wait3A_2071] : memref<16x50x32xf32, #tpu.memory_space<vmem>> -> memref<1x50x32xf32, #tpu.memory_space<vmem>>
        %dma_wait3A_2073 = tpu.memref_squeeze %dma_wait3A_2072 : memref<1x50x32xf32, #tpu.memory_space<vmem>> -> memref<50x32xf32, #tpu.memory_space<vmem>>
        %dma_wait3A_2074 = arith.constant 0 : i32
        %dma_wait3A_2075 = arith.constant 0 : i32
        %dma_wait3A_2076 = tpu.memref_slice %arg4[%dma_wait3A_2074, %dma_wait3A_2075] : memref<917504x128xf32, #tpu.memory_space<hbm>> -> memref<50x32xf32, #tpu.memory_space<hbm>>
        %dma_wait3A_2077 = arith.constant 0 : i32
        %dma_wait3A_2078 = arith.constant 0 : i32
        %dma_wait3A_2079 = tpu.memref_slice %arg4[%dma_wait3A_2077, %dma_wait3A_2078] : memref<917504x128xf32, #tpu.memory_space<hbm>> -> memref<50x32xf32, #tpu.memory_space<hbm>>
        %dma_wait3A_2080 = arith.constant 0 : i32
        %dma_wait3A_2081 = arith.constant 0 : i32
        %dma_wait3A_2082 = tpu.memref_slice %arg7[%dma_wait3A_2069, %dma_wait3A_2080, %dma_wait3A_2081] : memref<16x50x32xf32, #tpu.memory_space<vmem>> -> memref<1x50x32xf32, #tpu.memory_space<vmem>>
        %dma_wait3A_2083 = tpu.memref_squeeze %dma_wait3A_2082 : memref<1x50x32xf32, #tpu.memory_space<vmem>> -> memref<50x32xf32, #tpu.memory_space<vmem>>
        tpu.wait_dma2 semaphore(%arg11 : memref<!tpu.dma_semaphore, #tpu.memory_space<semaphore_mem>>) src(%dma_wait3A_2083 : memref<50x32xf32, #tpu.memory_space<vmem>>) dst(%dma_wait3A_2079 : memref<50x32xf32, #tpu.memory_space<hbm>>)
        %dma_wait3A_2084 = arith.constant 2 : i32
        %dma_wait3A_2085 = arith.constant 0 : i32
        %dma_wait3A_2086 = arith.constant 0 : i32
        %dma_wait3A_2087 = tpu.memref_slice %arg7[%dma_wait3A_2084, %dma_wait3A_2085, %dma_wait3A_2086] : memref<16x50x32xf32, #tpu.memory_space<vmem>> -> memref<1x50x32xf32, #tpu.memory_space<vmem>>
        %dma_wait3A_2088 = tpu.memref_squeeze %dma_wait3A_2087 : memref<1x50x32xf32, #tpu.memory_space<vmem>> -> memref<50x32xf32, #tpu.memory_space<vmem>>
        %dma_wait3A_2089 = arith.constant 0 : i32
        %dma_wait3A_2090 = arith.constant 0 : i32
        %dma_wait3A_2091 = tpu.memref_slice %arg4[%dma_wait3A_2089, %dma_wait3A_2090] : memref<917504x128xf32, #tpu.memory_space<hbm>> -> memref<50x32xf32, #tpu.memory_space<hbm>>
        %dma_wait3A_2092 = arith.constant 0 : i32
        %dma_wait3A_2093 = arith.constant 0 : i32
        %dma_wait3A_2094 = tpu.memref_slice %arg4[%dma_wait3A_2092, %dma_wait3A_2093] : memref<917504x128xf32, #tpu.memory_space<hbm>> -> memref<50x32xf32, #tpu.memory_space<hbm>>
        %dma_wait3A_2095 = arith.constant 0 : i32
        %dma_wait3A_2096 = arith.constant 0 : i32
        %dma_wait3A_2097 = tpu.memref_slice %arg7[%dma_wait3A_2084, %dma_wait3A_2095, %dma_wait3A_2096] : memref<16x50x32xf32, #tpu.memory_space<vmem>> -> memref<1x50x32xf32, #tpu.memory_space<vmem>>
        %dma_wait3A_2098 = tpu.memref_squeeze %dma_wait3A_2097 : memref<1x50x32xf32, #tpu.memory_space<vmem>> -> memref<50x32xf32, #tpu.memory_space<vmem>>
        tpu.wait_dma2 semaphore(%arg11 : memref<!tpu.dma_semaphore, #tpu.memory_space<semaphore_mem>>) src(%dma_wait3A_2098 : memref<50x32xf32, #tpu.memory_space<vmem>>) dst(%dma_wait3A_2094 : memref<50x32xf32, #tpu.memory_space<hbm>>)
        %dma_wait3A_2099 = arith.constant 3 : i32
        %dma_wait3A_2100 = arith.constant 0 : i32
        %dma_wait3A_2101 = arith.constant 0 : i32
        %dma_wait3A_2102 = tpu.memref_slice %arg7[%dma_wait3A_2099, %dma_wait3A_2100, %dma_wait3A_2101] : memref<16x50x32xf32, #tpu.memory_space<vmem>> -> memref<1x50x32xf32, #tpu.memory_space<vmem>>
        %dma_wait3A_2103 = tpu.memref_squeeze %dma_wait3A_2102 : memref<1x50x32xf32, #tpu.memory_space<vmem>> -> memref<50x32xf32, #tpu.memory_space<vmem>>
        %dma_wait3A_2104 = arith.constant 0 : i32
        %dma_wait3A_2105 = arith.constant 0 : i32
        %dma_wait3A_2106 = tpu.memref_slice %arg4[%dma_wait3A_2104, %dma_wait3A_2105] : memref<917504x128xf32, #tpu.memory_space<hbm>> -> memref<50x32xf32, #tpu.memory_space<hbm>>
        %dma_wait3A_2107 = arith.constant 0 : i32
        %dma_wait3A_2108 = arith.constant 0 : i32
        %dma_wait3A_2109 = tpu.memref_slice %arg4[%dma_wait3A_2107, %dma_wait3A_2108] : memref<917504x128xf32, #tpu.memory_space<hbm>> -> memref<50x32xf32, #tpu.memory_space<hbm>>
        %dma_wait3A_2110 = arith.constant 0 : i32
        %dma_wait3A_2111 = arith.constant 0 : i32
        %dma_wait3A_2112 = tpu.memref_slice %arg7[%dma_wait3A_2099, %dma_wait3A_2110, %dma_wait3A_2111] : memref<16x50x32xf32, #tpu.memory_space<vmem>> -> memref<1x50x32xf32, #tpu.memory_space<vmem>>
        %dma_wait3A_2113 = tpu.memref_squeeze %dma_wait3A_2112 : memref<1x50x32xf32, #tpu.memory_space<vmem>> -> memref<50x32xf32, #tpu.memory_space<vmem>>
        tpu.wait_dma2 semaphore(%arg11 : memref<!tpu.dma_semaphore, #tpu.memory_space<semaphore_mem>>) src(%dma_wait3A_2113 : memref<50x32xf32, #tpu.memory_space<vmem>>) dst(%dma_wait3A_2109 : memref<50x32xf32, #tpu.memory_space<hbm>>)
        %dma_wait3A_2114 = arith.constant 4 : i32
        %dma_wait3A_2115 = arith.constant 0 : i32
        %dma_wait3A_2116 = arith.constant 0 : i32
        %dma_wait3A_2117 = tpu.memref_slice %arg7[%dma_wait3A_2114, %dma_wait3A_2115, %dma_wait3A_2116] : memref<16x50x32xf32, #tpu.memory_space<vmem>> -> memref<1x50x32xf32, #tpu.memory_space<vmem>>
        %dma_wait3A_2118 = tpu.memref_squeeze %dma_wait3A_2117 : memref<1x50x32xf32, #tpu.memory_space<vmem>> -> memref<50x32xf32, #tpu.memory_space<vmem>>
        %dma_wait3A_2119 = arith.constant 0 : i32
        %dma_wait3A_2120 = arith.constant 0 : i32
        %dma_wait3A_2121 = tpu.memref_slice %arg4[%dma_wait3A_2119, %dma_wait3A_2120] : memref<917504x128xf32, #tpu.memory_space<hbm>> -> memref<50x32xf32, #tpu.memory_space<hbm>>
        %dma_wait3A_2122 = arith.constant 0 : i32
        %dma_wait3A_2123 = arith.constant 0 : i32
        %dma_wait3A_2124 = tpu.memref_slice %arg4[%dma_wait3A_2122, %dma_wait3A_2123] : memref<917504x128xf32, #tpu.memory_space<hbm>> -> memref<50x32xf32, #tpu.memory_space<hbm>>
        %dma_wait3A_2125 = arith.constant 0 : i32
        %dma_wait3A_2126 = arith.constant 0 : i32
        %dma_wait3A_2127 = tpu.memref_slice %arg7[%dma_wait3A_2114, %dma_wait3A_2125, %dma_wait3A_2126] : memref<16x50x32xf32, #tpu.memory_space<vmem>> -> memref<1x50x32xf32, #tpu.memory_space<vmem>>
        %dma_wait3A_2128 = tpu.memref_squeeze %dma_wait3A_2127 : memref<1x50x32xf32, #tpu.memory_space<vmem>> -> memref<50x32xf32, #tpu.memory_space<vmem>>
        tpu.wait_dma2 semaphore(%arg11 : memref<!tpu.dma_semaphore, #tpu.memory_space<semaphore_mem>>) src(%dma_wait3A_2128 : memref<50x32xf32, #tpu.memory_space<vmem>>) dst(%dma_wait3A_2124 : memref<50x32xf32, #tpu.memory_space<hbm>>)
        %dma_wait3A_2129 = arith.constant 5 : i32
        %dma_wait3A_2130 = arith.constant 0 : i32
        %dma_wait3A_2131 = arith.constant 0 : i32
        %dma_wait3A_2132 = tpu.memref_slice %arg7[%dma_wait3A_2129, %dma_wait3A_2130, %dma_wait3A_2131] : memref<16x50x32xf32, #tpu.memory_space<vmem>> -> memref<1x50x32xf32, #tpu.memory_space<vmem>>
        %dma_wait3A_2133 = tpu.memref_squeeze %dma_wait3A_2132 : memref<1x50x32xf32, #tpu.memory_space<vmem>> -> memref<50x32xf32, #tpu.memory_space<vmem>>
        %dma_wait3A_2134 = arith.constant 0 : i32
        %dma_wait3A_2135 = arith.constant 0 : i32
        %dma_wait3A_2136 = tpu.memref_slice %arg4[%dma_wait3A_2134, %dma_wait3A_2135] : memref<917504x128xf32, #tpu.memory_space<hbm>> -> memref<50x32xf32, #tpu.memory_space<hbm>>
        %dma_wait3A_2137 = arith.constant 0 : i32
        %dma_wait3A_2138 = arith.constant 0 : i32
        %dma_wait3A_2139 = tpu.memref_slice %arg4[%dma_wait3A_2137, %dma_wait3A_2138] : memref<917504x128xf32, #tpu.memory_space<hbm>> -> memref<50x32xf32, #tpu.memory_space<hbm>>
        %dma_wait3A_2140 = arith.constant 0 : i32
        %dma_wait3A_2141 = arith.constant 0 : i32
        %dma_wait3A_2142 = tpu.memref_slice %arg7[%dma_wait3A_2129, %dma_wait3A_2140, %dma_wait3A_2141] : memref<16x50x32xf32, #tpu.memory_space<vmem>> -> memref<1x50x32xf32, #tpu.memory_space<vmem>>
        %dma_wait3A_2143 = tpu.memref_squeeze %dma_wait3A_2142 : memref<1x50x32xf32, #tpu.memory_space<vmem>> -> memref<50x32xf32, #tpu.memory_space<vmem>>
        tpu.wait_dma2 semaphore(%arg11 : memref<!tpu.dma_semaphore, #tpu.memory_space<semaphore_mem>>) src(%dma_wait3A_2143 : memref<50x32xf32, #tpu.memory_space<vmem>>) dst(%dma_wait3A_2139 : memref<50x32xf32, #tpu.memory_space<hbm>>)
        %dma_wait3A_2144 = arith.constant 6 : i32
        %dma_wait3A_2145 = arith.constant 0 : i32
        %dma_wait3A_2146 = arith.constant 0 : i32
        %dma_wait3A_2147 = tpu.memref_slice %arg7[%dma_wait3A_2144, %dma_wait3A_2145, %dma_wait3A_2146] : memref<16x50x32xf32, #tpu.memory_space<vmem>> -> memref<1x50x32xf32, #tpu.memory_space<vmem>>
        %dma_wait3A_2148 = tpu.memref_squeeze %dma_wait3A_2147 : memref<1x50x32xf32, #tpu.memory_space<vmem>> -> memref<50x32xf32, #tpu.memory_space<vmem>>
        %dma_wait3A_2149 = arith.constant 0 : i32
        %dma_wait3A_2150 = arith.constant 0 : i32
        %dma_wait3A_2151 = tpu.memref_slice %arg4[%dma_wait3A_2149, %dma_wait3A_2150] : memref<917504x128xf32, #tpu.memory_space<hbm>> -> memref<50x32xf32, #tpu.memory_space<hbm>>
        %dma_wait3A_2152 = arith.constant 0 : i32
        %dma_wait3A_2153 = arith.constant 0 : i32
        %dma_wait3A_2154 = tpu.memref_slice %arg4[%dma_wait3A_2152, %dma_wait3A_2153] : memref<917504x128xf32, #tpu.memory_space<hbm>> -> memref<50x32xf32, #tpu.memory_space<hbm>>
        %dma_wait3A_2155 = arith.constant 0 : i32
        %dma_wait3A_2156 = arith.constant 0 : i32
        %dma_wait3A_2157 = tpu.memref_slice %arg7[%dma_wait3A_2144, %dma_wait3A_2155, %dma_wait3A_2156] : memref<16x50x32xf32, #tpu.memory_space<vmem>> -> memref<1x50x32xf32, #tpu.memory_space<vmem>>
        %dma_wait3A_2158 = tpu.memref_squeeze %dma_wait3A_2157 : memref<1x50x32xf32, #tpu.memory_space<vmem>> -> memref<50x32xf32, #tpu.memory_space<vmem>>
        tpu.wait_dma2 semaphore(%arg11 : memref<!tpu.dma_semaphore, #tpu.memory_space<semaphore_mem>>) src(%dma_wait3A_2158 : memref<50x32xf32, #tpu.memory_space<vmem>>) dst(%dma_wait3A_2154 : memref<50x32xf32, #tpu.memory_space<hbm>>)
        %dma_wait3A_2159 = arith.constant 7 : i32
        %dma_wait3A_2160 = arith.constant 0 : i32
        %dma_wait3A_2161 = arith.constant 0 : i32
        %dma_wait3A_2162 = tpu.memref_slice %arg7[%dma_wait3A_2159, %dma_wait3A_2160, %dma_wait3A_2161] : memref<16x50x32xf32, #tpu.memory_space<vmem>> -> memref<1x50x32xf32, #tpu.memory_space<vmem>>
        %dma_wait3A_2163 = tpu.memref_squeeze %dma_wait3A_2162 : memref<1x50x32xf32, #tpu.memory_space<vmem>> -> memref<50x32xf32, #tpu.memory_space<vmem>>
        %dma_wait3A_2164 = arith.constant 0 : i32
        %dma_wait3A_2165 = arith.constant 0 : i32
        %dma_wait3A_2166 = tpu.memref_slice %arg4[%dma_wait3A_2164, %dma_wait3A_2165] : memref<917504x128xf32, #tpu.memory_space<hbm>> -> memref<50x32xf32, #tpu.memory_space<hbm>>
        %dma_wait3A_2167 = arith.constant 0 : i32
        %dma_wait3A_2168 = arith.constant 0 : i32
        %dma_wait3A_2169 = tpu.memref_slice %arg4[%dma_wait3A_2167, %dma_wait3A_2168] : memref<917504x128xf32, #tpu.memory_space<hbm>> -> memref<50x32xf32, #tpu.memory_space<hbm>>
        %dma_wait3A_2170 = arith.constant 0 : i32
        %dma_wait3A_2171 = arith.constant 0 : i32
        %dma_wait3A_2172 = tpu.memref_slice %arg7[%dma_wait3A_2159, %dma_wait3A_2170, %dma_wait3A_2171] : memref<16x50x32xf32, #tpu.memory_space<vmem>> -> memref<1x50x32xf32, #tpu.memory_space<vmem>>
        %dma_wait3A_2173 = tpu.memref_squeeze %dma_wait3A_2172 : memref<1x50x32xf32, #tpu.memory_space<vmem>> -> memref<50x32xf32, #tpu.memory_space<vmem>>
        tpu.wait_dma2 semaphore(%arg11 : memref<!tpu.dma_semaphore, #tpu.memory_space<semaphore_mem>>) src(%dma_wait3A_2173 : memref<50x32xf32, #tpu.memory_space<vmem>>) dst(%dma_wait3A_2169 : memref<50x32xf32, #tpu.memory_space<hbm>>)
        %dma_wait3A_2174 = arith.constant 8 : i32
        %dma_wait3A_2175 = arith.constant 0 : i32
        %dma_wait3A_2176 = arith.constant 0 : i32
        %dma_wait3A_2177 = tpu.memref_slice %arg7[%dma_wait3A_2174, %dma_wait3A_2175, %dma_wait3A_2176] : memref<16x50x32xf32, #tpu.memory_space<vmem>> -> memref<1x50x32xf32, #tpu.memory_space<vmem>>
        %dma_wait3A_2178 = tpu.memref_squeeze %dma_wait3A_2177 : memref<1x50x32xf32, #tpu.memory_space<vmem>> -> memref<50x32xf32, #tpu.memory_space<vmem>>
        %dma_wait3A_2179 = arith.constant 0 : i32
        %dma_wait3A_2180 = arith.constant 0 : i32
        %dma_wait3A_2181 = tpu.memref_slice %arg4[%dma_wait3A_2179, %dma_wait3A_2180] : memref<917504x128xf32, #tpu.memory_space<hbm>> -> memref<50x32xf32, #tpu.memory_space<hbm>>
        %dma_wait3A_2182 = arith.constant 0 : i32
        %dma_wait3A_2183 = arith.constant 0 : i32
        %dma_wait3A_2184 = tpu.memref_slice %arg4[%dma_wait3A_2182, %dma_wait3A_2183] : memref<917504x128xf32, #tpu.memory_space<hbm>> -> memref<50x32xf32, #tpu.memory_space<hbm>>
        %dma_wait3A_2185 = arith.constant 0 : i32
        %dma_wait3A_2186 = arith.constant 0 : i32
        %dma_wait3A_2187 = tpu.memref_slice %arg7[%dma_wait3A_2174, %dma_wait3A_2185, %dma_wait3A_2186] : memref<16x50x32xf32, #tpu.memory_space<vmem>> -> memref<1x50x32xf32, #tpu.memory_space<vmem>>
        %dma_wait3A_2188 = tpu.memref_squeeze %dma_wait3A_2187 : memref<1x50x32xf32, #tpu.memory_space<vmem>> -> memref<50x32xf32, #tpu.memory_space<vmem>>
        tpu.wait_dma2 semaphore(%arg11 : memref<!tpu.dma_semaphore, #tpu.memory_space<semaphore_mem>>) src(%dma_wait3A_2188 : memref<50x32xf32, #tpu.memory_space<vmem>>) dst(%dma_wait3A_2184 : memref<50x32xf32, #tpu.memory_space<hbm>>)
        %dma_wait3A_2189 = arith.constant 9 : i32
        %dma_wait3A_2190 = arith.constant 0 : i32
        %dma_wait3A_2191 = arith.constant 0 : i32
        %dma_wait3A_2192 = tpu.memref_slice %arg7[%dma_wait3A_2189, %dma_wait3A_2190, %dma_wait3A_2191] : memref<16x50x32xf32, #tpu.memory_space<vmem>> -> memref<1x50x32xf32, #tpu.memory_space<vmem>>
        %dma_wait3A_2193 = tpu.memref_squeeze %dma_wait3A_2192 : memref<1x50x32xf32, #tpu.memory_space<vmem>> -> memref<50x32xf32, #tpu.memory_space<vmem>>
        %dma_wait3A_2194 = arith.constant 0 : i32
        %dma_wait3A_2195 = arith.constant 0 : i32
        %dma_wait3A_2196 = tpu.memref_slice %arg4[%dma_wait3A_2194, %dma_wait3A_2195] : memref<917504x128xf32, #tpu.memory_space<hbm>> -> memref<50x32xf32, #tpu.memory_space<hbm>>
        %dma_wait3A_2197 = arith.constant 0 : i32
        %dma_wait3A_2198 = arith.constant 0 : i32
        %dma_wait3A_2199 = tpu.memref_slice %arg4[%dma_wait3A_2197, %dma_wait3A_2198] : memref<917504x128xf32, #tpu.memory_space<hbm>> -> memref<50x32xf32, #tpu.memory_space<hbm>>
        %dma_wait3A_2200 = arith.constant 0 : i32
        %dma_wait3A_2201 = arith.constant 0 : i32
        %dma_wait3A_2202 = tpu.memref_slice %arg7[%dma_wait3A_2189, %dma_wait3A_2200, %dma_wait3A_2201] : memref<16x50x32xf32, #tpu.memory_space<vmem>> -> memref<1x50x32xf32, #tpu.memory_space<vmem>>
        %dma_wait3A_2203 = tpu.memref_squeeze %dma_wait3A_2202 : memref<1x50x32xf32, #tpu.memory_space<vmem>> -> memref<50x32xf32, #tpu.memory_space<vmem>>
        tpu.wait_dma2 semaphore(%arg11 : memref<!tpu.dma_semaphore, #tpu.memory_space<semaphore_mem>>) src(%dma_wait3A_2203 : memref<50x32xf32, #tpu.memory_space<vmem>>) dst(%dma_wait3A_2199 : memref<50x32xf32, #tpu.memory_space<hbm>>)
        %dma_wait3A_2204 = arith.constant 10 : i32
        %dma_wait3A_2205 = arith.constant 0 : i32
        %dma_wait3A_2206 = arith.constant 0 : i32
        %dma_wait3A_2207 = tpu.memref_slice %arg7[%dma_wait3A_2204, %dma_wait3A_2205, %dma_wait3A_2206] : memref<16x50x32xf32, #tpu.memory_space<vmem>> -> memref<1x50x32xf32, #tpu.memory_space<vmem>>
        %dma_wait3A_2208 = tpu.memref_squeeze %dma_wait3A_2207 : memref<1x50x32xf32, #tpu.memory_space<vmem>> -> memref<50x32xf32, #tpu.memory_space<vmem>>
        %dma_wait3A_2209 = arith.constant 0 : i32
        %dma_wait3A_2210 = arith.constant 0 : i32
        %dma_wait3A_2211 = tpu.memref_slice %arg4[%dma_wait3A_2209, %dma_wait3A_2210] : memref<917504x128xf32, #tpu.memory_space<hbm>> -> memref<50x32xf32, #tpu.memory_space<hbm>>
        %dma_wait3A_2212 = arith.constant 0 : i32
        %dma_wait3A_2213 = arith.constant 0 : i32
        %dma_wait3A_2214 = tpu.memref_slice %arg4[%dma_wait3A_2212, %dma_wait3A_2213] : memref<917504x128xf32, #tpu.memory_space<hbm>> -> memref<50x32xf32, #tpu.memory_space<hbm>>
        %dma_wait3A_2215 = arith.constant 0 : i32
        %dma_wait3A_2216 = arith.constant 0 : i32
        %dma_wait3A_2217 = tpu.memref_slice %arg7[%dma_wait3A_2204, %dma_wait3A_2215, %dma_wait3A_2216] : memref<16x50x32xf32, #tpu.memory_space<vmem>> -> memref<1x50x32xf32, #tpu.memory_space<vmem>>
        %dma_wait3A_2218 = tpu.memref_squeeze %dma_wait3A_2217 : memref<1x50x32xf32, #tpu.memory_space<vmem>> -> memref<50x32xf32, #tpu.memory_space<vmem>>
        tpu.wait_dma2 semaphore(%arg11 : memref<!tpu.dma_semaphore, #tpu.memory_space<semaphore_mem>>) src(%dma_wait3A_2218 : memref<50x32xf32, #tpu.memory_space<vmem>>) dst(%dma_wait3A_2214 : memref<50x32xf32, #tpu.memory_space<hbm>>)
        %dma_wait3A_2219 = arith.constant 11 : i32
        %dma_wait3A_2220 = arith.constant 0 : i32
        %dma_wait3A_2221 = arith.constant 0 : i32
        %dma_wait3A_2222 = tpu.memref_slice %arg7[%dma_wait3A_2219, %dma_wait3A_2220, %dma_wait3A_2221] : memref<16x50x32xf32, #tpu.memory_space<vmem>> -> memref<1x50x32xf32, #tpu.memory_space<vmem>>
        %dma_wait3A_2223 = tpu.memref_squeeze %dma_wait3A_2222 : memref<1x50x32xf32, #tpu.memory_space<vmem>> -> memref<50x32xf32, #tpu.memory_space<vmem>>
        %dma_wait3A_2224 = arith.constant 0 : i32
        %dma_wait3A_2225 = arith.constant 0 : i32
        %dma_wait3A_2226 = tpu.memref_slice %arg4[%dma_wait3A_2224, %dma_wait3A_2225] : memref<917504x128xf32, #tpu.memory_space<hbm>> -> memref<50x32xf32, #tpu.memory_space<hbm>>
        %dma_wait3A_2227 = arith.constant 0 : i32
        %dma_wait3A_2228 = arith.constant 0 : i32
        %dma_wait3A_2229 = tpu.memref_slice %arg4[%dma_wait3A_2227, %dma_wait3A_2228] : memref<917504x128xf32, #tpu.memory_space<hbm>> -> memref<50x32xf32, #tpu.memory_space<hbm>>
        %dma_wait3A_2230 = arith.constant 0 : i32
        %dma_wait3A_2231 = arith.constant 0 : i32
        %dma_wait3A_2232 = tpu.memref_slice %arg7[%dma_wait3A_2219, %dma_wait3A_2230, %dma_wait3A_2231] : memref<16x50x32xf32, #tpu.memory_space<vmem>> -> memref<1x50x32xf32, #tpu.memory_space<vmem>>
        %dma_wait3A_2233 = tpu.memref_squeeze %dma_wait3A_2232 : memref<1x50x32xf32, #tpu.memory_space<vmem>> -> memref<50x32xf32, #tpu.memory_space<vmem>>
        tpu.wait_dma2 semaphore(%arg11 : memref<!tpu.dma_semaphore, #tpu.memory_space<semaphore_mem>>) src(%dma_wait3A_2233 : memref<50x32xf32, #tpu.memory_space<vmem>>) dst(%dma_wait3A_2229 : memref<50x32xf32, #tpu.memory_space<hbm>>)
        %dma_wait3A_2234 = arith.constant 12 : i32
        %dma_wait3A_2235 = arith.constant 0 : i32
        %dma_wait3A_2236 = arith.constant 0 : i32
        %dma_wait3A_2237 = tpu.memref_slice %arg7[%dma_wait3A_2234, %dma_wait3A_2235, %dma_wait3A_2236] : memref<16x50x32xf32, #tpu.memory_space<vmem>> -> memref<1x50x32xf32, #tpu.memory_space<vmem>>
        %dma_wait3A_2238 = tpu.memref_squeeze %dma_wait3A_2237 : memref<1x50x32xf32, #tpu.memory_space<vmem>> -> memref<50x32xf32, #tpu.memory_space<vmem>>
        %dma_wait3A_2239 = arith.constant 0 : i32
        %dma_wait3A_2240 = arith.constant 0 : i32
        %dma_wait3A_2241 = tpu.memref_slice %arg4[%dma_wait3A_2239, %dma_wait3A_2240] : memref<917504x128xf32, #tpu.memory_space<hbm>> -> memref<50x32xf32, #tpu.memory_space<hbm>>
        %dma_wait3A_2242 = arith.constant 0 : i32
        %dma_wait3A_2243 = arith.constant 0 : i32
        %dma_wait3A_2244 = tpu.memref_slice %arg4[%dma_wait3A_2242, %dma_wait3A_2243] : memref<917504x128xf32, #tpu.memory_space<hbm>> -> memref<50x32xf32, #tpu.memory_space<hbm>>
        %dma_wait3A_2245 = arith.constant 0 : i32
        %dma_wait3A_2246 = arith.constant 0 : i32
        %dma_wait3A_2247 = tpu.memref_slice %arg7[%dma_wait3A_2234, %dma_wait3A_2245, %dma_wait3A_2246] : memref<16x50x32xf32, #tpu.memory_space<vmem>> -> memref<1x50x32xf32, #tpu.memory_space<vmem>>
        %dma_wait3A_2248 = tpu.memref_squeeze %dma_wait3A_2247 : memref<1x50x32xf32, #tpu.memory_space<vmem>> -> memref<50x32xf32, #tpu.memory_space<vmem>>
        tpu.wait_dma2 semaphore(%arg11 : memref<!tpu.dma_semaphore, #tpu.memory_space<semaphore_mem>>) src(%dma_wait3A_2248 : memref<50x32xf32, #tpu.memory_space<vmem>>) dst(%dma_wait3A_2244 : memref<50x32xf32, #tpu.memory_space<hbm>>)
        %dma_wait3A_2249 = arith.constant 13 : i32
        %dma_wait3A_2250 = arith.constant 0 : i32
        %dma_wait3A_2251 = arith.constant 0 : i32
        %dma_wait3A_2252 = tpu.memref_slice %arg7[%dma_wait3A_2249, %dma_wait3A_2250, %dma_wait3A_2251] : memref<16x50x32xf32, #tpu.memory_space<vmem>> -> memref<1x50x32xf32, #tpu.memory_space<vmem>>
        %dma_wait3A_2253 = tpu.memref_squeeze %dma_wait3A_2252 : memref<1x50x32xf32, #tpu.memory_space<vmem>> -> memref<50x32xf32, #tpu.memory_space<vmem>>
        %dma_wait3A_2254 = arith.constant 0 : i32
        %dma_wait3A_2255 = arith.constant 0 : i32
        %dma_wait3A_2256 = tpu.memref_slice %arg4[%dma_wait3A_2254, %dma_wait3A_2255] : memref<917504x128xf32, #tpu.memory_space<hbm>> -> memref<50x32xf32, #tpu.memory_space<hbm>>
        %dma_wait3A_2257 = arith.constant 0 : i32
        %dma_wait3A_2258 = arith.constant 0 : i32
        %dma_wait3A_2259 = tpu.memref_slice %arg4[%dma_wait3A_2257, %dma_wait3A_2258] : memref<917504x128xf32, #tpu.memory_space<hbm>> -> memref<50x32xf32, #tpu.memory_space<hbm>>
        %dma_wait3A_2260 = arith.constant 0 : i32
        %dma_wait3A_2261 = arith.constant 0 : i32
        %dma_wait3A_2262 = tpu.memref_slice %arg7[%dma_wait3A_2249, %dma_wait3A_2260, %dma_wait3A_2261] : memref<16x50x32xf32, #tpu.memory_space<vmem>> -> memref<1x50x32xf32, #tpu.memory_space<vmem>>
        %dma_wait3A_2263 = tpu.memref_squeeze %dma_wait3A_2262 : memref<1x50x32xf32, #tpu.memory_space<vmem>> -> memref<50x32xf32, #tpu.memory_space<vmem>>
        tpu.wait_dma2 semaphore(%arg11 : memref<!tpu.dma_semaphore, #tpu.memory_space<semaphore_mem>>) src(%dma_wait3A_2263 : memref<50x32xf32, #tpu.memory_space<vmem>>) dst(%dma_wait3A_2259 : memref<50x32xf32, #tpu.memory_space<hbm>>)
        %dma_wait3A_2264 = arith.constant 14 : i32
        %dma_wait3A_2265 = arith.constant 0 : i32
        %dma_wait3A_2266 = arith.constant 0 : i32
        %dma_wait3A_2267 = tpu.memref_slice %arg7[%dma_wait3A_2264, %dma_wait3A_2265, %dma_wait3A_2266] : memref<16x50x32xf32, #tpu.memory_space<vmem>> -> memref<1x50x32xf32, #tpu.memory_space<vmem>>
        %dma_wait3A_2268 = tpu.memref_squeeze %dma_wait3A_2267 : memref<1x50x32xf32, #tpu.memory_space<vmem>> -> memref<50x32xf32, #tpu.memory_space<vmem>>
        %dma_wait3A_2269 = arith.constant 0 : i32
        %dma_wait3A_2270 = arith.constant 0 : i32
        %dma_wait3A_2271 = tpu.memref_slice %arg4[%dma_wait3A_2269, %dma_wait3A_2270] : memref<917504x128xf32, #tpu.memory_space<hbm>> -> memref<50x32xf32, #tpu.memory_space<hbm>>
        %dma_wait3A_2272 = arith.constant 0 : i32
        %dma_wait3A_2273 = arith.constant 0 : i32
        %dma_wait3A_2274 = tpu.memref_slice %arg4[%dma_wait3A_2272, %dma_wait3A_2273] : memref<917504x128xf32, #tpu.memory_space<hbm>> -> memref<50x32xf32, #tpu.memory_space<hbm>>
        %dma_wait3A_2275 = arith.constant 0 : i32
        %dma_wait3A_2276 = arith.constant 0 : i32
        %dma_wait3A_2277 = tpu.memref_slice %arg7[%dma_wait3A_2264, %dma_wait3A_2275, %dma_wait3A_2276] : memref<16x50x32xf32, #tpu.memory_space<vmem>> -> memref<1x50x32xf32, #tpu.memory_space<vmem>>
        %dma_wait3A_2278 = tpu.memref_squeeze %dma_wait3A_2277 : memref<1x50x32xf32, #tpu.memory_space<vmem>> -> memref<50x32xf32, #tpu.memory_space<vmem>>
        tpu.wait_dma2 semaphore(%arg11 : memref<!tpu.dma_semaphore, #tpu.memory_space<semaphore_mem>>) src(%dma_wait3A_2278 : memref<50x32xf32, #tpu.memory_space<vmem>>) dst(%dma_wait3A_2274 : memref<50x32xf32, #tpu.memory_space<hbm>>)
        %dma_wait3A_2279 = arith.constant 15 : i32
        %dma_wait3A_2280 = arith.constant 0 : i32
        %dma_wait3A_2281 = arith.constant 0 : i32
        %dma_wait3A_2282 = tpu.memref_slice %arg7[%dma_wait3A_2279, %dma_wait3A_2280, %dma_wait3A_2281] : memref<16x50x32xf32, #tpu.memory_space<vmem>> -> memref<1x50x32xf32, #tpu.memory_space<vmem>>
        %dma_wait3A_2283 = tpu.memref_squeeze %dma_wait3A_2282 : memref<1x50x32xf32, #tpu.memory_space<vmem>> -> memref<50x32xf32, #tpu.memory_space<vmem>>
        %dma_wait3A_2284 = arith.constant 0 : i32
        %dma_wait3A_2285 = arith.constant 0 : i32
        %dma_wait3A_2286 = tpu.memref_slice %arg4[%dma_wait3A_2284, %dma_wait3A_2285] : memref<917504x128xf32, #tpu.memory_space<hbm>> -> memref<50x32xf32, #tpu.memory_space<hbm>>
        %dma_wait3A_2287 = arith.constant 0 : i32
        %dma_wait3A_2288 = arith.constant 0 : i32
        %dma_wait3A_2289 = tpu.memref_slice %arg4[%dma_wait3A_2287, %dma_wait3A_2288] : memref<917504x128xf32, #tpu.memory_space<hbm>> -> memref<50x32xf32, #tpu.memory_space<hbm>>
        %dma_wait3A_2290 = arith.constant 0 : i32
        %dma_wait3A_2291 = arith.constant 0 : i32
        %dma_wait3A_2292 = tpu.memref_slice %arg7[%dma_wait3A_2279, %dma_wait3A_2290, %dma_wait3A_2291] : memref<16x50x32xf32, #tpu.memory_space<vmem>> -> memref<1x50x32xf32, #tpu.memory_space<vmem>>
        %dma_wait3A_2293 = tpu.memref_squeeze %dma_wait3A_2292 : memref<1x50x32xf32, #tpu.memory_space<vmem>> -> memref<50x32xf32, #tpu.memory_space<vmem>>
        tpu.wait_dma2 semaphore(%arg11 : memref<!tpu.dma_semaphore, #tpu.memory_space<semaphore_mem>>) src(%dma_wait3A_2293 : memref<50x32xf32, #tpu.memory_space<vmem>>) dst(%dma_wait3A_2289 : memref<50x32xf32, #tpu.memory_space<hbm>>)
      } else {
      }
      %mul3A_448 = arith.constant 16 : i32
      %mul3A_449 = arith.muli %add3A_445, %mul3A_448 : i32
      %add3A_450 = arith.constant 0 : i32
      %add3A_451 = arith.addi %mul3A_449, %add3A_450 : i32
      %dma_start3A_452 = arith.constant 0 : i32
      %dma_start3A_453 = arith.constant 0 : i32
      %dma_start3A_454 = arith.constant 0 : i32
      %dma_start3A_455 = tpu.memref_slice %arg7[%dma_start3A_452, %dma_start3A_453, %dma_start3A_454] : memref<16x50x32xf32, #tpu.memory_space<vmem>> -> memref<1x50x32xf32, #tpu.memory_space<vmem>>
      %dma_start3A_456 = tpu.memref_squeeze %dma_start3A_455 : memref<1x50x32xf32, #tpu.memory_space<vmem>> -> memref<50x32xf32, #tpu.memory_space<vmem>>
      %dma_start3A_457 = arith.constant 0 : i32
      %dma_start3A_458 = tpu.memref_slice %arg5[%add3A_451, %dma_start3A_457] : memref<512x50xi32, #tpu.memory_space<vmem>> -> memref<1x50xi32, #tpu.memory_space<vmem>>
      %dma_start3A_459 = tpu.memref_squeeze %dma_start3A_458 : memref<1x50xi32, #tpu.memory_space<vmem>> -> memref<50xi32, #tpu.memory_space<vmem>>
      %dma_start3A_460 = arith.constant 0 : i32
      %dma_start3A_461 = arith.constant 0 : i32
      %dma_start3A_462 = tpu.memref_slice %arg2[%dma_start3A_460, %dma_start3A_461] : memref<1000000x32xf32, #tpu.memory_space<hbm>> -> memref<1000000x32xf32, #tpu.memory_space<hbm>>
      tpu.enqueue_indirect_dma source(%dma_start3A_462 : memref<1000000x32xf32, #tpu.memory_space<hbm>>) target(%dma_start3A_456 : memref<50x32xf32, #tpu.memory_space<vmem>>) offsets(%dma_start3A_459 : memref<50xi32, #tpu.memory_space<vmem>>) semaphore(%arg9 : memref<!tpu.dma_semaphore, #tpu.memory_space<semaphore_mem>>)
      %mul3A_463 = arith.constant 16 : i32
      %mul3A_464 = arith.muli %add3A_445, %mul3A_463 : i32
      %add3A_465 = arith.constant 1 : i32
      %add3A_466 = arith.addi %mul3A_464, %add3A_465 : i32
      %dma_start3A_467 = arith.constant 1 : i32
      %dma_start3A_468 = arith.constant 0 : i32
      %dma_start3A_469 = arith.constant 0 : i32
      %dma_start3A_470 = tpu.memref_slice %arg7[%dma_start3A_467, %dma_start3A_468, %dma_start3A_469] : memref<16x50x32xf32, #tpu.memory_space<vmem>> -> memref<1x50x32xf32, #tpu.memory_space<vmem>>
      %dma_start3A_471 = tpu.memref_squeeze %dma_start3A_470 : memref<1x50x32xf32, #tpu.memory_space<vmem>> -> memref<50x32xf32, #tpu.memory_space<vmem>>
      %dma_start3A_472 = arith.constant 0 : i32
      %dma_start3A_473 = tpu.memref_slice %arg5[%add3A_466, %dma_start3A_472] : memref<512x50xi32, #tpu.memory_space<vmem>> -> memref<1x50xi32, #tpu.memory_space<vmem>>
      %dma_start3A_474 = tpu.memref_squeeze %dma_start3A_473 : memref<1x50xi32, #tpu.memory_space<vmem>> -> memref<50xi32, #tpu.memory_space<vmem>>
      %dma_start3A_475 = arith.constant 0 : i32
      %dma_start3A_476 = arith.constant 0 : i32
      %dma_start3A_477 = tpu.memref_slice %arg2[%dma_start3A_475, %dma_start3A_476] : memref<1000000x32xf32, #tpu.memory_space<hbm>> -> memref<1000000x32xf32, #tpu.memory_space<hbm>>
      tpu.enqueue_indirect_dma source(%dma_start3A_477 : memref<1000000x32xf32, #tpu.memory_space<hbm>>) target(%dma_start3A_471 : memref<50x32xf32, #tpu.memory_space<vmem>>) offsets(%dma_start3A_474 : memref<50xi32, #tpu.memory_space<vmem>>) semaphore(%arg9 : memref<!tpu.dma_semaphore, #tpu.memory_space<semaphore_mem>>)
      %mul3A_478 = arith.constant 16 : i32
      %mul3A_479 = arith.muli %add3A_445, %mul3A_478 : i32
      %add3A_480 = arith.constant 2 : i32
      %add3A_481 = arith.addi %mul3A_479, %add3A_480 : i32
      %dma_start3A_482 = arith.constant 2 : i32
      %dma_start3A_483 = arith.constant 0 : i32
      %dma_start3A_484 = arith.constant 0 : i32
      %dma_start3A_485 = tpu.memref_slice %arg7[%dma_start3A_482, %dma_start3A_483, %dma_start3A_484] : memref<16x50x32xf32, #tpu.memory_space<vmem>> -> memref<1x50x32xf32, #tpu.memory_space<vmem>>
      %dma_start3A_486 = tpu.memref_squeeze %dma_start3A_485 : memref<1x50x32xf32, #tpu.memory_space<vmem>> -> memref<50x32xf32, #tpu.memory_space<vmem>>
      %dma_start3A_487 = arith.constant 0 : i32
      %dma_start3A_488 = tpu.memref_slice %arg5[%add3A_481, %dma_start3A_487] : memref<512x50xi32, #tpu.memory_space<vmem>> -> memref<1x50xi32, #tpu.memory_space<vmem>>
      %dma_start3A_489 = tpu.memref_squeeze %dma_start3A_488 : memref<1x50xi32, #tpu.memory_space<vmem>> -> memref<50xi32, #tpu.memory_space<vmem>>
      %dma_start3A_490 = arith.constant 0 : i32
      %dma_start3A_491 = arith.constant 0 : i32
      %dma_start3A_492 = tpu.memref_slice %arg2[%dma_start3A_490, %dma_start3A_491] : memref<1000000x32xf32, #tpu.memory_space<hbm>> -> memref<1000000x32xf32, #tpu.memory_space<hbm>>
      tpu.enqueue_indirect_dma source(%dma_start3A_492 : memref<1000000x32xf32, #tpu.memory_space<hbm>>) target(%dma_start3A_486 : memref<50x32xf32, #tpu.memory_space<vmem>>) offsets(%dma_start3A_489 : memref<50xi32, #tpu.memory_space<vmem>>) semaphore(%arg9 : memref<!tpu.dma_semaphore, #tpu.memory_space<semaphore_mem>>)
      %mul3A_493 = arith.constant 16 : i32
      %mul3A_494 = arith.muli %add3A_445, %mul3A_493 : i32
      %add3A_495 = arith.constant 3 : i32
      %add3A_496 = arith.addi %mul3A_494, %add3A_495 : i32
      %dma_start3A_497 = arith.constant 3 : i32
      %dma_start3A_498 = arith.constant 0 : i32
      %dma_start3A_499 = arith.constant 0 : i32
      %dma_start3A_500 = tpu.memref_slice %arg7[%dma_start3A_497, %dma_start3A_498, %dma_start3A_499] : memref<16x50x32xf32, #tpu.memory_space<vmem>> -> memref<1x50x32xf32, #tpu.memory_space<vmem>>
      %dma_start3A_501 = tpu.memref_squeeze %dma_start3A_500 : memref<1x50x32xf32, #tpu.memory_space<vmem>> -> memref<50x32xf32, #tpu.memory_space<vmem>>
      %dma_start3A_502 = arith.constant 0 : i32
      %dma_start3A_503 = tpu.memref_slice %arg5[%add3A_496, %dma_start3A_502] : memref<512x50xi32, #tpu.memory_space<vmem>> -> memref<1x50xi32, #tpu.memory_space<vmem>>
      %dma_start3A_504 = tpu.memref_squeeze %dma_start3A_503 : memref<1x50xi32, #tpu.memory_space<vmem>> -> memref<50xi32, #tpu.memory_space<vmem>>
      %dma_start3A_505 = arith.constant 0 : i32
      %dma_start3A_506 = arith.constant 0 : i32
      %dma_start3A_507 = tpu.memref_slice %arg2[%dma_start3A_505, %dma_start3A_506] : memref<1000000x32xf32, #tpu.memory_space<hbm>> -> memref<1000000x32xf32, #tpu.memory_space<hbm>>
      tpu.enqueue_indirect_dma source(%dma_start3A_507 : memref<1000000x32xf32, #tpu.memory_space<hbm>>) target(%dma_start3A_501 : memref<50x32xf32, #tpu.memory_space<vmem>>) offsets(%dma_start3A_504 : memref<50xi32, #tpu.memory_space<vmem>>) semaphore(%arg9 : memref<!tpu.dma_semaphore, #tpu.memory_space<semaphore_mem>>)
      %mul3A_508 = arith.constant 16 : i32
      %mul3A_509 = arith.muli %add3A_445, %mul3A_508 : i32
      %add3A_510 = arith.constant 4 : i32
      %add3A_511 = arith.addi %mul3A_509, %add3A_510 : i32
      %dma_start3A_512 = arith.constant 4 : i32
      %dma_start3A_513 = arith.constant 0 : i32
      %dma_start3A_514 = arith.constant 0 : i32
      %dma_start3A_515 = tpu.memref_slice %arg7[%dma_start3A_512, %dma_start3A_513, %dma_start3A_514] : memref<16x50x32xf32, #tpu.memory_space<vmem>> -> memref<1x50x32xf32, #tpu.memory_space<vmem>>
      %dma_start3A_516 = tpu.memref_squeeze %dma_start3A_515 : memref<1x50x32xf32, #tpu.memory_space<vmem>> -> memref<50x32xf32, #tpu.memory_space<vmem>>
      %dma_start3A_517 = arith.constant 0 : i32
      %dma_start3A_518 = tpu.memref_slice %arg5[%add3A_511, %dma_start3A_517] : memref<512x50xi32, #tpu.memory_space<vmem>> -> memref<1x50xi32, #tpu.memory_space<vmem>>
      %dma_start3A_519 = tpu.memref_squeeze %dma_start3A_518 : memref<1x50xi32, #tpu.memory_space<vmem>> -> memref<50xi32, #tpu.memory_space<vmem>>
      %dma_start3A_520 = arith.constant 0 : i32
      %dma_start3A_521 = arith.constant 0 : i32
      %dma_start3A_522 = tpu.memref_slice %arg2[%dma_start3A_520, %dma_start3A_521] : memref<1000000x32xf32, #tpu.memory_space<hbm>> -> memref<1000000x32xf32, #tpu.memory_space<hbm>>
      tpu.enqueue_indirect_dma source(%dma_start3A_522 : memref<1000000x32xf32, #tpu.memory_space<hbm>>) target(%dma_start3A_516 : memref<50x32xf32, #tpu.memory_space<vmem>>) offsets(%dma_start3A_519 : memref<50xi32, #tpu.memory_space<vmem>>) semaphore(%arg9 : memref<!tpu.dma_semaphore, #tpu.memory_space<semaphore_mem>>)
      %mul3A_523 = arith.constant 16 : i32
      %mul3A_524 = arith.muli %add3A_445, %mul3A_523 : i32
      %add3A_525 = arith.constant 5 : i32
      %add3A_526 = arith.addi %mul3A_524, %add3A_525 : i32
      %dma_start3A_527 = arith.constant 5 : i32
      %dma_start3A_528 = arith.constant 0 : i32
      %dma_start3A_529 = arith.constant 0 : i32
      %dma_start3A_530 = tpu.memref_slice %arg7[%dma_start3A_527, %dma_start3A_528, %dma_start3A_529] : memref<16x50x32xf32, #tpu.memory_space<vmem>> -> memref<1x50x32xf32, #tpu.memory_space<vmem>>
      %dma_start3A_531 = tpu.memref_squeeze %dma_start3A_530 : memref<1x50x32xf32, #tpu.memory_space<vmem>> -> memref<50x32xf32, #tpu.memory_space<vmem>>
      %dma_start3A_532 = arith.constant 0 : i32
      %dma_start3A_533 = tpu.memref_slice %arg5[%add3A_526, %dma_start3A_532] : memref<512x50xi32, #tpu.memory_space<vmem>> -> memref<1x50xi32, #tpu.memory_space<vmem>>
      %dma_start3A_534 = tpu.memref_squeeze %dma_start3A_533 : memref<1x50xi32, #tpu.memory_space<vmem>> -> memref<50xi32, #tpu.memory_space<vmem>>
      %dma_start3A_535 = arith.constant 0 : i32
      %dma_start3A_536 = arith.constant 0 : i32
      %dma_start3A_537 = tpu.memref_slice %arg2[%dma_start3A_535, %dma_start3A_536] : memref<1000000x32xf32, #tpu.memory_space<hbm>> -> memref<1000000x32xf32, #tpu.memory_space<hbm>>
      tpu.enqueue_indirect_dma source(%dma_start3A_537 : memref<1000000x32xf32, #tpu.memory_space<hbm>>) target(%dma_start3A_531 : memref<50x32xf32, #tpu.memory_space<vmem>>) offsets(%dma_start3A_534 : memref<50xi32, #tpu.memory_space<vmem>>) semaphore(%arg9 : memref<!tpu.dma_semaphore, #tpu.memory_space<semaphore_mem>>)
      %mul3A_538 = arith.constant 16 : i32
      %mul3A_539 = arith.muli %add3A_445, %mul3A_538 : i32
      %add3A_540 = arith.constant 6 : i32
      %add3A_541 = arith.addi %mul3A_539, %add3A_540 : i32
      %dma_start3A_542 = arith.constant 6 : i32
      %dma_start3A_543 = arith.constant 0 : i32
      %dma_start3A_544 = arith.constant 0 : i32
      %dma_start3A_545 = tpu.memref_slice %arg7[%dma_start3A_542, %dma_start3A_543, %dma_start3A_544] : memref<16x50x32xf32, #tpu.memory_space<vmem>> -> memref<1x50x32xf32, #tpu.memory_space<vmem>>
      %dma_start3A_546 = tpu.memref_squeeze %dma_start3A_545 : memref<1x50x32xf32, #tpu.memory_space<vmem>> -> memref<50x32xf32, #tpu.memory_space<vmem>>
      %dma_start3A_547 = arith.constant 0 : i32
      %dma_start3A_548 = tpu.memref_slice %arg5[%add3A_541, %dma_start3A_547] : memref<512x50xi32, #tpu.memory_space<vmem>> -> memref<1x50xi32, #tpu.memory_space<vmem>>
      %dma_start3A_549 = tpu.memref_squeeze %dma_start3A_548 : memref<1x50xi32, #tpu.memory_space<vmem>> -> memref<50xi32, #tpu.memory_space<vmem>>
      %dma_start3A_550 = arith.constant 0 : i32
      %dma_start3A_551 = arith.constant 0 : i32
      %dma_start3A_552 = tpu.memref_slice %arg2[%dma_start3A_550, %dma_start3A_551] : memref<1000000x32xf32, #tpu.memory_space<hbm>> -> memref<1000000x32xf32, #tpu.memory_space<hbm>>
      tpu.enqueue_indirect_dma source(%dma_start3A_552 : memref<1000000x32xf32, #tpu.memory_space<hbm>>) target(%dma_start3A_546 : memref<50x32xf32, #tpu.memory_space<vmem>>) offsets(%dma_start3A_549 : memref<50xi32, #tpu.memory_space<vmem>>) semaphore(%arg9 : memref<!tpu.dma_semaphore, #tpu.memory_space<semaphore_mem>>)
      %mul3A_553 = arith.constant 16 : i32
      %mul3A_554 = arith.muli %add3A_445, %mul3A_553 : i32
      %add3A_555 = arith.constant 7 : i32
      %add3A_556 = arith.addi %mul3A_554, %add3A_555 : i32
      %dma_start3A_557 = arith.constant 7 : i32
      %dma_start3A_558 = arith.constant 0 : i32
      %dma_start3A_559 = arith.constant 0 : i32
      %dma_start3A_560 = tpu.memref_slice %arg7[%dma_start3A_557, %dma_start3A_558, %dma_start3A_559] : memref<16x50x32xf32, #tpu.memory_space<vmem>> -> memref<1x50x32xf32, #tpu.memory_space<vmem>>
      %dma_start3A_561 = tpu.memref_squeeze %dma_start3A_560 : memref<1x50x32xf32, #tpu.memory_space<vmem>> -> memref<50x32xf32, #tpu.memory_space<vmem>>
      %dma_start3A_562 = arith.constant 0 : i32
      %dma_start3A_563 = tpu.memref_slice %arg5[%add3A_556, %dma_start3A_562] : memref<512x50xi32, #tpu.memory_space<vmem>> -> memref<1x50xi32, #tpu.memory_space<vmem>>
      %dma_start3A_564 = tpu.memref_squeeze %dma_start3A_563 : memref<1x50xi32, #tpu.memory_space<vmem>> -> memref<50xi32, #tpu.memory_space<vmem>>
      %dma_start3A_565 = arith.constant 0 : i32
      %dma_start3A_566 = arith.constant 0 : i32
      %dma_start3A_567 = tpu.memref_slice %arg2[%dma_start3A_565, %dma_start3A_566] : memref<1000000x32xf32, #tpu.memory_space<hbm>> -> memref<1000000x32xf32, #tpu.memory_space<hbm>>
      tpu.enqueue_indirect_dma source(%dma_start3A_567 : memref<1000000x32xf32, #tpu.memory_space<hbm>>) target(%dma_start3A_561 : memref<50x32xf32, #tpu.memory_space<vmem>>) offsets(%dma_start3A_564 : memref<50xi32, #tpu.memory_space<vmem>>) semaphore(%arg9 : memref<!tpu.dma_semaphore, #tpu.memory_space<semaphore_mem>>)
      %mul3A_568 = arith.constant 16 : i32
      %mul3A_569 = arith.muli %add3A_445, %mul3A_568 : i32
      %add3A_570 = arith.constant 8 : i32
      %add3A_571 = arith.addi %mul3A_569, %add3A_570 : i32
      %dma_start3A_572 = arith.constant 8 : i32
      %dma_start3A_573 = arith.constant 0 : i32
      %dma_start3A_574 = arith.constant 0 : i32
      %dma_start3A_575 = tpu.memref_slice %arg7[%dma_start3A_572, %dma_start3A_573, %dma_start3A_574] : memref<16x50x32xf32, #tpu.memory_space<vmem>> -> memref<1x50x32xf32, #tpu.memory_space<vmem>>
      %dma_start3A_576 = tpu.memref_squeeze %dma_start3A_575 : memref<1x50x32xf32, #tpu.memory_space<vmem>> -> memref<50x32xf32, #tpu.memory_space<vmem>>
      %dma_start3A_577 = arith.constant 0 : i32
      %dma_start3A_578 = tpu.memref_slice %arg5[%add3A_571, %dma_start3A_577] : memref<512x50xi32, #tpu.memory_space<vmem>> -> memref<1x50xi32, #tpu.memory_space<vmem>>
      %dma_start3A_579 = tpu.memref_squeeze %dma_start3A_578 : memref<1x50xi32, #tpu.memory_space<vmem>> -> memref<50xi32, #tpu.memory_space<vmem>>
      %dma_start3A_580 = arith.constant 0 : i32
      %dma_start3A_581 = arith.constant 0 : i32
      %dma_start3A_582 = tpu.memref_slice %arg2[%dma_start3A_580, %dma_start3A_581] : memref<1000000x32xf32, #tpu.memory_space<hbm>> -> memref<1000000x32xf32, #tpu.memory_space<hbm>>
      tpu.enqueue_indirect_dma source(%dma_start3A_582 : memref<1000000x32xf32, #tpu.memory_space<hbm>>) target(%dma_start3A_576 : memref<50x32xf32, #tpu.memory_space<vmem>>) offsets(%dma_start3A_579 : memref<50xi32, #tpu.memory_space<vmem>>) semaphore(%arg9 : memref<!tpu.dma_semaphore, #tpu.memory_space<semaphore_mem>>)
      %mul3A_583 = arith.constant 16 : i32
      %mul3A_584 = arith.muli %add3A_445, %mul3A_583 : i32
      %add3A_585 = arith.constant 9 : i32
      %add3A_586 = arith.addi %mul3A_584, %add3A_585 : i32
      %dma_start3A_587 = arith.constant 9 : i32
      %dma_start3A_588 = arith.constant 0 : i32
      %dma_start3A_589 = arith.constant 0 : i32
      %dma_start3A_590 = tpu.memref_slice %arg7[%dma_start3A_587, %dma_start3A_588, %dma_start3A_589] : memref<16x50x32xf32, #tpu.memory_space<vmem>> -> memref<1x50x32xf32, #tpu.memory_space<vmem>>
      %dma_start3A_591 = tpu.memref_squeeze %dma_start3A_590 : memref<1x50x32xf32, #tpu.memory_space<vmem>> -> memref<50x32xf32, #tpu.memory_space<vmem>>
      %dma_start3A_592 = arith.constant 0 : i32
      %dma_start3A_593 = tpu.memref_slice %arg5[%add3A_586, %dma_start3A_592] : memref<512x50xi32, #tpu.memory_space<vmem>> -> memref<1x50xi32, #tpu.memory_space<vmem>>
      %dma_start3A_594 = tpu.memref_squeeze %dma_start3A_593 : memref<1x50xi32, #tpu.memory_space<vmem>> -> memref<50xi32, #tpu.memory_space<vmem>>
      %dma_start3A_595 = arith.constant 0 : i32
      %dma_start3A_596 = arith.constant 0 : i32
      %dma_start3A_597 = tpu.memref_slice %arg2[%dma_start3A_595, %dma_start3A_596] : memref<1000000x32xf32, #tpu.memory_space<hbm>> -> memref<1000000x32xf32, #tpu.memory_space<hbm>>
      tpu.enqueue_indirect_dma source(%dma_start3A_597 : memref<1000000x32xf32, #tpu.memory_space<hbm>>) target(%dma_start3A_591 : memref<50x32xf32, #tpu.memory_space<vmem>>) offsets(%dma_start3A_594 : memref<50xi32, #tpu.memory_space<vmem>>) semaphore(%arg9 : memref<!tpu.dma_semaphore, #tpu.memory_space<semaphore_mem>>)
      %mul3A_598 = arith.constant 16 : i32
      %mul3A_599 = arith.muli %add3A_445, %mul3A_598 : i32
      %add3A_600 = arith.constant 10 : i32
      %add3A_601 = arith.addi %mul3A_599, %add3A_600 : i32
      %dma_start3A_602 = arith.constant 10 : i32
      %dma_start3A_603 = arith.constant 0 : i32
      %dma_start3A_604 = arith.constant 0 : i32
      %dma_start3A_605 = tpu.memref_slice %arg7[%dma_start3A_602, %dma_start3A_603, %dma_start3A_604] : memref<16x50x32xf32, #tpu.memory_space<vmem>> -> memref<1x50x32xf32, #tpu.memory_space<vmem>>
      %dma_start3A_606 = tpu.memref_squeeze %dma_start3A_605 : memref<1x50x32xf32, #tpu.memory_space<vmem>> -> memref<50x32xf32, #tpu.memory_space<vmem>>
      %dma_start3A_607 = arith.constant 0 : i32
      %dma_start3A_608 = tpu.memref_slice %arg5[%add3A_601, %dma_start3A_607] : memref<512x50xi32, #tpu.memory_space<vmem>> -> memref<1x50xi32, #tpu.memory_space<vmem>>
      %dma_start3A_609 = tpu.memref_squeeze %dma_start3A_608 : memref<1x50xi32, #tpu.memory_space<vmem>> -> memref<50xi32, #tpu.memory_space<vmem>>
      %dma_start3A_610 = arith.constant 0 : i32
      %dma_start3A_611 = arith.constant 0 : i32
      %dma_start3A_612 = tpu.memref_slice %arg2[%dma_start3A_610, %dma_start3A_611] : memref<1000000x32xf32, #tpu.memory_space<hbm>> -> memref<1000000x32xf32, #tpu.memory_space<hbm>>
      tpu.enqueue_indirect_dma source(%dma_start3A_612 : memref<1000000x32xf32, #tpu.memory_space<hbm>>) target(%dma_start3A_606 : memref<50x32xf32, #tpu.memory_space<vmem>>) offsets(%dma_start3A_609 : memref<50xi32, #tpu.memory_space<vmem>>) semaphore(%arg9 : memref<!tpu.dma_semaphore, #tpu.memory_space<semaphore_mem>>)
      %mul3A_613 = arith.constant 16 : i32
      %mul3A_614 = arith.muli %add3A_445, %mul3A_613 : i32
      %add3A_615 = arith.constant 11 : i32
      %add3A_616 = arith.addi %mul3A_614, %add3A_615 : i32
      %dma_start3A_617 = arith.constant 11 : i32
      %dma_start3A_618 = arith.constant 0 : i32
      %dma_start3A_619 = arith.constant 0 : i32
      %dma_start3A_620 = tpu.memref_slice %arg7[%dma_start3A_617, %dma_start3A_618, %dma_start3A_619] : memref<16x50x32xf32, #tpu.memory_space<vmem>> -> memref<1x50x32xf32, #tpu.memory_space<vmem>>
      %dma_start3A_621 = tpu.memref_squeeze %dma_start3A_620 : memref<1x50x32xf32, #tpu.memory_space<vmem>> -> memref<50x32xf32, #tpu.memory_space<vmem>>
      %dma_start3A_622 = arith.constant 0 : i32
      %dma_start3A_623 = tpu.memref_slice %arg5[%add3A_616, %dma_start3A_622] : memref<512x50xi32, #tpu.memory_space<vmem>> -> memref<1x50xi32, #tpu.memory_space<vmem>>
      %dma_start3A_624 = tpu.memref_squeeze %dma_start3A_623 : memref<1x50xi32, #tpu.memory_space<vmem>> -> memref<50xi32, #tpu.memory_space<vmem>>
      %dma_start3A_625 = arith.constant 0 : i32
      %dma_start3A_626 = arith.constant 0 : i32
      %dma_start3A_627 = tpu.memref_slice %arg2[%dma_start3A_625, %dma_start3A_626] : memref<1000000x32xf32, #tpu.memory_space<hbm>> -> memref<1000000x32xf32, #tpu.memory_space<hbm>>
      tpu.enqueue_indirect_dma source(%dma_start3A_627 : memref<1000000x32xf32, #tpu.memory_space<hbm>>) target(%dma_start3A_621 : memref<50x32xf32, #tpu.memory_space<vmem>>) offsets(%dma_start3A_624 : memref<50xi32, #tpu.memory_space<vmem>>) semaphore(%arg9 : memref<!tpu.dma_semaphore, #tpu.memory_space<semaphore_mem>>)
      %mul3A_628 = arith.constant 16 : i32
      %mul3A_629 = arith.muli %add3A_445, %mul3A_628 : i32
      %add3A_630 = arith.constant 12 : i32
      %add3A_631 = arith.addi %mul3A_629, %add3A_630 : i32
      %dma_start3A_632 = arith.constant 12 : i32
      %dma_start3A_633 = arith.constant 0 : i32
      %dma_start3A_634 = arith.constant 0 : i32
      %dma_start3A_635 = tpu.memref_slice %arg7[%dma_start3A_632, %dma_start3A_633, %dma_start3A_634] : memref<16x50x32xf32, #tpu.memory_space<vmem>> -> memref<1x50x32xf32, #tpu.memory_space<vmem>>
      %dma_start3A_636 = tpu.memref_squeeze %dma_start3A_635 : memref<1x50x32xf32, #tpu.memory_space<vmem>> -> memref<50x32xf32, #tpu.memory_space<vmem>>
      %dma_start3A_637 = arith.constant 0 : i32
      %dma_start3A_638 = tpu.memref_slice %arg5[%add3A_631, %dma_start3A_637] : memref<512x50xi32, #tpu.memory_space<vmem>> -> memref<1x50xi32, #tpu.memory_space<vmem>>
      %dma_start3A_639 = tpu.memref_squeeze %dma_start3A_638 : memref<1x50xi32, #tpu.memory_space<vmem>> -> memref<50xi32, #tpu.memory_space<vmem>>
      %dma_start3A_640 = arith.constant 0 : i32
      %dma_start3A_641 = arith.constant 0 : i32
      %dma_start3A_642 = tpu.memref_slice %arg2[%dma_start3A_640, %dma_start3A_641] : memref<1000000x32xf32, #tpu.memory_space<hbm>> -> memref<1000000x32xf32, #tpu.memory_space<hbm>>
      tpu.enqueue_indirect_dma source(%dma_start3A_642 : memref<1000000x32xf32, #tpu.memory_space<hbm>>) target(%dma_start3A_636 : memref<50x32xf32, #tpu.memory_space<vmem>>) offsets(%dma_start3A_639 : memref<50xi32, #tpu.memory_space<vmem>>) semaphore(%arg9 : memref<!tpu.dma_semaphore, #tpu.memory_space<semaphore_mem>>)
      %mul3A_643 = arith.constant 16 : i32
      %mul3A_644 = arith.muli %add3A_445, %mul3A_643 : i32
      %add3A_645 = arith.constant 13 : i32
      %add3A_646 = arith.addi %mul3A_644, %add3A_645 : i32
      %dma_start3A_647 = arith.constant 13 : i32
      %dma_start3A_648 = arith.constant 0 : i32
      %dma_start3A_649 = arith.constant 0 : i32
      %dma_start3A_650 = tpu.memref_slice %arg7[%dma_start3A_647, %dma_start3A_648, %dma_start3A_649] : memref<16x50x32xf32, #tpu.memory_space<vmem>> -> memref<1x50x32xf32, #tpu.memory_space<vmem>>
      %dma_start3A_651 = tpu.memref_squeeze %dma_start3A_650 : memref<1x50x32xf32, #tpu.memory_space<vmem>> -> memref<50x32xf32, #tpu.memory_space<vmem>>
      %dma_start3A_652 = arith.constant 0 : i32
      %dma_start3A_653 = tpu.memref_slice %arg5[%add3A_646, %dma_start3A_652] : memref<512x50xi32, #tpu.memory_space<vmem>> -> memref<1x50xi32, #tpu.memory_space<vmem>>
      %dma_start3A_654 = tpu.memref_squeeze %dma_start3A_653 : memref<1x50xi32, #tpu.memory_space<vmem>> -> memref<50xi32, #tpu.memory_space<vmem>>
      %dma_start3A_655 = arith.constant 0 : i32
      %dma_start3A_656 = arith.constant 0 : i32
      %dma_start3A_657 = tpu.memref_slice %arg2[%dma_start3A_655, %dma_start3A_656] : memref<1000000x32xf32, #tpu.memory_space<hbm>> -> memref<1000000x32xf32, #tpu.memory_space<hbm>>
      tpu.enqueue_indirect_dma source(%dma_start3A_657 : memref<1000000x32xf32, #tpu.memory_space<hbm>>) target(%dma_start3A_651 : memref<50x32xf32, #tpu.memory_space<vmem>>) offsets(%dma_start3A_654 : memref<50xi32, #tpu.memory_space<vmem>>) semaphore(%arg9 : memref<!tpu.dma_semaphore, #tpu.memory_space<semaphore_mem>>)
      %mul3A_658 = arith.constant 16 : i32
      %mul3A_659 = arith.muli %add3A_445, %mul3A_658 : i32
      %add3A_660 = arith.constant 14 : i32
      %add3A_661 = arith.addi %mul3A_659, %add3A_660 : i32
      %dma_start3A_662 = arith.constant 14 : i32
      %dma_start3A_663 = arith.constant 0 : i32
      %dma_start3A_664 = arith.constant 0 : i32
      %dma_start3A_665 = tpu.memref_slice %arg7[%dma_start3A_662, %dma_start3A_663, %dma_start3A_664] : memref<16x50x32xf32, #tpu.memory_space<vmem>> -> memref<1x50x32xf32, #tpu.memory_space<vmem>>
      %dma_start3A_666 = tpu.memref_squeeze %dma_start3A_665 : memref<1x50x32xf32, #tpu.memory_space<vmem>> -> memref<50x32xf32, #tpu.memory_space<vmem>>
      %dma_start3A_667 = arith.constant 0 : i32
      %dma_start3A_668 = tpu.memref_slice %arg5[%add3A_661, %dma_start3A_667] : memref<512x50xi32, #tpu.memory_space<vmem>> -> memref<1x50xi32, #tpu.memory_space<vmem>>
      %dma_start3A_669 = tpu.memref_squeeze %dma_start3A_668 : memref<1x50xi32, #tpu.memory_space<vmem>> -> memref<50xi32, #tpu.memory_space<vmem>>
      %dma_start3A_670 = arith.constant 0 : i32
      %dma_start3A_671 = arith.constant 0 : i32
      %dma_start3A_672 = tpu.memref_slice %arg2[%dma_start3A_670, %dma_start3A_671] : memref<1000000x32xf32, #tpu.memory_space<hbm>> -> memref<1000000x32xf32, #tpu.memory_space<hbm>>
      tpu.enqueue_indirect_dma source(%dma_start3A_672 : memref<1000000x32xf32, #tpu.memory_space<hbm>>) target(%dma_start3A_666 : memref<50x32xf32, #tpu.memory_space<vmem>>) offsets(%dma_start3A_669 : memref<50xi32, #tpu.memory_space<vmem>>) semaphore(%arg9 : memref<!tpu.dma_semaphore, #tpu.memory_space<semaphore_mem>>)
      %mul3A_673 = arith.constant 16 : i32
      %mul3A_674 = arith.muli %add3A_445, %mul3A_673 : i32
      %add3A_675 = arith.constant 15 : i32
      %add3A_676 = arith.addi %mul3A_674, %add3A_675 : i32
      %dma_start3A_677 = arith.constant 15 : i32
      %dma_start3A_678 = arith.constant 0 : i32
      %dma_start3A_679 = arith.constant 0 : i32
      %dma_start3A_680 = tpu.memref_slice %arg7[%dma_start3A_677, %dma_start3A_678, %dma_start3A_679] : memref<16x50x32xf32, #tpu.memory_space<vmem>> -> memref<1x50x32xf32, #tpu.memory_space<vmem>>
      %dma_start3A_681 = tpu.memref_squeeze %dma_start3A_680 : memref<1x50x32xf32, #tpu.memory_space<vmem>> -> memref<50x32xf32, #tpu.memory_space<vmem>>
      %dma_start3A_682 = arith.constant 0 : i32
      %dma_start3A_683 = tpu.memref_slice %arg5[%add3A_676, %dma_start3A_682] : memref<512x50xi32, #tpu.memory_space<vmem>> -> memref<1x50xi32, #tpu.memory_space<vmem>>
      %dma_start3A_684 = tpu.memref_squeeze %dma_start3A_683 : memref<1x50xi32, #tpu.memory_space<vmem>> -> memref<50xi32, #tpu.memory_space<vmem>>
      %dma_start3A_685 = arith.constant 0 : i32
      %dma_start3A_686 = arith.constant 0 : i32
      %dma_start3A_687 = tpu.memref_slice %arg2[%dma_start3A_685, %dma_start3A_686] : memref<1000000x32xf32, #tpu.memory_space<hbm>> -> memref<1000000x32xf32, #tpu.memory_space<hbm>>
      tpu.enqueue_indirect_dma source(%dma_start3A_687 : memref<1000000x32xf32, #tpu.memory_space<hbm>>) target(%dma_start3A_681 : memref<50x32xf32, #tpu.memory_space<vmem>>) offsets(%dma_start3A_684 : memref<50xi32, #tpu.memory_space<vmem>>) semaphore(%arg9 : memref<!tpu.dma_semaphore, #tpu.memory_space<semaphore_mem>>)
      %dma_wait3A_688 = arith.constant 0 : i32
      %dma_wait3A_689 = arith.constant 0 : i32
      %dma_wait3A_690 = arith.constant 0 : i32
      %dma_wait3A_691 = tpu.memref_slice %arg6[%dma_wait3A_688, %dma_wait3A_689, %dma_wait3A_690] : memref<16x50x32xf32, #tpu.memory_space<vmem>> -> memref<1x50x32xf32, #tpu.memory_space<vmem>>
      %dma_wait3A_692 = tpu.memref_squeeze %dma_wait3A_691 : memref<1x50x32xf32, #tpu.memory_space<vmem>> -> memref<50x32xf32, #tpu.memory_space<vmem>>
      %dma_wait3A_693 = arith.constant 0 : i32
      %dma_wait3A_694 = arith.constant 0 : i32
      %dma_wait3A_695 = tpu.memref_slice %arg2[%dma_wait3A_693, %dma_wait3A_694] : memref<1000000x32xf32, #tpu.memory_space<hbm>> -> memref<50x32xf32, #tpu.memory_space<hbm>>
      %dma_wait3A_696 = arith.constant 0 : i32
      %dma_wait3A_697 = arith.constant 0 : i32
      %dma_wait3A_698 = tpu.memref_slice %arg6[%dma_wait3A_688, %dma_wait3A_696, %dma_wait3A_697] : memref<16x50x32xf32, #tpu.memory_space<vmem>> -> memref<1x50x32xf32, #tpu.memory_space<vmem>>
      %dma_wait3A_699 = tpu.memref_squeeze %dma_wait3A_698 : memref<1x50x32xf32, #tpu.memory_space<vmem>> -> memref<50x32xf32, #tpu.memory_space<vmem>>
      %dma_wait3A_700 = arith.constant 0 : i32
      %dma_wait3A_701 = arith.constant 0 : i32
      %dma_wait3A_702 = tpu.memref_slice %arg2[%dma_wait3A_700, %dma_wait3A_701] : memref<1000000x32xf32, #tpu.memory_space<hbm>> -> memref<50x32xf32, #tpu.memory_space<hbm>>
      tpu.wait_dma2 semaphore(%arg8 : memref<!tpu.dma_semaphore, #tpu.memory_space<semaphore_mem>>) src(%dma_wait3A_702 : memref<50x32xf32, #tpu.memory_space<hbm>>) dst(%dma_wait3A_699 : memref<50x32xf32, #tpu.memory_space<vmem>>)
      %dma_wait3A_703 = arith.constant 1 : i32
      %dma_wait3A_704 = arith.constant 0 : i32
      %dma_wait3A_705 = arith.constant 0 : i32
      %dma_wait3A_706 = tpu.memref_slice %arg6[%dma_wait3A_703, %dma_wait3A_704, %dma_wait3A_705] : memref<16x50x32xf32, #tpu.memory_space<vmem>> -> memref<1x50x32xf32, #tpu.memory_space<vmem>>
      %dma_wait3A_707 = tpu.memref_squeeze %dma_wait3A_706 : memref<1x50x32xf32, #tpu.memory_space<vmem>> -> memref<50x32xf32, #tpu.memory_space<vmem>>
      %dma_wait3A_708 = arith.constant 0 : i32
      %dma_wait3A_709 = arith.constant 0 : i32
      %dma_wait3A_710 = tpu.memref_slice %arg2[%dma_wait3A_708, %dma_wait3A_709] : memref<1000000x32xf32, #tpu.memory_space<hbm>> -> memref<50x32xf32, #tpu.memory_space<hbm>>
      %dma_wait3A_711 = arith.constant 0 : i32
      %dma_wait3A_712 = arith.constant 0 : i32
      %dma_wait3A_713 = tpu.memref_slice %arg6[%dma_wait3A_703, %dma_wait3A_711, %dma_wait3A_712] : memref<16x50x32xf32, #tpu.memory_space<vmem>> -> memref<1x50x32xf32, #tpu.memory_space<vmem>>
      %dma_wait3A_714 = tpu.memref_squeeze %dma_wait3A_713 : memref<1x50x32xf32, #tpu.memory_space<vmem>> -> memref<50x32xf32, #tpu.memory_space<vmem>>
      %dma_wait3A_715 = arith.constant 0 : i32
      %dma_wait3A_716 = arith.constant 0 : i32
      %dma_wait3A_717 = tpu.memref_slice %arg2[%dma_wait3A_715, %dma_wait3A_716] : memref<1000000x32xf32, #tpu.memory_space<hbm>> -> memref<50x32xf32, #tpu.memory_space<hbm>>
      tpu.wait_dma2 semaphore(%arg8 : memref<!tpu.dma_semaphore, #tpu.memory_space<semaphore_mem>>) src(%dma_wait3A_717 : memref<50x32xf32, #tpu.memory_space<hbm>>) dst(%dma_wait3A_714 : memref<50x32xf32, #tpu.memory_space<vmem>>)
      %dma_wait3A_718 = arith.constant 2 : i32
      %dma_wait3A_719 = arith.constant 0 : i32
      %dma_wait3A_720 = arith.constant 0 : i32
      %dma_wait3A_721 = tpu.memref_slice %arg6[%dma_wait3A_718, %dma_wait3A_719, %dma_wait3A_720] : memref<16x50x32xf32, #tpu.memory_space<vmem>> -> memref<1x50x32xf32, #tpu.memory_space<vmem>>
      %dma_wait3A_722 = tpu.memref_squeeze %dma_wait3A_721 : memref<1x50x32xf32, #tpu.memory_space<vmem>> -> memref<50x32xf32, #tpu.memory_space<vmem>>
      %dma_wait3A_723 = arith.constant 0 : i32
      %dma_wait3A_724 = arith.constant 0 : i32
      %dma_wait3A_725 = tpu.memref_slice %arg2[%dma_wait3A_723, %dma_wait3A_724] : memref<1000000x32xf32, #tpu.memory_space<hbm>> -> memref<50x32xf32, #tpu.memory_space<hbm>>
      %dma_wait3A_726 = arith.constant 0 : i32
      %dma_wait3A_727 = arith.constant 0 : i32
      %dma_wait3A_728 = tpu.memref_slice %arg6[%dma_wait3A_718, %dma_wait3A_726, %dma_wait3A_727] : memref<16x50x32xf32, #tpu.memory_space<vmem>> -> memref<1x50x32xf32, #tpu.memory_space<vmem>>
      %dma_wait3A_729 = tpu.memref_squeeze %dma_wait3A_728 : memref<1x50x32xf32, #tpu.memory_space<vmem>> -> memref<50x32xf32, #tpu.memory_space<vmem>>
      %dma_wait3A_730 = arith.constant 0 : i32
      %dma_wait3A_731 = arith.constant 0 : i32
      %dma_wait3A_732 = tpu.memref_slice %arg2[%dma_wait3A_730, %dma_wait3A_731] : memref<1000000x32xf32, #tpu.memory_space<hbm>> -> memref<50x32xf32, #tpu.memory_space<hbm>>
      tpu.wait_dma2 semaphore(%arg8 : memref<!tpu.dma_semaphore, #tpu.memory_space<semaphore_mem>>) src(%dma_wait3A_732 : memref<50x32xf32, #tpu.memory_space<hbm>>) dst(%dma_wait3A_729 : memref<50x32xf32, #tpu.memory_space<vmem>>)
      %dma_wait3A_733 = arith.constant 3 : i32
      %dma_wait3A_734 = arith.constant 0 : i32
      %dma_wait3A_735 = arith.constant 0 : i32
      %dma_wait3A_736 = tpu.memref_slice %arg6[%dma_wait3A_733, %dma_wait3A_734, %dma_wait3A_735] : memref<16x50x32xf32, #tpu.memory_space<vmem>> -> memref<1x50x32xf32, #tpu.memory_space<vmem>>
      %dma_wait3A_737 = tpu.memref_squeeze %dma_wait3A_736 : memref<1x50x32xf32, #tpu.memory_space<vmem>> -> memref<50x32xf32, #tpu.memory_space<vmem>>
      %dma_wait3A_738 = arith.constant 0 : i32
      %dma_wait3A_739 = arith.constant 0 : i32
      %dma_wait3A_740 = tpu.memref_slice %arg2[%dma_wait3A_738, %dma_wait3A_739] : memref<1000000x32xf32, #tpu.memory_space<hbm>> -> memref<50x32xf32, #tpu.memory_space<hbm>>
      %dma_wait3A_741 = arith.constant 0 : i32
      %dma_wait3A_742 = arith.constant 0 : i32
      %dma_wait3A_743 = tpu.memref_slice %arg6[%dma_wait3A_733, %dma_wait3A_741, %dma_wait3A_742] : memref<16x50x32xf32, #tpu.memory_space<vmem>> -> memref<1x50x32xf32, #tpu.memory_space<vmem>>
      %dma_wait3A_744 = tpu.memref_squeeze %dma_wait3A_743 : memref<1x50x32xf32, #tpu.memory_space<vmem>> -> memref<50x32xf32, #tpu.memory_space<vmem>>
      %dma_wait3A_745 = arith.constant 0 : i32
      %dma_wait3A_746 = arith.constant 0 : i32
      %dma_wait3A_747 = tpu.memref_slice %arg2[%dma_wait3A_745, %dma_wait3A_746] : memref<1000000x32xf32, #tpu.memory_space<hbm>> -> memref<50x32xf32, #tpu.memory_space<hbm>>
      tpu.wait_dma2 semaphore(%arg8 : memref<!tpu.dma_semaphore, #tpu.memory_space<semaphore_mem>>) src(%dma_wait3A_747 : memref<50x32xf32, #tpu.memory_space<hbm>>) dst(%dma_wait3A_744 : memref<50x32xf32, #tpu.memory_space<vmem>>)
      %dma_wait3A_748 = arith.constant 4 : i32
      %dma_wait3A_749 = arith.constant 0 : i32
      %dma_wait3A_750 = arith.constant 0 : i32
      %dma_wait3A_751 = tpu.memref_slice %arg6[%dma_wait3A_748, %dma_wait3A_749, %dma_wait3A_750] : memref<16x50x32xf32, #tpu.memory_space<vmem>> -> memref<1x50x32xf32, #tpu.memory_space<vmem>>
      %dma_wait3A_752 = tpu.memref_squeeze %dma_wait3A_751 : memref<1x50x32xf32, #tpu.memory_space<vmem>> -> memref<50x32xf32, #tpu.memory_space<vmem>>
      %dma_wait3A_753 = arith.constant 0 : i32
      %dma_wait3A_754 = arith.constant 0 : i32
      %dma_wait3A_755 = tpu.memref_slice %arg2[%dma_wait3A_753, %dma_wait3A_754] : memref<1000000x32xf32, #tpu.memory_space<hbm>> -> memref<50x32xf32, #tpu.memory_space<hbm>>
      %dma_wait3A_756 = arith.constant 0 : i32
      %dma_wait3A_757 = arith.constant 0 : i32
      %dma_wait3A_758 = tpu.memref_slice %arg6[%dma_wait3A_748, %dma_wait3A_756, %dma_wait3A_757] : memref<16x50x32xf32, #tpu.memory_space<vmem>> -> memref<1x50x32xf32, #tpu.memory_space<vmem>>
      %dma_wait3A_759 = tpu.memref_squeeze %dma_wait3A_758 : memref<1x50x32xf32, #tpu.memory_space<vmem>> -> memref<50x32xf32, #tpu.memory_space<vmem>>
      %dma_wait3A_760 = arith.constant 0 : i32
      %dma_wait3A_761 = arith.constant 0 : i32
      %dma_wait3A_762 = tpu.memref_slice %arg2[%dma_wait3A_760, %dma_wait3A_761] : memref<1000000x32xf32, #tpu.memory_space<hbm>> -> memref<50x32xf32, #tpu.memory_space<hbm>>
      tpu.wait_dma2 semaphore(%arg8 : memref<!tpu.dma_semaphore, #tpu.memory_space<semaphore_mem>>) src(%dma_wait3A_762 : memref<50x32xf32, #tpu.memory_space<hbm>>) dst(%dma_wait3A_759 : memref<50x32xf32, #tpu.memory_space<vmem>>)
      %dma_wait3A_763 = arith.constant 5 : i32
      %dma_wait3A_764 = arith.constant 0 : i32
      %dma_wait3A_765 = arith.constant 0 : i32
      %dma_wait3A_766 = tpu.memref_slice %arg6[%dma_wait3A_763, %dma_wait3A_764, %dma_wait3A_765] : memref<16x50x32xf32, #tpu.memory_space<vmem>> -> memref<1x50x32xf32, #tpu.memory_space<vmem>>
      %dma_wait3A_767 = tpu.memref_squeeze %dma_wait3A_766 : memref<1x50x32xf32, #tpu.memory_space<vmem>> -> memref<50x32xf32, #tpu.memory_space<vmem>>
      %dma_wait3A_768 = arith.constant 0 : i32
      %dma_wait3A_769 = arith.constant 0 : i32
      %dma_wait3A_770 = tpu.memref_slice %arg2[%dma_wait3A_768, %dma_wait3A_769] : memref<1000000x32xf32, #tpu.memory_space<hbm>> -> memref<50x32xf32, #tpu.memory_space<hbm>>
      %dma_wait3A_771 = arith.constant 0 : i32
      %dma_wait3A_772 = arith.constant 0 : i32
      %dma_wait3A_773 = tpu.memref_slice %arg6[%dma_wait3A_763, %dma_wait3A_771, %dma_wait3A_772] : memref<16x50x32xf32, #tpu.memory_space<vmem>> -> memref<1x50x32xf32, #tpu.memory_space<vmem>>
      %dma_wait3A_774 = tpu.memref_squeeze %dma_wait3A_773 : memref<1x50x32xf32, #tpu.memory_space<vmem>> -> memref<50x32xf32, #tpu.memory_space<vmem>>
      %dma_wait3A_775 = arith.constant 0 : i32
      %dma_wait3A_776 = arith.constant 0 : i32
      %dma_wait3A_777 = tpu.memref_slice %arg2[%dma_wait3A_775, %dma_wait3A_776] : memref<1000000x32xf32, #tpu.memory_space<hbm>> -> memref<50x32xf32, #tpu.memory_space<hbm>>
      tpu.wait_dma2 semaphore(%arg8 : memref<!tpu.dma_semaphore, #tpu.memory_space<semaphore_mem>>) src(%dma_wait3A_777 : memref<50x32xf32, #tpu.memory_space<hbm>>) dst(%dma_wait3A_774 : memref<50x32xf32, #tpu.memory_space<vmem>>)
      %dma_wait3A_778 = arith.constant 6 : i32
      %dma_wait3A_779 = arith.constant 0 : i32
      %dma_wait3A_780 = arith.constant 0 : i32
      %dma_wait3A_781 = tpu.memref_slice %arg6[%dma_wait3A_778, %dma_wait3A_779, %dma_wait3A_780] : memref<16x50x32xf32, #tpu.memory_space<vmem>> -> memref<1x50x32xf32, #tpu.memory_space<vmem>>
      %dma_wait3A_782 = tpu.memref_squeeze %dma_wait3A_781 : memref<1x50x32xf32, #tpu.memory_space<vmem>> -> memref<50x32xf32, #tpu.memory_space<vmem>>
      %dma_wait3A_783 = arith.constant 0 : i32
      %dma_wait3A_784 = arith.constant 0 : i32
      %dma_wait3A_785 = tpu.memref_slice %arg2[%dma_wait3A_783, %dma_wait3A_784] : memref<1000000x32xf32, #tpu.memory_space<hbm>> -> memref<50x32xf32, #tpu.memory_space<hbm>>
      %dma_wait3A_786 = arith.constant 0 : i32
      %dma_wait3A_787 = arith.constant 0 : i32
      %dma_wait3A_788 = tpu.memref_slice %arg6[%dma_wait3A_778, %dma_wait3A_786, %dma_wait3A_787] : memref<16x50x32xf32, #tpu.memory_space<vmem>> -> memref<1x50x32xf32, #tpu.memory_space<vmem>>
      %dma_wait3A_789 = tpu.memref_squeeze %dma_wait3A_788 : memref<1x50x32xf32, #tpu.memory_space<vmem>> -> memref<50x32xf32, #tpu.memory_space<vmem>>
      %dma_wait3A_790 = arith.constant 0 : i32
      %dma_wait3A_791 = arith.constant 0 : i32
      %dma_wait3A_792 = tpu.memref_slice %arg2[%dma_wait3A_790, %dma_wait3A_791] : memref<1000000x32xf32, #tpu.memory_space<hbm>> -> memref<50x32xf32, #tpu.memory_space<hbm>>
      tpu.wait_dma2 semaphore(%arg8 : memref<!tpu.dma_semaphore, #tpu.memory_space<semaphore_mem>>) src(%dma_wait3A_792 : memref<50x32xf32, #tpu.memory_space<hbm>>) dst(%dma_wait3A_789 : memref<50x32xf32, #tpu.memory_space<vmem>>)
      %dma_wait3A_793 = arith.constant 7 : i32
      %dma_wait3A_794 = arith.constant 0 : i32
      %dma_wait3A_795 = arith.constant 0 : i32
      %dma_wait3A_796 = tpu.memref_slice %arg6[%dma_wait3A_793, %dma_wait3A_794, %dma_wait3A_795] : memref<16x50x32xf32, #tpu.memory_space<vmem>> -> memref<1x50x32xf32, #tpu.memory_space<vmem>>
      %dma_wait3A_797 = tpu.memref_squeeze %dma_wait3A_796 : memref<1x50x32xf32, #tpu.memory_space<vmem>> -> memref<50x32xf32, #tpu.memory_space<vmem>>
      %dma_wait3A_798 = arith.constant 0 : i32
      %dma_wait3A_799 = arith.constant 0 : i32
      %dma_wait3A_800 = tpu.memref_slice %arg2[%dma_wait3A_798, %dma_wait3A_799] : memref<1000000x32xf32, #tpu.memory_space<hbm>> -> memref<50x32xf32, #tpu.memory_space<hbm>>
      %dma_wait3A_801 = arith.constant 0 : i32
      %dma_wait3A_802 = arith.constant 0 : i32
      %dma_wait3A_803 = tpu.memref_slice %arg6[%dma_wait3A_793, %dma_wait3A_801, %dma_wait3A_802] : memref<16x50x32xf32, #tpu.memory_space<vmem>> -> memref<1x50x32xf32, #tpu.memory_space<vmem>>
      %dma_wait3A_804 = tpu.memref_squeeze %dma_wait3A_803 : memref<1x50x32xf32, #tpu.memory_space<vmem>> -> memref<50x32xf32, #tpu.memory_space<vmem>>
      %dma_wait3A_805 = arith.constant 0 : i32
      %dma_wait3A_806 = arith.constant 0 : i32
      %dma_wait3A_807 = tpu.memref_slice %arg2[%dma_wait3A_805, %dma_wait3A_806] : memref<1000000x32xf32, #tpu.memory_space<hbm>> -> memref<50x32xf32, #tpu.memory_space<hbm>>
      tpu.wait_dma2 semaphore(%arg8 : memref<!tpu.dma_semaphore, #tpu.memory_space<semaphore_mem>>) src(%dma_wait3A_807 : memref<50x32xf32, #tpu.memory_space<hbm>>) dst(%dma_wait3A_804 : memref<50x32xf32, #tpu.memory_space<vmem>>)
      %dma_wait3A_808 = arith.constant 8 : i32
      %dma_wait3A_809 = arith.constant 0 : i32
      %dma_wait3A_810 = arith.constant 0 : i32
      %dma_wait3A_811 = tpu.memref_slice %arg6[%dma_wait3A_808, %dma_wait3A_809, %dma_wait3A_810] : memref<16x50x32xf32, #tpu.memory_space<vmem>> -> memref<1x50x32xf32, #tpu.memory_space<vmem>>
      %dma_wait3A_812 = tpu.memref_squeeze %dma_wait3A_811 : memref<1x50x32xf32, #tpu.memory_space<vmem>> -> memref<50x32xf32, #tpu.memory_space<vmem>>
      %dma_wait3A_813 = arith.constant 0 : i32
      %dma_wait3A_814 = arith.constant 0 : i32
      %dma_wait3A_815 = tpu.memref_slice %arg2[%dma_wait3A_813, %dma_wait3A_814] : memref<1000000x32xf32, #tpu.memory_space<hbm>> -> memref<50x32xf32, #tpu.memory_space<hbm>>
      %dma_wait3A_816 = arith.constant 0 : i32
      %dma_wait3A_817 = arith.constant 0 : i32
      %dma_wait3A_818 = tpu.memref_slice %arg6[%dma_wait3A_808, %dma_wait3A_816, %dma_wait3A_817] : memref<16x50x32xf32, #tpu.memory_space<vmem>> -> memref<1x50x32xf32, #tpu.memory_space<vmem>>
      %dma_wait3A_819 = tpu.memref_squeeze %dma_wait3A_818 : memref<1x50x32xf32, #tpu.memory_space<vmem>> -> memref<50x32xf32, #tpu.memory_space<vmem>>
      %dma_wait3A_820 = arith.constant 0 : i32
      %dma_wait3A_821 = arith.constant 0 : i32
      %dma_wait3A_822 = tpu.memref_slice %arg2[%dma_wait3A_820, %dma_wait3A_821] : memref<1000000x32xf32, #tpu.memory_space<hbm>> -> memref<50x32xf32, #tpu.memory_space<hbm>>
      tpu.wait_dma2 semaphore(%arg8 : memref<!tpu.dma_semaphore, #tpu.memory_space<semaphore_mem>>) src(%dma_wait3A_822 : memref<50x32xf32, #tpu.memory_space<hbm>>) dst(%dma_wait3A_819 : memref<50x32xf32, #tpu.memory_space<vmem>>)
      %dma_wait3A_823 = arith.constant 9 : i32
      %dma_wait3A_824 = arith.constant 0 : i32
      %dma_wait3A_825 = arith.constant 0 : i32
      %dma_wait3A_826 = tpu.memref_slice %arg6[%dma_wait3A_823, %dma_wait3A_824, %dma_wait3A_825] : memref<16x50x32xf32, #tpu.memory_space<vmem>> -> memref<1x50x32xf32, #tpu.memory_space<vmem>>
      %dma_wait3A_827 = tpu.memref_squeeze %dma_wait3A_826 : memref<1x50x32xf32, #tpu.memory_space<vmem>> -> memref<50x32xf32, #tpu.memory_space<vmem>>
      %dma_wait3A_828 = arith.constant 0 : i32
      %dma_wait3A_829 = arith.constant 0 : i32
      %dma_wait3A_830 = tpu.memref_slice %arg2[%dma_wait3A_828, %dma_wait3A_829] : memref<1000000x32xf32, #tpu.memory_space<hbm>> -> memref<50x32xf32, #tpu.memory_space<hbm>>
      %dma_wait3A_831 = arith.constant 0 : i32
      %dma_wait3A_832 = arith.constant 0 : i32
      %dma_wait3A_833 = tpu.memref_slice %arg6[%dma_wait3A_823, %dma_wait3A_831, %dma_wait3A_832] : memref<16x50x32xf32, #tpu.memory_space<vmem>> -> memref<1x50x32xf32, #tpu.memory_space<vmem>>
      %dma_wait3A_834 = tpu.memref_squeeze %dma_wait3A_833 : memref<1x50x32xf32, #tpu.memory_space<vmem>> -> memref<50x32xf32, #tpu.memory_space<vmem>>
      %dma_wait3A_835 = arith.constant 0 : i32
      %dma_wait3A_836 = arith.constant 0 : i32
      %dma_wait3A_837 = tpu.memref_slice %arg2[%dma_wait3A_835, %dma_wait3A_836] : memref<1000000x32xf32, #tpu.memory_space<hbm>> -> memref<50x32xf32, #tpu.memory_space<hbm>>
      tpu.wait_dma2 semaphore(%arg8 : memref<!tpu.dma_semaphore, #tpu.memory_space<semaphore_mem>>) src(%dma_wait3A_837 : memref<50x32xf32, #tpu.memory_space<hbm>>) dst(%dma_wait3A_834 : memref<50x32xf32, #tpu.memory_space<vmem>>)
      %dma_wait3A_838 = arith.constant 10 : i32
      %dma_wait3A_839 = arith.constant 0 : i32
      %dma_wait3A_840 = arith.constant 0 : i32
      %dma_wait3A_841 = tpu.memref_slice %arg6[%dma_wait3A_838, %dma_wait3A_839, %dma_wait3A_840] : memref<16x50x32xf32, #tpu.memory_space<vmem>> -> memref<1x50x32xf32, #tpu.memory_space<vmem>>
      %dma_wait3A_842 = tpu.memref_squeeze %dma_wait3A_841 : memref<1x50x32xf32, #tpu.memory_space<vmem>> -> memref<50x32xf32, #tpu.memory_space<vmem>>
      %dma_wait3A_843 = arith.constant 0 : i32
      %dma_wait3A_844 = arith.constant 0 : i32
      %dma_wait3A_845 = tpu.memref_slice %arg2[%dma_wait3A_843, %dma_wait3A_844] : memref<1000000x32xf32, #tpu.memory_space<hbm>> -> memref<50x32xf32, #tpu.memory_space<hbm>>
      %dma_wait3A_846 = arith.constant 0 : i32
      %dma_wait3A_847 = arith.constant 0 : i32
      %dma_wait3A_848 = tpu.memref_slice %arg6[%dma_wait3A_838, %dma_wait3A_846, %dma_wait3A_847] : memref<16x50x32xf32, #tpu.memory_space<vmem>> -> memref<1x50x32xf32, #tpu.memory_space<vmem>>
      %dma_wait3A_849 = tpu.memref_squeeze %dma_wait3A_848 : memref<1x50x32xf32, #tpu.memory_space<vmem>> -> memref<50x32xf32, #tpu.memory_space<vmem>>
      %dma_wait3A_850 = arith.constant 0 : i32
      %dma_wait3A_851 = arith.constant 0 : i32
      %dma_wait3A_852 = tpu.memref_slice %arg2[%dma_wait3A_850, %dma_wait3A_851] : memref<1000000x32xf32, #tpu.memory_space<hbm>> -> memref<50x32xf32, #tpu.memory_space<hbm>>
      tpu.wait_dma2 semaphore(%arg8 : memref<!tpu.dma_semaphore, #tpu.memory_space<semaphore_mem>>) src(%dma_wait3A_852 : memref<50x32xf32, #tpu.memory_space<hbm>>) dst(%dma_wait3A_849 : memref<50x32xf32, #tpu.memory_space<vmem>>)
      %dma_wait3A_853 = arith.constant 11 : i32
      %dma_wait3A_854 = arith.constant 0 : i32
      %dma_wait3A_855 = arith.constant 0 : i32
      %dma_wait3A_856 = tpu.memref_slice %arg6[%dma_wait3A_853, %dma_wait3A_854, %dma_wait3A_855] : memref<16x50x32xf32, #tpu.memory_space<vmem>> -> memref<1x50x32xf32, #tpu.memory_space<vmem>>
      %dma_wait3A_857 = tpu.memref_squeeze %dma_wait3A_856 : memref<1x50x32xf32, #tpu.memory_space<vmem>> -> memref<50x32xf32, #tpu.memory_space<vmem>>
      %dma_wait3A_858 = arith.constant 0 : i32
      %dma_wait3A_859 = arith.constant 0 : i32
      %dma_wait3A_860 = tpu.memref_slice %arg2[%dma_wait3A_858, %dma_wait3A_859] : memref<1000000x32xf32, #tpu.memory_space<hbm>> -> memref<50x32xf32, #tpu.memory_space<hbm>>
      %dma_wait3A_861 = arith.constant 0 : i32
      %dma_wait3A_862 = arith.constant 0 : i32
      %dma_wait3A_863 = tpu.memref_slice %arg6[%dma_wait3A_853, %dma_wait3A_861, %dma_wait3A_862] : memref<16x50x32xf32, #tpu.memory_space<vmem>> -> memref<1x50x32xf32, #tpu.memory_space<vmem>>
      %dma_wait3A_864 = tpu.memref_squeeze %dma_wait3A_863 : memref<1x50x32xf32, #tpu.memory_space<vmem>> -> memref<50x32xf32, #tpu.memory_space<vmem>>
      %dma_wait3A_865 = arith.constant 0 : i32
      %dma_wait3A_866 = arith.constant 0 : i32
      %dma_wait3A_867 = tpu.memref_slice %arg2[%dma_wait3A_865, %dma_wait3A_866] : memref<1000000x32xf32, #tpu.memory_space<hbm>> -> memref<50x32xf32, #tpu.memory_space<hbm>>
      tpu.wait_dma2 semaphore(%arg8 : memref<!tpu.dma_semaphore, #tpu.memory_space<semaphore_mem>>) src(%dma_wait3A_867 : memref<50x32xf32, #tpu.memory_space<hbm>>) dst(%dma_wait3A_864 : memref<50x32xf32, #tpu.memory_space<vmem>>)
      %dma_wait3A_868 = arith.constant 12 : i32
      %dma_wait3A_869 = arith.constant 0 : i32
      %dma_wait3A_870 = arith.constant 0 : i32
      %dma_wait3A_871 = tpu.memref_slice %arg6[%dma_wait3A_868, %dma_wait3A_869, %dma_wait3A_870] : memref<16x50x32xf32, #tpu.memory_space<vmem>> -> memref<1x50x32xf32, #tpu.memory_space<vmem>>
      %dma_wait3A_872 = tpu.memref_squeeze %dma_wait3A_871 : memref<1x50x32xf32, #tpu.memory_space<vmem>> -> memref<50x32xf32, #tpu.memory_space<vmem>>
      %dma_wait3A_873 = arith.constant 0 : i32
      %dma_wait3A_874 = arith.constant 0 : i32
      %dma_wait3A_875 = tpu.memref_slice %arg2[%dma_wait3A_873, %dma_wait3A_874] : memref<1000000x32xf32, #tpu.memory_space<hbm>> -> memref<50x32xf32, #tpu.memory_space<hbm>>
      %dma_wait3A_876 = arith.constant 0 : i32
      %dma_wait3A_877 = arith.constant 0 : i32
      %dma_wait3A_878 = tpu.memref_slice %arg6[%dma_wait3A_868, %dma_wait3A_876, %dma_wait3A_877] : memref<16x50x32xf32, #tpu.memory_space<vmem>> -> memref<1x50x32xf32, #tpu.memory_space<vmem>>
      %dma_wait3A_879 = tpu.memref_squeeze %dma_wait3A_878 : memref<1x50x32xf32, #tpu.memory_space<vmem>> -> memref<50x32xf32, #tpu.memory_space<vmem>>
      %dma_wait3A_880 = arith.constant 0 : i32
      %dma_wait3A_881 = arith.constant 0 : i32
      %dma_wait3A_882 = tpu.memref_slice %arg2[%dma_wait3A_880, %dma_wait3A_881] : memref<1000000x32xf32, #tpu.memory_space<hbm>> -> memref<50x32xf32, #tpu.memory_space<hbm>>
      tpu.wait_dma2 semaphore(%arg8 : memref<!tpu.dma_semaphore, #tpu.memory_space<semaphore_mem>>) src(%dma_wait3A_882 : memref<50x32xf32, #tpu.memory_space<hbm>>) dst(%dma_wait3A_879 : memref<50x32xf32, #tpu.memory_space<vmem>>)
      %dma_wait3A_883 = arith.constant 13 : i32
      %dma_wait3A_884 = arith.constant 0 : i32
      %dma_wait3A_885 = arith.constant 0 : i32
      %dma_wait3A_886 = tpu.memref_slice %arg6[%dma_wait3A_883, %dma_wait3A_884, %dma_wait3A_885] : memref<16x50x32xf32, #tpu.memory_space<vmem>> -> memref<1x50x32xf32, #tpu.memory_space<vmem>>
      %dma_wait3A_887 = tpu.memref_squeeze %dma_wait3A_886 : memref<1x50x32xf32, #tpu.memory_space<vmem>> -> memref<50x32xf32, #tpu.memory_space<vmem>>
      %dma_wait3A_888 = arith.constant 0 : i32
      %dma_wait3A_889 = arith.constant 0 : i32
      %dma_wait3A_890 = tpu.memref_slice %arg2[%dma_wait3A_888, %dma_wait3A_889] : memref<1000000x32xf32, #tpu.memory_space<hbm>> -> memref<50x32xf32, #tpu.memory_space<hbm>>
      %dma_wait3A_891 = arith.constant 0 : i32
      %dma_wait3A_892 = arith.constant 0 : i32
      %dma_wait3A_893 = tpu.memref_slice %arg6[%dma_wait3A_883, %dma_wait3A_891, %dma_wait3A_892] : memref<16x50x32xf32, #tpu.memory_space<vmem>> -> memref<1x50x32xf32, #tpu.memory_space<vmem>>
      %dma_wait3A_894 = tpu.memref_squeeze %dma_wait3A_893 : memref<1x50x32xf32, #tpu.memory_space<vmem>> -> memref<50x32xf32, #tpu.memory_space<vmem>>
      %dma_wait3A_895 = arith.constant 0 : i32
      %dma_wait3A_896 = arith.constant 0 : i32
      %dma_wait3A_897 = tpu.memref_slice %arg2[%dma_wait3A_895, %dma_wait3A_896] : memref<1000000x32xf32, #tpu.memory_space<hbm>> -> memref<50x32xf32, #tpu.memory_space<hbm>>
      tpu.wait_dma2 semaphore(%arg8 : memref<!tpu.dma_semaphore, #tpu.memory_space<semaphore_mem>>) src(%dma_wait3A_897 : memref<50x32xf32, #tpu.memory_space<hbm>>) dst(%dma_wait3A_894 : memref<50x32xf32, #tpu.memory_space<vmem>>)
      %dma_wait3A_898 = arith.constant 14 : i32
      %dma_wait3A_899 = arith.constant 0 : i32
      %dma_wait3A_900 = arith.constant 0 : i32
      %dma_wait3A_901 = tpu.memref_slice %arg6[%dma_wait3A_898, %dma_wait3A_899, %dma_wait3A_900] : memref<16x50x32xf32, #tpu.memory_space<vmem>> -> memref<1x50x32xf32, #tpu.memory_space<vmem>>
      %dma_wait3A_902 = tpu.memref_squeeze %dma_wait3A_901 : memref<1x50x32xf32, #tpu.memory_space<vmem>> -> memref<50x32xf32, #tpu.memory_space<vmem>>
      %dma_wait3A_903 = arith.constant 0 : i32
      %dma_wait3A_904 = arith.constant 0 : i32
      %dma_wait3A_905 = tpu.memref_slice %arg2[%dma_wait3A_903, %dma_wait3A_904] : memref<1000000x32xf32, #tpu.memory_space<hbm>> -> memref<50x32xf32, #tpu.memory_space<hbm>>
      %dma_wait3A_906 = arith.constant 0 : i32
      %dma_wait3A_907 = arith.constant 0 : i32
      %dma_wait3A_908 = tpu.memref_slice %arg6[%dma_wait3A_898, %dma_wait3A_906, %dma_wait3A_907] : memref<16x50x32xf32, #tpu.memory_space<vmem>> -> memref<1x50x32xf32, #tpu.memory_space<vmem>>
      %dma_wait3A_909 = tpu.memref_squeeze %dma_wait3A_908 : memref<1x50x32xf32, #tpu.memory_space<vmem>> -> memref<50x32xf32, #tpu.memory_space<vmem>>
      %dma_wait3A_910 = arith.constant 0 : i32
      %dma_wait3A_911 = arith.constant 0 : i32
      %dma_wait3A_912 = tpu.memref_slice %arg2[%dma_wait3A_910, %dma_wait3A_911] : memref<1000000x32xf32, #tpu.memory_space<hbm>> -> memref<50x32xf32, #tpu.memory_space<hbm>>
      tpu.wait_dma2 semaphore(%arg8 : memref<!tpu.dma_semaphore, #tpu.memory_space<semaphore_mem>>) src(%dma_wait3A_912 : memref<50x32xf32, #tpu.memory_space<hbm>>) dst(%dma_wait3A_909 : memref<50x32xf32, #tpu.memory_space<vmem>>)
      %dma_wait3A_913 = arith.constant 15 : i32
      %dma_wait3A_914 = arith.constant 0 : i32
      %dma_wait3A_915 = arith.constant 0 : i32
      %dma_wait3A_916 = tpu.memref_slice %arg6[%dma_wait3A_913, %dma_wait3A_914, %dma_wait3A_915] : memref<16x50x32xf32, #tpu.memory_space<vmem>> -> memref<1x50x32xf32, #tpu.memory_space<vmem>>
      %dma_wait3A_917 = tpu.memref_squeeze %dma_wait3A_916 : memref<1x50x32xf32, #tpu.memory_space<vmem>> -> memref<50x32xf32, #tpu.memory_space<vmem>>
      %dma_wait3A_918 = arith.constant 0 : i32
      %dma_wait3A_919 = arith.constant 0 : i32
      %dma_wait3A_920 = tpu.memref_slice %arg2[%dma_wait3A_918, %dma_wait3A_919] : memref<1000000x32xf32, #tpu.memory_space<hbm>> -> memref<50x32xf32, #tpu.memory_space<hbm>>
      %dma_wait3A_921 = arith.constant 0 : i32
      %dma_wait3A_922 = arith.constant 0 : i32
      %dma_wait3A_923 = tpu.memref_slice %arg6[%dma_wait3A_913, %dma_wait3A_921, %dma_wait3A_922] : memref<16x50x32xf32, #tpu.memory_space<vmem>> -> memref<1x50x32xf32, #tpu.memory_space<vmem>>
      %dma_wait3A_924 = tpu.memref_squeeze %dma_wait3A_923 : memref<1x50x32xf32, #tpu.memory_space<vmem>> -> memref<50x32xf32, #tpu.memory_space<vmem>>
      %dma_wait3A_925 = arith.constant 0 : i32
      %dma_wait3A_926 = arith.constant 0 : i32
      %dma_wait3A_927 = tpu.memref_slice %arg2[%dma_wait3A_925, %dma_wait3A_926] : memref<1000000x32xf32, #tpu.memory_space<hbm>> -> memref<50x32xf32, #tpu.memory_space<hbm>>
      tpu.wait_dma2 semaphore(%arg8 : memref<!tpu.dma_semaphore, #tpu.memory_space<semaphore_mem>>) src(%dma_wait3A_927 : memref<50x32xf32, #tpu.memory_space<hbm>>) dst(%dma_wait3A_924 : memref<50x32xf32, #tpu.memory_space<vmem>>)
      %mul3A_928 = arith.constant 16 : i32
      %mul3A_929 = arith.muli %mul3A_443, %mul3A_928 : i32
      %add3A_930 = arith.addi %mul3A_2, %mul3A_929 : i32
      %add3A_931 = arith.constant 0 : i32
      %add3A_932 = arith.addi %add3A_930, %add3A_931 : i32
      %mul3A_933 = arith.constant 56 : i32
      %mul3A_934 = arith.muli %add3A_932, %mul3A_933 : i32
      %dma_start3A_935 = arith.constant 0 : i32
      %dma_start3A_936 = arith.constant 0 : i32
      %dma_start3A_937 = arith.constant 0 : i32
      %dma_start3A_938 = tpu.memref_slice %arg6[%dma_start3A_935, %dma_start3A_936, %dma_start3A_937] : memref<16x50x32xf32, #tpu.memory_space<vmem>> -> memref<1x50x32xf32, #tpu.memory_space<vmem>>
      %dma_start3A_939 = tpu.memref_squeeze %dma_start3A_938 : memref<1x50x32xf32, #tpu.memory_space<vmem>> -> memref<50x32xf32, #tpu.memory_space<vmem>>
      %dma_start3A_940 = arith.constant 0 : i32
      %dma_start3A_941 = tpu.memref_slice %arg4[%mul3A_934, %dma_start3A_940] : memref<917504x128xf32, #tpu.memory_space<hbm>> -> memref<50x32xf32, #tpu.memory_space<hbm>>
      %dma_start3A_942 = arith.constant 0 : i32
      %dma_start3A_943 = tpu.memref_slice %arg4[%mul3A_934, %dma_start3A_942] : memref<917504x128xf32, #tpu.memory_space<hbm>> -> memref<50x32xf32, #tpu.memory_space<hbm>>
      %dma_start3A_944 = arith.constant 0 : i32
      %dma_start3A_945 = arith.constant 0 : i32
      %dma_start3A_946 = tpu.memref_slice %arg6[%dma_start3A_935, %dma_start3A_944, %dma_start3A_945] : memref<16x50x32xf32, #tpu.memory_space<vmem>> -> memref<1x50x32xf32, #tpu.memory_space<vmem>>
      %dma_start3A_947 = tpu.memref_squeeze %dma_start3A_946 : memref<1x50x32xf32, #tpu.memory_space<vmem>> -> memref<50x32xf32, #tpu.memory_space<vmem>>
      tpu.enqueue_dma source(%dma_start3A_947 : memref<50x32xf32, #tpu.memory_space<vmem>>) target(%dma_start3A_943 : memref<50x32xf32, #tpu.memory_space<hbm>>) target_semaphore(%arg10 : memref<!tpu.dma_semaphore, #tpu.memory_space<semaphore_mem>>)
      %mul3A_948 = arith.constant 16 : i32
      %mul3A_949 = arith.muli %mul3A_443, %mul3A_948 : i32
      %add3A_950 = arith.addi %mul3A_2, %mul3A_949 : i32
      %add3A_951 = arith.constant 1 : i32
      %add3A_952 = arith.addi %add3A_950, %add3A_951 : i32
      %mul3A_953 = arith.constant 56 : i32
      %mul3A_954 = arith.muli %add3A_952, %mul3A_953 : i32
      %dma_start3A_955 = arith.constant 1 : i32
      %dma_start3A_956 = arith.constant 0 : i32
      %dma_start3A_957 = arith.constant 0 : i32
      %dma_start3A_958 = tpu.memref_slice %arg6[%dma_start3A_955, %dma_start3A_956, %dma_start3A_957] : memref<16x50x32xf32, #tpu.memory_space<vmem>> -> memref<1x50x32xf32, #tpu.memory_space<vmem>>
      %dma_start3A_959 = tpu.memref_squeeze %dma_start3A_958 : memref<1x50x32xf32, #tpu.memory_space<vmem>> -> memref<50x32xf32, #tpu.memory_space<vmem>>
      %dma_start3A_960 = arith.constant 0 : i32
      %dma_start3A_961 = tpu.memref_slice %arg4[%mul3A_954, %dma_start3A_960] : memref<917504x128xf32, #tpu.memory_space<hbm>> -> memref<50x32xf32, #tpu.memory_space<hbm>>
      %dma_start3A_962 = arith.constant 0 : i32
      %dma_start3A_963 = tpu.memref_slice %arg4[%mul3A_954, %dma_start3A_962] : memref<917504x128xf32, #tpu.memory_space<hbm>> -> memref<50x32xf32, #tpu.memory_space<hbm>>
      %dma_start3A_964 = arith.constant 0 : i32
      %dma_start3A_965 = arith.constant 0 : i32
      %dma_start3A_966 = tpu.memref_slice %arg6[%dma_start3A_955, %dma_start3A_964, %dma_start3A_965] : memref<16x50x32xf32, #tpu.memory_space<vmem>> -> memref<1x50x32xf32, #tpu.memory_space<vmem>>
      %dma_start3A_967 = tpu.memref_squeeze %dma_start3A_966 : memref<1x50x32xf32, #tpu.memory_space<vmem>> -> memref<50x32xf32, #tpu.memory_space<vmem>>
      tpu.enqueue_dma source(%dma_start3A_967 : memref<50x32xf32, #tpu.memory_space<vmem>>) target(%dma_start3A_963 : memref<50x32xf32, #tpu.memory_space<hbm>>) target_semaphore(%arg10 : memref<!tpu.dma_semaphore, #tpu.memory_space<semaphore_mem>>)
      %mul3A_968 = arith.constant 16 : i32
      %mul3A_969 = arith.muli %mul3A_443, %mul3A_968 : i32
      %add3A_970 = arith.addi %mul3A_2, %mul3A_969 : i32
      %add3A_971 = arith.constant 2 : i32
      %add3A_972 = arith.addi %add3A_970, %add3A_971 : i32
      %mul3A_973 = arith.constant 56 : i32
      %mul3A_974 = arith.muli %add3A_972, %mul3A_973 : i32
      %dma_start3A_975 = arith.constant 2 : i32
      %dma_start3A_976 = arith.constant 0 : i32
      %dma_start3A_977 = arith.constant 0 : i32
      %dma_start3A_978 = tpu.memref_slice %arg6[%dma_start3A_975, %dma_start3A_976, %dma_start3A_977] : memref<16x50x32xf32, #tpu.memory_space<vmem>> -> memref<1x50x32xf32, #tpu.memory_space<vmem>>
      %dma_start3A_979 = tpu.memref_squeeze %dma_start3A_978 : memref<1x50x32xf32, #tpu.memory_space<vmem>> -> memref<50x32xf32, #tpu.memory_space<vmem>>
      %dma_start3A_980 = arith.constant 0 : i32
      %dma_start3A_981 = tpu.memref_slice %arg4[%mul3A_974, %dma_start3A_980] : memref<917504x128xf32, #tpu.memory_space<hbm>> -> memref<50x32xf32, #tpu.memory_space<hbm>>
      %dma_start3A_982 = arith.constant 0 : i32
      %dma_start3A_983 = tpu.memref_slice %arg4[%mul3A_974, %dma_start3A_982] : memref<917504x128xf32, #tpu.memory_space<hbm>> -> memref<50x32xf32, #tpu.memory_space<hbm>>
      %dma_start3A_984 = arith.constant 0 : i32
      %dma_start3A_985 = arith.constant 0 : i32
      %dma_start3A_986 = tpu.memref_slice %arg6[%dma_start3A_975, %dma_start3A_984, %dma_start3A_985] : memref<16x50x32xf32, #tpu.memory_space<vmem>> -> memref<1x50x32xf32, #tpu.memory_space<vmem>>
      %dma_start3A_987 = tpu.memref_squeeze %dma_start3A_986 : memref<1x50x32xf32, #tpu.memory_space<vmem>> -> memref<50x32xf32, #tpu.memory_space<vmem>>
      tpu.enqueue_dma source(%dma_start3A_987 : memref<50x32xf32, #tpu.memory_space<vmem>>) target(%dma_start3A_983 : memref<50x32xf32, #tpu.memory_space<hbm>>) target_semaphore(%arg10 : memref<!tpu.dma_semaphore, #tpu.memory_space<semaphore_mem>>)
      %mul3A_988 = arith.constant 16 : i32
      %mul3A_989 = arith.muli %mul3A_443, %mul3A_988 : i32
      %add3A_990 = arith.addi %mul3A_2, %mul3A_989 : i32
      %add3A_991 = arith.constant 3 : i32
      %add3A_992 = arith.addi %add3A_990, %add3A_991 : i32
      %mul3A_993 = arith.constant 56 : i32
      %mul3A_994 = arith.muli %add3A_992, %mul3A_993 : i32
      %dma_start3A_995 = arith.constant 3 : i32
      %dma_start3A_996 = arith.constant 0 : i32
      %dma_start3A_997 = arith.constant 0 : i32
      %dma_start3A_998 = tpu.memref_slice %arg6[%dma_start3A_995, %dma_start3A_996, %dma_start3A_997] : memref<16x50x32xf32, #tpu.memory_space<vmem>> -> memref<1x50x32xf32, #tpu.memory_space<vmem>>
      %dma_start3A_999 = tpu.memref_squeeze %dma_start3A_998 : memref<1x50x32xf32, #tpu.memory_space<vmem>> -> memref<50x32xf32, #tpu.memory_space<vmem>>
      %dma_start3A_1000 = arith.constant 0 : i32
      %dma_start3A_1001 = tpu.memref_slice %arg4[%mul3A_994, %dma_start3A_1000] : memref<917504x128xf32, #tpu.memory_space<hbm>> -> memref<50x32xf32, #tpu.memory_space<hbm>>
      %dma_start3A_1002 = arith.constant 0 : i32
      %dma_start3A_1003 = tpu.memref_slice %arg4[%mul3A_994, %dma_start3A_1002] : memref<917504x128xf32, #tpu.memory_space<hbm>> -> memref<50x32xf32, #tpu.memory_space<hbm>>
      %dma_start3A_1004 = arith.constant 0 : i32
      %dma_start3A_1005 = arith.constant 0 : i32
      %dma_start3A_1006 = tpu.memref_slice %arg6[%dma_start3A_995, %dma_start3A_1004, %dma_start3A_1005] : memref<16x50x32xf32, #tpu.memory_space<vmem>> -> memref<1x50x32xf32, #tpu.memory_space<vmem>>
      %dma_start3A_1007 = tpu.memref_squeeze %dma_start3A_1006 : memref<1x50x32xf32, #tpu.memory_space<vmem>> -> memref<50x32xf32, #tpu.memory_space<vmem>>
      tpu.enqueue_dma source(%dma_start3A_1007 : memref<50x32xf32, #tpu.memory_space<vmem>>) target(%dma_start3A_1003 : memref<50x32xf32, #tpu.memory_space<hbm>>) target_semaphore(%arg10 : memref<!tpu.dma_semaphore, #tpu.memory_space<semaphore_mem>>)
      %mul3A_1008 = arith.constant 16 : i32
      %mul3A_1009 = arith.muli %mul3A_443, %mul3A_1008 : i32
      %add3A_1010 = arith.addi %mul3A_2, %mul3A_1009 : i32
      %add3A_1011 = arith.constant 4 : i32
      %add3A_1012 = arith.addi %add3A_1010, %add3A_1011 : i32
      %mul3A_1013 = arith.constant 56 : i32
      %mul3A_1014 = arith.muli %add3A_1012, %mul3A_1013 : i32
      %dma_start3A_1015 = arith.constant 4 : i32
      %dma_start3A_1016 = arith.constant 0 : i32
      %dma_start3A_1017 = arith.constant 0 : i32
      %dma_start3A_1018 = tpu.memref_slice %arg6[%dma_start3A_1015, %dma_start3A_1016, %dma_start3A_1017] : memref<16x50x32xf32, #tpu.memory_space<vmem>> -> memref<1x50x32xf32, #tpu.memory_space<vmem>>
      %dma_start3A_1019 = tpu.memref_squeeze %dma_start3A_1018 : memref<1x50x32xf32, #tpu.memory_space<vmem>> -> memref<50x32xf32, #tpu.memory_space<vmem>>
      %dma_start3A_1020 = arith.constant 0 : i32
      %dma_start3A_1021 = tpu.memref_slice %arg4[%mul3A_1014, %dma_start3A_1020] : memref<917504x128xf32, #tpu.memory_space<hbm>> -> memref<50x32xf32, #tpu.memory_space<hbm>>
      %dma_start3A_1022 = arith.constant 0 : i32
      %dma_start3A_1023 = tpu.memref_slice %arg4[%mul3A_1014, %dma_start3A_1022] : memref<917504x128xf32, #tpu.memory_space<hbm>> -> memref<50x32xf32, #tpu.memory_space<hbm>>
      %dma_start3A_1024 = arith.constant 0 : i32
      %dma_start3A_1025 = arith.constant 0 : i32
      %dma_start3A_1026 = tpu.memref_slice %arg6[%dma_start3A_1015, %dma_start3A_1024, %dma_start3A_1025] : memref<16x50x32xf32, #tpu.memory_space<vmem>> -> memref<1x50x32xf32, #tpu.memory_space<vmem>>
      %dma_start3A_1027 = tpu.memref_squeeze %dma_start3A_1026 : memref<1x50x32xf32, #tpu.memory_space<vmem>> -> memref<50x32xf32, #tpu.memory_space<vmem>>
      tpu.enqueue_dma source(%dma_start3A_1027 : memref<50x32xf32, #tpu.memory_space<vmem>>) target(%dma_start3A_1023 : memref<50x32xf32, #tpu.memory_space<hbm>>) target_semaphore(%arg10 : memref<!tpu.dma_semaphore, #tpu.memory_space<semaphore_mem>>)
      %mul3A_1028 = arith.constant 16 : i32
      %mul3A_1029 = arith.muli %mul3A_443, %mul3A_1028 : i32
      %add3A_1030 = arith.addi %mul3A_2, %mul3A_1029 : i32
      %add3A_1031 = arith.constant 5 : i32
      %add3A_1032 = arith.addi %add3A_1030, %add3A_1031 : i32
      %mul3A_1033 = arith.constant 56 : i32
      %mul3A_1034 = arith.muli %add3A_1032, %mul3A_1033 : i32
      %dma_start3A_1035 = arith.constant 5 : i32
      %dma_start3A_1036 = arith.constant 0 : i32
      %dma_start3A_1037 = arith.constant 0 : i32
      %dma_start3A_1038 = tpu.memref_slice %arg6[%dma_start3A_1035, %dma_start3A_1036, %dma_start3A_1037] : memref<16x50x32xf32, #tpu.memory_space<vmem>> -> memref<1x50x32xf32, #tpu.memory_space<vmem>>
      %dma_start3A_1039 = tpu.memref_squeeze %dma_start3A_1038 : memref<1x50x32xf32, #tpu.memory_space<vmem>> -> memref<50x32xf32, #tpu.memory_space<vmem>>
      %dma_start3A_1040 = arith.constant 0 : i32
      %dma_start3A_1041 = tpu.memref_slice %arg4[%mul3A_1034, %dma_start3A_1040] : memref<917504x128xf32, #tpu.memory_space<hbm>> -> memref<50x32xf32, #tpu.memory_space<hbm>>
      %dma_start3A_1042 = arith.constant 0 : i32
      %dma_start3A_1043 = tpu.memref_slice %arg4[%mul3A_1034, %dma_start3A_1042] : memref<917504x128xf32, #tpu.memory_space<hbm>> -> memref<50x32xf32, #tpu.memory_space<hbm>>
      %dma_start3A_1044 = arith.constant 0 : i32
      %dma_start3A_1045 = arith.constant 0 : i32
      %dma_start3A_1046 = tpu.memref_slice %arg6[%dma_start3A_1035, %dma_start3A_1044, %dma_start3A_1045] : memref<16x50x32xf32, #tpu.memory_space<vmem>> -> memref<1x50x32xf32, #tpu.memory_space<vmem>>
      %dma_start3A_1047 = tpu.memref_squeeze %dma_start3A_1046 : memref<1x50x32xf32, #tpu.memory_space<vmem>> -> memref<50x32xf32, #tpu.memory_space<vmem>>
      tpu.enqueue_dma source(%dma_start3A_1047 : memref<50x32xf32, #tpu.memory_space<vmem>>) target(%dma_start3A_1043 : memref<50x32xf32, #tpu.memory_space<hbm>>) target_semaphore(%arg10 : memref<!tpu.dma_semaphore, #tpu.memory_space<semaphore_mem>>)
      %mul3A_1048 = arith.constant 16 : i32
      %mul3A_1049 = arith.muli %mul3A_443, %mul3A_1048 : i32
      %add3A_1050 = arith.addi %mul3A_2, %mul3A_1049 : i32
      %add3A_1051 = arith.constant 6 : i32
      %add3A_1052 = arith.addi %add3A_1050, %add3A_1051 : i32
      %mul3A_1053 = arith.constant 56 : i32
      %mul3A_1054 = arith.muli %add3A_1052, %mul3A_1053 : i32
      %dma_start3A_1055 = arith.constant 6 : i32
      %dma_start3A_1056 = arith.constant 0 : i32
      %dma_start3A_1057 = arith.constant 0 : i32
      %dma_start3A_1058 = tpu.memref_slice %arg6[%dma_start3A_1055, %dma_start3A_1056, %dma_start3A_1057] : memref<16x50x32xf32, #tpu.memory_space<vmem>> -> memref<1x50x32xf32, #tpu.memory_space<vmem>>
      %dma_start3A_1059 = tpu.memref_squeeze %dma_start3A_1058 : memref<1x50x32xf32, #tpu.memory_space<vmem>> -> memref<50x32xf32, #tpu.memory_space<vmem>>
      %dma_start3A_1060 = arith.constant 0 : i32
      %dma_start3A_1061 = tpu.memref_slice %arg4[%mul3A_1054, %dma_start3A_1060] : memref<917504x128xf32, #tpu.memory_space<hbm>> -> memref<50x32xf32, #tpu.memory_space<hbm>>
      %dma_start3A_1062 = arith.constant 0 : i32
      %dma_start3A_1063 = tpu.memref_slice %arg4[%mul3A_1054, %dma_start3A_1062] : memref<917504x128xf32, #tpu.memory_space<hbm>> -> memref<50x32xf32, #tpu.memory_space<hbm>>
      %dma_start3A_1064 = arith.constant 0 : i32
      %dma_start3A_1065 = arith.constant 0 : i32
      %dma_start3A_1066 = tpu.memref_slice %arg6[%dma_start3A_1055, %dma_start3A_1064, %dma_start3A_1065] : memref<16x50x32xf32, #tpu.memory_space<vmem>> -> memref<1x50x32xf32, #tpu.memory_space<vmem>>
      %dma_start3A_1067 = tpu.memref_squeeze %dma_start3A_1066 : memref<1x50x32xf32, #tpu.memory_space<vmem>> -> memref<50x32xf32, #tpu.memory_space<vmem>>
      tpu.enqueue_dma source(%dma_start3A_1067 : memref<50x32xf32, #tpu.memory_space<vmem>>) target(%dma_start3A_1063 : memref<50x32xf32, #tpu.memory_space<hbm>>) target_semaphore(%arg10 : memref<!tpu.dma_semaphore, #tpu.memory_space<semaphore_mem>>)
      %mul3A_1068 = arith.constant 16 : i32
      %mul3A_1069 = arith.muli %mul3A_443, %mul3A_1068 : i32
      %add3A_1070 = arith.addi %mul3A_2, %mul3A_1069 : i32
      %add3A_1071 = arith.constant 7 : i32
      %add3A_1072 = arith.addi %add3A_1070, %add3A_1071 : i32
      %mul3A_1073 = arith.constant 56 : i32
      %mul3A_1074 = arith.muli %add3A_1072, %mul3A_1073 : i32
      %dma_start3A_1075 = arith.constant 7 : i32
      %dma_start3A_1076 = arith.constant 0 : i32
      %dma_start3A_1077 = arith.constant 0 : i32
      %dma_start3A_1078 = tpu.memref_slice %arg6[%dma_start3A_1075, %dma_start3A_1076, %dma_start3A_1077] : memref<16x50x32xf32, #tpu.memory_space<vmem>> -> memref<1x50x32xf32, #tpu.memory_space<vmem>>
      %dma_start3A_1079 = tpu.memref_squeeze %dma_start3A_1078 : memref<1x50x32xf32, #tpu.memory_space<vmem>> -> memref<50x32xf32, #tpu.memory_space<vmem>>
      %dma_start3A_1080 = arith.constant 0 : i32
      %dma_start3A_1081 = tpu.memref_slice %arg4[%mul3A_1074, %dma_start3A_1080] : memref<917504x128xf32, #tpu.memory_space<hbm>> -> memref<50x32xf32, #tpu.memory_space<hbm>>
      %dma_start3A_1082 = arith.constant 0 : i32
      %dma_start3A_1083 = tpu.memref_slice %arg4[%mul3A_1074, %dma_start3A_1082] : memref<917504x128xf32, #tpu.memory_space<hbm>> -> memref<50x32xf32, #tpu.memory_space<hbm>>
      %dma_start3A_1084 = arith.constant 0 : i32
      %dma_start3A_1085 = arith.constant 0 : i32
      %dma_start3A_1086 = tpu.memref_slice %arg6[%dma_start3A_1075, %dma_start3A_1084, %dma_start3A_1085] : memref<16x50x32xf32, #tpu.memory_space<vmem>> -> memref<1x50x32xf32, #tpu.memory_space<vmem>>
      %dma_start3A_1087 = tpu.memref_squeeze %dma_start3A_1086 : memref<1x50x32xf32, #tpu.memory_space<vmem>> -> memref<50x32xf32, #tpu.memory_space<vmem>>
      tpu.enqueue_dma source(%dma_start3A_1087 : memref<50x32xf32, #tpu.memory_space<vmem>>) target(%dma_start3A_1083 : memref<50x32xf32, #tpu.memory_space<hbm>>) target_semaphore(%arg10 : memref<!tpu.dma_semaphore, #tpu.memory_space<semaphore_mem>>)
      %mul3A_1088 = arith.constant 16 : i32
      %mul3A_1089 = arith.muli %mul3A_443, %mul3A_1088 : i32
      %add3A_1090 = arith.addi %mul3A_2, %mul3A_1089 : i32
      %add3A_1091 = arith.constant 8 : i32
      %add3A_1092 = arith.addi %add3A_1090, %add3A_1091 : i32
      %mul3A_1093 = arith.constant 56 : i32
      %mul3A_1094 = arith.muli %add3A_1092, %mul3A_1093 : i32
      %dma_start3A_1095 = arith.constant 8 : i32
      %dma_start3A_1096 = arith.constant 0 : i32
      %dma_start3A_1097 = arith.constant 0 : i32
      %dma_start3A_1098 = tpu.memref_slice %arg6[%dma_start3A_1095, %dma_start3A_1096, %dma_start3A_1097] : memref<16x50x32xf32, #tpu.memory_space<vmem>> -> memref<1x50x32xf32, #tpu.memory_space<vmem>>
      %dma_start3A_1099 = tpu.memref_squeeze %dma_start3A_1098 : memref<1x50x32xf32, #tpu.memory_space<vmem>> -> memref<50x32xf32, #tpu.memory_space<vmem>>
      %dma_start3A_1100 = arith.constant 0 : i32
      %dma_start3A_1101 = tpu.memref_slice %arg4[%mul3A_1094, %dma_start3A_1100] : memref<917504x128xf32, #tpu.memory_space<hbm>> -> memref<50x32xf32, #tpu.memory_space<hbm>>
      %dma_start3A_1102 = arith.constant 0 : i32
      %dma_start3A_1103 = tpu.memref_slice %arg4[%mul3A_1094, %dma_start3A_1102] : memref<917504x128xf32, #tpu.memory_space<hbm>> -> memref<50x32xf32, #tpu.memory_space<hbm>>
      %dma_start3A_1104 = arith.constant 0 : i32
      %dma_start3A_1105 = arith.constant 0 : i32
      %dma_start3A_1106 = tpu.memref_slice %arg6[%dma_start3A_1095, %dma_start3A_1104, %dma_start3A_1105] : memref<16x50x32xf32, #tpu.memory_space<vmem>> -> memref<1x50x32xf32, #tpu.memory_space<vmem>>
      %dma_start3A_1107 = tpu.memref_squeeze %dma_start3A_1106 : memref<1x50x32xf32, #tpu.memory_space<vmem>> -> memref<50x32xf32, #tpu.memory_space<vmem>>
      tpu.enqueue_dma source(%dma_start3A_1107 : memref<50x32xf32, #tpu.memory_space<vmem>>) target(%dma_start3A_1103 : memref<50x32xf32, #tpu.memory_space<hbm>>) target_semaphore(%arg10 : memref<!tpu.dma_semaphore, #tpu.memory_space<semaphore_mem>>)
      %mul3A_1108 = arith.constant 16 : i32
      %mul3A_1109 = arith.muli %mul3A_443, %mul3A_1108 : i32
      %add3A_1110 = arith.addi %mul3A_2, %mul3A_1109 : i32
      %add3A_1111 = arith.constant 9 : i32
      %add3A_1112 = arith.addi %add3A_1110, %add3A_1111 : i32
      %mul3A_1113 = arith.constant 56 : i32
      %mul3A_1114 = arith.muli %add3A_1112, %mul3A_1113 : i32
      %dma_start3A_1115 = arith.constant 9 : i32
      %dma_start3A_1116 = arith.constant 0 : i32
      %dma_start3A_1117 = arith.constant 0 : i32
      %dma_start3A_1118 = tpu.memref_slice %arg6[%dma_start3A_1115, %dma_start3A_1116, %dma_start3A_1117] : memref<16x50x32xf32, #tpu.memory_space<vmem>> -> memref<1x50x32xf32, #tpu.memory_space<vmem>>
      %dma_start3A_1119 = tpu.memref_squeeze %dma_start3A_1118 : memref<1x50x32xf32, #tpu.memory_space<vmem>> -> memref<50x32xf32, #tpu.memory_space<vmem>>
      %dma_start3A_1120 = arith.constant 0 : i32
      %dma_start3A_1121 = tpu.memref_slice %arg4[%mul3A_1114, %dma_start3A_1120] : memref<917504x128xf32, #tpu.memory_space<hbm>> -> memref<50x32xf32, #tpu.memory_space<hbm>>
      %dma_start3A_1122 = arith.constant 0 : i32
      %dma_start3A_1123 = tpu.memref_slice %arg4[%mul3A_1114, %dma_start3A_1122] : memref<917504x128xf32, #tpu.memory_space<hbm>> -> memref<50x32xf32, #tpu.memory_space<hbm>>
      %dma_start3A_1124 = arith.constant 0 : i32
      %dma_start3A_1125 = arith.constant 0 : i32
      %dma_start3A_1126 = tpu.memref_slice %arg6[%dma_start3A_1115, %dma_start3A_1124, %dma_start3A_1125] : memref<16x50x32xf32, #tpu.memory_space<vmem>> -> memref<1x50x32xf32, #tpu.memory_space<vmem>>
      %dma_start3A_1127 = tpu.memref_squeeze %dma_start3A_1126 : memref<1x50x32xf32, #tpu.memory_space<vmem>> -> memref<50x32xf32, #tpu.memory_space<vmem>>
      tpu.enqueue_dma source(%dma_start3A_1127 : memref<50x32xf32, #tpu.memory_space<vmem>>) target(%dma_start3A_1123 : memref<50x32xf32, #tpu.memory_space<hbm>>) target_semaphore(%arg10 : memref<!tpu.dma_semaphore, #tpu.memory_space<semaphore_mem>>)
      %mul3A_1128 = arith.constant 16 : i32
      %mul3A_1129 = arith.muli %mul3A_443, %mul3A_1128 : i32
      %add3A_1130 = arith.addi %mul3A_2, %mul3A_1129 : i32
      %add3A_1131 = arith.constant 10 : i32
      %add3A_1132 = arith.addi %add3A_1130, %add3A_1131 : i32
      %mul3A_1133 = arith.constant 56 : i32
      %mul3A_1134 = arith.muli %add3A_1132, %mul3A_1133 : i32
      %dma_start3A_1135 = arith.constant 10 : i32
      %dma_start3A_1136 = arith.constant 0 : i32
      %dma_start3A_1137 = arith.constant 0 : i32
      %dma_start3A_1138 = tpu.memref_slice %arg6[%dma_start3A_1135, %dma_start3A_1136, %dma_start3A_1137] : memref<16x50x32xf32, #tpu.memory_space<vmem>> -> memref<1x50x32xf32, #tpu.memory_space<vmem>>
      %dma_start3A_1139 = tpu.memref_squeeze %dma_start3A_1138 : memref<1x50x32xf32, #tpu.memory_space<vmem>> -> memref<50x32xf32, #tpu.memory_space<vmem>>
      %dma_start3A_1140 = arith.constant 0 : i32
      %dma_start3A_1141 = tpu.memref_slice %arg4[%mul3A_1134, %dma_start3A_1140] : memref<917504x128xf32, #tpu.memory_space<hbm>> -> memref<50x32xf32, #tpu.memory_space<hbm>>
      %dma_start3A_1142 = arith.constant 0 : i32
      %dma_start3A_1143 = tpu.memref_slice %arg4[%mul3A_1134, %dma_start3A_1142] : memref<917504x128xf32, #tpu.memory_space<hbm>> -> memref<50x32xf32, #tpu.memory_space<hbm>>
      %dma_start3A_1144 = arith.constant 0 : i32
      %dma_start3A_1145 = arith.constant 0 : i32
      %dma_start3A_1146 = tpu.memref_slice %arg6[%dma_start3A_1135, %dma_start3A_1144, %dma_start3A_1145] : memref<16x50x32xf32, #tpu.memory_space<vmem>> -> memref<1x50x32xf32, #tpu.memory_space<vmem>>
      %dma_start3A_1147 = tpu.memref_squeeze %dma_start3A_1146 : memref<1x50x32xf32, #tpu.memory_space<vmem>> -> memref<50x32xf32, #tpu.memory_space<vmem>>
      tpu.enqueue_dma source(%dma_start3A_1147 : memref<50x32xf32, #tpu.memory_space<vmem>>) target(%dma_start3A_1143 : memref<50x32xf32, #tpu.memory_space<hbm>>) target_semaphore(%arg10 : memref<!tpu.dma_semaphore, #tpu.memory_space<semaphore_mem>>)
      %mul3A_1148 = arith.constant 16 : i32
      %mul3A_1149 = arith.muli %mul3A_443, %mul3A_1148 : i32
      %add3A_1150 = arith.addi %mul3A_2, %mul3A_1149 : i32
      %add3A_1151 = arith.constant 11 : i32
      %add3A_1152 = arith.addi %add3A_1150, %add3A_1151 : i32
      %mul3A_1153 = arith.constant 56 : i32
      %mul3A_1154 = arith.muli %add3A_1152, %mul3A_1153 : i32
      %dma_start3A_1155 = arith.constant 11 : i32
      %dma_start3A_1156 = arith.constant 0 : i32
      %dma_start3A_1157 = arith.constant 0 : i32
      %dma_start3A_1158 = tpu.memref_slice %arg6[%dma_start3A_1155, %dma_start3A_1156, %dma_start3A_1157] : memref<16x50x32xf32, #tpu.memory_space<vmem>> -> memref<1x50x32xf32, #tpu.memory_space<vmem>>
      %dma_start3A_1159 = tpu.memref_squeeze %dma_start3A_1158 : memref<1x50x32xf32, #tpu.memory_space<vmem>> -> memref<50x32xf32, #tpu.memory_space<vmem>>
      %dma_start3A_1160 = arith.constant 0 : i32
      %dma_start3A_1161 = tpu.memref_slice %arg4[%mul3A_1154, %dma_start3A_1160] : memref<917504x128xf32, #tpu.memory_space<hbm>> -> memref<50x32xf32, #tpu.memory_space<hbm>>
      %dma_start3A_1162 = arith.constant 0 : i32
      %dma_start3A_1163 = tpu.memref_slice %arg4[%mul3A_1154, %dma_start3A_1162] : memref<917504x128xf32, #tpu.memory_space<hbm>> -> memref<50x32xf32, #tpu.memory_space<hbm>>
      %dma_start3A_1164 = arith.constant 0 : i32
      %dma_start3A_1165 = arith.constant 0 : i32
      %dma_start3A_1166 = tpu.memref_slice %arg6[%dma_start3A_1155, %dma_start3A_1164, %dma_start3A_1165] : memref<16x50x32xf32, #tpu.memory_space<vmem>> -> memref<1x50x32xf32, #tpu.memory_space<vmem>>
      %dma_start3A_1167 = tpu.memref_squeeze %dma_start3A_1166 : memref<1x50x32xf32, #tpu.memory_space<vmem>> -> memref<50x32xf32, #tpu.memory_space<vmem>>
      tpu.enqueue_dma source(%dma_start3A_1167 : memref<50x32xf32, #tpu.memory_space<vmem>>) target(%dma_start3A_1163 : memref<50x32xf32, #tpu.memory_space<hbm>>) target_semaphore(%arg10 : memref<!tpu.dma_semaphore, #tpu.memory_space<semaphore_mem>>)
      %mul3A_1168 = arith.constant 16 : i32
      %mul3A_1169 = arith.muli %mul3A_443, %mul3A_1168 : i32
      %add3A_1170 = arith.addi %mul3A_2, %mul3A_1169 : i32
      %add3A_1171 = arith.constant 12 : i32
      %add3A_1172 = arith.addi %add3A_1170, %add3A_1171 : i32
      %mul3A_1173 = arith.constant 56 : i32
      %mul3A_1174 = arith.muli %add3A_1172, %mul3A_1173 : i32
      %dma_start3A_1175 = arith.constant 12 : i32
      %dma_start3A_1176 = arith.constant 0 : i32
      %dma_start3A_1177 = arith.constant 0 : i32
      %dma_start3A_1178 = tpu.memref_slice %arg6[%dma_start3A_1175, %dma_start3A_1176, %dma_start3A_1177] : memref<16x50x32xf32, #tpu.memory_space<vmem>> -> memref<1x50x32xf32, #tpu.memory_space<vmem>>
      %dma_start3A_1179 = tpu.memref_squeeze %dma_start3A_1178 : memref<1x50x32xf32, #tpu.memory_space<vmem>> -> memref<50x32xf32, #tpu.memory_space<vmem>>
      %dma_start3A_1180 = arith.constant 0 : i32
      %dma_start3A_1181 = tpu.memref_slice %arg4[%mul3A_1174, %dma_start3A_1180] : memref<917504x128xf32, #tpu.memory_space<hbm>> -> memref<50x32xf32, #tpu.memory_space<hbm>>
      %dma_start3A_1182 = arith.constant 0 : i32
      %dma_start3A_1183 = tpu.memref_slice %arg4[%mul3A_1174, %dma_start3A_1182] : memref<917504x128xf32, #tpu.memory_space<hbm>> -> memref<50x32xf32, #tpu.memory_space<hbm>>
      %dma_start3A_1184 = arith.constant 0 : i32
      %dma_start3A_1185 = arith.constant 0 : i32
      %dma_start3A_1186 = tpu.memref_slice %arg6[%dma_start3A_1175, %dma_start3A_1184, %dma_start3A_1185] : memref<16x50x32xf32, #tpu.memory_space<vmem>> -> memref<1x50x32xf32, #tpu.memory_space<vmem>>
      %dma_start3A_1187 = tpu.memref_squeeze %dma_start3A_1186 : memref<1x50x32xf32, #tpu.memory_space<vmem>> -> memref<50x32xf32, #tpu.memory_space<vmem>>
      tpu.enqueue_dma source(%dma_start3A_1187 : memref<50x32xf32, #tpu.memory_space<vmem>>) target(%dma_start3A_1183 : memref<50x32xf32, #tpu.memory_space<hbm>>) target_semaphore(%arg10 : memref<!tpu.dma_semaphore, #tpu.memory_space<semaphore_mem>>)
      %mul3A_1188 = arith.constant 16 : i32
      %mul3A_1189 = arith.muli %mul3A_443, %mul3A_1188 : i32
      %add3A_1190 = arith.addi %mul3A_2, %mul3A_1189 : i32
      %add3A_1191 = arith.constant 13 : i32
      %add3A_1192 = arith.addi %add3A_1190, %add3A_1191 : i32
      %mul3A_1193 = arith.constant 56 : i32
      %mul3A_1194 = arith.muli %add3A_1192, %mul3A_1193 : i32
      %dma_start3A_1195 = arith.constant 13 : i32
      %dma_start3A_1196 = arith.constant 0 : i32
      %dma_start3A_1197 = arith.constant 0 : i32
      %dma_start3A_1198 = tpu.memref_slice %arg6[%dma_start3A_1195, %dma_start3A_1196, %dma_start3A_1197] : memref<16x50x32xf32, #tpu.memory_space<vmem>> -> memref<1x50x32xf32, #tpu.memory_space<vmem>>
      %dma_start3A_1199 = tpu.memref_squeeze %dma_start3A_1198 : memref<1x50x32xf32, #tpu.memory_space<vmem>> -> memref<50x32xf32, #tpu.memory_space<vmem>>
      %dma_start3A_1200 = arith.constant 0 : i32
      %dma_start3A_1201 = tpu.memref_slice %arg4[%mul3A_1194, %dma_start3A_1200] : memref<917504x128xf32, #tpu.memory_space<hbm>> -> memref<50x32xf32, #tpu.memory_space<hbm>>
      %dma_start3A_1202 = arith.constant 0 : i32
      %dma_start3A_1203 = tpu.memref_slice %arg4[%mul3A_1194, %dma_start3A_1202] : memref<917504x128xf32, #tpu.memory_space<hbm>> -> memref<50x32xf32, #tpu.memory_space<hbm>>
      %dma_start3A_1204 = arith.constant 0 : i32
      %dma_start3A_1205 = arith.constant 0 : i32
      %dma_start3A_1206 = tpu.memref_slice %arg6[%dma_start3A_1195, %dma_start3A_1204, %dma_start3A_1205] : memref<16x50x32xf32, #tpu.memory_space<vmem>> -> memref<1x50x32xf32, #tpu.memory_space<vmem>>
      %dma_start3A_1207 = tpu.memref_squeeze %dma_start3A_1206 : memref<1x50x32xf32, #tpu.memory_space<vmem>> -> memref<50x32xf32, #tpu.memory_space<vmem>>
      tpu.enqueue_dma source(%dma_start3A_1207 : memref<50x32xf32, #tpu.memory_space<vmem>>) target(%dma_start3A_1203 : memref<50x32xf32, #tpu.memory_space<hbm>>) target_semaphore(%arg10 : memref<!tpu.dma_semaphore, #tpu.memory_space<semaphore_mem>>)
      %mul3A_1208 = arith.constant 16 : i32
      %mul3A_1209 = arith.muli %mul3A_443, %mul3A_1208 : i32
      %add3A_1210 = arith.addi %mul3A_2, %mul3A_1209 : i32
      %add3A_1211 = arith.constant 14 : i32
      %add3A_1212 = arith.addi %add3A_1210, %add3A_1211 : i32
      %mul3A_1213 = arith.constant 56 : i32
      %mul3A_1214 = arith.muli %add3A_1212, %mul3A_1213 : i32
      %dma_start3A_1215 = arith.constant 14 : i32
      %dma_start3A_1216 = arith.constant 0 : i32
      %dma_start3A_1217 = arith.constant 0 : i32
      %dma_start3A_1218 = tpu.memref_slice %arg6[%dma_start3A_1215, %dma_start3A_1216, %dma_start3A_1217] : memref<16x50x32xf32, #tpu.memory_space<vmem>> -> memref<1x50x32xf32, #tpu.memory_space<vmem>>
      %dma_start3A_1219 = tpu.memref_squeeze %dma_start3A_1218 : memref<1x50x32xf32, #tpu.memory_space<vmem>> -> memref<50x32xf32, #tpu.memory_space<vmem>>
      %dma_start3A_1220 = arith.constant 0 : i32
      %dma_start3A_1221 = tpu.memref_slice %arg4[%mul3A_1214, %dma_start3A_1220] : memref<917504x128xf32, #tpu.memory_space<hbm>> -> memref<50x32xf32, #tpu.memory_space<hbm>>
      %dma_start3A_1222 = arith.constant 0 : i32
      %dma_start3A_1223 = tpu.memref_slice %arg4[%mul3A_1214, %dma_start3A_1222] : memref<917504x128xf32, #tpu.memory_space<hbm>> -> memref<50x32xf32, #tpu.memory_space<hbm>>
      %dma_start3A_1224 = arith.constant 0 : i32
      %dma_start3A_1225 = arith.constant 0 : i32
      %dma_start3A_1226 = tpu.memref_slice %arg6[%dma_start3A_1215, %dma_start3A_1224, %dma_start3A_1225] : memref<16x50x32xf32, #tpu.memory_space<vmem>> -> memref<1x50x32xf32, #tpu.memory_space<vmem>>
      %dma_start3A_1227 = tpu.memref_squeeze %dma_start3A_1226 : memref<1x50x32xf32, #tpu.memory_space<vmem>> -> memref<50x32xf32, #tpu.memory_space<vmem>>
      tpu.enqueue_dma source(%dma_start3A_1227 : memref<50x32xf32, #tpu.memory_space<vmem>>) target(%dma_start3A_1223 : memref<50x32xf32, #tpu.memory_space<hbm>>) target_semaphore(%arg10 : memref<!tpu.dma_semaphore, #tpu.memory_space<semaphore_mem>>)
      %mul3A_1228 = arith.constant 16 : i32
      %mul3A_1229 = arith.muli %mul3A_443, %mul3A_1228 : i32
      %add3A_1230 = arith.addi %mul3A_2, %mul3A_1229 : i32
      %add3A_1231 = arith.constant 15 : i32
      %add3A_1232 = arith.addi %add3A_1230, %add3A_1231 : i32
      %mul3A_1233 = arith.constant 56 : i32
      %mul3A_1234 = arith.muli %add3A_1232, %mul3A_1233 : i32
      %dma_start3A_1235 = arith.constant 15 : i32
      %dma_start3A_1236 = arith.constant 0 : i32
      %dma_start3A_1237 = arith.constant 0 : i32
      %dma_start3A_1238 = tpu.memref_slice %arg6[%dma_start3A_1235, %dma_start3A_1236, %dma_start3A_1237] : memref<16x50x32xf32, #tpu.memory_space<vmem>> -> memref<1x50x32xf32, #tpu.memory_space<vmem>>
      %dma_start3A_1239 = tpu.memref_squeeze %dma_start3A_1238 : memref<1x50x32xf32, #tpu.memory_space<vmem>> -> memref<50x32xf32, #tpu.memory_space<vmem>>
      %dma_start3A_1240 = arith.constant 0 : i32
      %dma_start3A_1241 = tpu.memref_slice %arg4[%mul3A_1234, %dma_start3A_1240] : memref<917504x128xf32, #tpu.memory_space<hbm>> -> memref<50x32xf32, #tpu.memory_space<hbm>>
      %dma_start3A_1242 = arith.constant 0 : i32
      %dma_start3A_1243 = tpu.memref_slice %arg4[%mul3A_1234, %dma_start3A_1242] : memref<917504x128xf32, #tpu.memory_space<hbm>> -> memref<50x32xf32, #tpu.memory_space<hbm>>
      %dma_start3A_1244 = arith.constant 0 : i32
      %dma_start3A_1245 = arith.constant 0 : i32
      %dma_start3A_1246 = tpu.memref_slice %arg6[%dma_start3A_1235, %dma_start3A_1244, %dma_start3A_1245] : memref<16x50x32xf32, #tpu.memory_space<vmem>> -> memref<1x50x32xf32, #tpu.memory_space<vmem>>
      %dma_start3A_1247 = tpu.memref_squeeze %dma_start3A_1246 : memref<1x50x32xf32, #tpu.memory_space<vmem>> -> memref<50x32xf32, #tpu.memory_space<vmem>>
      tpu.enqueue_dma source(%dma_start3A_1247 : memref<50x32xf32, #tpu.memory_space<vmem>>) target(%dma_start3A_1243 : memref<50x32xf32, #tpu.memory_space<hbm>>) target_semaphore(%arg10 : memref<!tpu.dma_semaphore, #tpu.memory_space<semaphore_mem>>)
      %dma_wait3A_1248 = arith.constant 0 : i32
      %dma_wait3A_1249 = arith.constant 0 : i32
      %dma_wait3A_1250 = arith.constant 0 : i32
      %dma_wait3A_1251 = tpu.memref_slice %arg7[%dma_wait3A_1248, %dma_wait3A_1249, %dma_wait3A_1250] : memref<16x50x32xf32, #tpu.memory_space<vmem>> -> memref<1x50x32xf32, #tpu.memory_space<vmem>>
      %dma_wait3A_1252 = tpu.memref_squeeze %dma_wait3A_1251 : memref<1x50x32xf32, #tpu.memory_space<vmem>> -> memref<50x32xf32, #tpu.memory_space<vmem>>
      %dma_wait3A_1253 = arith.constant 0 : i32
      %dma_wait3A_1254 = arith.constant 0 : i32
      %dma_wait3A_1255 = tpu.memref_slice %arg2[%dma_wait3A_1253, %dma_wait3A_1254] : memref<1000000x32xf32, #tpu.memory_space<hbm>> -> memref<50x32xf32, #tpu.memory_space<hbm>>
      %dma_wait3A_1256 = arith.constant 0 : i32
      %dma_wait3A_1257 = arith.constant 0 : i32
      %dma_wait3A_1258 = tpu.memref_slice %arg7[%dma_wait3A_1248, %dma_wait3A_1256, %dma_wait3A_1257] : memref<16x50x32xf32, #tpu.memory_space<vmem>> -> memref<1x50x32xf32, #tpu.memory_space<vmem>>
      %dma_wait3A_1259 = tpu.memref_squeeze %dma_wait3A_1258 : memref<1x50x32xf32, #tpu.memory_space<vmem>> -> memref<50x32xf32, #tpu.memory_space<vmem>>
      %dma_wait3A_1260 = arith.constant 0 : i32
      %dma_wait3A_1261 = arith.constant 0 : i32
      %dma_wait3A_1262 = tpu.memref_slice %arg2[%dma_wait3A_1260, %dma_wait3A_1261] : memref<1000000x32xf32, #tpu.memory_space<hbm>> -> memref<50x32xf32, #tpu.memory_space<hbm>>
      tpu.wait_dma2 semaphore(%arg9 : memref<!tpu.dma_semaphore, #tpu.memory_space<semaphore_mem>>) src(%dma_wait3A_1262 : memref<50x32xf32, #tpu.memory_space<hbm>>) dst(%dma_wait3A_1259 : memref<50x32xf32, #tpu.memory_space<vmem>>)
      %dma_wait3A_1263 = arith.constant 1 : i32
      %dma_wait3A_1264 = arith.constant 0 : i32
      %dma_wait3A_1265 = arith.constant 0 : i32
      %dma_wait3A_1266 = tpu.memref_slice %arg7[%dma_wait3A_1263, %dma_wait3A_1264, %dma_wait3A_1265] : memref<16x50x32xf32, #tpu.memory_space<vmem>> -> memref<1x50x32xf32, #tpu.memory_space<vmem>>
      %dma_wait3A_1267 = tpu.memref_squeeze %dma_wait3A_1266 : memref<1x50x32xf32, #tpu.memory_space<vmem>> -> memref<50x32xf32, #tpu.memory_space<vmem>>
      %dma_wait3A_1268 = arith.constant 0 : i32
      %dma_wait3A_1269 = arith.constant 0 : i32
      %dma_wait3A_1270 = tpu.memref_slice %arg2[%dma_wait3A_1268, %dma_wait3A_1269] : memref<1000000x32xf32, #tpu.memory_space<hbm>> -> memref<50x32xf32, #tpu.memory_space<hbm>>
      %dma_wait3A_1271 = arith.constant 0 : i32
      %dma_wait3A_1272 = arith.constant 0 : i32
      %dma_wait3A_1273 = tpu.memref_slice %arg7[%dma_wait3A_1263, %dma_wait3A_1271, %dma_wait3A_1272] : memref<16x50x32xf32, #tpu.memory_space<vmem>> -> memref<1x50x32xf32, #tpu.memory_space<vmem>>
      %dma_wait3A_1274 = tpu.memref_squeeze %dma_wait3A_1273 : memref<1x50x32xf32, #tpu.memory_space<vmem>> -> memref<50x32xf32, #tpu.memory_space<vmem>>
      %dma_wait3A_1275 = arith.constant 0 : i32
      %dma_wait3A_1276 = arith.constant 0 : i32
      %dma_wait3A_1277 = tpu.memref_slice %arg2[%dma_wait3A_1275, %dma_wait3A_1276] : memref<1000000x32xf32, #tpu.memory_space<hbm>> -> memref<50x32xf32, #tpu.memory_space<hbm>>
      tpu.wait_dma2 semaphore(%arg9 : memref<!tpu.dma_semaphore, #tpu.memory_space<semaphore_mem>>) src(%dma_wait3A_1277 : memref<50x32xf32, #tpu.memory_space<hbm>>) dst(%dma_wait3A_1274 : memref<50x32xf32, #tpu.memory_space<vmem>>)
      %dma_wait3A_1278 = arith.constant 2 : i32
      %dma_wait3A_1279 = arith.constant 0 : i32
      %dma_wait3A_1280 = arith.constant 0 : i32
      %dma_wait3A_1281 = tpu.memref_slice %arg7[%dma_wait3A_1278, %dma_wait3A_1279, %dma_wait3A_1280] : memref<16x50x32xf32, #tpu.memory_space<vmem>> -> memref<1x50x32xf32, #tpu.memory_space<vmem>>
      %dma_wait3A_1282 = tpu.memref_squeeze %dma_wait3A_1281 : memref<1x50x32xf32, #tpu.memory_space<vmem>> -> memref<50x32xf32, #tpu.memory_space<vmem>>
      %dma_wait3A_1283 = arith.constant 0 : i32
      %dma_wait3A_1284 = arith.constant 0 : i32
      %dma_wait3A_1285 = tpu.memref_slice %arg2[%dma_wait3A_1283, %dma_wait3A_1284] : memref<1000000x32xf32, #tpu.memory_space<hbm>> -> memref<50x32xf32, #tpu.memory_space<hbm>>
      %dma_wait3A_1286 = arith.constant 0 : i32
      %dma_wait3A_1287 = arith.constant 0 : i32
      %dma_wait3A_1288 = tpu.memref_slice %arg7[%dma_wait3A_1278, %dma_wait3A_1286, %dma_wait3A_1287] : memref<16x50x32xf32, #tpu.memory_space<vmem>> -> memref<1x50x32xf32, #tpu.memory_space<vmem>>
      %dma_wait3A_1289 = tpu.memref_squeeze %dma_wait3A_1288 : memref<1x50x32xf32, #tpu.memory_space<vmem>> -> memref<50x32xf32, #tpu.memory_space<vmem>>
      %dma_wait3A_1290 = arith.constant 0 : i32
      %dma_wait3A_1291 = arith.constant 0 : i32
      %dma_wait3A_1292 = tpu.memref_slice %arg2[%dma_wait3A_1290, %dma_wait3A_1291] : memref<1000000x32xf32, #tpu.memory_space<hbm>> -> memref<50x32xf32, #tpu.memory_space<hbm>>
      tpu.wait_dma2 semaphore(%arg9 : memref<!tpu.dma_semaphore, #tpu.memory_space<semaphore_mem>>) src(%dma_wait3A_1292 : memref<50x32xf32, #tpu.memory_space<hbm>>) dst(%dma_wait3A_1289 : memref<50x32xf32, #tpu.memory_space<vmem>>)
      %dma_wait3A_1293 = arith.constant 3 : i32
      %dma_wait3A_1294 = arith.constant 0 : i32
      %dma_wait3A_1295 = arith.constant 0 : i32
      %dma_wait3A_1296 = tpu.memref_slice %arg7[%dma_wait3A_1293, %dma_wait3A_1294, %dma_wait3A_1295] : memref<16x50x32xf32, #tpu.memory_space<vmem>> -> memref<1x50x32xf32, #tpu.memory_space<vmem>>
      %dma_wait3A_1297 = tpu.memref_squeeze %dma_wait3A_1296 : memref<1x50x32xf32, #tpu.memory_space<vmem>> -> memref<50x32xf32, #tpu.memory_space<vmem>>
      %dma_wait3A_1298 = arith.constant 0 : i32
      %dma_wait3A_1299 = arith.constant 0 : i32
      %dma_wait3A_1300 = tpu.memref_slice %arg2[%dma_wait3A_1298, %dma_wait3A_1299] : memref<1000000x32xf32, #tpu.memory_space<hbm>> -> memref<50x32xf32, #tpu.memory_space<hbm>>
      %dma_wait3A_1301 = arith.constant 0 : i32
      %dma_wait3A_1302 = arith.constant 0 : i32
      %dma_wait3A_1303 = tpu.memref_slice %arg7[%dma_wait3A_1293, %dma_wait3A_1301, %dma_wait3A_1302] : memref<16x50x32xf32, #tpu.memory_space<vmem>> -> memref<1x50x32xf32, #tpu.memory_space<vmem>>
      %dma_wait3A_1304 = tpu.memref_squeeze %dma_wait3A_1303 : memref<1x50x32xf32, #tpu.memory_space<vmem>> -> memref<50x32xf32, #tpu.memory_space<vmem>>
      %dma_wait3A_1305 = arith.constant 0 : i32
      %dma_wait3A_1306 = arith.constant 0 : i32
      %dma_wait3A_1307 = tpu.memref_slice %arg2[%dma_wait3A_1305, %dma_wait3A_1306] : memref<1000000x32xf32, #tpu.memory_space<hbm>> -> memref<50x32xf32, #tpu.memory_space<hbm>>
      tpu.wait_dma2 semaphore(%arg9 : memref<!tpu.dma_semaphore, #tpu.memory_space<semaphore_mem>>) src(%dma_wait3A_1307 : memref<50x32xf32, #tpu.memory_space<hbm>>) dst(%dma_wait3A_1304 : memref<50x32xf32, #tpu.memory_space<vmem>>)
      %dma_wait3A_1308 = arith.constant 4 : i32
      %dma_wait3A_1309 = arith.constant 0 : i32
      %dma_wait3A_1310 = arith.constant 0 : i32
      %dma_wait3A_1311 = tpu.memref_slice %arg7[%dma_wait3A_1308, %dma_wait3A_1309, %dma_wait3A_1310] : memref<16x50x32xf32, #tpu.memory_space<vmem>> -> memref<1x50x32xf32, #tpu.memory_space<vmem>>
      %dma_wait3A_1312 = tpu.memref_squeeze %dma_wait3A_1311 : memref<1x50x32xf32, #tpu.memory_space<vmem>> -> memref<50x32xf32, #tpu.memory_space<vmem>>
      %dma_wait3A_1313 = arith.constant 0 : i32
      %dma_wait3A_1314 = arith.constant 0 : i32
      %dma_wait3A_1315 = tpu.memref_slice %arg2[%dma_wait3A_1313, %dma_wait3A_1314] : memref<1000000x32xf32, #tpu.memory_space<hbm>> -> memref<50x32xf32, #tpu.memory_space<hbm>>
      %dma_wait3A_1316 = arith.constant 0 : i32
      %dma_wait3A_1317 = arith.constant 0 : i32
      %dma_wait3A_1318 = tpu.memref_slice %arg7[%dma_wait3A_1308, %dma_wait3A_1316, %dma_wait3A_1317] : memref<16x50x32xf32, #tpu.memory_space<vmem>> -> memref<1x50x32xf32, #tpu.memory_space<vmem>>
      %dma_wait3A_1319 = tpu.memref_squeeze %dma_wait3A_1318 : memref<1x50x32xf32, #tpu.memory_space<vmem>> -> memref<50x32xf32, #tpu.memory_space<vmem>>
      %dma_wait3A_1320 = arith.constant 0 : i32
      %dma_wait3A_1321 = arith.constant 0 : i32
      %dma_wait3A_1322 = tpu.memref_slice %arg2[%dma_wait3A_1320, %dma_wait3A_1321] : memref<1000000x32xf32, #tpu.memory_space<hbm>> -> memref<50x32xf32, #tpu.memory_space<hbm>>
      tpu.wait_dma2 semaphore(%arg9 : memref<!tpu.dma_semaphore, #tpu.memory_space<semaphore_mem>>) src(%dma_wait3A_1322 : memref<50x32xf32, #tpu.memory_space<hbm>>) dst(%dma_wait3A_1319 : memref<50x32xf32, #tpu.memory_space<vmem>>)
      %dma_wait3A_1323 = arith.constant 5 : i32
      %dma_wait3A_1324 = arith.constant 0 : i32
      %dma_wait3A_1325 = arith.constant 0 : i32
      %dma_wait3A_1326 = tpu.memref_slice %arg7[%dma_wait3A_1323, %dma_wait3A_1324, %dma_wait3A_1325] : memref<16x50x32xf32, #tpu.memory_space<vmem>> -> memref<1x50x32xf32, #tpu.memory_space<vmem>>
      %dma_wait3A_1327 = tpu.memref_squeeze %dma_wait3A_1326 : memref<1x50x32xf32, #tpu.memory_space<vmem>> -> memref<50x32xf32, #tpu.memory_space<vmem>>
      %dma_wait3A_1328 = arith.constant 0 : i32
      %dma_wait3A_1329 = arith.constant 0 : i32
      %dma_wait3A_1330 = tpu.memref_slice %arg2[%dma_wait3A_1328, %dma_wait3A_1329] : memref<1000000x32xf32, #tpu.memory_space<hbm>> -> memref<50x32xf32, #tpu.memory_space<hbm>>
      %dma_wait3A_1331 = arith.constant 0 : i32
      %dma_wait3A_1332 = arith.constant 0 : i32
      %dma_wait3A_1333 = tpu.memref_slice %arg7[%dma_wait3A_1323, %dma_wait3A_1331, %dma_wait3A_1332] : memref<16x50x32xf32, #tpu.memory_space<vmem>> -> memref<1x50x32xf32, #tpu.memory_space<vmem>>
      %dma_wait3A_1334 = tpu.memref_squeeze %dma_wait3A_1333 : memref<1x50x32xf32, #tpu.memory_space<vmem>> -> memref<50x32xf32, #tpu.memory_space<vmem>>
      %dma_wait3A_1335 = arith.constant 0 : i32
      %dma_wait3A_1336 = arith.constant 0 : i32
      %dma_wait3A_1337 = tpu.memref_slice %arg2[%dma_wait3A_1335, %dma_wait3A_1336] : memref<1000000x32xf32, #tpu.memory_space<hbm>> -> memref<50x32xf32, #tpu.memory_space<hbm>>
      tpu.wait_dma2 semaphore(%arg9 : memref<!tpu.dma_semaphore, #tpu.memory_space<semaphore_mem>>) src(%dma_wait3A_1337 : memref<50x32xf32, #tpu.memory_space<hbm>>) dst(%dma_wait3A_1334 : memref<50x32xf32, #tpu.memory_space<vmem>>)
      %dma_wait3A_1338 = arith.constant 6 : i32
      %dma_wait3A_1339 = arith.constant 0 : i32
      %dma_wait3A_1340 = arith.constant 0 : i32
      %dma_wait3A_1341 = tpu.memref_slice %arg7[%dma_wait3A_1338, %dma_wait3A_1339, %dma_wait3A_1340] : memref<16x50x32xf32, #tpu.memory_space<vmem>> -> memref<1x50x32xf32, #tpu.memory_space<vmem>>
      %dma_wait3A_1342 = tpu.memref_squeeze %dma_wait3A_1341 : memref<1x50x32xf32, #tpu.memory_space<vmem>> -> memref<50x32xf32, #tpu.memory_space<vmem>>
      %dma_wait3A_1343 = arith.constant 0 : i32
      %dma_wait3A_1344 = arith.constant 0 : i32
      %dma_wait3A_1345 = tpu.memref_slice %arg2[%dma_wait3A_1343, %dma_wait3A_1344] : memref<1000000x32xf32, #tpu.memory_space<hbm>> -> memref<50x32xf32, #tpu.memory_space<hbm>>
      %dma_wait3A_1346 = arith.constant 0 : i32
      %dma_wait3A_1347 = arith.constant 0 : i32
      %dma_wait3A_1348 = tpu.memref_slice %arg7[%dma_wait3A_1338, %dma_wait3A_1346, %dma_wait3A_1347] : memref<16x50x32xf32, #tpu.memory_space<vmem>> -> memref<1x50x32xf32, #tpu.memory_space<vmem>>
      %dma_wait3A_1349 = tpu.memref_squeeze %dma_wait3A_1348 : memref<1x50x32xf32, #tpu.memory_space<vmem>> -> memref<50x32xf32, #tpu.memory_space<vmem>>
      %dma_wait3A_1350 = arith.constant 0 : i32
      %dma_wait3A_1351 = arith.constant 0 : i32
      %dma_wait3A_1352 = tpu.memref_slice %arg2[%dma_wait3A_1350, %dma_wait3A_1351] : memref<1000000x32xf32, #tpu.memory_space<hbm>> -> memref<50x32xf32, #tpu.memory_space<hbm>>
      tpu.wait_dma2 semaphore(%arg9 : memref<!tpu.dma_semaphore, #tpu.memory_space<semaphore_mem>>) src(%dma_wait3A_1352 : memref<50x32xf32, #tpu.memory_space<hbm>>) dst(%dma_wait3A_1349 : memref<50x32xf32, #tpu.memory_space<vmem>>)
      %dma_wait3A_1353 = arith.constant 7 : i32
      %dma_wait3A_1354 = arith.constant 0 : i32
      %dma_wait3A_1355 = arith.constant 0 : i32
      %dma_wait3A_1356 = tpu.memref_slice %arg7[%dma_wait3A_1353, %dma_wait3A_1354, %dma_wait3A_1355] : memref<16x50x32xf32, #tpu.memory_space<vmem>> -> memref<1x50x32xf32, #tpu.memory_space<vmem>>
      %dma_wait3A_1357 = tpu.memref_squeeze %dma_wait3A_1356 : memref<1x50x32xf32, #tpu.memory_space<vmem>> -> memref<50x32xf32, #tpu.memory_space<vmem>>
      %dma_wait3A_1358 = arith.constant 0 : i32
      %dma_wait3A_1359 = arith.constant 0 : i32
      %dma_wait3A_1360 = tpu.memref_slice %arg2[%dma_wait3A_1358, %dma_wait3A_1359] : memref<1000000x32xf32, #tpu.memory_space<hbm>> -> memref<50x32xf32, #tpu.memory_space<hbm>>
      %dma_wait3A_1361 = arith.constant 0 : i32
      %dma_wait3A_1362 = arith.constant 0 : i32
      %dma_wait3A_1363 = tpu.memref_slice %arg7[%dma_wait3A_1353, %dma_wait3A_1361, %dma_wait3A_1362] : memref<16x50x32xf32, #tpu.memory_space<vmem>> -> memref<1x50x32xf32, #tpu.memory_space<vmem>>
      %dma_wait3A_1364 = tpu.memref_squeeze %dma_wait3A_1363 : memref<1x50x32xf32, #tpu.memory_space<vmem>> -> memref<50x32xf32, #tpu.memory_space<vmem>>
      %dma_wait3A_1365 = arith.constant 0 : i32
      %dma_wait3A_1366 = arith.constant 0 : i32
      %dma_wait3A_1367 = tpu.memref_slice %arg2[%dma_wait3A_1365, %dma_wait3A_1366] : memref<1000000x32xf32, #tpu.memory_space<hbm>> -> memref<50x32xf32, #tpu.memory_space<hbm>>
      tpu.wait_dma2 semaphore(%arg9 : memref<!tpu.dma_semaphore, #tpu.memory_space<semaphore_mem>>) src(%dma_wait3A_1367 : memref<50x32xf32, #tpu.memory_space<hbm>>) dst(%dma_wait3A_1364 : memref<50x32xf32, #tpu.memory_space<vmem>>)
      %dma_wait3A_1368 = arith.constant 8 : i32
      %dma_wait3A_1369 = arith.constant 0 : i32
      %dma_wait3A_1370 = arith.constant 0 : i32
      %dma_wait3A_1371 = tpu.memref_slice %arg7[%dma_wait3A_1368, %dma_wait3A_1369, %dma_wait3A_1370] : memref<16x50x32xf32, #tpu.memory_space<vmem>> -> memref<1x50x32xf32, #tpu.memory_space<vmem>>
      %dma_wait3A_1372 = tpu.memref_squeeze %dma_wait3A_1371 : memref<1x50x32xf32, #tpu.memory_space<vmem>> -> memref<50x32xf32, #tpu.memory_space<vmem>>
      %dma_wait3A_1373 = arith.constant 0 : i32
      %dma_wait3A_1374 = arith.constant 0 : i32
      %dma_wait3A_1375 = tpu.memref_slice %arg2[%dma_wait3A_1373, %dma_wait3A_1374] : memref<1000000x32xf32, #tpu.memory_space<hbm>> -> memref<50x32xf32, #tpu.memory_space<hbm>>
      %dma_wait3A_1376 = arith.constant 0 : i32
      %dma_wait3A_1377 = arith.constant 0 : i32
      %dma_wait3A_1378 = tpu.memref_slice %arg7[%dma_wait3A_1368, %dma_wait3A_1376, %dma_wait3A_1377] : memref<16x50x32xf32, #tpu.memory_space<vmem>> -> memref<1x50x32xf32, #tpu.memory_space<vmem>>
      %dma_wait3A_1379 = tpu.memref_squeeze %dma_wait3A_1378 : memref<1x50x32xf32, #tpu.memory_space<vmem>> -> memref<50x32xf32, #tpu.memory_space<vmem>>
      %dma_wait3A_1380 = arith.constant 0 : i32
      %dma_wait3A_1381 = arith.constant 0 : i32
      %dma_wait3A_1382 = tpu.memref_slice %arg2[%dma_wait3A_1380, %dma_wait3A_1381] : memref<1000000x32xf32, #tpu.memory_space<hbm>> -> memref<50x32xf32, #tpu.memory_space<hbm>>
      tpu.wait_dma2 semaphore(%arg9 : memref<!tpu.dma_semaphore, #tpu.memory_space<semaphore_mem>>) src(%dma_wait3A_1382 : memref<50x32xf32, #tpu.memory_space<hbm>>) dst(%dma_wait3A_1379 : memref<50x32xf32, #tpu.memory_space<vmem>>)
      %dma_wait3A_1383 = arith.constant 9 : i32
      %dma_wait3A_1384 = arith.constant 0 : i32
      %dma_wait3A_1385 = arith.constant 0 : i32
      %dma_wait3A_1386 = tpu.memref_slice %arg7[%dma_wait3A_1383, %dma_wait3A_1384, %dma_wait3A_1385] : memref<16x50x32xf32, #tpu.memory_space<vmem>> -> memref<1x50x32xf32, #tpu.memory_space<vmem>>
      %dma_wait3A_1387 = tpu.memref_squeeze %dma_wait3A_1386 : memref<1x50x32xf32, #tpu.memory_space<vmem>> -> memref<50x32xf32, #tpu.memory_space<vmem>>
      %dma_wait3A_1388 = arith.constant 0 : i32
      %dma_wait3A_1389 = arith.constant 0 : i32
      %dma_wait3A_1390 = tpu.memref_slice %arg2[%dma_wait3A_1388, %dma_wait3A_1389] : memref<1000000x32xf32, #tpu.memory_space<hbm>> -> memref<50x32xf32, #tpu.memory_space<hbm>>
      %dma_wait3A_1391 = arith.constant 0 : i32
      %dma_wait3A_1392 = arith.constant 0 : i32
      %dma_wait3A_1393 = tpu.memref_slice %arg7[%dma_wait3A_1383, %dma_wait3A_1391, %dma_wait3A_1392] : memref<16x50x32xf32, #tpu.memory_space<vmem>> -> memref<1x50x32xf32, #tpu.memory_space<vmem>>
      %dma_wait3A_1394 = tpu.memref_squeeze %dma_wait3A_1393 : memref<1x50x32xf32, #tpu.memory_space<vmem>> -> memref<50x32xf32, #tpu.memory_space<vmem>>
      %dma_wait3A_1395 = arith.constant 0 : i32
      %dma_wait3A_1396 = arith.constant 0 : i32
      %dma_wait3A_1397 = tpu.memref_slice %arg2[%dma_wait3A_1395, %dma_wait3A_1396] : memref<1000000x32xf32, #tpu.memory_space<hbm>> -> memref<50x32xf32, #tpu.memory_space<hbm>>
      tpu.wait_dma2 semaphore(%arg9 : memref<!tpu.dma_semaphore, #tpu.memory_space<semaphore_mem>>) src(%dma_wait3A_1397 : memref<50x32xf32, #tpu.memory_space<hbm>>) dst(%dma_wait3A_1394 : memref<50x32xf32, #tpu.memory_space<vmem>>)
      %dma_wait3A_1398 = arith.constant 10 : i32
      %dma_wait3A_1399 = arith.constant 0 : i32
      %dma_wait3A_1400 = arith.constant 0 : i32
      %dma_wait3A_1401 = tpu.memref_slice %arg7[%dma_wait3A_1398, %dma_wait3A_1399, %dma_wait3A_1400] : memref<16x50x32xf32, #tpu.memory_space<vmem>> -> memref<1x50x32xf32, #tpu.memory_space<vmem>>
      %dma_wait3A_1402 = tpu.memref_squeeze %dma_wait3A_1401 : memref<1x50x32xf32, #tpu.memory_space<vmem>> -> memref<50x32xf32, #tpu.memory_space<vmem>>
      %dma_wait3A_1403 = arith.constant 0 : i32
      %dma_wait3A_1404 = arith.constant 0 : i32
      %dma_wait3A_1405 = tpu.memref_slice %arg2[%dma_wait3A_1403, %dma_wait3A_1404] : memref<1000000x32xf32, #tpu.memory_space<hbm>> -> memref<50x32xf32, #tpu.memory_space<hbm>>
      %dma_wait3A_1406 = arith.constant 0 : i32
      %dma_wait3A_1407 = arith.constant 0 : i32
      %dma_wait3A_1408 = tpu.memref_slice %arg7[%dma_wait3A_1398, %dma_wait3A_1406, %dma_wait3A_1407] : memref<16x50x32xf32, #tpu.memory_space<vmem>> -> memref<1x50x32xf32, #tpu.memory_space<vmem>>
      %dma_wait3A_1409 = tpu.memref_squeeze %dma_wait3A_1408 : memref<1x50x32xf32, #tpu.memory_space<vmem>> -> memref<50x32xf32, #tpu.memory_space<vmem>>
      %dma_wait3A_1410 = arith.constant 0 : i32
      %dma_wait3A_1411 = arith.constant 0 : i32
      %dma_wait3A_1412 = tpu.memref_slice %arg2[%dma_wait3A_1410, %dma_wait3A_1411] : memref<1000000x32xf32, #tpu.memory_space<hbm>> -> memref<50x32xf32, #tpu.memory_space<hbm>>
      tpu.wait_dma2 semaphore(%arg9 : memref<!tpu.dma_semaphore, #tpu.memory_space<semaphore_mem>>) src(%dma_wait3A_1412 : memref<50x32xf32, #tpu.memory_space<hbm>>) dst(%dma_wait3A_1409 : memref<50x32xf32, #tpu.memory_space<vmem>>)
      %dma_wait3A_1413 = arith.constant 11 : i32
      %dma_wait3A_1414 = arith.constant 0 : i32
      %dma_wait3A_1415 = arith.constant 0 : i32
      %dma_wait3A_1416 = tpu.memref_slice %arg7[%dma_wait3A_1413, %dma_wait3A_1414, %dma_wait3A_1415] : memref<16x50x32xf32, #tpu.memory_space<vmem>> -> memref<1x50x32xf32, #tpu.memory_space<vmem>>
      %dma_wait3A_1417 = tpu.memref_squeeze %dma_wait3A_1416 : memref<1x50x32xf32, #tpu.memory_space<vmem>> -> memref<50x32xf32, #tpu.memory_space<vmem>>
      %dma_wait3A_1418 = arith.constant 0 : i32
      %dma_wait3A_1419 = arith.constant 0 : i32
      %dma_wait3A_1420 = tpu.memref_slice %arg2[%dma_wait3A_1418, %dma_wait3A_1419] : memref<1000000x32xf32, #tpu.memory_space<hbm>> -> memref<50x32xf32, #tpu.memory_space<hbm>>
      %dma_wait3A_1421 = arith.constant 0 : i32
      %dma_wait3A_1422 = arith.constant 0 : i32
      %dma_wait3A_1423 = tpu.memref_slice %arg7[%dma_wait3A_1413, %dma_wait3A_1421, %dma_wait3A_1422] : memref<16x50x32xf32, #tpu.memory_space<vmem>> -> memref<1x50x32xf32, #tpu.memory_space<vmem>>
      %dma_wait3A_1424 = tpu.memref_squeeze %dma_wait3A_1423 : memref<1x50x32xf32, #tpu.memory_space<vmem>> -> memref<50x32xf32, #tpu.memory_space<vmem>>
      %dma_wait3A_1425 = arith.constant 0 : i32
      %dma_wait3A_1426 = arith.constant 0 : i32
      %dma_wait3A_1427 = tpu.memref_slice %arg2[%dma_wait3A_1425, %dma_wait3A_1426] : memref<1000000x32xf32, #tpu.memory_space<hbm>> -> memref<50x32xf32, #tpu.memory_space<hbm>>
      tpu.wait_dma2 semaphore(%arg9 : memref<!tpu.dma_semaphore, #tpu.memory_space<semaphore_mem>>) src(%dma_wait3A_1427 : memref<50x32xf32, #tpu.memory_space<hbm>>) dst(%dma_wait3A_1424 : memref<50x32xf32, #tpu.memory_space<vmem>>)
      %dma_wait3A_1428 = arith.constant 12 : i32
      %dma_wait3A_1429 = arith.constant 0 : i32
      %dma_wait3A_1430 = arith.constant 0 : i32
      %dma_wait3A_1431 = tpu.memref_slice %arg7[%dma_wait3A_1428, %dma_wait3A_1429, %dma_wait3A_1430] : memref<16x50x32xf32, #tpu.memory_space<vmem>> -> memref<1x50x32xf32, #tpu.memory_space<vmem>>
      %dma_wait3A_1432 = tpu.memref_squeeze %dma_wait3A_1431 : memref<1x50x32xf32, #tpu.memory_space<vmem>> -> memref<50x32xf32, #tpu.memory_space<vmem>>
      %dma_wait3A_1433 = arith.constant 0 : i32
      %dma_wait3A_1434 = arith.constant 0 : i32
      %dma_wait3A_1435 = tpu.memref_slice %arg2[%dma_wait3A_1433, %dma_wait3A_1434] : memref<1000000x32xf32, #tpu.memory_space<hbm>> -> memref<50x32xf32, #tpu.memory_space<hbm>>
      %dma_wait3A_1436 = arith.constant 0 : i32
      %dma_wait3A_1437 = arith.constant 0 : i32
      %dma_wait3A_1438 = tpu.memref_slice %arg7[%dma_wait3A_1428, %dma_wait3A_1436, %dma_wait3A_1437] : memref<16x50x32xf32, #tpu.memory_space<vmem>> -> memref<1x50x32xf32, #tpu.memory_space<vmem>>
      %dma_wait3A_1439 = tpu.memref_squeeze %dma_wait3A_1438 : memref<1x50x32xf32, #tpu.memory_space<vmem>> -> memref<50x32xf32, #tpu.memory_space<vmem>>
      %dma_wait3A_1440 = arith.constant 0 : i32
      %dma_wait3A_1441 = arith.constant 0 : i32
      %dma_wait3A_1442 = tpu.memref_slice %arg2[%dma_wait3A_1440, %dma_wait3A_1441] : memref<1000000x32xf32, #tpu.memory_space<hbm>> -> memref<50x32xf32, #tpu.memory_space<hbm>>
      tpu.wait_dma2 semaphore(%arg9 : memref<!tpu.dma_semaphore, #tpu.memory_space<semaphore_mem>>) src(%dma_wait3A_1442 : memref<50x32xf32, #tpu.memory_space<hbm>>) dst(%dma_wait3A_1439 : memref<50x32xf32, #tpu.memory_space<vmem>>)
      %dma_wait3A_1443 = arith.constant 13 : i32
      %dma_wait3A_1444 = arith.constant 0 : i32
      %dma_wait3A_1445 = arith.constant 0 : i32
      %dma_wait3A_1446 = tpu.memref_slice %arg7[%dma_wait3A_1443, %dma_wait3A_1444, %dma_wait3A_1445] : memref<16x50x32xf32, #tpu.memory_space<vmem>> -> memref<1x50x32xf32, #tpu.memory_space<vmem>>
      %dma_wait3A_1447 = tpu.memref_squeeze %dma_wait3A_1446 : memref<1x50x32xf32, #tpu.memory_space<vmem>> -> memref<50x32xf32, #tpu.memory_space<vmem>>
      %dma_wait3A_1448 = arith.constant 0 : i32
      %dma_wait3A_1449 = arith.constant 0 : i32
      %dma_wait3A_1450 = tpu.memref_slice %arg2[%dma_wait3A_1448, %dma_wait3A_1449] : memref<1000000x32xf32, #tpu.memory_space<hbm>> -> memref<50x32xf32, #tpu.memory_space<hbm>>
      %dma_wait3A_1451 = arith.constant 0 : i32
      %dma_wait3A_1452 = arith.constant 0 : i32
      %dma_wait3A_1453 = tpu.memref_slice %arg7[%dma_wait3A_1443, %dma_wait3A_1451, %dma_wait3A_1452] : memref<16x50x32xf32, #tpu.memory_space<vmem>> -> memref<1x50x32xf32, #tpu.memory_space<vmem>>
      %dma_wait3A_1454 = tpu.memref_squeeze %dma_wait3A_1453 : memref<1x50x32xf32, #tpu.memory_space<vmem>> -> memref<50x32xf32, #tpu.memory_space<vmem>>
      %dma_wait3A_1455 = arith.constant 0 : i32
      %dma_wait3A_1456 = arith.constant 0 : i32
      %dma_wait3A_1457 = tpu.memref_slice %arg2[%dma_wait3A_1455, %dma_wait3A_1456] : memref<1000000x32xf32, #tpu.memory_space<hbm>> -> memref<50x32xf32, #tpu.memory_space<hbm>>
      tpu.wait_dma2 semaphore(%arg9 : memref<!tpu.dma_semaphore, #tpu.memory_space<semaphore_mem>>) src(%dma_wait3A_1457 : memref<50x32xf32, #tpu.memory_space<hbm>>) dst(%dma_wait3A_1454 : memref<50x32xf32, #tpu.memory_space<vmem>>)
      %dma_wait3A_1458 = arith.constant 14 : i32
      %dma_wait3A_1459 = arith.constant 0 : i32
      %dma_wait3A_1460 = arith.constant 0 : i32
      %dma_wait3A_1461 = tpu.memref_slice %arg7[%dma_wait3A_1458, %dma_wait3A_1459, %dma_wait3A_1460] : memref<16x50x32xf32, #tpu.memory_space<vmem>> -> memref<1x50x32xf32, #tpu.memory_space<vmem>>
      %dma_wait3A_1462 = tpu.memref_squeeze %dma_wait3A_1461 : memref<1x50x32xf32, #tpu.memory_space<vmem>> -> memref<50x32xf32, #tpu.memory_space<vmem>>
      %dma_wait3A_1463 = arith.constant 0 : i32
      %dma_wait3A_1464 = arith.constant 0 : i32
      %dma_wait3A_1465 = tpu.memref_slice %arg2[%dma_wait3A_1463, %dma_wait3A_1464] : memref<1000000x32xf32, #tpu.memory_space<hbm>> -> memref<50x32xf32, #tpu.memory_space<hbm>>
      %dma_wait3A_1466 = arith.constant 0 : i32
      %dma_wait3A_1467 = arith.constant 0 : i32
      %dma_wait3A_1468 = tpu.memref_slice %arg7[%dma_wait3A_1458, %dma_wait3A_1466, %dma_wait3A_1467] : memref<16x50x32xf32, #tpu.memory_space<vmem>> -> memref<1x50x32xf32, #tpu.memory_space<vmem>>
      %dma_wait3A_1469 = tpu.memref_squeeze %dma_wait3A_1468 : memref<1x50x32xf32, #tpu.memory_space<vmem>> -> memref<50x32xf32, #tpu.memory_space<vmem>>
      %dma_wait3A_1470 = arith.constant 0 : i32
      %dma_wait3A_1471 = arith.constant 0 : i32
      %dma_wait3A_1472 = tpu.memref_slice %arg2[%dma_wait3A_1470, %dma_wait3A_1471] : memref<1000000x32xf32, #tpu.memory_space<hbm>> -> memref<50x32xf32, #tpu.memory_space<hbm>>
      tpu.wait_dma2 semaphore(%arg9 : memref<!tpu.dma_semaphore, #tpu.memory_space<semaphore_mem>>) src(%dma_wait3A_1472 : memref<50x32xf32, #tpu.memory_space<hbm>>) dst(%dma_wait3A_1469 : memref<50x32xf32, #tpu.memory_space<vmem>>)
      %dma_wait3A_1473 = arith.constant 15 : i32
      %dma_wait3A_1474 = arith.constant 0 : i32
      %dma_wait3A_1475 = arith.constant 0 : i32
      %dma_wait3A_1476 = tpu.memref_slice %arg7[%dma_wait3A_1473, %dma_wait3A_1474, %dma_wait3A_1475] : memref<16x50x32xf32, #tpu.memory_space<vmem>> -> memref<1x50x32xf32, #tpu.memory_space<vmem>>
      %dma_wait3A_1477 = tpu.memref_squeeze %dma_wait3A_1476 : memref<1x50x32xf32, #tpu.memory_space<vmem>> -> memref<50x32xf32, #tpu.memory_space<vmem>>
      %dma_wait3A_1478 = arith.constant 0 : i32
      %dma_wait3A_1479 = arith.constant 0 : i32
      %dma_wait3A_1480 = tpu.memref_slice %arg2[%dma_wait3A_1478, %dma_wait3A_1479] : memref<1000000x32xf32, #tpu.memory_space<hbm>> -> memref<50x32xf32, #tpu.memory_space<hbm>>
      %dma_wait3A_1481 = arith.constant 0 : i32
      %dma_wait3A_1482 = arith.constant 0 : i32
      %dma_wait3A_1483 = tpu.memref_slice %arg7[%dma_wait3A_1473, %dma_wait3A_1481, %dma_wait3A_1482] : memref<16x50x32xf32, #tpu.memory_space<vmem>> -> memref<1x50x32xf32, #tpu.memory_space<vmem>>
      %dma_wait3A_1484 = tpu.memref_squeeze %dma_wait3A_1483 : memref<1x50x32xf32, #tpu.memory_space<vmem>> -> memref<50x32xf32, #tpu.memory_space<vmem>>
      %dma_wait3A_1485 = arith.constant 0 : i32
      %dma_wait3A_1486 = arith.constant 0 : i32
      %dma_wait3A_1487 = tpu.memref_slice %arg2[%dma_wait3A_1485, %dma_wait3A_1486] : memref<1000000x32xf32, #tpu.memory_space<hbm>> -> memref<50x32xf32, #tpu.memory_space<hbm>>
      tpu.wait_dma2 semaphore(%arg9 : memref<!tpu.dma_semaphore, #tpu.memory_space<semaphore_mem>>) src(%dma_wait3A_1487 : memref<50x32xf32, #tpu.memory_space<hbm>>) dst(%dma_wait3A_1484 : memref<50x32xf32, #tpu.memory_space<vmem>>)
      %dma_wait3A_1488 = arith.constant 0 : i32
      %dma_wait3A_1489 = arith.constant 0 : i32
      %dma_wait3A_1490 = arith.constant 0 : i32
      %dma_wait3A_1491 = tpu.memref_slice %arg6[%dma_wait3A_1488, %dma_wait3A_1489, %dma_wait3A_1490] : memref<16x50x32xf32, #tpu.memory_space<vmem>> -> memref<1x50x32xf32, #tpu.memory_space<vmem>>
      %dma_wait3A_1492 = tpu.memref_squeeze %dma_wait3A_1491 : memref<1x50x32xf32, #tpu.memory_space<vmem>> -> memref<50x32xf32, #tpu.memory_space<vmem>>
      %dma_wait3A_1493 = arith.constant 0 : i32
      %dma_wait3A_1494 = arith.constant 0 : i32
      %dma_wait3A_1495 = tpu.memref_slice %arg4[%dma_wait3A_1493, %dma_wait3A_1494] : memref<917504x128xf32, #tpu.memory_space<hbm>> -> memref<50x32xf32, #tpu.memory_space<hbm>>
      %dma_wait3A_1496 = arith.constant 0 : i32
      %dma_wait3A_1497 = arith.constant 0 : i32
      %dma_wait3A_1498 = tpu.memref_slice %arg4[%dma_wait3A_1496, %dma_wait3A_1497] : memref<917504x128xf32, #tpu.memory_space<hbm>> -> memref<50x32xf32, #tpu.memory_space<hbm>>
      %dma_wait3A_1499 = arith.constant 0 : i32
      %dma_wait3A_1500 = arith.constant 0 : i32
      %dma_wait3A_1501 = tpu.memref_slice %arg6[%dma_wait3A_1488, %dma_wait3A_1499, %dma_wait3A_1500] : memref<16x50x32xf32, #tpu.memory_space<vmem>> -> memref<1x50x32xf32, #tpu.memory_space<vmem>>
      %dma_wait3A_1502 = tpu.memref_squeeze %dma_wait3A_1501 : memref<1x50x32xf32, #tpu.memory_space<vmem>> -> memref<50x32xf32, #tpu.memory_space<vmem>>
      tpu.wait_dma2 semaphore(%arg10 : memref<!tpu.dma_semaphore, #tpu.memory_space<semaphore_mem>>) src(%dma_wait3A_1502 : memref<50x32xf32, #tpu.memory_space<vmem>>) dst(%dma_wait3A_1498 : memref<50x32xf32, #tpu.memory_space<hbm>>)
      %dma_wait3A_1503 = arith.constant 1 : i32
      %dma_wait3A_1504 = arith.constant 0 : i32
      %dma_wait3A_1505 = arith.constant 0 : i32
      %dma_wait3A_1506 = tpu.memref_slice %arg6[%dma_wait3A_1503, %dma_wait3A_1504, %dma_wait3A_1505] : memref<16x50x32xf32, #tpu.memory_space<vmem>> -> memref<1x50x32xf32, #tpu.memory_space<vmem>>
      %dma_wait3A_1507 = tpu.memref_squeeze %dma_wait3A_1506 : memref<1x50x32xf32, #tpu.memory_space<vmem>> -> memref<50x32xf32, #tpu.memory_space<vmem>>
      %dma_wait3A_1508 = arith.constant 0 : i32
      %dma_wait3A_1509 = arith.constant 0 : i32
      %dma_wait3A_1510 = tpu.memref_slice %arg4[%dma_wait3A_1508, %dma_wait3A_1509] : memref<917504x128xf32, #tpu.memory_space<hbm>> -> memref<50x32xf32, #tpu.memory_space<hbm>>
      %dma_wait3A_1511 = arith.constant 0 : i32
      %dma_wait3A_1512 = arith.constant 0 : i32
      %dma_wait3A_1513 = tpu.memref_slice %arg4[%dma_wait3A_1511, %dma_wait3A_1512] : memref<917504x128xf32, #tpu.memory_space<hbm>> -> memref<50x32xf32, #tpu.memory_space<hbm>>
      %dma_wait3A_1514 = arith.constant 0 : i32
      %dma_wait3A_1515 = arith.constant 0 : i32
      %dma_wait3A_1516 = tpu.memref_slice %arg6[%dma_wait3A_1503, %dma_wait3A_1514, %dma_wait3A_1515] : memref<16x50x32xf32, #tpu.memory_space<vmem>> -> memref<1x50x32xf32, #tpu.memory_space<vmem>>
      %dma_wait3A_1517 = tpu.memref_squeeze %dma_wait3A_1516 : memref<1x50x32xf32, #tpu.memory_space<vmem>> -> memref<50x32xf32, #tpu.memory_space<vmem>>
      tpu.wait_dma2 semaphore(%arg10 : memref<!tpu.dma_semaphore, #tpu.memory_space<semaphore_mem>>) src(%dma_wait3A_1517 : memref<50x32xf32, #tpu.memory_space<vmem>>) dst(%dma_wait3A_1513 : memref<50x32xf32, #tpu.memory_space<hbm>>)
      %dma_wait3A_1518 = arith.constant 2 : i32
      %dma_wait3A_1519 = arith.constant 0 : i32
      %dma_wait3A_1520 = arith.constant 0 : i32
      %dma_wait3A_1521 = tpu.memref_slice %arg6[%dma_wait3A_1518, %dma_wait3A_1519, %dma_wait3A_1520] : memref<16x50x32xf32, #tpu.memory_space<vmem>> -> memref<1x50x32xf32, #tpu.memory_space<vmem>>
      %dma_wait3A_1522 = tpu.memref_squeeze %dma_wait3A_1521 : memref<1x50x32xf32, #tpu.memory_space<vmem>> -> memref<50x32xf32, #tpu.memory_space<vmem>>
      %dma_wait3A_1523 = arith.constant 0 : i32
      %dma_wait3A_1524 = arith.constant 0 : i32
      %dma_wait3A_1525 = tpu.memref_slice %arg4[%dma_wait3A_1523, %dma_wait3A_1524] : memref<917504x128xf32, #tpu.memory_space<hbm>> -> memref<50x32xf32, #tpu.memory_space<hbm>>
      %dma_wait3A_1526 = arith.constant 0 : i32
      %dma_wait3A_1527 = arith.constant 0 : i32
      %dma_wait3A_1528 = tpu.memref_slice %arg4[%dma_wait3A_1526, %dma_wait3A_1527] : memref<917504x128xf32, #tpu.memory_space<hbm>> -> memref<50x32xf32, #tpu.memory_space<hbm>>
      %dma_wait3A_1529 = arith.constant 0 : i32
      %dma_wait3A_1530 = arith.constant 0 : i32
      %dma_wait3A_1531 = tpu.memref_slice %arg6[%dma_wait3A_1518, %dma_wait3A_1529, %dma_wait3A_1530] : memref<16x50x32xf32, #tpu.memory_space<vmem>> -> memref<1x50x32xf32, #tpu.memory_space<vmem>>
      %dma_wait3A_1532 = tpu.memref_squeeze %dma_wait3A_1531 : memref<1x50x32xf32, #tpu.memory_space<vmem>> -> memref<50x32xf32, #tpu.memory_space<vmem>>
      tpu.wait_dma2 semaphore(%arg10 : memref<!tpu.dma_semaphore, #tpu.memory_space<semaphore_mem>>) src(%dma_wait3A_1532 : memref<50x32xf32, #tpu.memory_space<vmem>>) dst(%dma_wait3A_1528 : memref<50x32xf32, #tpu.memory_space<hbm>>)
      %dma_wait3A_1533 = arith.constant 3 : i32
      %dma_wait3A_1534 = arith.constant 0 : i32
      %dma_wait3A_1535 = arith.constant 0 : i32
      %dma_wait3A_1536 = tpu.memref_slice %arg6[%dma_wait3A_1533, %dma_wait3A_1534, %dma_wait3A_1535] : memref<16x50x32xf32, #tpu.memory_space<vmem>> -> memref<1x50x32xf32, #tpu.memory_space<vmem>>
      %dma_wait3A_1537 = tpu.memref_squeeze %dma_wait3A_1536 : memref<1x50x32xf32, #tpu.memory_space<vmem>> -> memref<50x32xf32, #tpu.memory_space<vmem>>
      %dma_wait3A_1538 = arith.constant 0 : i32
      %dma_wait3A_1539 = arith.constant 0 : i32
      %dma_wait3A_1540 = tpu.memref_slice %arg4[%dma_wait3A_1538, %dma_wait3A_1539] : memref<917504x128xf32, #tpu.memory_space<hbm>> -> memref<50x32xf32, #tpu.memory_space<hbm>>
      %dma_wait3A_1541 = arith.constant 0 : i32
      %dma_wait3A_1542 = arith.constant 0 : i32
      %dma_wait3A_1543 = tpu.memref_slice %arg4[%dma_wait3A_1541, %dma_wait3A_1542] : memref<917504x128xf32, #tpu.memory_space<hbm>> -> memref<50x32xf32, #tpu.memory_space<hbm>>
      %dma_wait3A_1544 = arith.constant 0 : i32
      %dma_wait3A_1545 = arith.constant 0 : i32
      %dma_wait3A_1546 = tpu.memref_slice %arg6[%dma_wait3A_1533, %dma_wait3A_1544, %dma_wait3A_1545] : memref<16x50x32xf32, #tpu.memory_space<vmem>> -> memref<1x50x32xf32, #tpu.memory_space<vmem>>
      %dma_wait3A_1547 = tpu.memref_squeeze %dma_wait3A_1546 : memref<1x50x32xf32, #tpu.memory_space<vmem>> -> memref<50x32xf32, #tpu.memory_space<vmem>>
      tpu.wait_dma2 semaphore(%arg10 : memref<!tpu.dma_semaphore, #tpu.memory_space<semaphore_mem>>) src(%dma_wait3A_1547 : memref<50x32xf32, #tpu.memory_space<vmem>>) dst(%dma_wait3A_1543 : memref<50x32xf32, #tpu.memory_space<hbm>>)
      %dma_wait3A_1548 = arith.constant 4 : i32
      %dma_wait3A_1549 = arith.constant 0 : i32
      %dma_wait3A_1550 = arith.constant 0 : i32
      %dma_wait3A_1551 = tpu.memref_slice %arg6[%dma_wait3A_1548, %dma_wait3A_1549, %dma_wait3A_1550] : memref<16x50x32xf32, #tpu.memory_space<vmem>> -> memref<1x50x32xf32, #tpu.memory_space<vmem>>
      %dma_wait3A_1552 = tpu.memref_squeeze %dma_wait3A_1551 : memref<1x50x32xf32, #tpu.memory_space<vmem>> -> memref<50x32xf32, #tpu.memory_space<vmem>>
      %dma_wait3A_1553 = arith.constant 0 : i32
      %dma_wait3A_1554 = arith.constant 0 : i32
      %dma_wait3A_1555 = tpu.memref_slice %arg4[%dma_wait3A_1553, %dma_wait3A_1554] : memref<917504x128xf32, #tpu.memory_space<hbm>> -> memref<50x32xf32, #tpu.memory_space<hbm>>
      %dma_wait3A_1556 = arith.constant 0 : i32
      %dma_wait3A_1557 = arith.constant 0 : i32
      %dma_wait3A_1558 = tpu.memref_slice %arg4[%dma_wait3A_1556, %dma_wait3A_1557] : memref<917504x128xf32, #tpu.memory_space<hbm>> -> memref<50x32xf32, #tpu.memory_space<hbm>>
      %dma_wait3A_1559 = arith.constant 0 : i32
      %dma_wait3A_1560 = arith.constant 0 : i32
      %dma_wait3A_1561 = tpu.memref_slice %arg6[%dma_wait3A_1548, %dma_wait3A_1559, %dma_wait3A_1560] : memref<16x50x32xf32, #tpu.memory_space<vmem>> -> memref<1x50x32xf32, #tpu.memory_space<vmem>>
      %dma_wait3A_1562 = tpu.memref_squeeze %dma_wait3A_1561 : memref<1x50x32xf32, #tpu.memory_space<vmem>> -> memref<50x32xf32, #tpu.memory_space<vmem>>
      tpu.wait_dma2 semaphore(%arg10 : memref<!tpu.dma_semaphore, #tpu.memory_space<semaphore_mem>>) src(%dma_wait3A_1562 : memref<50x32xf32, #tpu.memory_space<vmem>>) dst(%dma_wait3A_1558 : memref<50x32xf32, #tpu.memory_space<hbm>>)
      %dma_wait3A_1563 = arith.constant 5 : i32
      %dma_wait3A_1564 = arith.constant 0 : i32
      %dma_wait3A_1565 = arith.constant 0 : i32
      %dma_wait3A_1566 = tpu.memref_slice %arg6[%dma_wait3A_1563, %dma_wait3A_1564, %dma_wait3A_1565] : memref<16x50x32xf32, #tpu.memory_space<vmem>> -> memref<1x50x32xf32, #tpu.memory_space<vmem>>
      %dma_wait3A_1567 = tpu.memref_squeeze %dma_wait3A_1566 : memref<1x50x32xf32, #tpu.memory_space<vmem>> -> memref<50x32xf32, #tpu.memory_space<vmem>>
      %dma_wait3A_1568 = arith.constant 0 : i32
      %dma_wait3A_1569 = arith.constant 0 : i32
      %dma_wait3A_1570 = tpu.memref_slice %arg4[%dma_wait3A_1568, %dma_wait3A_1569] : memref<917504x128xf32, #tpu.memory_space<hbm>> -> memref<50x32xf32, #tpu.memory_space<hbm>>
      %dma_wait3A_1571 = arith.constant 0 : i32
      %dma_wait3A_1572 = arith.constant 0 : i32
      %dma_wait3A_1573 = tpu.memref_slice %arg4[%dma_wait3A_1571, %dma_wait3A_1572] : memref<917504x128xf32, #tpu.memory_space<hbm>> -> memref<50x32xf32, #tpu.memory_space<hbm>>
      %dma_wait3A_1574 = arith.constant 0 : i32
      %dma_wait3A_1575 = arith.constant 0 : i32
      %dma_wait3A_1576 = tpu.memref_slice %arg6[%dma_wait3A_1563, %dma_wait3A_1574, %dma_wait3A_1575] : memref<16x50x32xf32, #tpu.memory_space<vmem>> -> memref<1x50x32xf32, #tpu.memory_space<vmem>>
      %dma_wait3A_1577 = tpu.memref_squeeze %dma_wait3A_1576 : memref<1x50x32xf32, #tpu.memory_space<vmem>> -> memref<50x32xf32, #tpu.memory_space<vmem>>
      tpu.wait_dma2 semaphore(%arg10 : memref<!tpu.dma_semaphore, #tpu.memory_space<semaphore_mem>>) src(%dma_wait3A_1577 : memref<50x32xf32, #tpu.memory_space<vmem>>) dst(%dma_wait3A_1573 : memref<50x32xf32, #tpu.memory_space<hbm>>)
      %dma_wait3A_1578 = arith.constant 6 : i32
      %dma_wait3A_1579 = arith.constant 0 : i32
      %dma_wait3A_1580 = arith.constant 0 : i32
      %dma_wait3A_1581 = tpu.memref_slice %arg6[%dma_wait3A_1578, %dma_wait3A_1579, %dma_wait3A_1580] : memref<16x50x32xf32, #tpu.memory_space<vmem>> -> memref<1x50x32xf32, #tpu.memory_space<vmem>>
      %dma_wait3A_1582 = tpu.memref_squeeze %dma_wait3A_1581 : memref<1x50x32xf32, #tpu.memory_space<vmem>> -> memref<50x32xf32, #tpu.memory_space<vmem>>
      %dma_wait3A_1583 = arith.constant 0 : i32
      %dma_wait3A_1584 = arith.constant 0 : i32
      %dma_wait3A_1585 = tpu.memref_slice %arg4[%dma_wait3A_1583, %dma_wait3A_1584] : memref<917504x128xf32, #tpu.memory_space<hbm>> -> memref<50x32xf32, #tpu.memory_space<hbm>>
      %dma_wait3A_1586 = arith.constant 0 : i32
      %dma_wait3A_1587 = arith.constant 0 : i32
      %dma_wait3A_1588 = tpu.memref_slice %arg4[%dma_wait3A_1586, %dma_wait3A_1587] : memref<917504x128xf32, #tpu.memory_space<hbm>> -> memref<50x32xf32, #tpu.memory_space<hbm>>
      %dma_wait3A_1589 = arith.constant 0 : i32
      %dma_wait3A_1590 = arith.constant 0 : i32
      %dma_wait3A_1591 = tpu.memref_slice %arg6[%dma_wait3A_1578, %dma_wait3A_1589, %dma_wait3A_1590] : memref<16x50x32xf32, #tpu.memory_space<vmem>> -> memref<1x50x32xf32, #tpu.memory_space<vmem>>
      %dma_wait3A_1592 = tpu.memref_squeeze %dma_wait3A_1591 : memref<1x50x32xf32, #tpu.memory_space<vmem>> -> memref<50x32xf32, #tpu.memory_space<vmem>>
      tpu.wait_dma2 semaphore(%arg10 : memref<!tpu.dma_semaphore, #tpu.memory_space<semaphore_mem>>) src(%dma_wait3A_1592 : memref<50x32xf32, #tpu.memory_space<vmem>>) dst(%dma_wait3A_1588 : memref<50x32xf32, #tpu.memory_space<hbm>>)
      %dma_wait3A_1593 = arith.constant 7 : i32
      %dma_wait3A_1594 = arith.constant 0 : i32
      %dma_wait3A_1595 = arith.constant 0 : i32
      %dma_wait3A_1596 = tpu.memref_slice %arg6[%dma_wait3A_1593, %dma_wait3A_1594, %dma_wait3A_1595] : memref<16x50x32xf32, #tpu.memory_space<vmem>> -> memref<1x50x32xf32, #tpu.memory_space<vmem>>
      %dma_wait3A_1597 = tpu.memref_squeeze %dma_wait3A_1596 : memref<1x50x32xf32, #tpu.memory_space<vmem>> -> memref<50x32xf32, #tpu.memory_space<vmem>>
      %dma_wait3A_1598 = arith.constant 0 : i32
      %dma_wait3A_1599 = arith.constant 0 : i32
      %dma_wait3A_1600 = tpu.memref_slice %arg4[%dma_wait3A_1598, %dma_wait3A_1599] : memref<917504x128xf32, #tpu.memory_space<hbm>> -> memref<50x32xf32, #tpu.memory_space<hbm>>
      %dma_wait3A_1601 = arith.constant 0 : i32
      %dma_wait3A_1602 = arith.constant 0 : i32
      %dma_wait3A_1603 = tpu.memref_slice %arg4[%dma_wait3A_1601, %dma_wait3A_1602] : memref<917504x128xf32, #tpu.memory_space<hbm>> -> memref<50x32xf32, #tpu.memory_space<hbm>>
      %dma_wait3A_1604 = arith.constant 0 : i32
      %dma_wait3A_1605 = arith.constant 0 : i32
      %dma_wait3A_1606 = tpu.memref_slice %arg6[%dma_wait3A_1593, %dma_wait3A_1604, %dma_wait3A_1605] : memref<16x50x32xf32, #tpu.memory_space<vmem>> -> memref<1x50x32xf32, #tpu.memory_space<vmem>>
      %dma_wait3A_1607 = tpu.memref_squeeze %dma_wait3A_1606 : memref<1x50x32xf32, #tpu.memory_space<vmem>> -> memref<50x32xf32, #tpu.memory_space<vmem>>
      tpu.wait_dma2 semaphore(%arg10 : memref<!tpu.dma_semaphore, #tpu.memory_space<semaphore_mem>>) src(%dma_wait3A_1607 : memref<50x32xf32, #tpu.memory_space<vmem>>) dst(%dma_wait3A_1603 : memref<50x32xf32, #tpu.memory_space<hbm>>)
      %dma_wait3A_1608 = arith.constant 8 : i32
      %dma_wait3A_1609 = arith.constant 0 : i32
      %dma_wait3A_1610 = arith.constant 0 : i32
      %dma_wait3A_1611 = tpu.memref_slice %arg6[%dma_wait3A_1608, %dma_wait3A_1609, %dma_wait3A_1610] : memref<16x50x32xf32, #tpu.memory_space<vmem>> -> memref<1x50x32xf32, #tpu.memory_space<vmem>>
      %dma_wait3A_1612 = tpu.memref_squeeze %dma_wait3A_1611 : memref<1x50x32xf32, #tpu.memory_space<vmem>> -> memref<50x32xf32, #tpu.memory_space<vmem>>
      %dma_wait3A_1613 = arith.constant 0 : i32
      %dma_wait3A_1614 = arith.constant 0 : i32
      %dma_wait3A_1615 = tpu.memref_slice %arg4[%dma_wait3A_1613, %dma_wait3A_1614] : memref<917504x128xf32, #tpu.memory_space<hbm>> -> memref<50x32xf32, #tpu.memory_space<hbm>>
      %dma_wait3A_1616 = arith.constant 0 : i32
      %dma_wait3A_1617 = arith.constant 0 : i32
      %dma_wait3A_1618 = tpu.memref_slice %arg4[%dma_wait3A_1616, %dma_wait3A_1617] : memref<917504x128xf32, #tpu.memory_space<hbm>> -> memref<50x32xf32, #tpu.memory_space<hbm>>
      %dma_wait3A_1619 = arith.constant 0 : i32
      %dma_wait3A_1620 = arith.constant 0 : i32
      %dma_wait3A_1621 = tpu.memref_slice %arg6[%dma_wait3A_1608, %dma_wait3A_1619, %dma_wait3A_1620] : memref<16x50x32xf32, #tpu.memory_space<vmem>> -> memref<1x50x32xf32, #tpu.memory_space<vmem>>
      %dma_wait3A_1622 = tpu.memref_squeeze %dma_wait3A_1621 : memref<1x50x32xf32, #tpu.memory_space<vmem>> -> memref<50x32xf32, #tpu.memory_space<vmem>>
      tpu.wait_dma2 semaphore(%arg10 : memref<!tpu.dma_semaphore, #tpu.memory_space<semaphore_mem>>) src(%dma_wait3A_1622 : memref<50x32xf32, #tpu.memory_space<vmem>>) dst(%dma_wait3A_1618 : memref<50x32xf32, #tpu.memory_space<hbm>>)
      %dma_wait3A_1623 = arith.constant 9 : i32
      %dma_wait3A_1624 = arith.constant 0 : i32
      %dma_wait3A_1625 = arith.constant 0 : i32
      %dma_wait3A_1626 = tpu.memref_slice %arg6[%dma_wait3A_1623, %dma_wait3A_1624, %dma_wait3A_1625] : memref<16x50x32xf32, #tpu.memory_space<vmem>> -> memref<1x50x32xf32, #tpu.memory_space<vmem>>
      %dma_wait3A_1627 = tpu.memref_squeeze %dma_wait3A_1626 : memref<1x50x32xf32, #tpu.memory_space<vmem>> -> memref<50x32xf32, #tpu.memory_space<vmem>>
      %dma_wait3A_1628 = arith.constant 0 : i32
      %dma_wait3A_1629 = arith.constant 0 : i32
      %dma_wait3A_1630 = tpu.memref_slice %arg4[%dma_wait3A_1628, %dma_wait3A_1629] : memref<917504x128xf32, #tpu.memory_space<hbm>> -> memref<50x32xf32, #tpu.memory_space<hbm>>
      %dma_wait3A_1631 = arith.constant 0 : i32
      %dma_wait3A_1632 = arith.constant 0 : i32
      %dma_wait3A_1633 = tpu.memref_slice %arg4[%dma_wait3A_1631, %dma_wait3A_1632] : memref<917504x128xf32, #tpu.memory_space<hbm>> -> memref<50x32xf32, #tpu.memory_space<hbm>>
      %dma_wait3A_1634 = arith.constant 0 : i32
      %dma_wait3A_1635 = arith.constant 0 : i32
      %dma_wait3A_1636 = tpu.memref_slice %arg6[%dma_wait3A_1623, %dma_wait3A_1634, %dma_wait3A_1635] : memref<16x50x32xf32, #tpu.memory_space<vmem>> -> memref<1x50x32xf32, #tpu.memory_space<vmem>>
      %dma_wait3A_1637 = tpu.memref_squeeze %dma_wait3A_1636 : memref<1x50x32xf32, #tpu.memory_space<vmem>> -> memref<50x32xf32, #tpu.memory_space<vmem>>
      tpu.wait_dma2 semaphore(%arg10 : memref<!tpu.dma_semaphore, #tpu.memory_space<semaphore_mem>>) src(%dma_wait3A_1637 : memref<50x32xf32, #tpu.memory_space<vmem>>) dst(%dma_wait3A_1633 : memref<50x32xf32, #tpu.memory_space<hbm>>)
      %dma_wait3A_1638 = arith.constant 10 : i32
      %dma_wait3A_1639 = arith.constant 0 : i32
      %dma_wait3A_1640 = arith.constant 0 : i32
      %dma_wait3A_1641 = tpu.memref_slice %arg6[%dma_wait3A_1638, %dma_wait3A_1639, %dma_wait3A_1640] : memref<16x50x32xf32, #tpu.memory_space<vmem>> -> memref<1x50x32xf32, #tpu.memory_space<vmem>>
      %dma_wait3A_1642 = tpu.memref_squeeze %dma_wait3A_1641 : memref<1x50x32xf32, #tpu.memory_space<vmem>> -> memref<50x32xf32, #tpu.memory_space<vmem>>
      %dma_wait3A_1643 = arith.constant 0 : i32
      %dma_wait3A_1644 = arith.constant 0 : i32
      %dma_wait3A_1645 = tpu.memref_slice %arg4[%dma_wait3A_1643, %dma_wait3A_1644] : memref<917504x128xf32, #tpu.memory_space<hbm>> -> memref<50x32xf32, #tpu.memory_space<hbm>>
      %dma_wait3A_1646 = arith.constant 0 : i32
      %dma_wait3A_1647 = arith.constant 0 : i32
      %dma_wait3A_1648 = tpu.memref_slice %arg4[%dma_wait3A_1646, %dma_wait3A_1647] : memref<917504x128xf32, #tpu.memory_space<hbm>> -> memref<50x32xf32, #tpu.memory_space<hbm>>
      %dma_wait3A_1649 = arith.constant 0 : i32
      %dma_wait3A_1650 = arith.constant 0 : i32
      %dma_wait3A_1651 = tpu.memref_slice %arg6[%dma_wait3A_1638, %dma_wait3A_1649, %dma_wait3A_1650] : memref<16x50x32xf32, #tpu.memory_space<vmem>> -> memref<1x50x32xf32, #tpu.memory_space<vmem>>
      %dma_wait3A_1652 = tpu.memref_squeeze %dma_wait3A_1651 : memref<1x50x32xf32, #tpu.memory_space<vmem>> -> memref<50x32xf32, #tpu.memory_space<vmem>>
      tpu.wait_dma2 semaphore(%arg10 : memref<!tpu.dma_semaphore, #tpu.memory_space<semaphore_mem>>) src(%dma_wait3A_1652 : memref<50x32xf32, #tpu.memory_space<vmem>>) dst(%dma_wait3A_1648 : memref<50x32xf32, #tpu.memory_space<hbm>>)
      %dma_wait3A_1653 = arith.constant 11 : i32
      %dma_wait3A_1654 = arith.constant 0 : i32
      %dma_wait3A_1655 = arith.constant 0 : i32
      %dma_wait3A_1656 = tpu.memref_slice %arg6[%dma_wait3A_1653, %dma_wait3A_1654, %dma_wait3A_1655] : memref<16x50x32xf32, #tpu.memory_space<vmem>> -> memref<1x50x32xf32, #tpu.memory_space<vmem>>
      %dma_wait3A_1657 = tpu.memref_squeeze %dma_wait3A_1656 : memref<1x50x32xf32, #tpu.memory_space<vmem>> -> memref<50x32xf32, #tpu.memory_space<vmem>>
      %dma_wait3A_1658 = arith.constant 0 : i32
      %dma_wait3A_1659 = arith.constant 0 : i32
      %dma_wait3A_1660 = tpu.memref_slice %arg4[%dma_wait3A_1658, %dma_wait3A_1659] : memref<917504x128xf32, #tpu.memory_space<hbm>> -> memref<50x32xf32, #tpu.memory_space<hbm>>
      %dma_wait3A_1661 = arith.constant 0 : i32
      %dma_wait3A_1662 = arith.constant 0 : i32
      %dma_wait3A_1663 = tpu.memref_slice %arg4[%dma_wait3A_1661, %dma_wait3A_1662] : memref<917504x128xf32, #tpu.memory_space<hbm>> -> memref<50x32xf32, #tpu.memory_space<hbm>>
      %dma_wait3A_1664 = arith.constant 0 : i32
      %dma_wait3A_1665 = arith.constant 0 : i32
      %dma_wait3A_1666 = tpu.memref_slice %arg6[%dma_wait3A_1653, %dma_wait3A_1664, %dma_wait3A_1665] : memref<16x50x32xf32, #tpu.memory_space<vmem>> -> memref<1x50x32xf32, #tpu.memory_space<vmem>>
      %dma_wait3A_1667 = tpu.memref_squeeze %dma_wait3A_1666 : memref<1x50x32xf32, #tpu.memory_space<vmem>> -> memref<50x32xf32, #tpu.memory_space<vmem>>
      tpu.wait_dma2 semaphore(%arg10 : memref<!tpu.dma_semaphore, #tpu.memory_space<semaphore_mem>>) src(%dma_wait3A_1667 : memref<50x32xf32, #tpu.memory_space<vmem>>) dst(%dma_wait3A_1663 : memref<50x32xf32, #tpu.memory_space<hbm>>)
      %dma_wait3A_1668 = arith.constant 12 : i32
      %dma_wait3A_1669 = arith.constant 0 : i32
      %dma_wait3A_1670 = arith.constant 0 : i32
      %dma_wait3A_1671 = tpu.memref_slice %arg6[%dma_wait3A_1668, %dma_wait3A_1669, %dma_wait3A_1670] : memref<16x50x32xf32, #tpu.memory_space<vmem>> -> memref<1x50x32xf32, #tpu.memory_space<vmem>>
      %dma_wait3A_1672 = tpu.memref_squeeze %dma_wait3A_1671 : memref<1x50x32xf32, #tpu.memory_space<vmem>> -> memref<50x32xf32, #tpu.memory_space<vmem>>
      %dma_wait3A_1673 = arith.constant 0 : i32
      %dma_wait3A_1674 = arith.constant 0 : i32
      %dma_wait3A_1675 = tpu.memref_slice %arg4[%dma_wait3A_1673, %dma_wait3A_1674] : memref<917504x128xf32, #tpu.memory_space<hbm>> -> memref<50x32xf32, #tpu.memory_space<hbm>>
      %dma_wait3A_1676 = arith.constant 0 : i32
      %dma_wait3A_1677 = arith.constant 0 : i32
      %dma_wait3A_1678 = tpu.memref_slice %arg4[%dma_wait3A_1676, %dma_wait3A_1677] : memref<917504x128xf32, #tpu.memory_space<hbm>> -> memref<50x32xf32, #tpu.memory_space<hbm>>
      %dma_wait3A_1679 = arith.constant 0 : i32
      %dma_wait3A_1680 = arith.constant 0 : i32
      %dma_wait3A_1681 = tpu.memref_slice %arg6[%dma_wait3A_1668, %dma_wait3A_1679, %dma_wait3A_1680] : memref<16x50x32xf32, #tpu.memory_space<vmem>> -> memref<1x50x32xf32, #tpu.memory_space<vmem>>
      %dma_wait3A_1682 = tpu.memref_squeeze %dma_wait3A_1681 : memref<1x50x32xf32, #tpu.memory_space<vmem>> -> memref<50x32xf32, #tpu.memory_space<vmem>>
      tpu.wait_dma2 semaphore(%arg10 : memref<!tpu.dma_semaphore, #tpu.memory_space<semaphore_mem>>) src(%dma_wait3A_1682 : memref<50x32xf32, #tpu.memory_space<vmem>>) dst(%dma_wait3A_1678 : memref<50x32xf32, #tpu.memory_space<hbm>>)
      %dma_wait3A_1683 = arith.constant 13 : i32
      %dma_wait3A_1684 = arith.constant 0 : i32
      %dma_wait3A_1685 = arith.constant 0 : i32
      %dma_wait3A_1686 = tpu.memref_slice %arg6[%dma_wait3A_1683, %dma_wait3A_1684, %dma_wait3A_1685] : memref<16x50x32xf32, #tpu.memory_space<vmem>> -> memref<1x50x32xf32, #tpu.memory_space<vmem>>
      %dma_wait3A_1687 = tpu.memref_squeeze %dma_wait3A_1686 : memref<1x50x32xf32, #tpu.memory_space<vmem>> -> memref<50x32xf32, #tpu.memory_space<vmem>>
      %dma_wait3A_1688 = arith.constant 0 : i32
      %dma_wait3A_1689 = arith.constant 0 : i32
      %dma_wait3A_1690 = tpu.memref_slice %arg4[%dma_wait3A_1688, %dma_wait3A_1689] : memref<917504x128xf32, #tpu.memory_space<hbm>> -> memref<50x32xf32, #tpu.memory_space<hbm>>
      %dma_wait3A_1691 = arith.constant 0 : i32
      %dma_wait3A_1692 = arith.constant 0 : i32
      %dma_wait3A_1693 = tpu.memref_slice %arg4[%dma_wait3A_1691, %dma_wait3A_1692] : memref<917504x128xf32, #tpu.memory_space<hbm>> -> memref<50x32xf32, #tpu.memory_space<hbm>>
      %dma_wait3A_1694 = arith.constant 0 : i32
      %dma_wait3A_1695 = arith.constant 0 : i32
      %dma_wait3A_1696 = tpu.memref_slice %arg6[%dma_wait3A_1683, %dma_wait3A_1694, %dma_wait3A_1695] : memref<16x50x32xf32, #tpu.memory_space<vmem>> -> memref<1x50x32xf32, #tpu.memory_space<vmem>>
      %dma_wait3A_1697 = tpu.memref_squeeze %dma_wait3A_1696 : memref<1x50x32xf32, #tpu.memory_space<vmem>> -> memref<50x32xf32, #tpu.memory_space<vmem>>
      tpu.wait_dma2 semaphore(%arg10 : memref<!tpu.dma_semaphore, #tpu.memory_space<semaphore_mem>>) src(%dma_wait3A_1697 : memref<50x32xf32, #tpu.memory_space<vmem>>) dst(%dma_wait3A_1693 : memref<50x32xf32, #tpu.memory_space<hbm>>)
      %dma_wait3A_1698 = arith.constant 14 : i32
      %dma_wait3A_1699 = arith.constant 0 : i32
      %dma_wait3A_1700 = arith.constant 0 : i32
      %dma_wait3A_1701 = tpu.memref_slice %arg6[%dma_wait3A_1698, %dma_wait3A_1699, %dma_wait3A_1700] : memref<16x50x32xf32, #tpu.memory_space<vmem>> -> memref<1x50x32xf32, #tpu.memory_space<vmem>>
      %dma_wait3A_1702 = tpu.memref_squeeze %dma_wait3A_1701 : memref<1x50x32xf32, #tpu.memory_space<vmem>> -> memref<50x32xf32, #tpu.memory_space<vmem>>
      %dma_wait3A_1703 = arith.constant 0 : i32
      %dma_wait3A_1704 = arith.constant 0 : i32
      %dma_wait3A_1705 = tpu.memref_slice %arg4[%dma_wait3A_1703, %dma_wait3A_1704] : memref<917504x128xf32, #tpu.memory_space<hbm>> -> memref<50x32xf32, #tpu.memory_space<hbm>>
      %dma_wait3A_1706 = arith.constant 0 : i32
      %dma_wait3A_1707 = arith.constant 0 : i32
      %dma_wait3A_1708 = tpu.memref_slice %arg4[%dma_wait3A_1706, %dma_wait3A_1707] : memref<917504x128xf32, #tpu.memory_space<hbm>> -> memref<50x32xf32, #tpu.memory_space<hbm>>
      %dma_wait3A_1709 = arith.constant 0 : i32
      %dma_wait3A_1710 = arith.constant 0 : i32
      %dma_wait3A_1711 = tpu.memref_slice %arg6[%dma_wait3A_1698, %dma_wait3A_1709, %dma_wait3A_1710] : memref<16x50x32xf32, #tpu.memory_space<vmem>> -> memref<1x50x32xf32, #tpu.memory_space<vmem>>
      %dma_wait3A_1712 = tpu.memref_squeeze %dma_wait3A_1711 : memref<1x50x32xf32, #tpu.memory_space<vmem>> -> memref<50x32xf32, #tpu.memory_space<vmem>>
      tpu.wait_dma2 semaphore(%arg10 : memref<!tpu.dma_semaphore, #tpu.memory_space<semaphore_mem>>) src(%dma_wait3A_1712 : memref<50x32xf32, #tpu.memory_space<vmem>>) dst(%dma_wait3A_1708 : memref<50x32xf32, #tpu.memory_space<hbm>>)
      %dma_wait3A_1713 = arith.constant 15 : i32
      %dma_wait3A_1714 = arith.constant 0 : i32
      %dma_wait3A_1715 = arith.constant 0 : i32
      %dma_wait3A_1716 = tpu.memref_slice %arg6[%dma_wait3A_1713, %dma_wait3A_1714, %dma_wait3A_1715] : memref<16x50x32xf32, #tpu.memory_space<vmem>> -> memref<1x50x32xf32, #tpu.memory_space<vmem>>
      %dma_wait3A_1717 = tpu.memref_squeeze %dma_wait3A_1716 : memref<1x50x32xf32, #tpu.memory_space<vmem>> -> memref<50x32xf32, #tpu.memory_space<vmem>>
      %dma_wait3A_1718 = arith.constant 0 : i32
      %dma_wait3A_1719 = arith.constant 0 : i32
      %dma_wait3A_1720 = tpu.memref_slice %arg4[%dma_wait3A_1718, %dma_wait3A_1719] : memref<917504x128xf32, #tpu.memory_space<hbm>> -> memref<50x32xf32, #tpu.memory_space<hbm>>
      %dma_wait3A_1721 = arith.constant 0 : i32
      %dma_wait3A_1722 = arith.constant 0 : i32
      %dma_wait3A_1723 = tpu.memref_slice %arg4[%dma_wait3A_1721, %dma_wait3A_1722] : memref<917504x128xf32, #tpu.memory_space<hbm>> -> memref<50x32xf32, #tpu.memory_space<hbm>>
      %dma_wait3A_1724 = arith.constant 0 : i32
      %dma_wait3A_1725 = arith.constant 0 : i32
      %dma_wait3A_1726 = tpu.memref_slice %arg6[%dma_wait3A_1713, %dma_wait3A_1724, %dma_wait3A_1725] : memref<16x50x32xf32, #tpu.memory_space<vmem>> -> memref<1x50x32xf32, #tpu.memory_space<vmem>>
      %dma_wait3A_1727 = tpu.memref_squeeze %dma_wait3A_1726 : memref<1x50x32xf32, #tpu.memory_space<vmem>> -> memref<50x32xf32, #tpu.memory_space<vmem>>
      tpu.wait_dma2 semaphore(%arg10 : memref<!tpu.dma_semaphore, #tpu.memory_space<semaphore_mem>>) src(%dma_wait3A_1727 : memref<50x32xf32, #tpu.memory_space<vmem>>) dst(%dma_wait3A_1723 : memref<50x32xf32, #tpu.memory_space<hbm>>)
      %add3A_1728 = arith.constant 1 : i32
      %add3A_1729 = arith.addi %add3A_441, %add3A_1728 : i32
      %lt3A = arith.constant 16 : i32
      %lt3A_1730 = arith.cmpi slt, %add3A_1729, %lt3A : i32
      %convert_element_type3A_1731 = arith.extui %lt3A_1730 : i1 to i32
      %cond3A_1732 = arith.constant 0 : i32
      %cond3A_1733 = arith.cmpi ne, %convert_element_type3A_1731, %cond3A_1732 : i32
      scf.if %cond3A_1733 {
        %add3A_2054 = arith.constant 2 : i32
        %add3A_2055 = arith.addi %mul3A_443, %add3A_2054 : i32
        %mul3A_2056 = arith.constant 16 : i32
        %mul3A_2057 = arith.muli %add3A_2055, %mul3A_2056 : i32
        %add3A_2058 = arith.constant 0 : i32
        %add3A_2059 = arith.addi %mul3A_2057, %add3A_2058 : i32
        %dma_start3A_2060 = arith.constant 0 : i32
        %dma_start3A_2061 = arith.constant 0 : i32
        %dma_start3A_2062 = arith.constant 0 : i32
        %dma_start3A_2063 = tpu.memref_slice %arg6[%dma_start3A_2060, %dma_start3A_2061, %dma_start3A_2062] : memref<16x50x32xf32, #tpu.memory_space<vmem>> -> memref<1x50x32xf32, #tpu.memory_space<vmem>>
        %dma_start3A_2064 = tpu.memref_squeeze %dma_start3A_2063 : memref<1x50x32xf32, #tpu.memory_space<vmem>> -> memref<50x32xf32, #tpu.memory_space<vmem>>
        %dma_start3A_2065 = arith.constant 0 : i32
        %dma_start3A_2066 = tpu.memref_slice %arg5[%add3A_2059, %dma_start3A_2065] : memref<512x50xi32, #tpu.memory_space<vmem>> -> memref<1x50xi32, #tpu.memory_space<vmem>>
        %dma_start3A_2067 = tpu.memref_squeeze %dma_start3A_2066 : memref<1x50xi32, #tpu.memory_space<vmem>> -> memref<50xi32, #tpu.memory_space<vmem>>
        %dma_start3A_2068 = arith.constant 0 : i32
        %dma_start3A_2069 = arith.constant 0 : i32
        %dma_start3A_2070 = tpu.memref_slice %arg2[%dma_start3A_2068, %dma_start3A_2069] : memref<1000000x32xf32, #tpu.memory_space<hbm>> -> memref<1000000x32xf32, #tpu.memory_space<hbm>>
        tpu.enqueue_indirect_dma source(%dma_start3A_2070 : memref<1000000x32xf32, #tpu.memory_space<hbm>>) target(%dma_start3A_2064 : memref<50x32xf32, #tpu.memory_space<vmem>>) offsets(%dma_start3A_2067 : memref<50xi32, #tpu.memory_space<vmem>>) semaphore(%arg8 : memref<!tpu.dma_semaphore, #tpu.memory_space<semaphore_mem>>)
        %mul3A_2071 = arith.constant 16 : i32
        %mul3A_2072 = arith.muli %add3A_2055, %mul3A_2071 : i32
        %add3A_2073 = arith.constant 1 : i32
        %add3A_2074 = arith.addi %mul3A_2072, %add3A_2073 : i32
        %dma_start3A_2075 = arith.constant 1 : i32
        %dma_start3A_2076 = arith.constant 0 : i32
        %dma_start3A_2077 = arith.constant 0 : i32
        %dma_start3A_2078 = tpu.memref_slice %arg6[%dma_start3A_2075, %dma_start3A_2076, %dma_start3A_2077] : memref<16x50x32xf32, #tpu.memory_space<vmem>> -> memref<1x50x32xf32, #tpu.memory_space<vmem>>
        %dma_start3A_2079 = tpu.memref_squeeze %dma_start3A_2078 : memref<1x50x32xf32, #tpu.memory_space<vmem>> -> memref<50x32xf32, #tpu.memory_space<vmem>>
        %dma_start3A_2080 = arith.constant 0 : i32
        %dma_start3A_2081 = tpu.memref_slice %arg5[%add3A_2074, %dma_start3A_2080] : memref<512x50xi32, #tpu.memory_space<vmem>> -> memref<1x50xi32, #tpu.memory_space<vmem>>
        %dma_start3A_2082 = tpu.memref_squeeze %dma_start3A_2081 : memref<1x50xi32, #tpu.memory_space<vmem>> -> memref<50xi32, #tpu.memory_space<vmem>>
        %dma_start3A_2083 = arith.constant 0 : i32
        %dma_start3A_2084 = arith.constant 0 : i32
        %dma_start3A_2085 = tpu.memref_slice %arg2[%dma_start3A_2083, %dma_start3A_2084] : memref<1000000x32xf32, #tpu.memory_space<hbm>> -> memref<1000000x32xf32, #tpu.memory_space<hbm>>
        tpu.enqueue_indirect_dma source(%dma_start3A_2085 : memref<1000000x32xf32, #tpu.memory_space<hbm>>) target(%dma_start3A_2079 : memref<50x32xf32, #tpu.memory_space<vmem>>) offsets(%dma_start3A_2082 : memref<50xi32, #tpu.memory_space<vmem>>) semaphore(%arg8 : memref<!tpu.dma_semaphore, #tpu.memory_space<semaphore_mem>>)
        %mul3A_2086 = arith.constant 16 : i32
        %mul3A_2087 = arith.muli %add3A_2055, %mul3A_2086 : i32
        %add3A_2088 = arith.constant 2 : i32
        %add3A_2089 = arith.addi %mul3A_2087, %add3A_2088 : i32
        %dma_start3A_2090 = arith.constant 2 : i32
        %dma_start3A_2091 = arith.constant 0 : i32
        %dma_start3A_2092 = arith.constant 0 : i32
        %dma_start3A_2093 = tpu.memref_slice %arg6[%dma_start3A_2090, %dma_start3A_2091, %dma_start3A_2092] : memref<16x50x32xf32, #tpu.memory_space<vmem>> -> memref<1x50x32xf32, #tpu.memory_space<vmem>>
        %dma_start3A_2094 = tpu.memref_squeeze %dma_start3A_2093 : memref<1x50x32xf32, #tpu.memory_space<vmem>> -> memref<50x32xf32, #tpu.memory_space<vmem>>
        %dma_start3A_2095 = arith.constant 0 : i32
        %dma_start3A_2096 = tpu.memref_slice %arg5[%add3A_2089, %dma_start3A_2095] : memref<512x50xi32, #tpu.memory_space<vmem>> -> memref<1x50xi32, #tpu.memory_space<vmem>>
        %dma_start3A_2097 = tpu.memref_squeeze %dma_start3A_2096 : memref<1x50xi32, #tpu.memory_space<vmem>> -> memref<50xi32, #tpu.memory_space<vmem>>
        %dma_start3A_2098 = arith.constant 0 : i32
        %dma_start3A_2099 = arith.constant 0 : i32
        %dma_start3A_2100 = tpu.memref_slice %arg2[%dma_start3A_2098, %dma_start3A_2099] : memref<1000000x32xf32, #tpu.memory_space<hbm>> -> memref<1000000x32xf32, #tpu.memory_space<hbm>>
        tpu.enqueue_indirect_dma source(%dma_start3A_2100 : memref<1000000x32xf32, #tpu.memory_space<hbm>>) target(%dma_start3A_2094 : memref<50x32xf32, #tpu.memory_space<vmem>>) offsets(%dma_start3A_2097 : memref<50xi32, #tpu.memory_space<vmem>>) semaphore(%arg8 : memref<!tpu.dma_semaphore, #tpu.memory_space<semaphore_mem>>)
        %mul3A_2101 = arith.constant 16 : i32
        %mul3A_2102 = arith.muli %add3A_2055, %mul3A_2101 : i32
        %add3A_2103 = arith.constant 3 : i32
        %add3A_2104 = arith.addi %mul3A_2102, %add3A_2103 : i32
        %dma_start3A_2105 = arith.constant 3 : i32
        %dma_start3A_2106 = arith.constant 0 : i32
        %dma_start3A_2107 = arith.constant 0 : i32
        %dma_start3A_2108 = tpu.memref_slice %arg6[%dma_start3A_2105, %dma_start3A_2106, %dma_start3A_2107] : memref<16x50x32xf32, #tpu.memory_space<vmem>> -> memref<1x50x32xf32, #tpu.memory_space<vmem>>
        %dma_start3A_2109 = tpu.memref_squeeze %dma_start3A_2108 : memref<1x50x32xf32, #tpu.memory_space<vmem>> -> memref<50x32xf32, #tpu.memory_space<vmem>>
        %dma_start3A_2110 = arith.constant 0 : i32
        %dma_start3A_2111 = tpu.memref_slice %arg5[%add3A_2104, %dma_start3A_2110] : memref<512x50xi32, #tpu.memory_space<vmem>> -> memref<1x50xi32, #tpu.memory_space<vmem>>
        %dma_start3A_2112 = tpu.memref_squeeze %dma_start3A_2111 : memref<1x50xi32, #tpu.memory_space<vmem>> -> memref<50xi32, #tpu.memory_space<vmem>>
        %dma_start3A_2113 = arith.constant 0 : i32
        %dma_start3A_2114 = arith.constant 0 : i32
        %dma_start3A_2115 = tpu.memref_slice %arg2[%dma_start3A_2113, %dma_start3A_2114] : memref<1000000x32xf32, #tpu.memory_space<hbm>> -> memref<1000000x32xf32, #tpu.memory_space<hbm>>
        tpu.enqueue_indirect_dma source(%dma_start3A_2115 : memref<1000000x32xf32, #tpu.memory_space<hbm>>) target(%dma_start3A_2109 : memref<50x32xf32, #tpu.memory_space<vmem>>) offsets(%dma_start3A_2112 : memref<50xi32, #tpu.memory_space<vmem>>) semaphore(%arg8 : memref<!tpu.dma_semaphore, #tpu.memory_space<semaphore_mem>>)
        %mul3A_2116 = arith.constant 16 : i32
        %mul3A_2117 = arith.muli %add3A_2055, %mul3A_2116 : i32
        %add3A_2118 = arith.constant 4 : i32
        %add3A_2119 = arith.addi %mul3A_2117, %add3A_2118 : i32
        %dma_start3A_2120 = arith.constant 4 : i32
        %dma_start3A_2121 = arith.constant 0 : i32
        %dma_start3A_2122 = arith.constant 0 : i32
        %dma_start3A_2123 = tpu.memref_slice %arg6[%dma_start3A_2120, %dma_start3A_2121, %dma_start3A_2122] : memref<16x50x32xf32, #tpu.memory_space<vmem>> -> memref<1x50x32xf32, #tpu.memory_space<vmem>>
        %dma_start3A_2124 = tpu.memref_squeeze %dma_start3A_2123 : memref<1x50x32xf32, #tpu.memory_space<vmem>> -> memref<50x32xf32, #tpu.memory_space<vmem>>
        %dma_start3A_2125 = arith.constant 0 : i32
        %dma_start3A_2126 = tpu.memref_slice %arg5[%add3A_2119, %dma_start3A_2125] : memref<512x50xi32, #tpu.memory_space<vmem>> -> memref<1x50xi32, #tpu.memory_space<vmem>>
        %dma_start3A_2127 = tpu.memref_squeeze %dma_start3A_2126 : memref<1x50xi32, #tpu.memory_space<vmem>> -> memref<50xi32, #tpu.memory_space<vmem>>
        %dma_start3A_2128 = arith.constant 0 : i32
        %dma_start3A_2129 = arith.constant 0 : i32
        %dma_start3A_2130 = tpu.memref_slice %arg2[%dma_start3A_2128, %dma_start3A_2129] : memref<1000000x32xf32, #tpu.memory_space<hbm>> -> memref<1000000x32xf32, #tpu.memory_space<hbm>>
        tpu.enqueue_indirect_dma source(%dma_start3A_2130 : memref<1000000x32xf32, #tpu.memory_space<hbm>>) target(%dma_start3A_2124 : memref<50x32xf32, #tpu.memory_space<vmem>>) offsets(%dma_start3A_2127 : memref<50xi32, #tpu.memory_space<vmem>>) semaphore(%arg8 : memref<!tpu.dma_semaphore, #tpu.memory_space<semaphore_mem>>)
        %mul3A_2131 = arith.constant 16 : i32
        %mul3A_2132 = arith.muli %add3A_2055, %mul3A_2131 : i32
        %add3A_2133 = arith.constant 5 : i32
        %add3A_2134 = arith.addi %mul3A_2132, %add3A_2133 : i32
        %dma_start3A_2135 = arith.constant 5 : i32
        %dma_start3A_2136 = arith.constant 0 : i32
        %dma_start3A_2137 = arith.constant 0 : i32
        %dma_start3A_2138 = tpu.memref_slice %arg6[%dma_start3A_2135, %dma_start3A_2136, %dma_start3A_2137] : memref<16x50x32xf32, #tpu.memory_space<vmem>> -> memref<1x50x32xf32, #tpu.memory_space<vmem>>
        %dma_start3A_2139 = tpu.memref_squeeze %dma_start3A_2138 : memref<1x50x32xf32, #tpu.memory_space<vmem>> -> memref<50x32xf32, #tpu.memory_space<vmem>>
        %dma_start3A_2140 = arith.constant 0 : i32
        %dma_start3A_2141 = tpu.memref_slice %arg5[%add3A_2134, %dma_start3A_2140] : memref<512x50xi32, #tpu.memory_space<vmem>> -> memref<1x50xi32, #tpu.memory_space<vmem>>
        %dma_start3A_2142 = tpu.memref_squeeze %dma_start3A_2141 : memref<1x50xi32, #tpu.memory_space<vmem>> -> memref<50xi32, #tpu.memory_space<vmem>>
        %dma_start3A_2143 = arith.constant 0 : i32
        %dma_start3A_2144 = arith.constant 0 : i32
        %dma_start3A_2145 = tpu.memref_slice %arg2[%dma_start3A_2143, %dma_start3A_2144] : memref<1000000x32xf32, #tpu.memory_space<hbm>> -> memref<1000000x32xf32, #tpu.memory_space<hbm>>
        tpu.enqueue_indirect_dma source(%dma_start3A_2145 : memref<1000000x32xf32, #tpu.memory_space<hbm>>) target(%dma_start3A_2139 : memref<50x32xf32, #tpu.memory_space<vmem>>) offsets(%dma_start3A_2142 : memref<50xi32, #tpu.memory_space<vmem>>) semaphore(%arg8 : memref<!tpu.dma_semaphore, #tpu.memory_space<semaphore_mem>>)
        %mul3A_2146 = arith.constant 16 : i32
        %mul3A_2147 = arith.muli %add3A_2055, %mul3A_2146 : i32
        %add3A_2148 = arith.constant 6 : i32
        %add3A_2149 = arith.addi %mul3A_2147, %add3A_2148 : i32
        %dma_start3A_2150 = arith.constant 6 : i32
        %dma_start3A_2151 = arith.constant 0 : i32
        %dma_start3A_2152 = arith.constant 0 : i32
        %dma_start3A_2153 = tpu.memref_slice %arg6[%dma_start3A_2150, %dma_start3A_2151, %dma_start3A_2152] : memref<16x50x32xf32, #tpu.memory_space<vmem>> -> memref<1x50x32xf32, #tpu.memory_space<vmem>>
        %dma_start3A_2154 = tpu.memref_squeeze %dma_start3A_2153 : memref<1x50x32xf32, #tpu.memory_space<vmem>> -> memref<50x32xf32, #tpu.memory_space<vmem>>
        %dma_start3A_2155 = arith.constant 0 : i32
        %dma_start3A_2156 = tpu.memref_slice %arg5[%add3A_2149, %dma_start3A_2155] : memref<512x50xi32, #tpu.memory_space<vmem>> -> memref<1x50xi32, #tpu.memory_space<vmem>>
        %dma_start3A_2157 = tpu.memref_squeeze %dma_start3A_2156 : memref<1x50xi32, #tpu.memory_space<vmem>> -> memref<50xi32, #tpu.memory_space<vmem>>
        %dma_start3A_2158 = arith.constant 0 : i32
        %dma_start3A_2159 = arith.constant 0 : i32
        %dma_start3A_2160 = tpu.memref_slice %arg2[%dma_start3A_2158, %dma_start3A_2159] : memref<1000000x32xf32, #tpu.memory_space<hbm>> -> memref<1000000x32xf32, #tpu.memory_space<hbm>>
        tpu.enqueue_indirect_dma source(%dma_start3A_2160 : memref<1000000x32xf32, #tpu.memory_space<hbm>>) target(%dma_start3A_2154 : memref<50x32xf32, #tpu.memory_space<vmem>>) offsets(%dma_start3A_2157 : memref<50xi32, #tpu.memory_space<vmem>>) semaphore(%arg8 : memref<!tpu.dma_semaphore, #tpu.memory_space<semaphore_mem>>)
        %mul3A_2161 = arith.constant 16 : i32
        %mul3A_2162 = arith.muli %add3A_2055, %mul3A_2161 : i32
        %add3A_2163 = arith.constant 7 : i32
        %add3A_2164 = arith.addi %mul3A_2162, %add3A_2163 : i32
        %dma_start3A_2165 = arith.constant 7 : i32
        %dma_start3A_2166 = arith.constant 0 : i32
        %dma_start3A_2167 = arith.constant 0 : i32
        %dma_start3A_2168 = tpu.memref_slice %arg6[%dma_start3A_2165, %dma_start3A_2166, %dma_start3A_2167] : memref<16x50x32xf32, #tpu.memory_space<vmem>> -> memref<1x50x32xf32, #tpu.memory_space<vmem>>
        %dma_start3A_2169 = tpu.memref_squeeze %dma_start3A_2168 : memref<1x50x32xf32, #tpu.memory_space<vmem>> -> memref<50x32xf32, #tpu.memory_space<vmem>>
        %dma_start3A_2170 = arith.constant 0 : i32
        %dma_start3A_2171 = tpu.memref_slice %arg5[%add3A_2164, %dma_start3A_2170] : memref<512x50xi32, #tpu.memory_space<vmem>> -> memref<1x50xi32, #tpu.memory_space<vmem>>
        %dma_start3A_2172 = tpu.memref_squeeze %dma_start3A_2171 : memref<1x50xi32, #tpu.memory_space<vmem>> -> memref<50xi32, #tpu.memory_space<vmem>>
        %dma_start3A_2173 = arith.constant 0 : i32
        %dma_start3A_2174 = arith.constant 0 : i32
        %dma_start3A_2175 = tpu.memref_slice %arg2[%dma_start3A_2173, %dma_start3A_2174] : memref<1000000x32xf32, #tpu.memory_space<hbm>> -> memref<1000000x32xf32, #tpu.memory_space<hbm>>
        tpu.enqueue_indirect_dma source(%dma_start3A_2175 : memref<1000000x32xf32, #tpu.memory_space<hbm>>) target(%dma_start3A_2169 : memref<50x32xf32, #tpu.memory_space<vmem>>) offsets(%dma_start3A_2172 : memref<50xi32, #tpu.memory_space<vmem>>) semaphore(%arg8 : memref<!tpu.dma_semaphore, #tpu.memory_space<semaphore_mem>>)
        %mul3A_2176 = arith.constant 16 : i32
        %mul3A_2177 = arith.muli %add3A_2055, %mul3A_2176 : i32
        %add3A_2178 = arith.constant 8 : i32
        %add3A_2179 = arith.addi %mul3A_2177, %add3A_2178 : i32
        %dma_start3A_2180 = arith.constant 8 : i32
        %dma_start3A_2181 = arith.constant 0 : i32
        %dma_start3A_2182 = arith.constant 0 : i32
        %dma_start3A_2183 = tpu.memref_slice %arg6[%dma_start3A_2180, %dma_start3A_2181, %dma_start3A_2182] : memref<16x50x32xf32, #tpu.memory_space<vmem>> -> memref<1x50x32xf32, #tpu.memory_space<vmem>>
        %dma_start3A_2184 = tpu.memref_squeeze %dma_start3A_2183 : memref<1x50x32xf32, #tpu.memory_space<vmem>> -> memref<50x32xf32, #tpu.memory_space<vmem>>
        %dma_start3A_2185 = arith.constant 0 : i32
        %dma_start3A_2186 = tpu.memref_slice %arg5[%add3A_2179, %dma_start3A_2185] : memref<512x50xi32, #tpu.memory_space<vmem>> -> memref<1x50xi32, #tpu.memory_space<vmem>>
        %dma_start3A_2187 = tpu.memref_squeeze %dma_start3A_2186 : memref<1x50xi32, #tpu.memory_space<vmem>> -> memref<50xi32, #tpu.memory_space<vmem>>
        %dma_start3A_2188 = arith.constant 0 : i32
        %dma_start3A_2189 = arith.constant 0 : i32
        %dma_start3A_2190 = tpu.memref_slice %arg2[%dma_start3A_2188, %dma_start3A_2189] : memref<1000000x32xf32, #tpu.memory_space<hbm>> -> memref<1000000x32xf32, #tpu.memory_space<hbm>>
        tpu.enqueue_indirect_dma source(%dma_start3A_2190 : memref<1000000x32xf32, #tpu.memory_space<hbm>>) target(%dma_start3A_2184 : memref<50x32xf32, #tpu.memory_space<vmem>>) offsets(%dma_start3A_2187 : memref<50xi32, #tpu.memory_space<vmem>>) semaphore(%arg8 : memref<!tpu.dma_semaphore, #tpu.memory_space<semaphore_mem>>)
        %mul3A_2191 = arith.constant 16 : i32
        %mul3A_2192 = arith.muli %add3A_2055, %mul3A_2191 : i32
        %add3A_2193 = arith.constant 9 : i32
        %add3A_2194 = arith.addi %mul3A_2192, %add3A_2193 : i32
        %dma_start3A_2195 = arith.constant 9 : i32
        %dma_start3A_2196 = arith.constant 0 : i32
        %dma_start3A_2197 = arith.constant 0 : i32
        %dma_start3A_2198 = tpu.memref_slice %arg6[%dma_start3A_2195, %dma_start3A_2196, %dma_start3A_2197] : memref<16x50x32xf32, #tpu.memory_space<vmem>> -> memref<1x50x32xf32, #tpu.memory_space<vmem>>
        %dma_start3A_2199 = tpu.memref_squeeze %dma_start3A_2198 : memref<1x50x32xf32, #tpu.memory_space<vmem>> -> memref<50x32xf32, #tpu.memory_space<vmem>>
        %dma_start3A_2200 = arith.constant 0 : i32
        %dma_start3A_2201 = tpu.memref_slice %arg5[%add3A_2194, %dma_start3A_2200] : memref<512x50xi32, #tpu.memory_space<vmem>> -> memref<1x50xi32, #tpu.memory_space<vmem>>
        %dma_start3A_2202 = tpu.memref_squeeze %dma_start3A_2201 : memref<1x50xi32, #tpu.memory_space<vmem>> -> memref<50xi32, #tpu.memory_space<vmem>>
        %dma_start3A_2203 = arith.constant 0 : i32
        %dma_start3A_2204 = arith.constant 0 : i32
        %dma_start3A_2205 = tpu.memref_slice %arg2[%dma_start3A_2203, %dma_start3A_2204] : memref<1000000x32xf32, #tpu.memory_space<hbm>> -> memref<1000000x32xf32, #tpu.memory_space<hbm>>
        tpu.enqueue_indirect_dma source(%dma_start3A_2205 : memref<1000000x32xf32, #tpu.memory_space<hbm>>) target(%dma_start3A_2199 : memref<50x32xf32, #tpu.memory_space<vmem>>) offsets(%dma_start3A_2202 : memref<50xi32, #tpu.memory_space<vmem>>) semaphore(%arg8 : memref<!tpu.dma_semaphore, #tpu.memory_space<semaphore_mem>>)
        %mul3A_2206 = arith.constant 16 : i32
        %mul3A_2207 = arith.muli %add3A_2055, %mul3A_2206 : i32
        %add3A_2208 = arith.constant 10 : i32
        %add3A_2209 = arith.addi %mul3A_2207, %add3A_2208 : i32
        %dma_start3A_2210 = arith.constant 10 : i32
        %dma_start3A_2211 = arith.constant 0 : i32
        %dma_start3A_2212 = arith.constant 0 : i32
        %dma_start3A_2213 = tpu.memref_slice %arg6[%dma_start3A_2210, %dma_start3A_2211, %dma_start3A_2212] : memref<16x50x32xf32, #tpu.memory_space<vmem>> -> memref<1x50x32xf32, #tpu.memory_space<vmem>>
        %dma_start3A_2214 = tpu.memref_squeeze %dma_start3A_2213 : memref<1x50x32xf32, #tpu.memory_space<vmem>> -> memref<50x32xf32, #tpu.memory_space<vmem>>
        %dma_start3A_2215 = arith.constant 0 : i32
        %dma_start3A_2216 = tpu.memref_slice %arg5[%add3A_2209, %dma_start3A_2215] : memref<512x50xi32, #tpu.memory_space<vmem>> -> memref<1x50xi32, #tpu.memory_space<vmem>>
        %dma_start3A_2217 = tpu.memref_squeeze %dma_start3A_2216 : memref<1x50xi32, #tpu.memory_space<vmem>> -> memref<50xi32, #tpu.memory_space<vmem>>
        %dma_start3A_2218 = arith.constant 0 : i32
        %dma_start3A_2219 = arith.constant 0 : i32
        %dma_start3A_2220 = tpu.memref_slice %arg2[%dma_start3A_2218, %dma_start3A_2219] : memref<1000000x32xf32, #tpu.memory_space<hbm>> -> memref<1000000x32xf32, #tpu.memory_space<hbm>>
        tpu.enqueue_indirect_dma source(%dma_start3A_2220 : memref<1000000x32xf32, #tpu.memory_space<hbm>>) target(%dma_start3A_2214 : memref<50x32xf32, #tpu.memory_space<vmem>>) offsets(%dma_start3A_2217 : memref<50xi32, #tpu.memory_space<vmem>>) semaphore(%arg8 : memref<!tpu.dma_semaphore, #tpu.memory_space<semaphore_mem>>)
        %mul3A_2221 = arith.constant 16 : i32
        %mul3A_2222 = arith.muli %add3A_2055, %mul3A_2221 : i32
        %add3A_2223 = arith.constant 11 : i32
        %add3A_2224 = arith.addi %mul3A_2222, %add3A_2223 : i32
        %dma_start3A_2225 = arith.constant 11 : i32
        %dma_start3A_2226 = arith.constant 0 : i32
        %dma_start3A_2227 = arith.constant 0 : i32
        %dma_start3A_2228 = tpu.memref_slice %arg6[%dma_start3A_2225, %dma_start3A_2226, %dma_start3A_2227] : memref<16x50x32xf32, #tpu.memory_space<vmem>> -> memref<1x50x32xf32, #tpu.memory_space<vmem>>
        %dma_start3A_2229 = tpu.memref_squeeze %dma_start3A_2228 : memref<1x50x32xf32, #tpu.memory_space<vmem>> -> memref<50x32xf32, #tpu.memory_space<vmem>>
        %dma_start3A_2230 = arith.constant 0 : i32
        %dma_start3A_2231 = tpu.memref_slice %arg5[%add3A_2224, %dma_start3A_2230] : memref<512x50xi32, #tpu.memory_space<vmem>> -> memref<1x50xi32, #tpu.memory_space<vmem>>
        %dma_start3A_2232 = tpu.memref_squeeze %dma_start3A_2231 : memref<1x50xi32, #tpu.memory_space<vmem>> -> memref<50xi32, #tpu.memory_space<vmem>>
        %dma_start3A_2233 = arith.constant 0 : i32
        %dma_start3A_2234 = arith.constant 0 : i32
        %dma_start3A_2235 = tpu.memref_slice %arg2[%dma_start3A_2233, %dma_start3A_2234] : memref<1000000x32xf32, #tpu.memory_space<hbm>> -> memref<1000000x32xf32, #tpu.memory_space<hbm>>
        tpu.enqueue_indirect_dma source(%dma_start3A_2235 : memref<1000000x32xf32, #tpu.memory_space<hbm>>) target(%dma_start3A_2229 : memref<50x32xf32, #tpu.memory_space<vmem>>) offsets(%dma_start3A_2232 : memref<50xi32, #tpu.memory_space<vmem>>) semaphore(%arg8 : memref<!tpu.dma_semaphore, #tpu.memory_space<semaphore_mem>>)
        %mul3A_2236 = arith.constant 16 : i32
        %mul3A_2237 = arith.muli %add3A_2055, %mul3A_2236 : i32
        %add3A_2238 = arith.constant 12 : i32
        %add3A_2239 = arith.addi %mul3A_2237, %add3A_2238 : i32
        %dma_start3A_2240 = arith.constant 12 : i32
        %dma_start3A_2241 = arith.constant 0 : i32
        %dma_start3A_2242 = arith.constant 0 : i32
        %dma_start3A_2243 = tpu.memref_slice %arg6[%dma_start3A_2240, %dma_start3A_2241, %dma_start3A_2242] : memref<16x50x32xf32, #tpu.memory_space<vmem>> -> memref<1x50x32xf32, #tpu.memory_space<vmem>>
        %dma_start3A_2244 = tpu.memref_squeeze %dma_start3A_2243 : memref<1x50x32xf32, #tpu.memory_space<vmem>> -> memref<50x32xf32, #tpu.memory_space<vmem>>
        %dma_start3A_2245 = arith.constant 0 : i32
        %dma_start3A_2246 = tpu.memref_slice %arg5[%add3A_2239, %dma_start3A_2245] : memref<512x50xi32, #tpu.memory_space<vmem>> -> memref<1x50xi32, #tpu.memory_space<vmem>>
        %dma_start3A_2247 = tpu.memref_squeeze %dma_start3A_2246 : memref<1x50xi32, #tpu.memory_space<vmem>> -> memref<50xi32, #tpu.memory_space<vmem>>
        %dma_start3A_2248 = arith.constant 0 : i32
        %dma_start3A_2249 = arith.constant 0 : i32
        %dma_start3A_2250 = tpu.memref_slice %arg2[%dma_start3A_2248, %dma_start3A_2249] : memref<1000000x32xf32, #tpu.memory_space<hbm>> -> memref<1000000x32xf32, #tpu.memory_space<hbm>>
        tpu.enqueue_indirect_dma source(%dma_start3A_2250 : memref<1000000x32xf32, #tpu.memory_space<hbm>>) target(%dma_start3A_2244 : memref<50x32xf32, #tpu.memory_space<vmem>>) offsets(%dma_start3A_2247 : memref<50xi32, #tpu.memory_space<vmem>>) semaphore(%arg8 : memref<!tpu.dma_semaphore, #tpu.memory_space<semaphore_mem>>)
        %mul3A_2251 = arith.constant 16 : i32
        %mul3A_2252 = arith.muli %add3A_2055, %mul3A_2251 : i32
        %add3A_2253 = arith.constant 13 : i32
        %add3A_2254 = arith.addi %mul3A_2252, %add3A_2253 : i32
        %dma_start3A_2255 = arith.constant 13 : i32
        %dma_start3A_2256 = arith.constant 0 : i32
        %dma_start3A_2257 = arith.constant 0 : i32
        %dma_start3A_2258 = tpu.memref_slice %arg6[%dma_start3A_2255, %dma_start3A_2256, %dma_start3A_2257] : memref<16x50x32xf32, #tpu.memory_space<vmem>> -> memref<1x50x32xf32, #tpu.memory_space<vmem>>
        %dma_start3A_2259 = tpu.memref_squeeze %dma_start3A_2258 : memref<1x50x32xf32, #tpu.memory_space<vmem>> -> memref<50x32xf32, #tpu.memory_space<vmem>>
        %dma_start3A_2260 = arith.constant 0 : i32
        %dma_start3A_2261 = tpu.memref_slice %arg5[%add3A_2254, %dma_start3A_2260] : memref<512x50xi32, #tpu.memory_space<vmem>> -> memref<1x50xi32, #tpu.memory_space<vmem>>
        %dma_start3A_2262 = tpu.memref_squeeze %dma_start3A_2261 : memref<1x50xi32, #tpu.memory_space<vmem>> -> memref<50xi32, #tpu.memory_space<vmem>>
        %dma_start3A_2263 = arith.constant 0 : i32
        %dma_start3A_2264 = arith.constant 0 : i32
        %dma_start3A_2265 = tpu.memref_slice %arg2[%dma_start3A_2263, %dma_start3A_2264] : memref<1000000x32xf32, #tpu.memory_space<hbm>> -> memref<1000000x32xf32, #tpu.memory_space<hbm>>
        tpu.enqueue_indirect_dma source(%dma_start3A_2265 : memref<1000000x32xf32, #tpu.memory_space<hbm>>) target(%dma_start3A_2259 : memref<50x32xf32, #tpu.memory_space<vmem>>) offsets(%dma_start3A_2262 : memref<50xi32, #tpu.memory_space<vmem>>) semaphore(%arg8 : memref<!tpu.dma_semaphore, #tpu.memory_space<semaphore_mem>>)
        %mul3A_2266 = arith.constant 16 : i32
        %mul3A_2267 = arith.muli %add3A_2055, %mul3A_2266 : i32
        %add3A_2268 = arith.constant 14 : i32
        %add3A_2269 = arith.addi %mul3A_2267, %add3A_2268 : i32
        %dma_start3A_2270 = arith.constant 14 : i32
        %dma_start3A_2271 = arith.constant 0 : i32
        %dma_start3A_2272 = arith.constant 0 : i32
        %dma_start3A_2273 = tpu.memref_slice %arg6[%dma_start3A_2270, %dma_start3A_2271, %dma_start3A_2272] : memref<16x50x32xf32, #tpu.memory_space<vmem>> -> memref<1x50x32xf32, #tpu.memory_space<vmem>>
        %dma_start3A_2274 = tpu.memref_squeeze %dma_start3A_2273 : memref<1x50x32xf32, #tpu.memory_space<vmem>> -> memref<50x32xf32, #tpu.memory_space<vmem>>
        %dma_start3A_2275 = arith.constant 0 : i32
        %dma_start3A_2276 = tpu.memref_slice %arg5[%add3A_2269, %dma_start3A_2275] : memref<512x50xi32, #tpu.memory_space<vmem>> -> memref<1x50xi32, #tpu.memory_space<vmem>>
        %dma_start3A_2277 = tpu.memref_squeeze %dma_start3A_2276 : memref<1x50xi32, #tpu.memory_space<vmem>> -> memref<50xi32, #tpu.memory_space<vmem>>
        %dma_start3A_2278 = arith.constant 0 : i32
        %dma_start3A_2279 = arith.constant 0 : i32
        %dma_start3A_2280 = tpu.memref_slice %arg2[%dma_start3A_2278, %dma_start3A_2279] : memref<1000000x32xf32, #tpu.memory_space<hbm>> -> memref<1000000x32xf32, #tpu.memory_space<hbm>>
        tpu.enqueue_indirect_dma source(%dma_start3A_2280 : memref<1000000x32xf32, #tpu.memory_space<hbm>>) target(%dma_start3A_2274 : memref<50x32xf32, #tpu.memory_space<vmem>>) offsets(%dma_start3A_2277 : memref<50xi32, #tpu.memory_space<vmem>>) semaphore(%arg8 : memref<!tpu.dma_semaphore, #tpu.memory_space<semaphore_mem>>)
        %mul3A_2281 = arith.constant 16 : i32
        %mul3A_2282 = arith.muli %add3A_2055, %mul3A_2281 : i32
        %add3A_2283 = arith.constant 15 : i32
        %add3A_2284 = arith.addi %mul3A_2282, %add3A_2283 : i32
        %dma_start3A_2285 = arith.constant 15 : i32
        %dma_start3A_2286 = arith.constant 0 : i32
        %dma_start3A_2287 = arith.constant 0 : i32
        %dma_start3A_2288 = tpu.memref_slice %arg6[%dma_start3A_2285, %dma_start3A_2286, %dma_start3A_2287] : memref<16x50x32xf32, #tpu.memory_space<vmem>> -> memref<1x50x32xf32, #tpu.memory_space<vmem>>
        %dma_start3A_2289 = tpu.memref_squeeze %dma_start3A_2288 : memref<1x50x32xf32, #tpu.memory_space<vmem>> -> memref<50x32xf32, #tpu.memory_space<vmem>>
        %dma_start3A_2290 = arith.constant 0 : i32
        %dma_start3A_2291 = tpu.memref_slice %arg5[%add3A_2284, %dma_start3A_2290] : memref<512x50xi32, #tpu.memory_space<vmem>> -> memref<1x50xi32, #tpu.memory_space<vmem>>
        %dma_start3A_2292 = tpu.memref_squeeze %dma_start3A_2291 : memref<1x50xi32, #tpu.memory_space<vmem>> -> memref<50xi32, #tpu.memory_space<vmem>>
        %dma_start3A_2293 = arith.constant 0 : i32
        %dma_start3A_2294 = arith.constant 0 : i32
        %dma_start3A_2295 = tpu.memref_slice %arg2[%dma_start3A_2293, %dma_start3A_2294] : memref<1000000x32xf32, #tpu.memory_space<hbm>> -> memref<1000000x32xf32, #tpu.memory_space<hbm>>
        tpu.enqueue_indirect_dma source(%dma_start3A_2295 : memref<1000000x32xf32, #tpu.memory_space<hbm>>) target(%dma_start3A_2289 : memref<50x32xf32, #tpu.memory_space<vmem>>) offsets(%dma_start3A_2292 : memref<50xi32, #tpu.memory_space<vmem>>) semaphore(%arg8 : memref<!tpu.dma_semaphore, #tpu.memory_space<semaphore_mem>>)
      } else {
      }
      %mul3A_1734 = arith.constant 16 : i32
      %mul3A_1735 = arith.muli %add3A_445, %mul3A_1734 : i32
      %add3A_1736 = arith.addi %mul3A_2, %mul3A_1735 : i32
      %add3A_1737 = arith.constant 0 : i32
      %add3A_1738 = arith.addi %add3A_1736, %add3A_1737 : i32
      %mul3A_1739 = arith.constant 56 : i32
      %mul3A_1740 = arith.muli %add3A_1738, %mul3A_1739 : i32
      %dma_start3A_1741 = arith.constant 0 : i32
      %dma_start3A_1742 = arith.constant 0 : i32
      %dma_start3A_1743 = arith.constant 0 : i32
      %dma_start3A_1744 = tpu.memref_slice %arg7[%dma_start3A_1741, %dma_start3A_1742, %dma_start3A_1743] : memref<16x50x32xf32, #tpu.memory_space<vmem>> -> memref<1x50x32xf32, #tpu.memory_space<vmem>>
      %dma_start3A_1745 = tpu.memref_squeeze %dma_start3A_1744 : memref<1x50x32xf32, #tpu.memory_space<vmem>> -> memref<50x32xf32, #tpu.memory_space<vmem>>
      %dma_start3A_1746 = arith.constant 0 : i32
      %dma_start3A_1747 = tpu.memref_slice %arg4[%mul3A_1740, %dma_start3A_1746] : memref<917504x128xf32, #tpu.memory_space<hbm>> -> memref<50x32xf32, #tpu.memory_space<hbm>>
      %dma_start3A_1748 = arith.constant 0 : i32
      %dma_start3A_1749 = tpu.memref_slice %arg4[%mul3A_1740, %dma_start3A_1748] : memref<917504x128xf32, #tpu.memory_space<hbm>> -> memref<50x32xf32, #tpu.memory_space<hbm>>
      %dma_start3A_1750 = arith.constant 0 : i32
      %dma_start3A_1751 = arith.constant 0 : i32
      %dma_start3A_1752 = tpu.memref_slice %arg7[%dma_start3A_1741, %dma_start3A_1750, %dma_start3A_1751] : memref<16x50x32xf32, #tpu.memory_space<vmem>> -> memref<1x50x32xf32, #tpu.memory_space<vmem>>
      %dma_start3A_1753 = tpu.memref_squeeze %dma_start3A_1752 : memref<1x50x32xf32, #tpu.memory_space<vmem>> -> memref<50x32xf32, #tpu.memory_space<vmem>>
      tpu.enqueue_dma source(%dma_start3A_1753 : memref<50x32xf32, #tpu.memory_space<vmem>>) target(%dma_start3A_1749 : memref<50x32xf32, #tpu.memory_space<hbm>>) target_semaphore(%arg11 : memref<!tpu.dma_semaphore, #tpu.memory_space<semaphore_mem>>)
      %mul3A_1754 = arith.constant 16 : i32
      %mul3A_1755 = arith.muli %add3A_445, %mul3A_1754 : i32
      %add3A_1756 = arith.addi %mul3A_2, %mul3A_1755 : i32
      %add3A_1757 = arith.constant 1 : i32
      %add3A_1758 = arith.addi %add3A_1756, %add3A_1757 : i32
      %mul3A_1759 = arith.constant 56 : i32
      %mul3A_1760 = arith.muli %add3A_1758, %mul3A_1759 : i32
      %dma_start3A_1761 = arith.constant 1 : i32
      %dma_start3A_1762 = arith.constant 0 : i32
      %dma_start3A_1763 = arith.constant 0 : i32
      %dma_start3A_1764 = tpu.memref_slice %arg7[%dma_start3A_1761, %dma_start3A_1762, %dma_start3A_1763] : memref<16x50x32xf32, #tpu.memory_space<vmem>> -> memref<1x50x32xf32, #tpu.memory_space<vmem>>
      %dma_start3A_1765 = tpu.memref_squeeze %dma_start3A_1764 : memref<1x50x32xf32, #tpu.memory_space<vmem>> -> memref<50x32xf32, #tpu.memory_space<vmem>>
      %dma_start3A_1766 = arith.constant 0 : i32
      %dma_start3A_1767 = tpu.memref_slice %arg4[%mul3A_1760, %dma_start3A_1766] : memref<917504x128xf32, #tpu.memory_space<hbm>> -> memref<50x32xf32, #tpu.memory_space<hbm>>
      %dma_start3A_1768 = arith.constant 0 : i32
      %dma_start3A_1769 = tpu.memref_slice %arg4[%mul3A_1760, %dma_start3A_1768] : memref<917504x128xf32, #tpu.memory_space<hbm>> -> memref<50x32xf32, #tpu.memory_space<hbm>>
      %dma_start3A_1770 = arith.constant 0 : i32
      %dma_start3A_1771 = arith.constant 0 : i32
      %dma_start3A_1772 = tpu.memref_slice %arg7[%dma_start3A_1761, %dma_start3A_1770, %dma_start3A_1771] : memref<16x50x32xf32, #tpu.memory_space<vmem>> -> memref<1x50x32xf32, #tpu.memory_space<vmem>>
      %dma_start3A_1773 = tpu.memref_squeeze %dma_start3A_1772 : memref<1x50x32xf32, #tpu.memory_space<vmem>> -> memref<50x32xf32, #tpu.memory_space<vmem>>
      tpu.enqueue_dma source(%dma_start3A_1773 : memref<50x32xf32, #tpu.memory_space<vmem>>) target(%dma_start3A_1769 : memref<50x32xf32, #tpu.memory_space<hbm>>) target_semaphore(%arg11 : memref<!tpu.dma_semaphore, #tpu.memory_space<semaphore_mem>>)
      %mul3A_1774 = arith.constant 16 : i32
      %mul3A_1775 = arith.muli %add3A_445, %mul3A_1774 : i32
      %add3A_1776 = arith.addi %mul3A_2, %mul3A_1775 : i32
      %add3A_1777 = arith.constant 2 : i32
      %add3A_1778 = arith.addi %add3A_1776, %add3A_1777 : i32
      %mul3A_1779 = arith.constant 56 : i32
      %mul3A_1780 = arith.muli %add3A_1778, %mul3A_1779 : i32
      %dma_start3A_1781 = arith.constant 2 : i32
      %dma_start3A_1782 = arith.constant 0 : i32
      %dma_start3A_1783 = arith.constant 0 : i32
      %dma_start3A_1784 = tpu.memref_slice %arg7[%dma_start3A_1781, %dma_start3A_1782, %dma_start3A_1783] : memref<16x50x32xf32, #tpu.memory_space<vmem>> -> memref<1x50x32xf32, #tpu.memory_space<vmem>>
      %dma_start3A_1785 = tpu.memref_squeeze %dma_start3A_1784 : memref<1x50x32xf32, #tpu.memory_space<vmem>> -> memref<50x32xf32, #tpu.memory_space<vmem>>
      %dma_start3A_1786 = arith.constant 0 : i32
      %dma_start3A_1787 = tpu.memref_slice %arg4[%mul3A_1780, %dma_start3A_1786] : memref<917504x128xf32, #tpu.memory_space<hbm>> -> memref<50x32xf32, #tpu.memory_space<hbm>>
      %dma_start3A_1788 = arith.constant 0 : i32
      %dma_start3A_1789 = tpu.memref_slice %arg4[%mul3A_1780, %dma_start3A_1788] : memref<917504x128xf32, #tpu.memory_space<hbm>> -> memref<50x32xf32, #tpu.memory_space<hbm>>
      %dma_start3A_1790 = arith.constant 0 : i32
      %dma_start3A_1791 = arith.constant 0 : i32
      %dma_start3A_1792 = tpu.memref_slice %arg7[%dma_start3A_1781, %dma_start3A_1790, %dma_start3A_1791] : memref<16x50x32xf32, #tpu.memory_space<vmem>> -> memref<1x50x32xf32, #tpu.memory_space<vmem>>
      %dma_start3A_1793 = tpu.memref_squeeze %dma_start3A_1792 : memref<1x50x32xf32, #tpu.memory_space<vmem>> -> memref<50x32xf32, #tpu.memory_space<vmem>>
      tpu.enqueue_dma source(%dma_start3A_1793 : memref<50x32xf32, #tpu.memory_space<vmem>>) target(%dma_start3A_1789 : memref<50x32xf32, #tpu.memory_space<hbm>>) target_semaphore(%arg11 : memref<!tpu.dma_semaphore, #tpu.memory_space<semaphore_mem>>)
      %mul3A_1794 = arith.constant 16 : i32
      %mul3A_1795 = arith.muli %add3A_445, %mul3A_1794 : i32
      %add3A_1796 = arith.addi %mul3A_2, %mul3A_1795 : i32
      %add3A_1797 = arith.constant 3 : i32
      %add3A_1798 = arith.addi %add3A_1796, %add3A_1797 : i32
      %mul3A_1799 = arith.constant 56 : i32
      %mul3A_1800 = arith.muli %add3A_1798, %mul3A_1799 : i32
      %dma_start3A_1801 = arith.constant 3 : i32
      %dma_start3A_1802 = arith.constant 0 : i32
      %dma_start3A_1803 = arith.constant 0 : i32
      %dma_start3A_1804 = tpu.memref_slice %arg7[%dma_start3A_1801, %dma_start3A_1802, %dma_start3A_1803] : memref<16x50x32xf32, #tpu.memory_space<vmem>> -> memref<1x50x32xf32, #tpu.memory_space<vmem>>
      %dma_start3A_1805 = tpu.memref_squeeze %dma_start3A_1804 : memref<1x50x32xf32, #tpu.memory_space<vmem>> -> memref<50x32xf32, #tpu.memory_space<vmem>>
      %dma_start3A_1806 = arith.constant 0 : i32
      %dma_start3A_1807 = tpu.memref_slice %arg4[%mul3A_1800, %dma_start3A_1806] : memref<917504x128xf32, #tpu.memory_space<hbm>> -> memref<50x32xf32, #tpu.memory_space<hbm>>
      %dma_start3A_1808 = arith.constant 0 : i32
      %dma_start3A_1809 = tpu.memref_slice %arg4[%mul3A_1800, %dma_start3A_1808] : memref<917504x128xf32, #tpu.memory_space<hbm>> -> memref<50x32xf32, #tpu.memory_space<hbm>>
      %dma_start3A_1810 = arith.constant 0 : i32
      %dma_start3A_1811 = arith.constant 0 : i32
      %dma_start3A_1812 = tpu.memref_slice %arg7[%dma_start3A_1801, %dma_start3A_1810, %dma_start3A_1811] : memref<16x50x32xf32, #tpu.memory_space<vmem>> -> memref<1x50x32xf32, #tpu.memory_space<vmem>>
      %dma_start3A_1813 = tpu.memref_squeeze %dma_start3A_1812 : memref<1x50x32xf32, #tpu.memory_space<vmem>> -> memref<50x32xf32, #tpu.memory_space<vmem>>
      tpu.enqueue_dma source(%dma_start3A_1813 : memref<50x32xf32, #tpu.memory_space<vmem>>) target(%dma_start3A_1809 : memref<50x32xf32, #tpu.memory_space<hbm>>) target_semaphore(%arg11 : memref<!tpu.dma_semaphore, #tpu.memory_space<semaphore_mem>>)
      %mul3A_1814 = arith.constant 16 : i32
      %mul3A_1815 = arith.muli %add3A_445, %mul3A_1814 : i32
      %add3A_1816 = arith.addi %mul3A_2, %mul3A_1815 : i32
      %add3A_1817 = arith.constant 4 : i32
      %add3A_1818 = arith.addi %add3A_1816, %add3A_1817 : i32
      %mul3A_1819 = arith.constant 56 : i32
      %mul3A_1820 = arith.muli %add3A_1818, %mul3A_1819 : i32
      %dma_start3A_1821 = arith.constant 4 : i32
      %dma_start3A_1822 = arith.constant 0 : i32
      %dma_start3A_1823 = arith.constant 0 : i32
      %dma_start3A_1824 = tpu.memref_slice %arg7[%dma_start3A_1821, %dma_start3A_1822, %dma_start3A_1823] : memref<16x50x32xf32, #tpu.memory_space<vmem>> -> memref<1x50x32xf32, #tpu.memory_space<vmem>>
      %dma_start3A_1825 = tpu.memref_squeeze %dma_start3A_1824 : memref<1x50x32xf32, #tpu.memory_space<vmem>> -> memref<50x32xf32, #tpu.memory_space<vmem>>
      %dma_start3A_1826 = arith.constant 0 : i32
      %dma_start3A_1827 = tpu.memref_slice %arg4[%mul3A_1820, %dma_start3A_1826] : memref<917504x128xf32, #tpu.memory_space<hbm>> -> memref<50x32xf32, #tpu.memory_space<hbm>>
      %dma_start3A_1828 = arith.constant 0 : i32
      %dma_start3A_1829 = tpu.memref_slice %arg4[%mul3A_1820, %dma_start3A_1828] : memref<917504x128xf32, #tpu.memory_space<hbm>> -> memref<50x32xf32, #tpu.memory_space<hbm>>
      %dma_start3A_1830 = arith.constant 0 : i32
      %dma_start3A_1831 = arith.constant 0 : i32
      %dma_start3A_1832 = tpu.memref_slice %arg7[%dma_start3A_1821, %dma_start3A_1830, %dma_start3A_1831] : memref<16x50x32xf32, #tpu.memory_space<vmem>> -> memref<1x50x32xf32, #tpu.memory_space<vmem>>
      %dma_start3A_1833 = tpu.memref_squeeze %dma_start3A_1832 : memref<1x50x32xf32, #tpu.memory_space<vmem>> -> memref<50x32xf32, #tpu.memory_space<vmem>>
      tpu.enqueue_dma source(%dma_start3A_1833 : memref<50x32xf32, #tpu.memory_space<vmem>>) target(%dma_start3A_1829 : memref<50x32xf32, #tpu.memory_space<hbm>>) target_semaphore(%arg11 : memref<!tpu.dma_semaphore, #tpu.memory_space<semaphore_mem>>)
      %mul3A_1834 = arith.constant 16 : i32
      %mul3A_1835 = arith.muli %add3A_445, %mul3A_1834 : i32
      %add3A_1836 = arith.addi %mul3A_2, %mul3A_1835 : i32
      %add3A_1837 = arith.constant 5 : i32
      %add3A_1838 = arith.addi %add3A_1836, %add3A_1837 : i32
      %mul3A_1839 = arith.constant 56 : i32
      %mul3A_1840 = arith.muli %add3A_1838, %mul3A_1839 : i32
      %dma_start3A_1841 = arith.constant 5 : i32
      %dma_start3A_1842 = arith.constant 0 : i32
      %dma_start3A_1843 = arith.constant 0 : i32
      %dma_start3A_1844 = tpu.memref_slice %arg7[%dma_start3A_1841, %dma_start3A_1842, %dma_start3A_1843] : memref<16x50x32xf32, #tpu.memory_space<vmem>> -> memref<1x50x32xf32, #tpu.memory_space<vmem>>
      %dma_start3A_1845 = tpu.memref_squeeze %dma_start3A_1844 : memref<1x50x32xf32, #tpu.memory_space<vmem>> -> memref<50x32xf32, #tpu.memory_space<vmem>>
      %dma_start3A_1846 = arith.constant 0 : i32
      %dma_start3A_1847 = tpu.memref_slice %arg4[%mul3A_1840, %dma_start3A_1846] : memref<917504x128xf32, #tpu.memory_space<hbm>> -> memref<50x32xf32, #tpu.memory_space<hbm>>
      %dma_start3A_1848 = arith.constant 0 : i32
      %dma_start3A_1849 = tpu.memref_slice %arg4[%mul3A_1840, %dma_start3A_1848] : memref<917504x128xf32, #tpu.memory_space<hbm>> -> memref<50x32xf32, #tpu.memory_space<hbm>>
      %dma_start3A_1850 = arith.constant 0 : i32
      %dma_start3A_1851 = arith.constant 0 : i32
      %dma_start3A_1852 = tpu.memref_slice %arg7[%dma_start3A_1841, %dma_start3A_1850, %dma_start3A_1851] : memref<16x50x32xf32, #tpu.memory_space<vmem>> -> memref<1x50x32xf32, #tpu.memory_space<vmem>>
      %dma_start3A_1853 = tpu.memref_squeeze %dma_start3A_1852 : memref<1x50x32xf32, #tpu.memory_space<vmem>> -> memref<50x32xf32, #tpu.memory_space<vmem>>
      tpu.enqueue_dma source(%dma_start3A_1853 : memref<50x32xf32, #tpu.memory_space<vmem>>) target(%dma_start3A_1849 : memref<50x32xf32, #tpu.memory_space<hbm>>) target_semaphore(%arg11 : memref<!tpu.dma_semaphore, #tpu.memory_space<semaphore_mem>>)
      %mul3A_1854 = arith.constant 16 : i32
      %mul3A_1855 = arith.muli %add3A_445, %mul3A_1854 : i32
      %add3A_1856 = arith.addi %mul3A_2, %mul3A_1855 : i32
      %add3A_1857 = arith.constant 6 : i32
      %add3A_1858 = arith.addi %add3A_1856, %add3A_1857 : i32
      %mul3A_1859 = arith.constant 56 : i32
      %mul3A_1860 = arith.muli %add3A_1858, %mul3A_1859 : i32
      %dma_start3A_1861 = arith.constant 6 : i32
      %dma_start3A_1862 = arith.constant 0 : i32
      %dma_start3A_1863 = arith.constant 0 : i32
      %dma_start3A_1864 = tpu.memref_slice %arg7[%dma_start3A_1861, %dma_start3A_1862, %dma_start3A_1863] : memref<16x50x32xf32, #tpu.memory_space<vmem>> -> memref<1x50x32xf32, #tpu.memory_space<vmem>>
      %dma_start3A_1865 = tpu.memref_squeeze %dma_start3A_1864 : memref<1x50x32xf32, #tpu.memory_space<vmem>> -> memref<50x32xf32, #tpu.memory_space<vmem>>
      %dma_start3A_1866 = arith.constant 0 : i32
      %dma_start3A_1867 = tpu.memref_slice %arg4[%mul3A_1860, %dma_start3A_1866] : memref<917504x128xf32, #tpu.memory_space<hbm>> -> memref<50x32xf32, #tpu.memory_space<hbm>>
      %dma_start3A_1868 = arith.constant 0 : i32
      %dma_start3A_1869 = tpu.memref_slice %arg4[%mul3A_1860, %dma_start3A_1868] : memref<917504x128xf32, #tpu.memory_space<hbm>> -> memref<50x32xf32, #tpu.memory_space<hbm>>
      %dma_start3A_1870 = arith.constant 0 : i32
      %dma_start3A_1871 = arith.constant 0 : i32
      %dma_start3A_1872 = tpu.memref_slice %arg7[%dma_start3A_1861, %dma_start3A_1870, %dma_start3A_1871] : memref<16x50x32xf32, #tpu.memory_space<vmem>> -> memref<1x50x32xf32, #tpu.memory_space<vmem>>
      %dma_start3A_1873 = tpu.memref_squeeze %dma_start3A_1872 : memref<1x50x32xf32, #tpu.memory_space<vmem>> -> memref<50x32xf32, #tpu.memory_space<vmem>>
      tpu.enqueue_dma source(%dma_start3A_1873 : memref<50x32xf32, #tpu.memory_space<vmem>>) target(%dma_start3A_1869 : memref<50x32xf32, #tpu.memory_space<hbm>>) target_semaphore(%arg11 : memref<!tpu.dma_semaphore, #tpu.memory_space<semaphore_mem>>)
      %mul3A_1874 = arith.constant 16 : i32
      %mul3A_1875 = arith.muli %add3A_445, %mul3A_1874 : i32
      %add3A_1876 = arith.addi %mul3A_2, %mul3A_1875 : i32
      %add3A_1877 = arith.constant 7 : i32
      %add3A_1878 = arith.addi %add3A_1876, %add3A_1877 : i32
      %mul3A_1879 = arith.constant 56 : i32
      %mul3A_1880 = arith.muli %add3A_1878, %mul3A_1879 : i32
      %dma_start3A_1881 = arith.constant 7 : i32
      %dma_start3A_1882 = arith.constant 0 : i32
      %dma_start3A_1883 = arith.constant 0 : i32
      %dma_start3A_1884 = tpu.memref_slice %arg7[%dma_start3A_1881, %dma_start3A_1882, %dma_start3A_1883] : memref<16x50x32xf32, #tpu.memory_space<vmem>> -> memref<1x50x32xf32, #tpu.memory_space<vmem>>
      %dma_start3A_1885 = tpu.memref_squeeze %dma_start3A_1884 : memref<1x50x32xf32, #tpu.memory_space<vmem>> -> memref<50x32xf32, #tpu.memory_space<vmem>>
      %dma_start3A_1886 = arith.constant 0 : i32
      %dma_start3A_1887 = tpu.memref_slice %arg4[%mul3A_1880, %dma_start3A_1886] : memref<917504x128xf32, #tpu.memory_space<hbm>> -> memref<50x32xf32, #tpu.memory_space<hbm>>
      %dma_start3A_1888 = arith.constant 0 : i32
      %dma_start3A_1889 = tpu.memref_slice %arg4[%mul3A_1880, %dma_start3A_1888] : memref<917504x128xf32, #tpu.memory_space<hbm>> -> memref<50x32xf32, #tpu.memory_space<hbm>>
      %dma_start3A_1890 = arith.constant 0 : i32
      %dma_start3A_1891 = arith.constant 0 : i32
      %dma_start3A_1892 = tpu.memref_slice %arg7[%dma_start3A_1881, %dma_start3A_1890, %dma_start3A_1891] : memref<16x50x32xf32, #tpu.memory_space<vmem>> -> memref<1x50x32xf32, #tpu.memory_space<vmem>>
      %dma_start3A_1893 = tpu.memref_squeeze %dma_start3A_1892 : memref<1x50x32xf32, #tpu.memory_space<vmem>> -> memref<50x32xf32, #tpu.memory_space<vmem>>
      tpu.enqueue_dma source(%dma_start3A_1893 : memref<50x32xf32, #tpu.memory_space<vmem>>) target(%dma_start3A_1889 : memref<50x32xf32, #tpu.memory_space<hbm>>) target_semaphore(%arg11 : memref<!tpu.dma_semaphore, #tpu.memory_space<semaphore_mem>>)
      %mul3A_1894 = arith.constant 16 : i32
      %mul3A_1895 = arith.muli %add3A_445, %mul3A_1894 : i32
      %add3A_1896 = arith.addi %mul3A_2, %mul3A_1895 : i32
      %add3A_1897 = arith.constant 8 : i32
      %add3A_1898 = arith.addi %add3A_1896, %add3A_1897 : i32
      %mul3A_1899 = arith.constant 56 : i32
      %mul3A_1900 = arith.muli %add3A_1898, %mul3A_1899 : i32
      %dma_start3A_1901 = arith.constant 8 : i32
      %dma_start3A_1902 = arith.constant 0 : i32
      %dma_start3A_1903 = arith.constant 0 : i32
      %dma_start3A_1904 = tpu.memref_slice %arg7[%dma_start3A_1901, %dma_start3A_1902, %dma_start3A_1903] : memref<16x50x32xf32, #tpu.memory_space<vmem>> -> memref<1x50x32xf32, #tpu.memory_space<vmem>>
      %dma_start3A_1905 = tpu.memref_squeeze %dma_start3A_1904 : memref<1x50x32xf32, #tpu.memory_space<vmem>> -> memref<50x32xf32, #tpu.memory_space<vmem>>
      %dma_start3A_1906 = arith.constant 0 : i32
      %dma_start3A_1907 = tpu.memref_slice %arg4[%mul3A_1900, %dma_start3A_1906] : memref<917504x128xf32, #tpu.memory_space<hbm>> -> memref<50x32xf32, #tpu.memory_space<hbm>>
      %dma_start3A_1908 = arith.constant 0 : i32
      %dma_start3A_1909 = tpu.memref_slice %arg4[%mul3A_1900, %dma_start3A_1908] : memref<917504x128xf32, #tpu.memory_space<hbm>> -> memref<50x32xf32, #tpu.memory_space<hbm>>
      %dma_start3A_1910 = arith.constant 0 : i32
      %dma_start3A_1911 = arith.constant 0 : i32
      %dma_start3A_1912 = tpu.memref_slice %arg7[%dma_start3A_1901, %dma_start3A_1910, %dma_start3A_1911] : memref<16x50x32xf32, #tpu.memory_space<vmem>> -> memref<1x50x32xf32, #tpu.memory_space<vmem>>
      %dma_start3A_1913 = tpu.memref_squeeze %dma_start3A_1912 : memref<1x50x32xf32, #tpu.memory_space<vmem>> -> memref<50x32xf32, #tpu.memory_space<vmem>>
      tpu.enqueue_dma source(%dma_start3A_1913 : memref<50x32xf32, #tpu.memory_space<vmem>>) target(%dma_start3A_1909 : memref<50x32xf32, #tpu.memory_space<hbm>>) target_semaphore(%arg11 : memref<!tpu.dma_semaphore, #tpu.memory_space<semaphore_mem>>)
      %mul3A_1914 = arith.constant 16 : i32
      %mul3A_1915 = arith.muli %add3A_445, %mul3A_1914 : i32
      %add3A_1916 = arith.addi %mul3A_2, %mul3A_1915 : i32
      %add3A_1917 = arith.constant 9 : i32
      %add3A_1918 = arith.addi %add3A_1916, %add3A_1917 : i32
      %mul3A_1919 = arith.constant 56 : i32
      %mul3A_1920 = arith.muli %add3A_1918, %mul3A_1919 : i32
      %dma_start3A_1921 = arith.constant 9 : i32
      %dma_start3A_1922 = arith.constant 0 : i32
      %dma_start3A_1923 = arith.constant 0 : i32
      %dma_start3A_1924 = tpu.memref_slice %arg7[%dma_start3A_1921, %dma_start3A_1922, %dma_start3A_1923] : memref<16x50x32xf32, #tpu.memory_space<vmem>> -> memref<1x50x32xf32, #tpu.memory_space<vmem>>
      %dma_start3A_1925 = tpu.memref_squeeze %dma_start3A_1924 : memref<1x50x32xf32, #tpu.memory_space<vmem>> -> memref<50x32xf32, #tpu.memory_space<vmem>>
      %dma_start3A_1926 = arith.constant 0 : i32
      %dma_start3A_1927 = tpu.memref_slice %arg4[%mul3A_1920, %dma_start3A_1926] : memref<917504x128xf32, #tpu.memory_space<hbm>> -> memref<50x32xf32, #tpu.memory_space<hbm>>
      %dma_start3A_1928 = arith.constant 0 : i32
      %dma_start3A_1929 = tpu.memref_slice %arg4[%mul3A_1920, %dma_start3A_1928] : memref<917504x128xf32, #tpu.memory_space<hbm>> -> memref<50x32xf32, #tpu.memory_space<hbm>>
      %dma_start3A_1930 = arith.constant 0 : i32
      %dma_start3A_1931 = arith.constant 0 : i32
      %dma_start3A_1932 = tpu.memref_slice %arg7[%dma_start3A_1921, %dma_start3A_1930, %dma_start3A_1931] : memref<16x50x32xf32, #tpu.memory_space<vmem>> -> memref<1x50x32xf32, #tpu.memory_space<vmem>>
      %dma_start3A_1933 = tpu.memref_squeeze %dma_start3A_1932 : memref<1x50x32xf32, #tpu.memory_space<vmem>> -> memref<50x32xf32, #tpu.memory_space<vmem>>
      tpu.enqueue_dma source(%dma_start3A_1933 : memref<50x32xf32, #tpu.memory_space<vmem>>) target(%dma_start3A_1929 : memref<50x32xf32, #tpu.memory_space<hbm>>) target_semaphore(%arg11 : memref<!tpu.dma_semaphore, #tpu.memory_space<semaphore_mem>>)
      %mul3A_1934 = arith.constant 16 : i32
      %mul3A_1935 = arith.muli %add3A_445, %mul3A_1934 : i32
      %add3A_1936 = arith.addi %mul3A_2, %mul3A_1935 : i32
      %add3A_1937 = arith.constant 10 : i32
      %add3A_1938 = arith.addi %add3A_1936, %add3A_1937 : i32
      %mul3A_1939 = arith.constant 56 : i32
      %mul3A_1940 = arith.muli %add3A_1938, %mul3A_1939 : i32
      %dma_start3A_1941 = arith.constant 10 : i32
      %dma_start3A_1942 = arith.constant 0 : i32
      %dma_start3A_1943 = arith.constant 0 : i32
      %dma_start3A_1944 = tpu.memref_slice %arg7[%dma_start3A_1941, %dma_start3A_1942, %dma_start3A_1943] : memref<16x50x32xf32, #tpu.memory_space<vmem>> -> memref<1x50x32xf32, #tpu.memory_space<vmem>>
      %dma_start3A_1945 = tpu.memref_squeeze %dma_start3A_1944 : memref<1x50x32xf32, #tpu.memory_space<vmem>> -> memref<50x32xf32, #tpu.memory_space<vmem>>
      %dma_start3A_1946 = arith.constant 0 : i32
      %dma_start3A_1947 = tpu.memref_slice %arg4[%mul3A_1940, %dma_start3A_1946] : memref<917504x128xf32, #tpu.memory_space<hbm>> -> memref<50x32xf32, #tpu.memory_space<hbm>>
      %dma_start3A_1948 = arith.constant 0 : i32
      %dma_start3A_1949 = tpu.memref_slice %arg4[%mul3A_1940, %dma_start3A_1948] : memref<917504x128xf32, #tpu.memory_space<hbm>> -> memref<50x32xf32, #tpu.memory_space<hbm>>
      %dma_start3A_1950 = arith.constant 0 : i32
      %dma_start3A_1951 = arith.constant 0 : i32
      %dma_start3A_1952 = tpu.memref_slice %arg7[%dma_start3A_1941, %dma_start3A_1950, %dma_start3A_1951] : memref<16x50x32xf32, #tpu.memory_space<vmem>> -> memref<1x50x32xf32, #tpu.memory_space<vmem>>
      %dma_start3A_1953 = tpu.memref_squeeze %dma_start3A_1952 : memref<1x50x32xf32, #tpu.memory_space<vmem>> -> memref<50x32xf32, #tpu.memory_space<vmem>>
      tpu.enqueue_dma source(%dma_start3A_1953 : memref<50x32xf32, #tpu.memory_space<vmem>>) target(%dma_start3A_1949 : memref<50x32xf32, #tpu.memory_space<hbm>>) target_semaphore(%arg11 : memref<!tpu.dma_semaphore, #tpu.memory_space<semaphore_mem>>)
      %mul3A_1954 = arith.constant 16 : i32
      %mul3A_1955 = arith.muli %add3A_445, %mul3A_1954 : i32
      %add3A_1956 = arith.addi %mul3A_2, %mul3A_1955 : i32
      %add3A_1957 = arith.constant 11 : i32
      %add3A_1958 = arith.addi %add3A_1956, %add3A_1957 : i32
      %mul3A_1959 = arith.constant 56 : i32
      %mul3A_1960 = arith.muli %add3A_1958, %mul3A_1959 : i32
      %dma_start3A_1961 = arith.constant 11 : i32
      %dma_start3A_1962 = arith.constant 0 : i32
      %dma_start3A_1963 = arith.constant 0 : i32
      %dma_start3A_1964 = tpu.memref_slice %arg7[%dma_start3A_1961, %dma_start3A_1962, %dma_start3A_1963] : memref<16x50x32xf32, #tpu.memory_space<vmem>> -> memref<1x50x32xf32, #tpu.memory_space<vmem>>
      %dma_start3A_1965 = tpu.memref_squeeze %dma_start3A_1964 : memref<1x50x32xf32, #tpu.memory_space<vmem>> -> memref<50x32xf32, #tpu.memory_space<vmem>>
      %dma_start3A_1966 = arith.constant 0 : i32
      %dma_start3A_1967 = tpu.memref_slice %arg4[%mul3A_1960, %dma_start3A_1966] : memref<917504x128xf32, #tpu.memory_space<hbm>> -> memref<50x32xf32, #tpu.memory_space<hbm>>
      %dma_start3A_1968 = arith.constant 0 : i32
      %dma_start3A_1969 = tpu.memref_slice %arg4[%mul3A_1960, %dma_start3A_1968] : memref<917504x128xf32, #tpu.memory_space<hbm>> -> memref<50x32xf32, #tpu.memory_space<hbm>>
      %dma_start3A_1970 = arith.constant 0 : i32
      %dma_start3A_1971 = arith.constant 0 : i32
      %dma_start3A_1972 = tpu.memref_slice %arg7[%dma_start3A_1961, %dma_start3A_1970, %dma_start3A_1971] : memref<16x50x32xf32, #tpu.memory_space<vmem>> -> memref<1x50x32xf32, #tpu.memory_space<vmem>>
      %dma_start3A_1973 = tpu.memref_squeeze %dma_start3A_1972 : memref<1x50x32xf32, #tpu.memory_space<vmem>> -> memref<50x32xf32, #tpu.memory_space<vmem>>
      tpu.enqueue_dma source(%dma_start3A_1973 : memref<50x32xf32, #tpu.memory_space<vmem>>) target(%dma_start3A_1969 : memref<50x32xf32, #tpu.memory_space<hbm>>) target_semaphore(%arg11 : memref<!tpu.dma_semaphore, #tpu.memory_space<semaphore_mem>>)
      %mul3A_1974 = arith.constant 16 : i32
      %mul3A_1975 = arith.muli %add3A_445, %mul3A_1974 : i32
      %add3A_1976 = arith.addi %mul3A_2, %mul3A_1975 : i32
      %add3A_1977 = arith.constant 12 : i32
      %add3A_1978 = arith.addi %add3A_1976, %add3A_1977 : i32
      %mul3A_1979 = arith.constant 56 : i32
      %mul3A_1980 = arith.muli %add3A_1978, %mul3A_1979 : i32
      %dma_start3A_1981 = arith.constant 12 : i32
      %dma_start3A_1982 = arith.constant 0 : i32
      %dma_start3A_1983 = arith.constant 0 : i32
      %dma_start3A_1984 = tpu.memref_slice %arg7[%dma_start3A_1981, %dma_start3A_1982, %dma_start3A_1983] : memref<16x50x32xf32, #tpu.memory_space<vmem>> -> memref<1x50x32xf32, #tpu.memory_space<vmem>>
      %dma_start3A_1985 = tpu.memref_squeeze %dma_start3A_1984 : memref<1x50x32xf32, #tpu.memory_space<vmem>> -> memref<50x32xf32, #tpu.memory_space<vmem>>
      %dma_start3A_1986 = arith.constant 0 : i32
      %dma_start3A_1987 = tpu.memref_slice %arg4[%mul3A_1980, %dma_start3A_1986] : memref<917504x128xf32, #tpu.memory_space<hbm>> -> memref<50x32xf32, #tpu.memory_space<hbm>>
      %dma_start3A_1988 = arith.constant 0 : i32
      %dma_start3A_1989 = tpu.memref_slice %arg4[%mul3A_1980, %dma_start3A_1988] : memref<917504x128xf32, #tpu.memory_space<hbm>> -> memref<50x32xf32, #tpu.memory_space<hbm>>
      %dma_start3A_1990 = arith.constant 0 : i32
      %dma_start3A_1991 = arith.constant 0 : i32
      %dma_start3A_1992 = tpu.memref_slice %arg7[%dma_start3A_1981, %dma_start3A_1990, %dma_start3A_1991] : memref<16x50x32xf32, #tpu.memory_space<vmem>> -> memref<1x50x32xf32, #tpu.memory_space<vmem>>
      %dma_start3A_1993 = tpu.memref_squeeze %dma_start3A_1992 : memref<1x50x32xf32, #tpu.memory_space<vmem>> -> memref<50x32xf32, #tpu.memory_space<vmem>>
      tpu.enqueue_dma source(%dma_start3A_1993 : memref<50x32xf32, #tpu.memory_space<vmem>>) target(%dma_start3A_1989 : memref<50x32xf32, #tpu.memory_space<hbm>>) target_semaphore(%arg11 : memref<!tpu.dma_semaphore, #tpu.memory_space<semaphore_mem>>)
      %mul3A_1994 = arith.constant 16 : i32
      %mul3A_1995 = arith.muli %add3A_445, %mul3A_1994 : i32
      %add3A_1996 = arith.addi %mul3A_2, %mul3A_1995 : i32
      %add3A_1997 = arith.constant 13 : i32
      %add3A_1998 = arith.addi %add3A_1996, %add3A_1997 : i32
      %mul3A_1999 = arith.constant 56 : i32
      %mul3A_2000 = arith.muli %add3A_1998, %mul3A_1999 : i32
      %dma_start3A_2001 = arith.constant 13 : i32
      %dma_start3A_2002 = arith.constant 0 : i32
      %dma_start3A_2003 = arith.constant 0 : i32
      %dma_start3A_2004 = tpu.memref_slice %arg7[%dma_start3A_2001, %dma_start3A_2002, %dma_start3A_2003] : memref<16x50x32xf32, #tpu.memory_space<vmem>> -> memref<1x50x32xf32, #tpu.memory_space<vmem>>
      %dma_start3A_2005 = tpu.memref_squeeze %dma_start3A_2004 : memref<1x50x32xf32, #tpu.memory_space<vmem>> -> memref<50x32xf32, #tpu.memory_space<vmem>>
      %dma_start3A_2006 = arith.constant 0 : i32
      %dma_start3A_2007 = tpu.memref_slice %arg4[%mul3A_2000, %dma_start3A_2006] : memref<917504x128xf32, #tpu.memory_space<hbm>> -> memref<50x32xf32, #tpu.memory_space<hbm>>
      %dma_start3A_2008 = arith.constant 0 : i32
      %dma_start3A_2009 = tpu.memref_slice %arg4[%mul3A_2000, %dma_start3A_2008] : memref<917504x128xf32, #tpu.memory_space<hbm>> -> memref<50x32xf32, #tpu.memory_space<hbm>>
      %dma_start3A_2010 = arith.constant 0 : i32
      %dma_start3A_2011 = arith.constant 0 : i32
      %dma_start3A_2012 = tpu.memref_slice %arg7[%dma_start3A_2001, %dma_start3A_2010, %dma_start3A_2011] : memref<16x50x32xf32, #tpu.memory_space<vmem>> -> memref<1x50x32xf32, #tpu.memory_space<vmem>>
      %dma_start3A_2013 = tpu.memref_squeeze %dma_start3A_2012 : memref<1x50x32xf32, #tpu.memory_space<vmem>> -> memref<50x32xf32, #tpu.memory_space<vmem>>
      tpu.enqueue_dma source(%dma_start3A_2013 : memref<50x32xf32, #tpu.memory_space<vmem>>) target(%dma_start3A_2009 : memref<50x32xf32, #tpu.memory_space<hbm>>) target_semaphore(%arg11 : memref<!tpu.dma_semaphore, #tpu.memory_space<semaphore_mem>>)
      %mul3A_2014 = arith.constant 16 : i32
      %mul3A_2015 = arith.muli %add3A_445, %mul3A_2014 : i32
      %add3A_2016 = arith.addi %mul3A_2, %mul3A_2015 : i32
      %add3A_2017 = arith.constant 14 : i32
      %add3A_2018 = arith.addi %add3A_2016, %add3A_2017 : i32
      %mul3A_2019 = arith.constant 56 : i32
      %mul3A_2020 = arith.muli %add3A_2018, %mul3A_2019 : i32
      %dma_start3A_2021 = arith.constant 14 : i32
      %dma_start3A_2022 = arith.constant 0 : i32
      %dma_start3A_2023 = arith.constant 0 : i32
      %dma_start3A_2024 = tpu.memref_slice %arg7[%dma_start3A_2021, %dma_start3A_2022, %dma_start3A_2023] : memref<16x50x32xf32, #tpu.memory_space<vmem>> -> memref<1x50x32xf32, #tpu.memory_space<vmem>>
      %dma_start3A_2025 = tpu.memref_squeeze %dma_start3A_2024 : memref<1x50x32xf32, #tpu.memory_space<vmem>> -> memref<50x32xf32, #tpu.memory_space<vmem>>
      %dma_start3A_2026 = arith.constant 0 : i32
      %dma_start3A_2027 = tpu.memref_slice %arg4[%mul3A_2020, %dma_start3A_2026] : memref<917504x128xf32, #tpu.memory_space<hbm>> -> memref<50x32xf32, #tpu.memory_space<hbm>>
      %dma_start3A_2028 = arith.constant 0 : i32
      %dma_start3A_2029 = tpu.memref_slice %arg4[%mul3A_2020, %dma_start3A_2028] : memref<917504x128xf32, #tpu.memory_space<hbm>> -> memref<50x32xf32, #tpu.memory_space<hbm>>
      %dma_start3A_2030 = arith.constant 0 : i32
      %dma_start3A_2031 = arith.constant 0 : i32
      %dma_start3A_2032 = tpu.memref_slice %arg7[%dma_start3A_2021, %dma_start3A_2030, %dma_start3A_2031] : memref<16x50x32xf32, #tpu.memory_space<vmem>> -> memref<1x50x32xf32, #tpu.memory_space<vmem>>
      %dma_start3A_2033 = tpu.memref_squeeze %dma_start3A_2032 : memref<1x50x32xf32, #tpu.memory_space<vmem>> -> memref<50x32xf32, #tpu.memory_space<vmem>>
      tpu.enqueue_dma source(%dma_start3A_2033 : memref<50x32xf32, #tpu.memory_space<vmem>>) target(%dma_start3A_2029 : memref<50x32xf32, #tpu.memory_space<hbm>>) target_semaphore(%arg11 : memref<!tpu.dma_semaphore, #tpu.memory_space<semaphore_mem>>)
      %mul3A_2034 = arith.constant 16 : i32
      %mul3A_2035 = arith.muli %add3A_445, %mul3A_2034 : i32
      %add3A_2036 = arith.addi %mul3A_2, %mul3A_2035 : i32
      %add3A_2037 = arith.constant 15 : i32
      %add3A_2038 = arith.addi %add3A_2036, %add3A_2037 : i32
      %mul3A_2039 = arith.constant 56 : i32
      %mul3A_2040 = arith.muli %add3A_2038, %mul3A_2039 : i32
      %dma_start3A_2041 = arith.constant 15 : i32
      %dma_start3A_2042 = arith.constant 0 : i32
      %dma_start3A_2043 = arith.constant 0 : i32
      %dma_start3A_2044 = tpu.memref_slice %arg7[%dma_start3A_2041, %dma_start3A_2042, %dma_start3A_2043] : memref<16x50x32xf32, #tpu.memory_space<vmem>> -> memref<1x50x32xf32, #tpu.memory_space<vmem>>
      %dma_start3A_2045 = tpu.memref_squeeze %dma_start3A_2044 : memref<1x50x32xf32, #tpu.memory_space<vmem>> -> memref<50x32xf32, #tpu.memory_space<vmem>>
      %dma_start3A_2046 = arith.constant 0 : i32
      %dma_start3A_2047 = tpu.memref_slice %arg4[%mul3A_2040, %dma_start3A_2046] : memref<917504x128xf32, #tpu.memory_space<hbm>> -> memref<50x32xf32, #tpu.memory_space<hbm>>
      %dma_start3A_2048 = arith.constant 0 : i32
      %dma_start3A_2049 = tpu.memref_slice %arg4[%mul3A_2040, %dma_start3A_2048] : memref<917504x128xf32, #tpu.memory_space<hbm>> -> memref<50x32xf32, #tpu.memory_space<hbm>>
      %dma_start3A_2050 = arith.constant 0 : i32
      %dma_start3A_2051 = arith.constant 0 : i32
      %dma_start3A_2052 = tpu.memref_slice %arg7[%dma_start3A_2041, %dma_start3A_2050, %dma_start3A_2051] : memref<16x50x32xf32, #tpu.memory_space<vmem>> -> memref<1x50x32xf32, #tpu.memory_space<vmem>>
      %dma_start3A_2053 = tpu.memref_squeeze %dma_start3A_2052 : memref<1x50x32xf32, #tpu.memory_space<vmem>> -> memref<50x32xf32, #tpu.memory_space<vmem>>
      tpu.enqueue_dma source(%dma_start3A_2053 : memref<50x32xf32, #tpu.memory_space<vmem>>) target(%dma_start3A_2049 : memref<50x32xf32, #tpu.memory_space<hbm>>) target_semaphore(%arg11 : memref<!tpu.dma_semaphore, #tpu.memory_space<semaphore_mem>>)
    }
    %scan3A_197 = arith.constant 16 : i32
    %dma_wait3A = arith.constant 0 : i32
    %dma_wait3A_198 = arith.constant 0 : i32
    %dma_wait3A_199 = arith.constant 0 : i32
    %dma_wait3A_200 = tpu.memref_slice %arg7[%dma_wait3A, %dma_wait3A_198, %dma_wait3A_199] : memref<16x50x32xf32, #tpu.memory_space<vmem>> -> memref<1x50x32xf32, #tpu.memory_space<vmem>>
    %dma_wait3A_201 = tpu.memref_squeeze %dma_wait3A_200 : memref<1x50x32xf32, #tpu.memory_space<vmem>> -> memref<50x32xf32, #tpu.memory_space<vmem>>
    %dma_wait3A_202 = arith.constant 0 : i32
    %dma_wait3A_203 = arith.constant 0 : i32
    %dma_wait3A_204 = tpu.memref_slice %arg4[%dma_wait3A_202, %dma_wait3A_203] : memref<917504x128xf32, #tpu.memory_space<hbm>> -> memref<50x32xf32, #tpu.memory_space<hbm>>
    %dma_wait3A_205 = arith.constant 0 : i32
    %dma_wait3A_206 = arith.constant 0 : i32
    %dma_wait3A_207 = tpu.memref_slice %arg4[%dma_wait3A_205, %dma_wait3A_206] : memref<917504x128xf32, #tpu.memory_space<hbm>> -> memref<50x32xf32, #tpu.memory_space<hbm>>
    %dma_wait3A_208 = arith.constant 0 : i32
    %dma_wait3A_209 = arith.constant 0 : i32
    %dma_wait3A_210 = tpu.memref_slice %arg7[%dma_wait3A, %dma_wait3A_208, %dma_wait3A_209] : memref<16x50x32xf32, #tpu.memory_space<vmem>> -> memref<1x50x32xf32, #tpu.memory_space<vmem>>
    %dma_wait3A_211 = tpu.memref_squeeze %dma_wait3A_210 : memref<1x50x32xf32, #tpu.memory_space<vmem>> -> memref<50x32xf32, #tpu.memory_space<vmem>>
    tpu.wait_dma2 semaphore(%arg11 : memref<!tpu.dma_semaphore, #tpu.memory_space<semaphore_mem>>) src(%dma_wait3A_211 : memref<50x32xf32, #tpu.memory_space<vmem>>) dst(%dma_wait3A_207 : memref<50x32xf32, #tpu.memory_space<hbm>>)
    %dma_wait3A_212 = arith.constant 1 : i32
    %dma_wait3A_213 = arith.constant 0 : i32
    %dma_wait3A_214 = arith.constant 0 : i32
    %dma_wait3A_215 = tpu.memref_slice %arg7[%dma_wait3A_212, %dma_wait3A_213, %dma_wait3A_214] : memref<16x50x32xf32, #tpu.memory_space<vmem>> -> memref<1x50x32xf32, #tpu.memory_space<vmem>>
    %dma_wait3A_216 = tpu.memref_squeeze %dma_wait3A_215 : memref<1x50x32xf32, #tpu.memory_space<vmem>> -> memref<50x32xf32, #tpu.memory_space<vmem>>
    %dma_wait3A_217 = arith.constant 0 : i32
    %dma_wait3A_218 = arith.constant 0 : i32
    %dma_wait3A_219 = tpu.memref_slice %arg4[%dma_wait3A_217, %dma_wait3A_218] : memref<917504x128xf32, #tpu.memory_space<hbm>> -> memref<50x32xf32, #tpu.memory_space<hbm>>
    %dma_wait3A_220 = arith.constant 0 : i32
    %dma_wait3A_221 = arith.constant 0 : i32
    %dma_wait3A_222 = tpu.memref_slice %arg4[%dma_wait3A_220, %dma_wait3A_221] : memref<917504x128xf32, #tpu.memory_space<hbm>> -> memref<50x32xf32, #tpu.memory_space<hbm>>
    %dma_wait3A_223 = arith.constant 0 : i32
    %dma_wait3A_224 = arith.constant 0 : i32
    %dma_wait3A_225 = tpu.memref_slice %arg7[%dma_wait3A_212, %dma_wait3A_223, %dma_wait3A_224] : memref<16x50x32xf32, #tpu.memory_space<vmem>> -> memref<1x50x32xf32, #tpu.memory_space<vmem>>
    %dma_wait3A_226 = tpu.memref_squeeze %dma_wait3A_225 : memref<1x50x32xf32, #tpu.memory_space<vmem>> -> memref<50x32xf32, #tpu.memory_space<vmem>>
    tpu.wait_dma2 semaphore(%arg11 : memref<!tpu.dma_semaphore, #tpu.memory_space<semaphore_mem>>) src(%dma_wait3A_226 : memref<50x32xf32, #tpu.memory_space<vmem>>) dst(%dma_wait3A_222 : memref<50x32xf32, #tpu.memory_space<hbm>>)
    %dma_wait3A_227 = arith.constant 2 : i32
    %dma_wait3A_228 = arith.constant 0 : i32
    %dma_wait3A_229 = arith.constant 0 : i32
    %dma_wait3A_230 = tpu.memref_slice %arg7[%dma_wait3A_227, %dma_wait3A_228, %dma_wait3A_229] : memref<16x50x32xf32, #tpu.memory_space<vmem>> -> memref<1x50x32xf32, #tpu.memory_space<vmem>>
    %dma_wait3A_231 = tpu.memref_squeeze %dma_wait3A_230 : memref<1x50x32xf32, #tpu.memory_space<vmem>> -> memref<50x32xf32, #tpu.memory_space<vmem>>
    %dma_wait3A_232 = arith.constant 0 : i32
    %dma_wait3A_233 = arith.constant 0 : i32
    %dma_wait3A_234 = tpu.memref_slice %arg4[%dma_wait3A_232, %dma_wait3A_233] : memref<917504x128xf32, #tpu.memory_space<hbm>> -> memref<50x32xf32, #tpu.memory_space<hbm>>
    %dma_wait3A_235 = arith.constant 0 : i32
    %dma_wait3A_236 = arith.constant 0 : i32
    %dma_wait3A_237 = tpu.memref_slice %arg4[%dma_wait3A_235, %dma_wait3A_236] : memref<917504x128xf32, #tpu.memory_space<hbm>> -> memref<50x32xf32, #tpu.memory_space<hbm>>
    %dma_wait3A_238 = arith.constant 0 : i32
    %dma_wait3A_239 = arith.constant 0 : i32
    %dma_wait3A_240 = tpu.memref_slice %arg7[%dma_wait3A_227, %dma_wait3A_238, %dma_wait3A_239] : memref<16x50x32xf32, #tpu.memory_space<vmem>> -> memref<1x50x32xf32, #tpu.memory_space<vmem>>
    %dma_wait3A_241 = tpu.memref_squeeze %dma_wait3A_240 : memref<1x50x32xf32, #tpu.memory_space<vmem>> -> memref<50x32xf32, #tpu.memory_space<vmem>>
    tpu.wait_dma2 semaphore(%arg11 : memref<!tpu.dma_semaphore, #tpu.memory_space<semaphore_mem>>) src(%dma_wait3A_241 : memref<50x32xf32, #tpu.memory_space<vmem>>) dst(%dma_wait3A_237 : memref<50x32xf32, #tpu.memory_space<hbm>>)
    %dma_wait3A_242 = arith.constant 3 : i32
    %dma_wait3A_243 = arith.constant 0 : i32
    %dma_wait3A_244 = arith.constant 0 : i32
    %dma_wait3A_245 = tpu.memref_slice %arg7[%dma_wait3A_242, %dma_wait3A_243, %dma_wait3A_244] : memref<16x50x32xf32, #tpu.memory_space<vmem>> -> memref<1x50x32xf32, #tpu.memory_space<vmem>>
    %dma_wait3A_246 = tpu.memref_squeeze %dma_wait3A_245 : memref<1x50x32xf32, #tpu.memory_space<vmem>> -> memref<50x32xf32, #tpu.memory_space<vmem>>
    %dma_wait3A_247 = arith.constant 0 : i32
    %dma_wait3A_248 = arith.constant 0 : i32
    %dma_wait3A_249 = tpu.memref_slice %arg4[%dma_wait3A_247, %dma_wait3A_248] : memref<917504x128xf32, #tpu.memory_space<hbm>> -> memref<50x32xf32, #tpu.memory_space<hbm>>
    %dma_wait3A_250 = arith.constant 0 : i32
    %dma_wait3A_251 = arith.constant 0 : i32
    %dma_wait3A_252 = tpu.memref_slice %arg4[%dma_wait3A_250, %dma_wait3A_251] : memref<917504x128xf32, #tpu.memory_space<hbm>> -> memref<50x32xf32, #tpu.memory_space<hbm>>
    %dma_wait3A_253 = arith.constant 0 : i32
    %dma_wait3A_254 = arith.constant 0 : i32
    %dma_wait3A_255 = tpu.memref_slice %arg7[%dma_wait3A_242, %dma_wait3A_253, %dma_wait3A_254] : memref<16x50x32xf32, #tpu.memory_space<vmem>> -> memref<1x50x32xf32, #tpu.memory_space<vmem>>
    %dma_wait3A_256 = tpu.memref_squeeze %dma_wait3A_255 : memref<1x50x32xf32, #tpu.memory_space<vmem>> -> memref<50x32xf32, #tpu.memory_space<vmem>>
    tpu.wait_dma2 semaphore(%arg11 : memref<!tpu.dma_semaphore, #tpu.memory_space<semaphore_mem>>) src(%dma_wait3A_256 : memref<50x32xf32, #tpu.memory_space<vmem>>) dst(%dma_wait3A_252 : memref<50x32xf32, #tpu.memory_space<hbm>>)
    %dma_wait3A_257 = arith.constant 4 : i32
    %dma_wait3A_258 = arith.constant 0 : i32
    %dma_wait3A_259 = arith.constant 0 : i32
    %dma_wait3A_260 = tpu.memref_slice %arg7[%dma_wait3A_257, %dma_wait3A_258, %dma_wait3A_259] : memref<16x50x32xf32, #tpu.memory_space<vmem>> -> memref<1x50x32xf32, #tpu.memory_space<vmem>>
    %dma_wait3A_261 = tpu.memref_squeeze %dma_wait3A_260 : memref<1x50x32xf32, #tpu.memory_space<vmem>> -> memref<50x32xf32, #tpu.memory_space<vmem>>
    %dma_wait3A_262 = arith.constant 0 : i32
    %dma_wait3A_263 = arith.constant 0 : i32
    %dma_wait3A_264 = tpu.memref_slice %arg4[%dma_wait3A_262, %dma_wait3A_263] : memref<917504x128xf32, #tpu.memory_space<hbm>> -> memref<50x32xf32, #tpu.memory_space<hbm>>
    %dma_wait3A_265 = arith.constant 0 : i32
    %dma_wait3A_266 = arith.constant 0 : i32
    %dma_wait3A_267 = tpu.memref_slice %arg4[%dma_wait3A_265, %dma_wait3A_266] : memref<917504x128xf32, #tpu.memory_space<hbm>> -> memref<50x32xf32, #tpu.memory_space<hbm>>
    %dma_wait3A_268 = arith.constant 0 : i32
    %dma_wait3A_269 = arith.constant 0 : i32
    %dma_wait3A_270 = tpu.memref_slice %arg7[%dma_wait3A_257, %dma_wait3A_268, %dma_wait3A_269] : memref<16x50x32xf32, #tpu.memory_space<vmem>> -> memref<1x50x32xf32, #tpu.memory_space<vmem>>
    %dma_wait3A_271 = tpu.memref_squeeze %dma_wait3A_270 : memref<1x50x32xf32, #tpu.memory_space<vmem>> -> memref<50x32xf32, #tpu.memory_space<vmem>>
    tpu.wait_dma2 semaphore(%arg11 : memref<!tpu.dma_semaphore, #tpu.memory_space<semaphore_mem>>) src(%dma_wait3A_271 : memref<50x32xf32, #tpu.memory_space<vmem>>) dst(%dma_wait3A_267 : memref<50x32xf32, #tpu.memory_space<hbm>>)
    %dma_wait3A_272 = arith.constant 5 : i32
    %dma_wait3A_273 = arith.constant 0 : i32
    %dma_wait3A_274 = arith.constant 0 : i32
    %dma_wait3A_275 = tpu.memref_slice %arg7[%dma_wait3A_272, %dma_wait3A_273, %dma_wait3A_274] : memref<16x50x32xf32, #tpu.memory_space<vmem>> -> memref<1x50x32xf32, #tpu.memory_space<vmem>>
    %dma_wait3A_276 = tpu.memref_squeeze %dma_wait3A_275 : memref<1x50x32xf32, #tpu.memory_space<vmem>> -> memref<50x32xf32, #tpu.memory_space<vmem>>
    %dma_wait3A_277 = arith.constant 0 : i32
    %dma_wait3A_278 = arith.constant 0 : i32
    %dma_wait3A_279 = tpu.memref_slice %arg4[%dma_wait3A_277, %dma_wait3A_278] : memref<917504x128xf32, #tpu.memory_space<hbm>> -> memref<50x32xf32, #tpu.memory_space<hbm>>
    %dma_wait3A_280 = arith.constant 0 : i32
    %dma_wait3A_281 = arith.constant 0 : i32
    %dma_wait3A_282 = tpu.memref_slice %arg4[%dma_wait3A_280, %dma_wait3A_281] : memref<917504x128xf32, #tpu.memory_space<hbm>> -> memref<50x32xf32, #tpu.memory_space<hbm>>
    %dma_wait3A_283 = arith.constant 0 : i32
    %dma_wait3A_284 = arith.constant 0 : i32
    %dma_wait3A_285 = tpu.memref_slice %arg7[%dma_wait3A_272, %dma_wait3A_283, %dma_wait3A_284] : memref<16x50x32xf32, #tpu.memory_space<vmem>> -> memref<1x50x32xf32, #tpu.memory_space<vmem>>
    %dma_wait3A_286 = tpu.memref_squeeze %dma_wait3A_285 : memref<1x50x32xf32, #tpu.memory_space<vmem>> -> memref<50x32xf32, #tpu.memory_space<vmem>>
    tpu.wait_dma2 semaphore(%arg11 : memref<!tpu.dma_semaphore, #tpu.memory_space<semaphore_mem>>) src(%dma_wait3A_286 : memref<50x32xf32, #tpu.memory_space<vmem>>) dst(%dma_wait3A_282 : memref<50x32xf32, #tpu.memory_space<hbm>>)
    %dma_wait3A_287 = arith.constant 6 : i32
    %dma_wait3A_288 = arith.constant 0 : i32
    %dma_wait3A_289 = arith.constant 0 : i32
    %dma_wait3A_290 = tpu.memref_slice %arg7[%dma_wait3A_287, %dma_wait3A_288, %dma_wait3A_289] : memref<16x50x32xf32, #tpu.memory_space<vmem>> -> memref<1x50x32xf32, #tpu.memory_space<vmem>>
    %dma_wait3A_291 = tpu.memref_squeeze %dma_wait3A_290 : memref<1x50x32xf32, #tpu.memory_space<vmem>> -> memref<50x32xf32, #tpu.memory_space<vmem>>
    %dma_wait3A_292 = arith.constant 0 : i32
    %dma_wait3A_293 = arith.constant 0 : i32
    %dma_wait3A_294 = tpu.memref_slice %arg4[%dma_wait3A_292, %dma_wait3A_293] : memref<917504x128xf32, #tpu.memory_space<hbm>> -> memref<50x32xf32, #tpu.memory_space<hbm>>
    %dma_wait3A_295 = arith.constant 0 : i32
    %dma_wait3A_296 = arith.constant 0 : i32
    %dma_wait3A_297 = tpu.memref_slice %arg4[%dma_wait3A_295, %dma_wait3A_296] : memref<917504x128xf32, #tpu.memory_space<hbm>> -> memref<50x32xf32, #tpu.memory_space<hbm>>
    %dma_wait3A_298 = arith.constant 0 : i32
    %dma_wait3A_299 = arith.constant 0 : i32
    %dma_wait3A_300 = tpu.memref_slice %arg7[%dma_wait3A_287, %dma_wait3A_298, %dma_wait3A_299] : memref<16x50x32xf32, #tpu.memory_space<vmem>> -> memref<1x50x32xf32, #tpu.memory_space<vmem>>
    %dma_wait3A_301 = tpu.memref_squeeze %dma_wait3A_300 : memref<1x50x32xf32, #tpu.memory_space<vmem>> -> memref<50x32xf32, #tpu.memory_space<vmem>>
    tpu.wait_dma2 semaphore(%arg11 : memref<!tpu.dma_semaphore, #tpu.memory_space<semaphore_mem>>) src(%dma_wait3A_301 : memref<50x32xf32, #tpu.memory_space<vmem>>) dst(%dma_wait3A_297 : memref<50x32xf32, #tpu.memory_space<hbm>>)
    %dma_wait3A_302 = arith.constant 7 : i32
    %dma_wait3A_303 = arith.constant 0 : i32
    %dma_wait3A_304 = arith.constant 0 : i32
    %dma_wait3A_305 = tpu.memref_slice %arg7[%dma_wait3A_302, %dma_wait3A_303, %dma_wait3A_304] : memref<16x50x32xf32, #tpu.memory_space<vmem>> -> memref<1x50x32xf32, #tpu.memory_space<vmem>>
    %dma_wait3A_306 = tpu.memref_squeeze %dma_wait3A_305 : memref<1x50x32xf32, #tpu.memory_space<vmem>> -> memref<50x32xf32, #tpu.memory_space<vmem>>
    %dma_wait3A_307 = arith.constant 0 : i32
    %dma_wait3A_308 = arith.constant 0 : i32
    %dma_wait3A_309 = tpu.memref_slice %arg4[%dma_wait3A_307, %dma_wait3A_308] : memref<917504x128xf32, #tpu.memory_space<hbm>> -> memref<50x32xf32, #tpu.memory_space<hbm>>
    %dma_wait3A_310 = arith.constant 0 : i32
    %dma_wait3A_311 = arith.constant 0 : i32
    %dma_wait3A_312 = tpu.memref_slice %arg4[%dma_wait3A_310, %dma_wait3A_311] : memref<917504x128xf32, #tpu.memory_space<hbm>> -> memref<50x32xf32, #tpu.memory_space<hbm>>
    %dma_wait3A_313 = arith.constant 0 : i32
    %dma_wait3A_314 = arith.constant 0 : i32
    %dma_wait3A_315 = tpu.memref_slice %arg7[%dma_wait3A_302, %dma_wait3A_313, %dma_wait3A_314] : memref<16x50x32xf32, #tpu.memory_space<vmem>> -> memref<1x50x32xf32, #tpu.memory_space<vmem>>
    %dma_wait3A_316 = tpu.memref_squeeze %dma_wait3A_315 : memref<1x50x32xf32, #tpu.memory_space<vmem>> -> memref<50x32xf32, #tpu.memory_space<vmem>>
    tpu.wait_dma2 semaphore(%arg11 : memref<!tpu.dma_semaphore, #tpu.memory_space<semaphore_mem>>) src(%dma_wait3A_316 : memref<50x32xf32, #tpu.memory_space<vmem>>) dst(%dma_wait3A_312 : memref<50x32xf32, #tpu.memory_space<hbm>>)
    %dma_wait3A_317 = arith.constant 8 : i32
    %dma_wait3A_318 = arith.constant 0 : i32
    %dma_wait3A_319 = arith.constant 0 : i32
    %dma_wait3A_320 = tpu.memref_slice %arg7[%dma_wait3A_317, %dma_wait3A_318, %dma_wait3A_319] : memref<16x50x32xf32, #tpu.memory_space<vmem>> -> memref<1x50x32xf32, #tpu.memory_space<vmem>>
    %dma_wait3A_321 = tpu.memref_squeeze %dma_wait3A_320 : memref<1x50x32xf32, #tpu.memory_space<vmem>> -> memref<50x32xf32, #tpu.memory_space<vmem>>
    %dma_wait3A_322 = arith.constant 0 : i32
    %dma_wait3A_323 = arith.constant 0 : i32
    %dma_wait3A_324 = tpu.memref_slice %arg4[%dma_wait3A_322, %dma_wait3A_323] : memref<917504x128xf32, #tpu.memory_space<hbm>> -> memref<50x32xf32, #tpu.memory_space<hbm>>
    %dma_wait3A_325 = arith.constant 0 : i32
    %dma_wait3A_326 = arith.constant 0 : i32
    %dma_wait3A_327 = tpu.memref_slice %arg4[%dma_wait3A_325, %dma_wait3A_326] : memref<917504x128xf32, #tpu.memory_space<hbm>> -> memref<50x32xf32, #tpu.memory_space<hbm>>
    %dma_wait3A_328 = arith.constant 0 : i32
    %dma_wait3A_329 = arith.constant 0 : i32
    %dma_wait3A_330 = tpu.memref_slice %arg7[%dma_wait3A_317, %dma_wait3A_328, %dma_wait3A_329] : memref<16x50x32xf32, #tpu.memory_space<vmem>> -> memref<1x50x32xf32, #tpu.memory_space<vmem>>
    %dma_wait3A_331 = tpu.memref_squeeze %dma_wait3A_330 : memref<1x50x32xf32, #tpu.memory_space<vmem>> -> memref<50x32xf32, #tpu.memory_space<vmem>>
    tpu.wait_dma2 semaphore(%arg11 : memref<!tpu.dma_semaphore, #tpu.memory_space<semaphore_mem>>) src(%dma_wait3A_331 : memref<50x32xf32, #tpu.memory_space<vmem>>) dst(%dma_wait3A_327 : memref<50x32xf32, #tpu.memory_space<hbm>>)
    %dma_wait3A_332 = arith.constant 9 : i32
    %dma_wait3A_333 = arith.constant 0 : i32
    %dma_wait3A_334 = arith.constant 0 : i32
    %dma_wait3A_335 = tpu.memref_slice %arg7[%dma_wait3A_332, %dma_wait3A_333, %dma_wait3A_334] : memref<16x50x32xf32, #tpu.memory_space<vmem>> -> memref<1x50x32xf32, #tpu.memory_space<vmem>>
    %dma_wait3A_336 = tpu.memref_squeeze %dma_wait3A_335 : memref<1x50x32xf32, #tpu.memory_space<vmem>> -> memref<50x32xf32, #tpu.memory_space<vmem>>
    %dma_wait3A_337 = arith.constant 0 : i32
    %dma_wait3A_338 = arith.constant 0 : i32
    %dma_wait3A_339 = tpu.memref_slice %arg4[%dma_wait3A_337, %dma_wait3A_338] : memref<917504x128xf32, #tpu.memory_space<hbm>> -> memref<50x32xf32, #tpu.memory_space<hbm>>
    %dma_wait3A_340 = arith.constant 0 : i32
    %dma_wait3A_341 = arith.constant 0 : i32
    %dma_wait3A_342 = tpu.memref_slice %arg4[%dma_wait3A_340, %dma_wait3A_341] : memref<917504x128xf32, #tpu.memory_space<hbm>> -> memref<50x32xf32, #tpu.memory_space<hbm>>
    %dma_wait3A_343 = arith.constant 0 : i32
    %dma_wait3A_344 = arith.constant 0 : i32
    %dma_wait3A_345 = tpu.memref_slice %arg7[%dma_wait3A_332, %dma_wait3A_343, %dma_wait3A_344] : memref<16x50x32xf32, #tpu.memory_space<vmem>> -> memref<1x50x32xf32, #tpu.memory_space<vmem>>
    %dma_wait3A_346 = tpu.memref_squeeze %dma_wait3A_345 : memref<1x50x32xf32, #tpu.memory_space<vmem>> -> memref<50x32xf32, #tpu.memory_space<vmem>>
    tpu.wait_dma2 semaphore(%arg11 : memref<!tpu.dma_semaphore, #tpu.memory_space<semaphore_mem>>) src(%dma_wait3A_346 : memref<50x32xf32, #tpu.memory_space<vmem>>) dst(%dma_wait3A_342 : memref<50x32xf32, #tpu.memory_space<hbm>>)
    %dma_wait3A_347 = arith.constant 10 : i32
    %dma_wait3A_348 = arith.constant 0 : i32
    %dma_wait3A_349 = arith.constant 0 : i32
    %dma_wait3A_350 = tpu.memref_slice %arg7[%dma_wait3A_347, %dma_wait3A_348, %dma_wait3A_349] : memref<16x50x32xf32, #tpu.memory_space<vmem>> -> memref<1x50x32xf32, #tpu.memory_space<vmem>>
    %dma_wait3A_351 = tpu.memref_squeeze %dma_wait3A_350 : memref<1x50x32xf32, #tpu.memory_space<vmem>> -> memref<50x32xf32, #tpu.memory_space<vmem>>
    %dma_wait3A_352 = arith.constant 0 : i32
    %dma_wait3A_353 = arith.constant 0 : i32
    %dma_wait3A_354 = tpu.memref_slice %arg4[%dma_wait3A_352, %dma_wait3A_353] : memref<917504x128xf32, #tpu.memory_space<hbm>> -> memref<50x32xf32, #tpu.memory_space<hbm>>
    %dma_wait3A_355 = arith.constant 0 : i32
    %dma_wait3A_356 = arith.constant 0 : i32
    %dma_wait3A_357 = tpu.memref_slice %arg4[%dma_wait3A_355, %dma_wait3A_356] : memref<917504x128xf32, #tpu.memory_space<hbm>> -> memref<50x32xf32, #tpu.memory_space<hbm>>
    %dma_wait3A_358 = arith.constant 0 : i32
    %dma_wait3A_359 = arith.constant 0 : i32
    %dma_wait3A_360 = tpu.memref_slice %arg7[%dma_wait3A_347, %dma_wait3A_358, %dma_wait3A_359] : memref<16x50x32xf32, #tpu.memory_space<vmem>> -> memref<1x50x32xf32, #tpu.memory_space<vmem>>
    %dma_wait3A_361 = tpu.memref_squeeze %dma_wait3A_360 : memref<1x50x32xf32, #tpu.memory_space<vmem>> -> memref<50x32xf32, #tpu.memory_space<vmem>>
    tpu.wait_dma2 semaphore(%arg11 : memref<!tpu.dma_semaphore, #tpu.memory_space<semaphore_mem>>) src(%dma_wait3A_361 : memref<50x32xf32, #tpu.memory_space<vmem>>) dst(%dma_wait3A_357 : memref<50x32xf32, #tpu.memory_space<hbm>>)
    %dma_wait3A_362 = arith.constant 11 : i32
    %dma_wait3A_363 = arith.constant 0 : i32
    %dma_wait3A_364 = arith.constant 0 : i32
    %dma_wait3A_365 = tpu.memref_slice %arg7[%dma_wait3A_362, %dma_wait3A_363, %dma_wait3A_364] : memref<16x50x32xf32, #tpu.memory_space<vmem>> -> memref<1x50x32xf32, #tpu.memory_space<vmem>>
    %dma_wait3A_366 = tpu.memref_squeeze %dma_wait3A_365 : memref<1x50x32xf32, #tpu.memory_space<vmem>> -> memref<50x32xf32, #tpu.memory_space<vmem>>
    %dma_wait3A_367 = arith.constant 0 : i32
    %dma_wait3A_368 = arith.constant 0 : i32
    %dma_wait3A_369 = tpu.memref_slice %arg4[%dma_wait3A_367, %dma_wait3A_368] : memref<917504x128xf32, #tpu.memory_space<hbm>> -> memref<50x32xf32, #tpu.memory_space<hbm>>
    %dma_wait3A_370 = arith.constant 0 : i32
    %dma_wait3A_371 = arith.constant 0 : i32
    %dma_wait3A_372 = tpu.memref_slice %arg4[%dma_wait3A_370, %dma_wait3A_371] : memref<917504x128xf32, #tpu.memory_space<hbm>> -> memref<50x32xf32, #tpu.memory_space<hbm>>
    %dma_wait3A_373 = arith.constant 0 : i32
    %dma_wait3A_374 = arith.constant 0 : i32
    %dma_wait3A_375 = tpu.memref_slice %arg7[%dma_wait3A_362, %dma_wait3A_373, %dma_wait3A_374] : memref<16x50x32xf32, #tpu.memory_space<vmem>> -> memref<1x50x32xf32, #tpu.memory_space<vmem>>
    %dma_wait3A_376 = tpu.memref_squeeze %dma_wait3A_375 : memref<1x50x32xf32, #tpu.memory_space<vmem>> -> memref<50x32xf32, #tpu.memory_space<vmem>>
    tpu.wait_dma2 semaphore(%arg11 : memref<!tpu.dma_semaphore, #tpu.memory_space<semaphore_mem>>) src(%dma_wait3A_376 : memref<50x32xf32, #tpu.memory_space<vmem>>) dst(%dma_wait3A_372 : memref<50x32xf32, #tpu.memory_space<hbm>>)
    %dma_wait3A_377 = arith.constant 12 : i32
    %dma_wait3A_378 = arith.constant 0 : i32
    %dma_wait3A_379 = arith.constant 0 : i32
    %dma_wait3A_380 = tpu.memref_slice %arg7[%dma_wait3A_377, %dma_wait3A_378, %dma_wait3A_379] : memref<16x50x32xf32, #tpu.memory_space<vmem>> -> memref<1x50x32xf32, #tpu.memory_space<vmem>>
    %dma_wait3A_381 = tpu.memref_squeeze %dma_wait3A_380 : memref<1x50x32xf32, #tpu.memory_space<vmem>> -> memref<50x32xf32, #tpu.memory_space<vmem>>
    %dma_wait3A_382 = arith.constant 0 : i32
    %dma_wait3A_383 = arith.constant 0 : i32
    %dma_wait3A_384 = tpu.memref_slice %arg4[%dma_wait3A_382, %dma_wait3A_383] : memref<917504x128xf32, #tpu.memory_space<hbm>> -> memref<50x32xf32, #tpu.memory_space<hbm>>
    %dma_wait3A_385 = arith.constant 0 : i32
    %dma_wait3A_386 = arith.constant 0 : i32
    %dma_wait3A_387 = tpu.memref_slice %arg4[%dma_wait3A_385, %dma_wait3A_386] : memref<917504x128xf32, #tpu.memory_space<hbm>> -> memref<50x32xf32, #tpu.memory_space<hbm>>
    %dma_wait3A_388 = arith.constant 0 : i32
    %dma_wait3A_389 = arith.constant 0 : i32
    %dma_wait3A_390 = tpu.memref_slice %arg7[%dma_wait3A_377, %dma_wait3A_388, %dma_wait3A_389] : memref<16x50x32xf32, #tpu.memory_space<vmem>> -> memref<1x50x32xf32, #tpu.memory_space<vmem>>
    %dma_wait3A_391 = tpu.memref_squeeze %dma_wait3A_390 : memref<1x50x32xf32, #tpu.memory_space<vmem>> -> memref<50x32xf32, #tpu.memory_space<vmem>>
    tpu.wait_dma2 semaphore(%arg11 : memref<!tpu.dma_semaphore, #tpu.memory_space<semaphore_mem>>) src(%dma_wait3A_391 : memref<50x32xf32, #tpu.memory_space<vmem>>) dst(%dma_wait3A_387 : memref<50x32xf32, #tpu.memory_space<hbm>>)
    %dma_wait3A_392 = arith.constant 13 : i32
    %dma_wait3A_393 = arith.constant 0 : i32
    %dma_wait3A_394 = arith.constant 0 : i32
    %dma_wait3A_395 = tpu.memref_slice %arg7[%dma_wait3A_392, %dma_wait3A_393, %dma_wait3A_394] : memref<16x50x32xf32, #tpu.memory_space<vmem>> -> memref<1x50x32xf32, #tpu.memory_space<vmem>>
    %dma_wait3A_396 = tpu.memref_squeeze %dma_wait3A_395 : memref<1x50x32xf32, #tpu.memory_space<vmem>> -> memref<50x32xf32, #tpu.memory_space<vmem>>
    %dma_wait3A_397 = arith.constant 0 : i32
    %dma_wait3A_398 = arith.constant 0 : i32
    %dma_wait3A_399 = tpu.memref_slice %arg4[%dma_wait3A_397, %dma_wait3A_398] : memref<917504x128xf32, #tpu.memory_space<hbm>> -> memref<50x32xf32, #tpu.memory_space<hbm>>
    %dma_wait3A_400 = arith.constant 0 : i32
    %dma_wait3A_401 = arith.constant 0 : i32
    %dma_wait3A_402 = tpu.memref_slice %arg4[%dma_wait3A_400, %dma_wait3A_401] : memref<917504x128xf32, #tpu.memory_space<hbm>> -> memref<50x32xf32, #tpu.memory_space<hbm>>
    %dma_wait3A_403 = arith.constant 0 : i32
    %dma_wait3A_404 = arith.constant 0 : i32
    %dma_wait3A_405 = tpu.memref_slice %arg7[%dma_wait3A_392, %dma_wait3A_403, %dma_wait3A_404] : memref<16x50x32xf32, #tpu.memory_space<vmem>> -> memref<1x50x32xf32, #tpu.memory_space<vmem>>
    %dma_wait3A_406 = tpu.memref_squeeze %dma_wait3A_405 : memref<1x50x32xf32, #tpu.memory_space<vmem>> -> memref<50x32xf32, #tpu.memory_space<vmem>>
    tpu.wait_dma2 semaphore(%arg11 : memref<!tpu.dma_semaphore, #tpu.memory_space<semaphore_mem>>) src(%dma_wait3A_406 : memref<50x32xf32, #tpu.memory_space<vmem>>) dst(%dma_wait3A_402 : memref<50x32xf32, #tpu.memory_space<hbm>>)
    %dma_wait3A_407 = arith.constant 14 : i32
    %dma_wait3A_408 = arith.constant 0 : i32
    %dma_wait3A_409 = arith.constant 0 : i32
    %dma_wait3A_410 = tpu.memref_slice %arg7[%dma_wait3A_407, %dma_wait3A_408, %dma_wait3A_409] : memref<16x50x32xf32, #tpu.memory_space<vmem>> -> memref<1x50x32xf32, #tpu.memory_space<vmem>>
    %dma_wait3A_411 = tpu.memref_squeeze %dma_wait3A_410 : memref<1x50x32xf32, #tpu.memory_space<vmem>> -> memref<50x32xf32, #tpu.memory_space<vmem>>
    %dma_wait3A_412 = arith.constant 0 : i32
    %dma_wait3A_413 = arith.constant 0 : i32
    %dma_wait3A_414 = tpu.memref_slice %arg4[%dma_wait3A_412, %dma_wait3A_413] : memref<917504x128xf32, #tpu.memory_space<hbm>> -> memref<50x32xf32, #tpu.memory_space<hbm>>
    %dma_wait3A_415 = arith.constant 0 : i32
    %dma_wait3A_416 = arith.constant 0 : i32
    %dma_wait3A_417 = tpu.memref_slice %arg4[%dma_wait3A_415, %dma_wait3A_416] : memref<917504x128xf32, #tpu.memory_space<hbm>> -> memref<50x32xf32, #tpu.memory_space<hbm>>
    %dma_wait3A_418 = arith.constant 0 : i32
    %dma_wait3A_419 = arith.constant 0 : i32
    %dma_wait3A_420 = tpu.memref_slice %arg7[%dma_wait3A_407, %dma_wait3A_418, %dma_wait3A_419] : memref<16x50x32xf32, #tpu.memory_space<vmem>> -> memref<1x50x32xf32, #tpu.memory_space<vmem>>
    %dma_wait3A_421 = tpu.memref_squeeze %dma_wait3A_420 : memref<1x50x32xf32, #tpu.memory_space<vmem>> -> memref<50x32xf32, #tpu.memory_space<vmem>>
    tpu.wait_dma2 semaphore(%arg11 : memref<!tpu.dma_semaphore, #tpu.memory_space<semaphore_mem>>) src(%dma_wait3A_421 : memref<50x32xf32, #tpu.memory_space<vmem>>) dst(%dma_wait3A_417 : memref<50x32xf32, #tpu.memory_space<hbm>>)
    %dma_wait3A_422 = arith.constant 15 : i32
    %dma_wait3A_423 = arith.constant 0 : i32
    %dma_wait3A_424 = arith.constant 0 : i32
    %dma_wait3A_425 = tpu.memref_slice %arg7[%dma_wait3A_422, %dma_wait3A_423, %dma_wait3A_424] : memref<16x50x32xf32, #tpu.memory_space<vmem>> -> memref<1x50x32xf32, #tpu.memory_space<vmem>>
    %dma_wait3A_426 = tpu.memref_squeeze %dma_wait3A_425 : memref<1x50x32xf32, #tpu.memory_space<vmem>> -> memref<50x32xf32, #tpu.memory_space<vmem>>
    %dma_wait3A_427 = arith.constant 0 : i32
    %dma_wait3A_428 = arith.constant 0 : i32
    %dma_wait3A_429 = tpu.memref_slice %arg4[%dma_wait3A_427, %dma_wait3A_428] : memref<917504x128xf32, #tpu.memory_space<hbm>> -> memref<50x32xf32, #tpu.memory_space<hbm>>
    %dma_wait3A_430 = arith.constant 0 : i32
    %dma_wait3A_431 = arith.constant 0 : i32
    %dma_wait3A_432 = tpu.memref_slice %arg4[%dma_wait3A_430, %dma_wait3A_431] : memref<917504x128xf32, #tpu.memory_space<hbm>> -> memref<50x32xf32, #tpu.memory_space<hbm>>
    %dma_wait3A_433 = arith.constant 0 : i32
    %dma_wait3A_434 = arith.constant 0 : i32
    %dma_wait3A_435 = tpu.memref_slice %arg7[%dma_wait3A_422, %dma_wait3A_433, %dma_wait3A_434] : memref<16x50x32xf32, #tpu.memory_space<vmem>> -> memref<1x50x32xf32, #tpu.memory_space<vmem>>
    %dma_wait3A_436 = tpu.memref_squeeze %dma_wait3A_435 : memref<1x50x32xf32, #tpu.memory_space<vmem>> -> memref<50x32xf32, #tpu.memory_space<vmem>>
    tpu.wait_dma2 semaphore(%arg11 : memref<!tpu.dma_semaphore, #tpu.memory_space<semaphore_mem>>) src(%dma_wait3A_436 : memref<50x32xf32, #tpu.memory_space<vmem>>) dst(%dma_wait3A_432 : memref<50x32xf32, #tpu.memory_space<hbm>>)
    return
  }
}

</mosaic_0001>

<sc_bundles>
// kernel: _sc_gather.3.cloned.1.call-start
scs
__scs_entry_jumppad:
0x0: {  	(pc) =	sbr.rel $0x88, $3  }
0x1: {  	(tag) =	ssettag $0x0;
	lr =	simm.s32 $0x1  }
0x2: {  	[smem:$0x3F9F] =	sst lr;
	_ =	strace $0xD0000000  }
0x3: {  	_ = 	snop  }
0x4: {  	_ = 	snop  }
0x5: {  	_ = 	snop  }
0x6: {  	_ = 	snop  }
0x7: {  	_ = 	snop  }
__scs_overlays_trampoline_lowered:
0x8: {  	[smem:$0x3FAE] =	sst s0  }
0x9: {  	[smem:$0x3FAF] =	sst s1  }
0xa: {  	[smem:$0x3FB0] =	sst s2  }
0xb: {  	[smem:$0x3FB1] =	sst s3  }
0xc: {  	[smem:$0x3FB2] =	sst s4  }
0xd: {  	[smem:$0x3FB3] =	sst s5  }
0xe: {  	[smem:$0x3FB4] =	sst s6  }
0xf: {  	[smem:$0x3FB5] =	sst s7  }
0x10: {  	[smem:$0x3FB6] =	sst s8  }
0x11: {  	[smem:$0x3FB7] =	sst s9;
	s0 =	simm.s32 @!p0 $0x0  }
0x12: {  	s1 =	sld [smem:$0x3F9D];
	s0 =	simm.s32 @p0 $0x1  }
0x13: {  	[smem:$0x3FB8] =	sst s0;
	s0 =	simm.s32 @!p1 $0x0  }
0x14: {  	s2 =	sld [smem:$0x3F9C];
	s0 =	simm.s32 @p1 $0x1  }
0x15: {  	[smem:$0x3FB9] =	sst s0;
	s0 =	simm.s32 @!p2 $0x0  }
0x16: {  	s3 =	sld [smem:$0x3FDB];
	s0 =	simm.s32 @p2 $0x1  }
0x17: {  	s4 =	simm.s32 $0x1BF5;
	[smem:$0x3FBB] =	sst s0  }
0x18: {  	s0 =	sld [smem:$0x3F9E];
	_ =	swait.ge [sflag:s4], $0x0  }
0x19: {  	s7 =	sld [smem:$0x3F9F]  }
0x1a: {  	s8 =	sadd.s32 $0xFFFFE003, lr  }
0x1b: {  	s9 =	sadd.s32 $0xFFFFFEF7, lr;
	s5 =	simm.s32 $0xFFFFFFFF;
	p2 =	slt.u32 s8, $0xFFFFF086  }
0x1c: {  	p1 =	slt.u32 s9, $0xF7A;
	s5 =	simm.s32 @!p2 $0x0  }
0x1d: {  	s5 =	simm.s32 @p1 $0x1;
	p0 =	seq.s32 s7, s2  }
0x1e: {  	s7 =	smul.u32 @!p0 $0xF7A, s2;
	p2 =	seq.s32 @!p0 s5, $0x0  }
0x1f: {  	s9 =	smul.u32 $0xF7A, s1;
	s8 =	simm.s32 @!p0 $0x1BF5;
	p2 =	por !p2, p0  }
0x20: {  	[sflag:s8] =	ssyncset.s32 @!p0 $0xFFFFF086;
	s6 =	sadd.s32 @!p0 s3, s7;
	s7 =	simm.s32 @!p0 $0x108  }
0x21: {  	s3 =	sadd.s32 s3, s9;
	s6 =	sadd.s32 @!p0 $0x88, s6;
	s7 =	simm.s32 @p2 $0x1082  }
0x22: {  	[simem:s7], [sflag:s8] =	dma.local @!p0 [hbm:s6], $0xF7A  }
0x23: {  	s9 =	sor.u32 $0xD0000000, s2;
	s6 =	simm.s32 $0x108;
	_ =	swait.ge @!p0 [sflag:s8], $0x0  }
0x24: {  	s3 =	sadd.s32 $0x88, s3;
	s6 =	simm.s32 @!p1 $0x1082;
	[sflag:s4] =	ssyncset.s32 $0xFFFFF086  }
0x25: {  	[simem:s6], [sflag:s4] =	dma.local [hbm:s3], $0xF7A  }
0x26: {  	[smem:$0x3F9F] =	sst s1;
	(tag) =	ssettag s2;
	_ =	strace s9  }
0x27: {  	s1 =	sld [smem:$0x3FAF]  }
0x28: {  	s2 =	sld [smem:$0x3FB0]  }
0x29: {  	s4 =	sld [smem:$0x3FB2]  }
0x2a: {  	p0 =	seq.s32 s5, $0x0;
	s5 =	sld [smem:$0x3FB3]  }
0x2b: {  	s6 =	sld [smem:$0x3FB4]  }
0x2c: {  	s7 =	sld [smem:$0x3FB5]  }
0x2d: {  	s3 =	simm.s32 $0x108;
	s8 =	sld [smem:$0x3FB6]  }
0x2e: {  	s3 =	simm.s32 @!p0 $0x1082;
	s9 =	sld [smem:$0x3FB7]  }
0x2f: {  	lr =	sadd.s32 s0, s3;
	s0 =	sld [smem:$0x3FAE]  }
0x30: {  	s3 =	sld [smem:$0x3FB1]  }
0x31: {  	[smem:$0x3FBA] =	sst s10  }
0x32: {  	s10 =	sld [smem:$0x3FB8];
	_ =	sdelay $0x3  }
0x33: {  	p0 =	seq.s32 s10, $0x1;
	s10 =	sld [smem:$0x3FBA];
	_ =	sdelay $0x3  }
0x34: {  	[smem:$0x3FBA] =	sst s10  }
0x35: {  	s10 =	sld [smem:$0x3FB9];
	_ =	sdelay $0x3  }
0x36: {  	p1 =	seq.s32 s10, $0x1;
	s10 =	sld [smem:$0x3FBA];
	_ =	sdelay $0x3  }
0x37: {  	[smem:$0x3FBA] =	sst s10  }
0x38: {  	s10 =	sld [smem:$0x3FBB]  }
0x39: {  	_ = 	snop;
	(pc) =	sbr.ind lr, $3  }
0x3a: {  	_ = 	snop  }
0x3b: {  	_ = 	snop  }
0x3c: {  	p2 =	seq.s32 s10, $0x1;
	s10 =	sld [smem:$0x3FBA]  }
0x3d: {  	_ =	shalt  }
0x3e: {  	_ =	shalt  }
0x3f: {  	_ =	shalt  }
0x40: {  	_ =	shalt  }
0x41: {  	_ =	shalt  }
0x42: {  	_ =	shalt  }
0x43: {  	_ =	shalt  }
0x44: {  	_ =	shalt  }
0x45: {  	_ =	shalt  }
0x46: {  	_ =	shalt  }
0x47: {  	_ =	shalt  }
0x48: {  	_ =	shalt  }
0x49: {  	_ =	shalt  }
0x4a: {  	_ =	shalt  }
0x4b: {  	_ =	shalt  }
0x4c: {  	_ =	shalt  }
0x4d: {  	_ =	shalt  }
0x4e: {  	_ =	shalt  }
0x4f: {  	_ =	shalt  }
0x50: {  	_ =	shalt  }
0x51: {  	_ =	shalt  }
0x52: {  	_ =	shalt  }
0x53: {  	_ =	shalt  }
0x54: {  	_ =	shalt  }
0x55: {  	_ =	shalt  }
0x56: {  	_ =	shalt  }
0x57: {  	_ =	shalt  }
0x58: {  	_ =	shalt  }
0x59: {  	_ =	shalt  }
0x5a: {  	_ =	shalt  }
0x5b: {  	_ =	shalt  }
0x5c: {  	_ =	shalt  }
0x5d: {  	_ =	shalt  }
0x5e: {  	_ =	shalt  }
0x5f: {  	_ =	shalt  }
0x60: {  	_ =	shalt  }
0x61: {  	_ =	shalt  }
0x62: {  	_ =	shalt  }
0x63: {  	_ =	shalt  }
0x64: {  	_ =	shalt  }
0x65: {  	_ =	shalt  }
0x66: {  	_ =	shalt  }
0x67: {  	_ =	shalt  }
0x68: {  	_ =	shalt  }
0x69: {  	_ =	shalt  }
0x6a: {  	_ =	shalt  }
0x6b: {  	_ =	shalt  }
0x6c: {  	_ =	shalt  }
0x6d: {  	_ =	shalt  }
0x6e: {  	_ =	shalt  }
0x6f: {  	_ =	shalt  }
0x70: {  	_ =	shalt  }
0x71: {  	_ =	shalt  }
0x72: {  	_ =	shalt  }
0x73: {  	_ =	shalt  }
0x74: {  	_ =	shalt  }
0x75: {  	_ =	shalt  }
0x76: {  	_ =	shalt  }
0x77: {  	_ =	shalt  }
0x78: {  	_ =	shalt  }
0x79: {  	_ =	shalt  }
0x7a: {  	_ =	shalt  }
0x7b: {  	_ =	shalt  }
0x7c: {  	_ =	shalt  }
0x7d: {  	_ =	shalt  }
0x7e: {  	_ =	shalt  }
0x7f: {  	_ =	shalt  }
0x80: {  	_ =	shalt  }
0x81: {  	_ =	shalt  }
0x82: {  	_ =	shalt  }
0x83: {  	_ =	shalt  }
0x84: {  	_ =	shalt  }
0x85: {  	_ =	shalt  }
0x86: {  	_ =	shalt  }
0x87: {  	_ =	shalt  }
.Lfunc_end0:
.L_simem_size_0:
called_computation_lowered:
.L_overlay_start_0:
0x88: {  	s2 =	sld [smem:$0x3FD9]  }
0x89: {  	s3 =	sld [smem:$0x3FFE];
	_ =	sdelay $0x1  }
0x8a: {  	s1 =	srdreg.scid  }
0x8b: {  	s0 =	sand.u32 $0x1, s1  }
0x8c: {  	s17 =	sshll.u32 s0, $0xA;
	s2 =	sadd.s32 s3, s2  }
0x8d: {  	s2 =	sadd.s32 s2, s17  }
0x8e: {  	[smem:$0x3FC6] =	sst s2  }
0x8f: {  	_ = 	snop  }
0x90: {  	s2 =	sld [smem:$0x3FD0];
	(tm) =	ssettm $0x1  }
0x91: {  	s18 =	sld [smem:$0x3FFB];
	_ =	sdelay $0x3  }
0x92: {  	_ =	strace s18  }
0x93: {  	s3 =	sld [smem:$0x3FFC];
	_ =	sdelay $0x3  }
0x94: {  	_ =	strace s3  }
0x95: {  	s3 =	sld [smem:$0x3FFD];
	_ =	sdelay $0x3  }
0x96: {  	_ =	strace s3  }
0x97: {  	_ =	strace $0x8FFFFFFF  }
0x98: {  	s19 =	sld [smem:$0x3FDB];
	_ =	sdelay $0x1  }
0x99: {  	s4 =	simm.s32 $_scs_section_size  }
0x9a: {  	s5 =	simm.s32 $_size__tile_overlayer_lowered;
	s6 =	simm.s32 $_tile_overlayer_lowered  }
0x9b: {  	s22 =	simm.s32 $0x1BFF;
	s21 =	sshll.u32 s6, $0x1;
	s3 =	sadd.s32 s4, s19  }
0x9c: {  	s7 =	simm.s32 $0x0;
	s20 =	sshll.u32 s5, $0x1;
	s5 =	sadd.s32 s21, s3  }
0x9d: {  	[timem:s7], [sflag:s22] =	dma.local [hbm:s5], s20  }
0x9e: {  	_ =	swait.ge [sflag:s22], s20  }
0x9f: {  	s4 =	ssub.s32 $0x0, s20;
	[sflag:s22] =	ssyncset.done $0x0  }
0xa0: {  	[sflag:s22] =	ssyncadd.s32 s4;
	_ =	sdelay $0x1  }
0xa1: {  	s23 =	simm.s32 $0x1B8B  }
0xa2: {  	_ =	swait.ge [sflag:s23], $0x1  }
0xa3: {  	[sflag:s23] =	ssyncset.done $0x0  }
0xa4: {  	s25 =	simm.s32 $0x1B8E;
	s24 =	sld [smem:$0x3FFE];
	[sflag:s23] =	ssyncadd.s32 $0xFFFFFFFF  }
0xa5: {  	s26 =	simm.s32 $execute0_lowered;
	[smem:$0x3FD2] =	sst s25  }
0xa6: {  	s5 =	sshll.u32 s26, $0x1;
	_ =	strace $0x80000046;
	[dreg:$0x1] =	wrdreg $0xFFFFFFFF  }
0xa7: {  	s28 =	simm.s32 $_size_execute0_lowered;
	s3 =	sadd.s32 s3, s5;
	[dreg:$0x0] =	wrdreg $0x0  }
0xa8: {  	s5 =	sshll.u32 s28, $0x1;
	[dreg:$0x2] =	wrdreg s3  }
0xa9: {  	[dreg:$0x3] =	wrdreg s5  }
0xaa: {  	[dreg:$0x4] =	wrdreg $0xC0  }
0xab: {  	_ =	task [dreg:s7], $0x5FFFF  }
0xac: {  	[dreg:$0x1] =	wrdreg $0xFFFFFFFF  }
0xad: {  	[dreg:$0x0] =	wrdreg $0x60  }
0xae: {  	[dreg:$0x2] =	wrdreg s24  }
0xaf: {  	[dreg:$0x3] =	wrdreg s2  }
0xb0: {  	[dreg:$0x4] =	wrdreg $0x9  }
0xb1: {  	_ =	task.clear_ibuf [dreg:s7], $0x5FFFF;
	_ =	strace $0x90000046  }
0xb2: {  	s29 =	simm.s32 $0x9;
	_ =	strace $0x80000048  }
0xb3: {  	_ =	swait.ge [sflag:s29], $0x1  }
0xb4: {  	[sflag:s29] =	ssyncadd.s32 $0xFFFFFFFF  }
0xb5: {  	_ =	strace $0x90000048  }
0xb6: {  	_ =	sfence  }
0xb7: {  	s30 =	sld [smem:$0x0];
	_ =	sdelay $0x2  }
0xb8: {  	s31 =	sshll.u32 s1, $0xD;
	s1 =	sshrl.u32 s1, $0x2  }
0xb9: {  	s3 =	sand.u32 $0x4000, s31;
	s1 =	sadd.s32 s1, s30  }
0xba: {  	s0 =	sor.u32 s3, s0;
	s1 =	sshll.u32 s1, $0x11  }
0xbb: {  	s0 =	sor.u32 s1, s0  }
0xbc: {  	s0 =	sadd.s32 $0x8F2B, s0  }
0xbd: {  	[sflag:s0] =	ssyncadd.remote.s32 $0x1  }
0xbe: {  	_ =	sfence.sel $0xFFFF  }
0xbf: {  	[dreg:$0x0] =	wrdreg $0xFFFFFFFF;
	(pc) =	sbr.abs _section_cstart, $3  }
0xc0: {  	[dreg:$0x1] =	wrdreg $0xFFFFFFFF  }
0xc1: {  	_ =	task.clear_ibuf [dreg:s7], $0x2FFFF;
	_ =	strace $0x9FFFFFFF  }
0xc2: {  	(tm) =	ssettm $0x7FFFFFFF  }
0xc3: {  	_ =	shalt  }
tec
execute0_lowered:
.L_overlay_start_1:
0x0: {  	(tag) =	ssettag $0x1  }
0x1: {  	s0 =	srdreg.scid;
	s4 =	stileid.u32  }
0x2: {  	s3 =	rddreg [dreg:$0x0];
	s5 =	simm.s32 $0x0;
	s0 =	sand.u32 $0x1, s0  }
0x3: {  	s1 =	sshll.u32 s4, $0xA;
	s30 =	smul.u32 $0xE0000, s4;
	[smem:$0x7FF] =	sst s5  }
0x4: {  	s31 =	smul.u32 $0x700000, s4;
	s4 =	sadd.s32 $0xF42A00, s3;
	s2 =	sshll.u32 s0, $0x9  }
0x5: {  	_ =	strace $0x80000047;
	s6 =	ssub.s32 $0x2, s0;
	s9 =	smul.u32 $0x70000, s0  }
0x6: {  	s7 =	smul.u32 $0x380000, s0;
	s1 =	sor.u32 s2, s1;
	s8 =	sshrl.u32 s6, $0x1  }
0x7: {  	s1 =	smul.u32 $0x7, s1;
	s0 =	ssub.s32 s6, s8;
	s2 =	sadd.s32 s9, s30  }
0x8: {  	[dreg:$0x3] =	wrdreg s2;
	s0 =	smax.u32 s0, $0x1;
	s2 =	simm.s32 $0x0  }
0x9: {  	s3 =	sadd.s32 s1, s3;
	s1 =	sadd.s32 s7, s31;
	[dreg:$0x1d] =	wrdreg s0  }
0xa: {  	s3 =	sadd.s32 $0x600, s3;
	s10 =	sor.u32 $0x1A400, s1;
	s12 =	sor.u32 $0x18800, s1  }
0xb: {  	s14 =	sor.u32 $0x16C00, s1;
	[dreg:$0x1c] =	wrdreg s3;
	s11 =	sshrl.u32 s10, $0x3  }
0xc: {  	s16 =	sor.u32 $0x15000, s1;
	s13 =	sshrl.u32 s12, $0x3;
	[dreg:$0x4] =	wrdreg s11  }
0xd: {  	s18 =	sor.u32 $0x13400, s1;
	s15 =	sshrl.u32 s14, $0x3;
	[dreg:$0x5] =	wrdreg s13  }
0xe: {  	s20 =	sor.u32 $0x11800, s1;
	s17 =	sshrl.u32 s16, $0x3;
	[dreg:$0x6] =	wrdreg s15  }
0xf: {  	s22 =	sor.u32 $0xFC00, s1;
	s19 =	sshrl.u32 s18, $0x3;
	[dreg:$0x7] =	wrdreg s17  }
0x10: {  	s24 =	sor.u32 $0xE000, s1;
	s21 =	sshrl.u32 s20, $0x3;
	[dreg:$0x8] =	wrdreg s19  }
0x11: {  	s26 =	sor.u32 $0xC400, s1;
	s23 =	sshrl.u32 s22, $0x3;
	[dreg:$0x9] =	wrdreg s21  }
0x12: {  	s29 =	sor.u32 $0xA800, s1;
	s25 =	sshrl.u32 s24, $0x3;
	[dreg:$0xa] =	wrdreg s23  }
0x13: {  	s31 =	sor.u32 $0x8C00, s1;
	s28 =	sshrl.u32 s26, $0x3;
	[dreg:$0xb] =	wrdreg s25  }
0x14: {  	s6 =	sor.u32 $0x36400, s1;
	s30 =	sshrl.u32 s29, $0x3;
	[dreg:$0xc] =	wrdreg s28  }
0x15: {  	s8 =	sor.u32 $0x34800, s1;
	s5 =	sshrl.u32 s31, $0x3;
	[dreg:$0xd] =	wrdreg s30  }
0x16: {  	s7 =	sshrl.u32 s6, $0x3;
	s9 =	sshrl.u32 s8, $0x3;
	[dreg:$0xe] =	wrdreg s5  }
0x17: {  	s10 =	sor.u32 $0x32C00, s1;
	s12 =	sor.u32 $0x31000, s1;
	[dreg:$0xf] =	wrdreg s7  }
0x18: {  	s14 =	sor.u32 $0x2F400, s1;
	[dreg:$0x10] =	wrdreg s9;
	s11 =	sshrl.u32 s10, $0x3  }
0x19: {  	s16 =	sor.u32 $0x2D800, s1;
	s13 =	sshrl.u32 s12, $0x3;
	[dreg:$0x11] =	wrdreg s11  }
0x1a: {  	s18 =	sor.u32 $0x2BC00, s1;
	s15 =	sshrl.u32 s14, $0x3;
	[dreg:$0x12] =	wrdreg s13  }
0x1b: {  	s20 =	sor.u32 $0x2A000, s1;
	s17 =	sshrl.u32 s16, $0x3;
	[dreg:$0x13] =	wrdreg s15  }
0x1c: {  	s22 =	sor.u32 $0x28400, s1;
	s19 =	sshrl.u32 s18, $0x3;
	[dreg:$0x14] =	wrdreg s17  }
0x1d: {  	s24 =	sor.u32 $0x26800, s1;
	s21 =	sshrl.u32 s20, $0x3;
	[dreg:$0x15] =	wrdreg s19  }
0x1e: {  	s26 =	sor.u32 $0x24C00, s1;
	s23 =	sshrl.u32 s22, $0x3;
	[dreg:$0x16] =	wrdreg s21  }
0x1f: {  	s29 =	sor.u32 $0x23000, s1;
	s25 =	sshrl.u32 s24, $0x3;
	[dreg:$0x17] =	wrdreg s23  }
0x20: {  	s1 =	sor.u32 $0x21400, s1;
	s28 =	sshrl.u32 s26, $0x3;
	[dreg:$0x18] =	wrdreg s25  }
0x21: {  	s8 =	simm.s32 $0x32;
	s30 =	sshrl.u32 s29, $0x3;
	[dreg:$0x19] =	wrdreg s28  }
0x22: {  	s31 =	sshrl.u32 s1, $0x3;
	s10 =	simm.s32 $0x131C0;
	[dreg:$0x1a] =	wrdreg s30  }
0x23: {  	[dreg:$0x1b] =	wrdreg s31;
	s15 =	simm.s32 $0x1;
	s17 =	simm.s32 $0x20  }
0x24: {  	s19 =	simm.s32 $0x80;
	s21 =	simm.s32 $0x2;
	s23 =	simm.s32 $0x3  }
.LBB2_1:
0x25: {  	[dreg:$0x1e] =	wrdreg s2  }
0x26: {  	s0 =	simm.s32 $0x0;
	s1 =	rddreg [dreg:$0x1c];
	s29 =	simm.s32 $0x5  }
0x27: {  	[tilespmem:s0], [sflag:$0x5] =	stream.linear.gather [hbm4b:s1+s0], $0x7000, $0x38;
	[tilespmem:$0x13800] =	vst v63  }
0x28: {  	_ =	swait.ge [sflag:s29], $0x7000  }
0x29: {  	[sflag:s29] =	ssyncset.done $0x0  }
0x2a: {  	s3 =	simm.s32 $0x7000;
	[sflag:s29] =	ssyncadd.s32 $0xFFFF9000  }
0x2b: {  	[tilespmem:s3], [sflag:$0x1] =	stream.indirect.gather [hbm4b:s4+s8], $0x20, s0, s8, $0xb8;
	[tilespmem:$0x13800] =	vst v63  }
0x2c: {  	s31 =	simm.s32 $0x38;
	s5 =	simm.s32 $0x7640  }
0x2d: {  	[tilespmem:s5], [sflag:$0x1] =	stream.indirect.gather [hbm4b:s4+s8], $0x20, s31, s8, $0xb8;
	[tilespmem:$0x13800] =	vst v63  }
0x2e: {  	s12 =	simm.s32 $0x7C80;
	s1 =	simm.s32 $0x70  }
0x2f: {  	[tilespmem:s12], [sflag:$0x1] =	stream.indirect.gather [hbm4b:s4+s8], $0x20, s1, s8, $0xb8;
	[tilespmem:$0x13800] =	vst v63  }
0x30: {  	s2 =	simm.s32 $0xA8;
	s16 =	simm.s32 $0x82C0  }
0x31: {  	[tilespmem:s16], [sflag:$0x1] =	stream.indirect.gather [hbm4b:s4+s8], $0x20, s2, s8, $0xb8;
	[tilespmem:$0x13800] =	vst v63  }
0x32: {  	s6 =	simm.s32 $0xE0;
	s20 =	simm.s32 $0x8900  }
0x33: {  	[tilespmem:s20], [sflag:$0x1] =	stream.indirect.gather [hbm4b:s4+s8], $0x20, s6, s8, $0xb8;
	[tilespmem:$0x13800] =	vst v63  }
0x34: {  	s7 =	simm.s32 $0x118;
	s22 =	simm.s32 $0x8F40  }
0x35: {  	[tilespmem:s22], [sflag:$0x1] =	stream.indirect.gather [hbm4b:s4+s8], $0x20, s7, s8, $0xb8;
	[tilespmem:$0x13800] =	vst v63  }
0x36: {  	s9 =	simm.s32 $0x150;
	s24 =	simm.s32 $0x9580  }
0x37: {  	[tilespmem:s24], [sflag:$0x1] =	stream.indirect.gather [hbm4b:s4+s8], $0x20, s9, s8, $0xb8;
	[tilespmem:$0x13800] =	vst v63  }
0x38: {  	s11 =	simm.s32 $0x188;
	s25 =	simm.s32 $0x9BC0  }
0x39: {  	[tilespmem:s25], [sflag:$0x1] =	stream.indirect.gather [hbm4b:s4+s8], $0x20, s11, s8, $0xb8;
	[tilespmem:$0x13800] =	vst v63  }
0x3a: {  	s13 =	simm.s32 $0x1C0;
	s26 =	simm.s32 $0xA200  }
0x3b: {  	[tilespmem:s26], [sflag:$0x1] =	stream.indirect.gather [hbm4b:s4+s8], $0x20, s13, s8, $0xb8;
	[tilespmem:$0x13800] =	vst v63  }
0x3c: {  	s14 =	simm.s32 $0x1F8;
	s28 =	simm.s32 $0xA840  }
0x3d: {  	[tilespmem:s28], [sflag:$0x1] =	stream.indirect.gather [hbm4b:s4+s8], $0x20, s14, s8, $0xb8;
	[tilespmem:$0x13800] =	vst v63  }
0x3e: {  	s18 =	simm.s32 $0x230;
	s29 =	simm.s32 $0xAE80  }
0x3f: {  	[tilespmem:s29], [sflag:$0x1] =	stream.indirect.gather [hbm4b:s4+s8], $0x20, s18, s8, $0xb8;
	[tilespmem:$0x13800] =	vst v63  }
0x40: {  	s30 =	simm.s32 $0xB4C0;
	s31 =	simm.s32 $0x268  }
0x41: {  	[tilespmem:s30], [sflag:$0x1] =	stream.indirect.gather [hbm4b:s4+s8], $0x20, s31, s8, $0xb8;
	[tilespmem:$0x13800] =	vst v63  }
0x42: {  	s1 =	simm.s32 $0x2A0;
	s31 =	simm.s32 $0xBB00  }
0x43: {  	[tilespmem:s31], [sflag:$0x1] =	stream.indirect.gather [hbm4b:s4+s8], $0x20, s1, s8, $0xb8;
	[tilespmem:$0x13800] =	vst v63  }
0x44: {  	p0 =	por $0x1, $0x1;
	s2 =	simm.s32 $0x2D8;
	s6 =	simm.s32 $0xC140  }
0x45: {  	[tilespmem:s6], [sflag:$0x1] =	stream.indirect.gather [hbm4b:s4+s8], $0x20, s2, s8, $0xb8;
	[tilespmem:$0x13800] =	vst v63  }
0x46: {  	p0 =	por p0, p0;
	s7 =	simm.s32 $0x310;
	s9 =	simm.s32 $0xC780  }
0x47: {  	[tilespmem:s9], [sflag:$0x1] =	stream.indirect.gather [hbm4b:s4+s8], $0x20, s7, s8, $0xb8;
	[tilespmem:$0x13800] =	vst v63  }
0x48: {  	s11 =	simm.s32 $0x348;
	s13 =	simm.s32 $0xCDC0;
	s1 =	simm.s32 @!p0 $0x4  }
0x49: {  	[tilespmem:s13], [sflag:$0x1] =	stream.indirect.gather [hbm4b:s4+s8], $0x20, s11, s8, $0xb8;
	[tilespmem:$0x13800] =	vst v63  }
0x4a: {  	_ =	swait.ge @!p0 [sflag:s1], $0x640  }
0x4b: {  	[sflag:s1] =	ssyncset.done @!p0 $0x0  }
0x4c: {  	[sflag:s1] =	ssyncadd.s32 @!p0 $0xFFFFF9C0  }
0x4d: {  	_ =	swait.ge @!p0 [sflag:s1], $0x640  }
0x4e: {  	[sflag:s1] =	ssyncset.done @!p0 $0x0  }
0x4f: {  	[sflag:s1] =	ssyncadd.s32 @!p0 $0xFFFFF9C0  }
0x50: {  	_ =	swait.ge @!p0 [sflag:s1], $0x640  }
0x51: {  	[sflag:s1] =	ssyncset.done @!p0 $0x0  }
0x52: {  	[sflag:s1] =	ssyncadd.s32 @!p0 $0xFFFFF9C0  }
0x53: {  	_ =	swait.ge @!p0 [sflag:s1], $0x640  }
0x54: {  	[sflag:s1] =	ssyncset.done @!p0 $0x0  }
0x55: {  	[sflag:s1] =	ssyncadd.s32 @!p0 $0xFFFFF9C0  }
0x56: {  	_ =	swait.ge @!p0 [sflag:s1], $0x640  }
0x57: {  	[sflag:s1] =	ssyncset.done @!p0 $0x0  }
0x58: {  	[sflag:s1] =	ssyncadd.s32 @!p0 $0xFFFFF9C0  }
0x59: {  	_ =	swait.ge @!p0 [sflag:s1], $0x640  }
0x5a: {  	[sflag:s1] =	ssyncset.done @!p0 $0x0  }
0x5b: {  	[sflag:s1] =	ssyncadd.s32 @!p0 $0xFFFFF9C0  }
0x5c: {  	_ =	swait.ge @!p0 [sflag:s1], $0x640  }
0x5d: {  	[sflag:s1] =	ssyncset.done @!p0 $0x0  }
0x5e: {  	[sflag:s1] =	ssyncadd.s32 @!p0 $0xFFFFF9C0  }
0x5f: {  	_ =	swait.ge @!p0 [sflag:s1], $0x640  }
0x60: {  	[sflag:s1] =	ssyncset.done @!p0 $0x0  }
0x61: {  	[sflag:s1] =	ssyncadd.s32 @!p0 $0xFFFFF9C0  }
0x62: {  	_ =	swait.ge @!p0 [sflag:s1], $0x640  }
0x63: {  	[sflag:s1] =	ssyncset.done @!p0 $0x0  }
0x64: {  	[sflag:s1] =	ssyncadd.s32 @!p0 $0xFFFFF9C0  }
0x65: {  	_ =	swait.ge @!p0 [sflag:s1], $0x640  }
0x66: {  	[sflag:s1] =	ssyncset.done @!p0 $0x0  }
0x67: {  	[sflag:s1] =	ssyncadd.s32 @!p0 $0xFFFFF9C0  }
0x68: {  	_ =	swait.ge @!p0 [sflag:s1], $0x640  }
0x69: {  	[sflag:s1] =	ssyncset.done @!p0 $0x0  }
0x6a: {  	[sflag:s1] =	ssyncadd.s32 @!p0 $0xFFFFF9C0  }
0x6b: {  	_ =	swait.ge @!p0 [sflag:s1], $0x640  }
0x6c: {  	[sflag:s1] =	ssyncset.done @!p0 $0x0  }
0x6d: {  	[sflag:s1] =	ssyncadd.s32 @!p0 $0xFFFFF9C0  }
0x6e: {  	_ =	swait.ge @!p0 [sflag:s1], $0x640  }
0x6f: {  	[sflag:s1] =	ssyncset.done @!p0 $0x0  }
0x70: {  	[sflag:s1] =	ssyncadd.s32 @!p0 $0xFFFFF9C0  }
0x71: {  	_ =	swait.ge @!p0 [sflag:s1], $0x640  }
0x72: {  	[sflag:s1] =	ssyncset.done @!p0 $0x0  }
0x73: {  	[sflag:s1] =	ssyncadd.s32 @!p0 $0xFFFFF9C0  }
0x74: {  	_ =	swait.ge @!p0 [sflag:s1], $0x640  }
0x75: {  	[sflag:s1] =	ssyncset.done @!p0 $0x0  }
0x76: {  	[sflag:s1] =	ssyncadd.s32 @!p0 $0xFFFFF9C0  }
0x77: {  	_ =	swait.ge @!p0 [sflag:s1], $0x640  }
0x78: {  	[sflag:s1] =	ssyncset.done @!p0 $0x0  }
0x79: {  	s14 =	simm.s32 $0x380;
	s9 =	simm.s32 $0xD400;
	[sflag:s1] =	ssyncadd.s32 @!p0 $0xFFFFF9C0  }
0x7a: {  	[tilespmem:s9], [sflag:$0x2] =	stream.indirect.gather [hbm4b:s4+s8], $0x20, s14, s8, $0xb8;
	[tilespmem:$0x13800] =	vst v63  }
0x7b: {  	s18 =	simm.s32 $0x3B8;
	s11 =	simm.s32 $0xDA40  }
0x7c: {  	[tilespmem:s11], [sflag:$0x2] =	stream.indirect.gather [hbm4b:s4+s8], $0x20, s18, s8, $0xb8;
	[tilespmem:$0x13800] =	vst v63  }
0x7d: {  	s0 =	simm.s32 $0x3F0;
	s13 =	simm.s32 $0xE080  }
0x7e: {  	[tilespmem:s13], [sflag:$0x2] =	stream.indirect.gather [hbm4b:s4+s8], $0x20, s0, s8, $0xb8;
	[tilespmem:$0x13800] =	vst v63  }
0x7f: {  	s14 =	simm.s32 $0x428;
	s18 =	simm.s32 $0xE6C0  }
0x80: {  	[tilespmem:s18], [sflag:$0x2] =	stream.indirect.gather [hbm4b:s4+s8], $0x20, s14, s8, $0xb8;
	[tilespmem:$0x13800] =	vst v63  }
0x81: {  	s14 =	simm.s32 $0x460;
	s18 =	simm.s32 $0xED00  }
0x82: {  	[tilespmem:s18], [sflag:$0x2] =	stream.indirect.gather [hbm4b:s4+s8], $0x20, s14, s8, $0xb8;
	[tilespmem:$0x13800] =	vst v63  }
0x83: {  	s14 =	simm.s32 $0x498;
	s18 =	simm.s32 $0xF340  }
0x84: {  	[tilespmem:s18], [sflag:$0x2] =	stream.indirect.gather [hbm4b:s4+s8], $0x20, s14, s8, $0xb8;
	[tilespmem:$0x13800] =	vst v63  }
0x85: {  	s14 =	simm.s32 $0x4D0;
	s18 =	simm.s32 $0xF980  }
0x86: {  	[tilespmem:s18], [sflag:$0x2] =	stream.indirect.gather [hbm4b:s4+s8], $0x20, s14, s8, $0xb8;
	[tilespmem:$0x13800] =	vst v63  }
0x87: {  	s14 =	simm.s32 $0x508;
	s18 =	simm.s32 $0xFFC0  }
0x88: {  	[tilespmem:s18], [sflag:$0x2] =	stream.indirect.gather [hbm4b:s4+s8], $0x20, s14, s8, $0xb8;
	[tilespmem:$0x13800] =	vst v63  }
0x89: {  	s14 =	simm.s32 $0x540;
	s18 =	simm.s32 $0x10600  }
0x8a: {  	[tilespmem:s18], [sflag:$0x2] =	stream.indirect.gather [hbm4b:s4+s8], $0x20, s14, s8, $0xb8;
	[tilespmem:$0x13800] =	vst v63  }
0x8b: {  	s14 =	simm.s32 $0x578;
	s18 =	simm.s32 $0x10C40  }
0x8c: {  	[tilespmem:s18], [sflag:$0x2] =	stream.indirect.gather [hbm4b:s4+s8], $0x20, s14, s8, $0xb8;
	[tilespmem:$0x13800] =	vst v63  }
0x8d: {  	s14 =	simm.s32 $0x5B0;
	s18 =	simm.s32 $0x11280  }
0x8e: {  	[tilespmem:s18], [sflag:$0x2] =	stream.indirect.gather [hbm4b:s4+s8], $0x20, s14, s8, $0xb8;
	[tilespmem:$0x13800] =	vst v63  }
0x8f: {  	s14 =	simm.s32 $0x5E8;
	s18 =	simm.s32 $0x118C0  }
0x90: {  	[tilespmem:s18], [sflag:$0x2] =	stream.indirect.gather [hbm4b:s4+s8], $0x20, s14, s8, $0xb8;
	[tilespmem:$0x13800] =	vst v63  }
0x91: {  	s14 =	simm.s32 $0x620;
	s18 =	simm.s32 $0x11F00  }
0x92: {  	[tilespmem:s18], [sflag:$0x2] =	stream.indirect.gather [hbm4b:s4+s8], $0x20, s14, s8, $0xb8;
	[tilespmem:$0x13800] =	vst v63  }
0x93: {  	s14 =	simm.s32 $0x658;
	s18 =	simm.s32 $0x12540  }
0x94: {  	[tilespmem:s18], [sflag:$0x2] =	stream.indirect.gather [hbm4b:s4+s8], $0x20, s14, s8, $0xb8;
	[tilespmem:$0x13800] =	vst v63  }
0x95: {  	s14 =	simm.s32 $0x690;
	s18 =	simm.s32 $0x12B80  }
0x96: {  	[tilespmem:s18], [sflag:$0x2] =	stream.indirect.gather [hbm4b:s4+s8], $0x20, s14, s8, $0xb8;
	[tilespmem:$0x13800] =	vst v63  }
0x97: {  	s0 =	simm.s32 $0x6C8  }
0x98: {  	[tilespmem:s10], [sflag:$0x2] =	stream.indirect.gather [hbm4b:s4+s8], $0x20, s0, s8, $0xb8;
	[tilespmem:$0x13800] =	vst v63  }
0x99: {  	_ =	swait.ge [sflag:s15], $0x640  }
0x9a: {  	[sflag:s15] =	ssyncset.done $0x0  }
0x9b: {  	[sflag:s15] =	ssyncadd.s32 $0xFFFFF9C0  }
0x9c: {  	_ =	swait.ge [sflag:s15], $0x640  }
0x9d: {  	[sflag:s15] =	ssyncset.done $0x0  }
0x9e: {  	[sflag:s15] =	ssyncadd.s32 $0xFFFFF9C0  }
0x9f: {  	_ =	swait.ge [sflag:s15], $0x640  }
0xa0: {  	[sflag:s15] =	ssyncset.done $0x0  }
0xa1: {  	[sflag:s15] =	ssyncadd.s32 $0xFFFFF9C0  }
0xa2: {  	_ =	swait.ge [sflag:s15], $0x640  }
0xa3: {  	[sflag:s15] =	ssyncset.done $0x0  }
0xa4: {  	[sflag:s15] =	ssyncadd.s32 $0xFFFFF9C0  }
0xa5: {  	_ =	swait.ge [sflag:s15], $0x640  }
0xa6: {  	[sflag:s15] =	ssyncset.done $0x0  }
0xa7: {  	[sflag:s15] =	ssyncadd.s32 $0xFFFFF9C0  }
0xa8: {  	_ =	swait.ge [sflag:s15], $0x640  }
0xa9: {  	[sflag:s15] =	ssyncset.done $0x0  }
0xaa: {  	[sflag:s15] =	ssyncadd.s32 $0xFFFFF9C0  }
0xab: {  	_ =	swait.ge [sflag:s15], $0x640  }
0xac: {  	[sflag:s15] =	ssyncset.done $0x0  }
0xad: {  	[sflag:s15] =	ssyncadd.s32 $0xFFFFF9C0  }
0xae: {  	_ =	swait.ge [sflag:s15], $0x640  }
0xaf: {  	[sflag:s15] =	ssyncset.done $0x0  }
0xb0: {  	[sflag:s15] =	ssyncadd.s32 $0xFFFFF9C0  }
0xb1: {  	_ =	swait.ge [sflag:s15], $0x640  }
0xb2: {  	[sflag:s15] =	ssyncset.done $0x0  }
0xb3: {  	[sflag:s15] =	ssyncadd.s32 $0xFFFFF9C0  }
0xb4: {  	_ =	swait.ge [sflag:s15], $0x640  }
0xb5: {  	[sflag:s15] =	ssyncset.done $0x0  }
0xb6: {  	[sflag:s15] =	ssyncadd.s32 $0xFFFFF9C0  }
0xb7: {  	_ =	swait.ge [sflag:s15], $0x640  }
0xb8: {  	[sflag:s15] =	ssyncset.done $0x0  }
0xb9: {  	[sflag:s15] =	ssyncadd.s32 $0xFFFFF9C0  }
0xba: {  	_ =	swait.ge [sflag:s15], $0x640  }
0xbb: {  	[sflag:s15] =	ssyncset.done $0x0  }
0xbc: {  	[sflag:s15] =	ssyncadd.s32 $0xFFFFF9C0  }
0xbd: {  	_ =	swait.ge [sflag:s15], $0x640  }
0xbe: {  	[sflag:s15] =	ssyncset.done $0x0  }
0xbf: {  	[sflag:s15] =	ssyncadd.s32 $0xFFFFF9C0  }
0xc0: {  	_ =	swait.ge [sflag:s15], $0x640  }
0xc1: {  	[sflag:s15] =	ssyncset.done $0x0  }
0xc2: {  	[sflag:s15] =	ssyncadd.s32 $0xFFFFF9C0  }
0xc3: {  	_ =	swait.ge [sflag:s15], $0x640  }
0xc4: {  	[sflag:s15] =	ssyncset.done $0x0  }
0xc5: {  	[sflag:s15] =	ssyncadd.s32 $0xFFFFF9C0  }
0xc6: {  	_ =	swait.ge [sflag:s15], $0x640  }
0xc7: {  	[sflag:s15] =	ssyncset.done $0x0  }
0xc8: {  	s14 =	rddreg [dreg:$0x3];
	[sflag:s15] =	ssyncadd.s32 $0xFFFFF9C0  }
0xc9: {  	s0 =	rddreg [dreg:$0x1]  }
0xca: {  	s1 =	sadd.s32 s0, s14  }
0xcb: {  	[hbm4b:s1+s17] =	stream.strided.scatter [tilespmem:s3], [sflag:$0x3], $0x640, s19, s17, $0x38;
	[tilespmem:$0x13800] =	vst v63  }
0xcc: {  	s18 =	sadd.s32 $0x380, s1  }
0xcd: {  	[hbm4b:s18+s17] =	stream.strided.scatter [tilespmem:s5], [sflag:$0x3], $0x640, s19, s17, $0x38;
	[tilespmem:$0x13800] =	vst v63  }
0xce: {  	s3 =	sadd.s32 $0x700, s1  }
0xcf: {  	[hbm4b:s3+s17] =	stream.strided.scatter [tilespmem:s12], [sflag:$0x3], $0x640, s19, s17, $0x38;
	[tilespmem:$0x13800] =	vst v63  }
0xd0: {  	s5 =	sadd.s32 $0xA80, s1  }
0xd1: {  	[hbm4b:s5+s17] =	stream.strided.scatter [tilespmem:s16], [sflag:$0x3], $0x640, s19, s17, $0x38;
	[tilespmem:$0x13800] =	vst v63  }
0xd2: {  	s14 =	rddreg [dreg:$0xe];
	s12 =	sadd.s32 $0xE00, s1  }
0xd3: {  	[hbm4b:s12+s17] =	stream.strided.scatter [tilespmem:s20], [sflag:$0x3], $0x640, s19, s17, $0x38;
	[tilespmem:$0x13800] =	vst v63  }
0xd4: {  	s14 =	sadd.s32 s0, s14;
	s18 =	rddreg [dreg:$0xd]  }
0xd5: {  	[hbm4b:s14+s17] =	stream.strided.scatter [tilespmem:s22], [sflag:$0x3], $0x640, s19, s17, $0x38;
	[tilespmem:$0x13800] =	vst v63  }
0xd6: {  	s16 =	rddreg [dreg:$0xc];
	s20 =	sadd.s32 s0, s18  }
0xd7: {  	[hbm4b:s20+s17] =	stream.strided.scatter [tilespmem:s24], [sflag:$0x3], $0x640, s19, s17, $0x38;
	[tilespmem:$0x13800] =	vst v63  }
0xd8: {  	s22 =	rddreg [dreg:$0xb];
	s24 =	sadd.s32 s0, s16  }
0xd9: {  	[hbm4b:s24+s17] =	stream.strided.scatter [tilespmem:s25], [sflag:$0x3], $0x640, s19, s17, $0x38;
	[tilespmem:$0x13800] =	vst v63  }
0xda: {  	s3 =	rddreg [dreg:$0xa];
	s5 =	sadd.s32 s0, s22  }
0xdb: {  	[hbm4b:s5+s17] =	stream.strided.scatter [tilespmem:s26], [sflag:$0x3], $0x640, s19, s17, $0x38;
	[tilespmem:$0x13800] =	vst v63  }
0xdc: {  	s12 =	rddreg [dreg:$0x9];
	s14 =	sadd.s32 s0, s3  }
0xdd: {  	[hbm4b:s14+s17] =	stream.strided.scatter [tilespmem:s28], [sflag:$0x3], $0x640, s19, s17, $0x38;
	[tilespmem:$0x13800] =	vst v63  }
0xde: {  	s16 =	rddreg [dreg:$0x8];
	s20 =	sadd.s32 s0, s12  }
0xdf: {  	[hbm4b:s20+s17] =	stream.strided.scatter [tilespmem:s29], [sflag:$0x3], $0x640, s19, s17, $0x38;
	[tilespmem:$0x13800] =	vst v63  }
0xe0: {  	s22 =	rddreg [dreg:$0x7];
	s24 =	sadd.s32 s0, s16  }
0xe1: {  	[hbm4b:s24+s17] =	stream.strided.scatter [tilespmem:s30], [sflag:$0x3], $0x640, s19, s17, $0x38;
	[tilespmem:$0x13800] =	vst v63  }
0xe2: {  	s25 =	rddreg [dreg:$0x6];
	s26 =	sadd.s32 s0, s22  }
0xe3: {  	[hbm4b:s26+s17] =	stream.strided.scatter [tilespmem:s31], [sflag:$0x3], $0x640, s19, s17, $0x38;
	[tilespmem:$0x13800] =	vst v63  }
0xe4: {  	s2 =	simm.s32 $0xC140;
	s29 =	rddreg [dreg:$0x5];
	s31 =	sadd.s32 s0, s25  }
0xe5: {  	[hbm4b:s31+s17] =	stream.strided.scatter [tilespmem:s2], [sflag:$0x3], $0x640, s19, s17, $0x38;
	[tilespmem:$0x13800] =	vst v63  }
0xe6: {  	s6 =	simm.s32 $0xC780;
	s3 =	rddreg [dreg:$0x4];
	s5 =	sadd.s32 s0, s29  }
0xe7: {  	[hbm4b:s5+s17] =	stream.strided.scatter [tilespmem:s6], [sflag:$0x3], $0x640, s19, s17, $0x38;
	[tilespmem:$0x13800] =	vst v63  }
0xe8: {  	s7 =	simm.s32 $0xCDC0;
	s6 =	sadd.s32 s0, s3  }
0xe9: {  	[hbm4b:s6+s17] =	stream.strided.scatter [tilespmem:s7], [sflag:$0x3], $0x640, s19, s17, $0x38;
	[tilespmem:$0x13800] =	vst v63  }
0xea: {  	_ =	swait.ge [sflag:s21], $0x640  }
0xeb: {  	[sflag:s21] =	ssyncset.done $0x0  }
0xec: {  	[sflag:s21] =	ssyncadd.s32 $0xFFFFF9C0  }
0xed: {  	_ =	swait.ge [sflag:s21], $0x640  }
0xee: {  	[sflag:s21] =	ssyncset.done $0x0  }
0xef: {  	[sflag:s21] =	ssyncadd.s32 $0xFFFFF9C0  }
0xf0: {  	_ =	swait.ge [sflag:s21], $0x640  }
0xf1: {  	[sflag:s21] =	ssyncset.done $0x0  }
0xf2: {  	[sflag:s21] =	ssyncadd.s32 $0xFFFFF9C0  }
0xf3: {  	_ =	swait.ge [sflag:s21], $0x640  }
0xf4: {  	[sflag:s21] =	ssyncset.done $0x0  }
0xf5: {  	[sflag:s21] =	ssyncadd.s32 $0xFFFFF9C0  }
0xf6: {  	_ =	swait.ge [sflag:s21], $0x640  }
0xf7: {  	[sflag:s21] =	ssyncset.done $0x0  }
0xf8: {  	[sflag:s21] =	ssyncadd.s32 $0xFFFFF9C0  }
0xf9: {  	_ =	swait.ge [sflag:s21], $0x640  }
0xfa: {  	[sflag:s21] =	ssyncset.done $0x0  }
0xfb: {  	[sflag:s21] =	ssyncadd.s32 $0xFFFFF9C0  }
0xfc: {  	_ =	swait.ge [sflag:s21], $0x640  }
0xfd: {  	[sflag:s21] =	ssyncset.done $0x0  }
0xfe: {  	[sflag:s21] =	ssyncadd.s32 $0xFFFFF9C0  }
0xff: {  	_ =	swait.ge [sflag:s21], $0x640  }
0x100: {  	[sflag:s21] =	ssyncset.done $0x0  }
0x101: {  	[sflag:s21] =	ssyncadd.s32 $0xFFFFF9C0  }
0x102: {  	_ =	swait.ge [sflag:s21], $0x640  }
0x103: {  	[sflag:s21] =	ssyncset.done $0x0  }
0x104: {  	[sflag:s21] =	ssyncadd.s32 $0xFFFFF9C0  }
0x105: {  	_ =	swait.ge [sflag:s21], $0x640  }
0x106: {  	[sflag:s21] =	ssyncset.done $0x0  }
0x107: {  	[sflag:s21] =	ssyncadd.s32 $0xFFFFF9C0  }
0x108: {  	_ =	swait.ge [sflag:s21], $0x640  }
0x109: {  	[sflag:s21] =	ssyncset.done $0x0  }
0x10a: {  	[sflag:s21] =	ssyncadd.s32 $0xFFFFF9C0  }
0x10b: {  	_ =	swait.ge [sflag:s21], $0x640  }
0x10c: {  	[sflag:s21] =	ssyncset.done $0x0  }
0x10d: {  	[sflag:s21] =	ssyncadd.s32 $0xFFFFF9C0  }
0x10e: {  	_ =	swait.ge [sflag:s21], $0x640  }
0x10f: {  	[sflag:s21] =	ssyncset.done $0x0  }
0x110: {  	[sflag:s21] =	ssyncadd.s32 $0xFFFFF9C0  }
0x111: {  	_ =	swait.ge [sflag:s21], $0x640  }
0x112: {  	[sflag:s21] =	ssyncset.done $0x0  }
0x113: {  	[sflag:s21] =	ssyncadd.s32 $0xFFFFF9C0  }
0x114: {  	_ =	swait.ge [sflag:s21], $0x640  }
0x115: {  	[sflag:s21] =	ssyncset.done $0x0  }
0x116: {  	[sflag:s21] =	ssyncadd.s32 $0xFFFFF9C0  }
0x117: {  	_ =	swait.ge [sflag:s21], $0x640  }
0x118: {  	[sflag:s21] =	ssyncset.done $0x0  }
0x119: {  	[sflag:s21] =	ssyncadd.s32 $0xFFFFF9C0  }
0x11a: {  	_ =	swait.ge [sflag:s23], $0x640  }
0x11b: {  	[sflag:s23] =	ssyncset.done $0x0  }
0x11c: {  	[sflag:s23] =	ssyncadd.s32 $0xFFFFF9C0  }
0x11d: {  	_ =	swait.ge [sflag:s23], $0x640  }
0x11e: {  	[sflag:s23] =	ssyncset.done $0x0  }
0x11f: {  	[sflag:s23] =	ssyncadd.s32 $0xFFFFF9C0  }
0x120: {  	_ =	swait.ge [sflag:s23], $0x640  }
0x121: {  	[sflag:s23] =	ssyncset.done $0x0  }
0x122: {  	[sflag:s23] =	ssyncadd.s32 $0xFFFFF9C0  }
0x123: {  	_ =	swait.ge [sflag:s23], $0x640  }
0x124: {  	[sflag:s23] =	ssyncset.done $0x0  }
0x125: {  	[sflag:s23] =	ssyncadd.s32 $0xFFFFF9C0  }
0x126: {  	_ =	swait.ge [sflag:s23], $0x640  }
0x127: {  	[sflag:s23] =	ssyncset.done $0x0  }
0x128: {  	[sflag:s23] =	ssyncadd.s32 $0xFFFFF9C0  }
0x129: {  	_ =	swait.ge [sflag:s23], $0x640  }
0x12a: {  	[sflag:s23] =	ssyncset.done $0x0  }
0x12b: {  	[sflag:s23] =	ssyncadd.s32 $0xFFFFF9C0  }
0x12c: {  	_ =	swait.ge [sflag:s23], $0x640  }
0x12d: {  	[sflag:s23] =	ssyncset.done $0x0  }
0x12e: {  	[sflag:s23] =	ssyncadd.s32 $0xFFFFF9C0  }
0x12f: {  	_ =	swait.ge [sflag:s23], $0x640  }
0x130: {  	[sflag:s23] =	ssyncset.done $0x0  }
0x131: {  	[sflag:s23] =	ssyncadd.s32 $0xFFFFF9C0  }
0x132: {  	_ =	swait.ge [sflag:s23], $0x640  }
0x133: {  	[sflag:s23] =	ssyncset.done $0x0  }
0x134: {  	[sflag:s23] =	ssyncadd.s32 $0xFFFFF9C0  }
0x135: {  	_ =	swait.ge [sflag:s23], $0x640  }
0x136: {  	[sflag:s23] =	ssyncset.done $0x0  }
0x137: {  	[sflag:s23] =	ssyncadd.s32 $0xFFFFF9C0  }
0x138: {  	_ =	swait.ge [sflag:s23], $0x640  }
0x139: {  	[sflag:s23] =	ssyncset.done $0x0  }
0x13a: {  	[sflag:s23] =	ssyncadd.s32 $0xFFFFF9C0  }
0x13b: {  	_ =	swait.ge [sflag:s23], $0x640  }
0x13c: {  	[sflag:s23] =	ssyncset.done $0x0  }
0x13d: {  	[sflag:s23] =	ssyncadd.s32 $0xFFFFF9C0  }
0x13e: {  	_ =	swait.ge [sflag:s23], $0x640  }
0x13f: {  	[sflag:s23] =	ssyncset.done $0x0  }
0x140: {  	[sflag:s23] =	ssyncadd.s32 $0xFFFFF9C0  }
0x141: {  	_ =	swait.ge [sflag:s23], $0x640  }
0x142: {  	[sflag:s23] =	ssyncset.done $0x0  }
0x143: {  	[sflag:s23] =	ssyncadd.s32 $0xFFFFF9C0  }
0x144: {  	_ =	swait.ge [sflag:s23], $0x640  }
0x145: {  	[sflag:s23] =	ssyncset.done $0x0  }
0x146: {  	[sflag:s23] =	ssyncadd.s32 $0xFFFFF9C0  }
0x147: {  	p0 =	por $0x0, $0x0;
	_ =	swait.ge [sflag:s23], $0x640  }
0x148: {  	s10 =	simm.s32 @!p0 $0x7000;
	[sflag:s23] =	ssyncset.done $0x0  }
0x149: {  	s18 =	simm.s32 @!p0 $0x32;
	s14 =	simm.s32 @!p0 $0x700;
	[sflag:s23] =	ssyncadd.s32 $0xFFFFF9C0  }
0x14a: {  	[tilespmem:s10], [sflag:$0x1] =	stream.indirect.gather @!p0 [hbm4b:s4+s18], $0x20, s14, s18, $0xb8;
	[tilespmem:$0x13800] =	vst v63  }
0x14b: {  	s10 =	simm.s32 @!p0 $0x738;
	s14 =	simm.s32 @!p0 $0x7640  }
0x14c: {  	[tilespmem:s14], [sflag:$0x1] =	stream.indirect.gather @!p0 [hbm4b:s4+s18], $0x20, s10, s18, $0xb8;
	[tilespmem:$0x13800] =	vst v63  }
0x14d: {  	s10 =	simm.s32 @!p0 $0x770;
	s14 =	simm.s32 @!p0 $0x7C80  }
0x14e: {  	[tilespmem:s14], [sflag:$0x1] =	stream.indirect.gather @!p0 [hbm4b:s4+s18], $0x20, s10, s18, $0xb8;
	[tilespmem:$0x13800] =	vst v63  }
0x14f: {  	s10 =	simm.s32 @!p0 $0x7A8;
	s14 =	simm.s32 @!p0 $0x82C0  }
0x150: {  	[tilespmem:s14], [sflag:$0x1] =	stream.indirect.gather @!p0 [hbm4b:s4+s18], $0x20, s10, s18, $0xb8;
	[tilespmem:$0x13800] =	vst v63  }
0x151: {  	s10 =	simm.s32 @!p0 $0x7E0;
	s14 =	simm.s32 @!p0 $0x8900  }
0x152: {  	[tilespmem:s14], [sflag:$0x1] =	stream.indirect.gather @!p0 [hbm4b:s4+s18], $0x20, s10, s18, $0xb8;
	[tilespmem:$0x13800] =	vst v63  }
0x153: {  	s10 =	simm.s32 @!p0 $0x818;
	s14 =	simm.s32 @!p0 $0x8F40  }
0x154: {  	[tilespmem:s14], [sflag:$0x1] =	stream.indirect.gather @!p0 [hbm4b:s4+s18], $0x20, s10, s18, $0xb8;
	[tilespmem:$0x13800] =	vst v63  }
0x155: {  	s10 =	simm.s32 @!p0 $0x850;
	s14 =	simm.s32 @!p0 $0x9580  }
0x156: {  	[tilespmem:s14], [sflag:$0x1] =	stream.indirect.gather @!p0 [hbm4b:s4+s18], $0x20, s10, s18, $0xb8;
	[tilespmem:$0x13800] =	vst v63  }
0x157: {  	s10 =	simm.s32 @!p0 $0x888;
	s14 =	simm.s32 @!p0 $0x9BC0  }
0x158: {  	[tilespmem:s14], [sflag:$0x1] =	stream.indirect.gather @!p0 [hbm4b:s4+s18], $0x20, s10, s18, $0xb8;
	[tilespmem:$0x13800] =	vst v63  }
0x159: {  	s10 =	simm.s32 @!p0 $0x8C0;
	s14 =	simm.s32 @!p0 $0xA200  }
0x15a: {  	[tilespmem:s14], [sflag:$0x1] =	stream.indirect.gather @!p0 [hbm4b:s4+s18], $0x20, s10, s18, $0xb8;
	[tilespmem:$0x13800] =	vst v63  }
0x15b: {  	s10 =	simm.s32 @!p0 $0x8F8;
	s14 =	simm.s32 @!p0 $0xA840  }
0x15c: {  	[tilespmem:s14], [sflag:$0x1] =	stream.indirect.gather @!p0 [hbm4b:s4+s18], $0x20, s10, s18, $0xb8;
	[tilespmem:$0x13800] =	vst v63  }
0x15d: {  	s10 =	simm.s32 @!p0 $0x930;
	s14 =	simm.s32 @!p0 $0xAE80  }
0x15e: {  	[tilespmem:s14], [sflag:$0x1] =	stream.indirect.gather @!p0 [hbm4b:s4+s18], $0x20, s10, s18, $0xb8;
	[tilespmem:$0x13800] =	vst v63  }
0x15f: {  	s10 =	simm.s32 @!p0 $0x968;
	s14 =	simm.s32 @!p0 $0xB4C0  }
0x160: {  	[tilespmem:s14], [sflag:$0x1] =	stream.indirect.gather @!p0 [hbm4b:s4+s18], $0x20, s10, s18, $0xb8;
	[tilespmem:$0x13800] =	vst v63  }
0x161: {  	s10 =	simm.s32 @!p0 $0x9A0;
	s14 =	simm.s32 @!p0 $0xBB00  }
0x162: {  	[tilespmem:s14], [sflag:$0x1] =	stream.indirect.gather @!p0 [hbm4b:s4+s18], $0x20, s10, s18, $0xb8;
	[tilespmem:$0x13800] =	vst v63  }
0x163: {  	s10 =	simm.s32 @!p0 $0x9D8;
	s14 =	simm.s32 @!p0 $0xC140  }
0x164: {  	[tilespmem:s14], [sflag:$0x1] =	stream.indirect.gather @!p0 [hbm4b:s4+s18], $0x20, s10, s18, $0xb8;
	[tilespmem:$0x13800] =	vst v63  }
0x165: {  	s10 =	simm.s32 @!p0 $0xA10;
	s14 =	simm.s32 @!p0 $0xC780  }
0x166: {  	[tilespmem:s14], [sflag:$0x1] =	stream.indirect.gather @!p0 [hbm4b:s4+s18], $0x20, s10, s18, $0xb8;
	[tilespmem:$0x13800] =	vst v63  }
0x167: {  	p6 =	por $0x0, $0x0;
	s10 =	simm.s32 @!p0 $0xA48;
	s14 =	simm.s32 @!p0 $0xCDC0  }
0x168: {  	[tilespmem:s14], [sflag:$0x1] =	stream.indirect.gather @!p0 [hbm4b:s4+s18], $0x20, s10, s18, $0xb8;
	[tilespmem:$0x13800] =	vst v63  }
0x169: {  	s16 =	sadd.s32 $0x3B80, s1;
	s7 =	sadd.s32 $0x3800, s1;
	s12 =	rddreg [dreg:$0x1b]  }
0x16a: {  	[hbm4b:s7+s17] =	stream.strided.scatter [tilespmem:s9], [sflag:$0x4], $0x640, s19, s17, $0x38;
	[tilespmem:$0x13800] =	vst v63  }
0x16b: {  	s22 =	simm.s32 $0xE6C0;
	s28 =	simm.s32 $0x1C00;
	s20 =	rddreg [dreg:$0x19]  }
0x16c: {  	[hbm4b:s16+s17] =	stream.strided.scatter [tilespmem:s11], [sflag:$0x4], $0x640, s19, s17, $0x38;
	[tilespmem:$0x13800] =	vst v63  }
0x16d: {  	s29 =	simm.s32 $0xF340;
	s1 =	sadd.s32 $0x3F00, s1;
	s24 =	rddreg [dreg:$0x18]  }
0x16e: {  	[hbm4b:s1+s17] =	stream.strided.scatter [tilespmem:s13], [sflag:$0x4], $0x640, s19, s17, $0x38;
	[tilespmem:$0x13800] =	vst v63  }
0x16f: {  	s30 =	simm.s32 $0x3800;
	s18 =	rddreg [dreg:$0x1a];
	s10 =	sadd.s32 s0, s12  }
0x170: {  	[hbm4b:s10+s17] =	stream.strided.scatter [tilespmem:s22], [sflag:$0x4], $0x640, s19, s17, $0x38;
	[tilespmem:$0x13800] =	vst v63  }
0x171: {  	s25 =	simm.s32 $0xED00;
	s26 =	rddreg [dreg:$0x17];
	s14 =	sadd.s32 s0, s18  }
0x172: {  	[hbm4b:s14+s17] =	stream.strided.scatter [tilespmem:s25], [sflag:$0x4], $0x640, s19, s17, $0x38;
	[tilespmem:$0x13800] =	vst v63  }
0x173: {  	s3 =	simm.s32 $0xF980;
	s31 =	rddreg [dreg:$0x16];
	s1 =	sadd.s32 s0, s20  }
0x174: {  	[hbm4b:s1+s17] =	stream.strided.scatter [tilespmem:s29], [sflag:$0x4], $0x640, s19, s17, $0x38;
	[tilespmem:$0x13800] =	vst v63  }
0x175: {  	s6 =	simm.s32 $0xFFC0;
	s5 =	rddreg [dreg:$0x15];
	s10 =	sadd.s32 s0, s24  }
0x176: {  	[hbm4b:s10+s17] =	stream.strided.scatter [tilespmem:s3], [sflag:$0x4], $0x640, s19, s17, $0x38;
	[tilespmem:$0x13800] =	vst v63  }
0x177: {  	s12 =	simm.s32 $0x10C40;
	s18 =	rddreg [dreg:$0x11];
	s14 =	sadd.s32 s0, s26  }
0x178: {  	[hbm4b:s14+s17] =	stream.strided.scatter [tilespmem:s6], [sflag:$0x4], $0x640, s19, s17, $0x38;
	[tilespmem:$0x13800] =	vst v63  }
0x179: {  	s7 =	rddreg [dreg:$0x14];
	s9 =	simm.s32 $0x10600;
	s1 =	sadd.s32 s0, s31  }
0x17a: {  	[hbm4b:s1+s17] =	stream.strided.scatter [tilespmem:s9], [sflag:$0x4], $0x640, s19, s17, $0x38;
	[tilespmem:$0x13800] =	vst v63  }
0x17b: {  	p0 =	por p6, p6;
	s11 =	rddreg [dreg:$0x13];
	s10 =	sadd.s32 s0, s5  }
0x17c: {  	[hbm4b:s10+s17] =	stream.strided.scatter [tilespmem:s12], [sflag:$0x4], $0x640, s19, s17, $0x38;
	[tilespmem:$0x13800] =	vst v63  }
0x17d: {  	s16 =	simm.s32 $0x11280;
	s13 =	rddreg [dreg:$0x12];
	s14 =	sadd.s32 s0, s7  }
0x17e: {  	[hbm4b:s14+s17] =	stream.strided.scatter [tilespmem:s16], [sflag:$0x4], $0x640, s19, s17, $0x38;
	[tilespmem:$0x13800] =	vst v63  }
0x17f: {  	s20 =	simm.s32 $0x118C0;
	s22 =	rddreg [dreg:$0x10];
	s1 =	sadd.s32 s0, s11  }
0x180: {  	[hbm4b:s1+s17] =	stream.strided.scatter [tilespmem:s20], [sflag:$0x4], $0x640, s19, s17, $0x38;
	[tilespmem:$0x13800] =	vst v63  }
0x181: {  	s24 =	simm.s32 $0x11F00;
	s25 =	sadd.s32 s0, s18;
	s10 =	sadd.s32 s0, s13  }
0x182: {  	[hbm4b:s10+s17] =	stream.strided.scatter [tilespmem:s24], [sflag:$0x4], $0x640, s19, s17, $0x38;
	[tilespmem:$0x13800] =	vst v63  }
0x183: {  	s26 =	simm.s32 $0x12540;
	s29 =	rddreg [dreg:$0xf];
	s31 =	simm.s32 $0x12B80  }
0x184: {  	[hbm4b:s25+s17] =	stream.strided.scatter [tilespmem:s26], [sflag:$0x4], $0x640, s19, s17, $0x38;
	[tilespmem:$0x13800] =	vst v63  }
0x185: {  	s14 =	sadd.s32 s0, s29;
	s1 =	sadd.s32 s0, s22;
	s25 =	sadd.s32 $0x7000, s0  }
0x186: {  	[hbm4b:s1+s17] =	stream.strided.scatter [tilespmem:s31], [sflag:$0x4], $0x640, s19, s17, $0x38;
	[tilespmem:$0x13800] =	vst v63  }
.LBB2_2:
0x187: {  	s10 =	simm.s32 @!p0 $0x4;
	s0 =	simm.s32 $0x131C0  }
0x188: {  	[hbm4b:s14+s17] =	stream.strided.scatter [tilespmem:s0], [sflag:$0x4], $0x640, s19, s17, $0x38;
	[tilespmem:$0x13800] =	vst v63  }
0x189: {  	_ =	swait.ge @!p0 [sflag:s10], $0x640  }
0x18a: {  	[sflag:s10] =	ssyncset.done @!p0 $0x0  }
0x18b: {  	[sflag:s10] =	ssyncadd.s32 @!p0 $0xFFFFF9C0  }
0x18c: {  	_ =	swait.ge @!p0 [sflag:s10], $0x640  }
0x18d: {  	[sflag:s10] =	ssyncset.done @!p0 $0x0  }
0x18e: {  	[sflag:s10] =	ssyncadd.s32 @!p0 $0xFFFFF9C0  }
0x18f: {  	_ =	swait.ge @!p0 [sflag:s10], $0x640  }
0x190: {  	[sflag:s10] =	ssyncset.done @!p0 $0x0  }
0x191: {  	[sflag:s10] =	ssyncadd.s32 @!p0 $0xFFFFF9C0  }
0x192: {  	_ =	swait.ge @!p0 [sflag:s10], $0x640  }
0x193: {  	[sflag:s10] =	ssyncset.done @!p0 $0x0  }
0x194: {  	[sflag:s10] =	ssyncadd.s32 @!p0 $0xFFFFF9C0  }
0x195: {  	_ =	swait.ge @!p0 [sflag:s10], $0x640  }
0x196: {  	[sflag:s10] =	ssyncset.done @!p0 $0x0  }
0x197: {  	[sflag:s10] =	ssyncadd.s32 @!p0 $0xFFFFF9C0  }
0x198: {  	_ =	swait.ge @!p0 [sflag:s10], $0x640  }
0x199: {  	[sflag:s10] =	ssyncset.done @!p0 $0x0  }
0x19a: {  	[sflag:s10] =	ssyncadd.s32 @!p0 $0xFFFFF9C0  }
0x19b: {  	_ =	swait.ge @!p0 [sflag:s10], $0x640  }
0x19c: {  	[sflag:s10] =	ssyncset.done @!p0 $0x0  }
0x19d: {  	[sflag:s10] =	ssyncadd.s32 @!p0 $0xFFFFF9C0  }
0x19e: {  	_ =	swait.ge @!p0 [sflag:s10], $0x640  }
0x19f: {  	[sflag:s10] =	ssyncset.done @!p0 $0x0  }
0x1a0: {  	[sflag:s10] =	ssyncadd.s32 @!p0 $0xFFFFF9C0  }
0x1a1: {  	_ =	swait.ge @!p0 [sflag:s10], $0x640  }
0x1a2: {  	[sflag:s10] =	ssyncset.done @!p0 $0x0  }
0x1a3: {  	[sflag:s10] =	ssyncadd.s32 @!p0 $0xFFFFF9C0  }
0x1a4: {  	_ =	swait.ge @!p0 [sflag:s10], $0x640  }
0x1a5: {  	[sflag:s10] =	ssyncset.done @!p0 $0x0  }
0x1a6: {  	[sflag:s10] =	ssyncadd.s32 @!p0 $0xFFFFF9C0  }
0x1a7: {  	_ =	swait.ge @!p0 [sflag:s10], $0x640  }
0x1a8: {  	[sflag:s10] =	ssyncset.done @!p0 $0x0  }
0x1a9: {  	[sflag:s10] =	ssyncadd.s32 @!p0 $0xFFFFF9C0  }
0x1aa: {  	_ =	swait.ge @!p0 [sflag:s10], $0x640  }
0x1ab: {  	[sflag:s10] =	ssyncset.done @!p0 $0x0  }
0x1ac: {  	[sflag:s10] =	ssyncadd.s32 @!p0 $0xFFFFF9C0  }
0x1ad: {  	_ =	swait.ge @!p0 [sflag:s10], $0x640  }
0x1ae: {  	[sflag:s10] =	ssyncset.done @!p0 $0x0  }
0x1af: {  	[sflag:s10] =	ssyncadd.s32 @!p0 $0xFFFFF9C0  }
0x1b0: {  	_ =	swait.ge @!p0 [sflag:s10], $0x640  }
0x1b1: {  	[sflag:s10] =	ssyncset.done @!p0 $0x0  }
0x1b2: {  	[sflag:s10] =	ssyncadd.s32 @!p0 $0xFFFFF9C0  }
0x1b3: {  	_ =	swait.ge @!p0 [sflag:s10], $0x640  }
0x1b4: {  	[sflag:s10] =	ssyncset.done @!p0 $0x0  }
0x1b5: {  	[sflag:s10] =	ssyncadd.s32 @!p0 $0xFFFFF9C0  }
0x1b6: {  	_ =	swait.ge @!p0 [sflag:s10], $0x640  }
0x1b7: {  	s14 =	sshra.s32 s28, $0x2;
	[sflag:s10] =	ssyncset.done @!p0 $0x0  }
0x1b8: {  	s6 =	simm.s32 $0xD400;
	s7 =	sadd.s32 $0x380, s14;
	[sflag:s10] =	ssyncadd.s32 @!p0 $0xFFFFF9C0  }
0x1b9: {  	[tilespmem:s6], [sflag:$0x2] =	stream.indirect.gather [hbm4b:s4+s8], $0x20, s7, s8, $0xb8;
	[tilespmem:$0x13800] =	vst v63  }
0x1ba: {  	s9 =	sadd.s32 $0x3B8, s14;
	s7 =	simm.s32 $0xDA40  }
0x1bb: {  	[tilespmem:s7], [sflag:$0x2] =	stream.indirect.gather [hbm4b:s4+s8], $0x20, s9, s8, $0xb8;
	[tilespmem:$0x13800] =	vst v63  }
0x1bc: {  	s2 =	simm.s32 $0xE080;
	s11 =	sadd.s32 $0x3F0, s14  }
0x1bd: {  	[tilespmem:s2], [sflag:$0x2] =	stream.indirect.gather [hbm4b:s4+s8], $0x20, s11, s8, $0xb8;
	[tilespmem:$0x13800] =	vst v63  }
0x1be: {  	s12 =	sadd.s32 $0x428, s14;
	s9 =	simm.s32 $0xE6C0  }
0x1bf: {  	[tilespmem:s9], [sflag:$0x2] =	stream.indirect.gather [hbm4b:s4+s8], $0x20, s12, s8, $0xb8;
	[tilespmem:$0x13800] =	vst v63  }
0x1c0: {  	s13 =	sadd.s32 $0x460, s14;
	s11 =	simm.s32 $0xED00  }
0x1c1: {  	[tilespmem:s11], [sflag:$0x2] =	stream.indirect.gather [hbm4b:s4+s8], $0x20, s13, s8, $0xb8;
	[tilespmem:$0x13800] =	vst v63  }
0x1c2: {  	s16 =	sadd.s32 $0x498, s14;
	s13 =	simm.s32 $0xF340  }
0x1c3: {  	[tilespmem:s13], [sflag:$0x2] =	stream.indirect.gather [hbm4b:s4+s8], $0x20, s16, s8, $0xb8;
	[tilespmem:$0x13800] =	vst v63  }
0x1c4: {  	s3 =	simm.s32 $0xF980;
	s18 =	sadd.s32 $0x4D0, s14  }
0x1c5: {  	[tilespmem:s3], [sflag:$0x2] =	stream.indirect.gather [hbm4b:s4+s8], $0x20, s18, s8, $0xb8;
	[tilespmem:$0x13800] =	vst v63  }
0x1c6: {  	s22 =	simm.s32 $0xFFC0;
	s20 =	sadd.s32 $0x508, s14  }
0x1c7: {  	[tilespmem:s22], [sflag:$0x2] =	stream.indirect.gather [hbm4b:s4+s8], $0x20, s20, s8, $0xb8;
	[tilespmem:$0x13800] =	vst v63  }
0x1c8: {  	s26 =	simm.s32 $0x10600;
	s24 =	sadd.s32 $0x540, s14  }
0x1c9: {  	[tilespmem:s26], [sflag:$0x2] =	stream.indirect.gather [hbm4b:s4+s8], $0x20, s24, s8, $0xb8;
	[tilespmem:$0x13800] =	vst v63  }
0x1ca: {  	s31 =	simm.s32 $0x10C40;
	s29 =	sadd.s32 $0x578, s14  }
0x1cb: {  	[tilespmem:s31], [sflag:$0x2] =	stream.indirect.gather [hbm4b:s4+s8], $0x20, s29, s8, $0xb8;
	[tilespmem:$0x13800] =	vst v63  }
0x1cc: {  	s5 =	simm.s32 $0x11280;
	s3 =	sadd.s32 $0x5B0, s14  }
0x1cd: {  	[tilespmem:s5], [sflag:$0x2] =	stream.indirect.gather [hbm4b:s4+s8], $0x20, s3, s8, $0xb8;
	[tilespmem:$0x13800] =	vst v63  }
0x1ce: {  	s12 =	sadd.s32 $0x5E8, s14;
	s16 =	simm.s32 $0x118C0  }
0x1cf: {  	[tilespmem:s16], [sflag:$0x2] =	stream.indirect.gather [hbm4b:s4+s8], $0x20, s12, s8, $0xb8;
	[tilespmem:$0x13800] =	vst v63  }
0x1d0: {  	s18 =	sadd.s32 $0x620, s14;
	s20 =	simm.s32 $0x11F00  }
0x1d1: {  	[tilespmem:s20], [sflag:$0x2] =	stream.indirect.gather [hbm4b:s4+s8], $0x20, s18, s8, $0xb8;
	[tilespmem:$0x13800] =	vst v63  }
0x1d2: {  	s22 =	sadd.s32 $0x658, s14;
	s24 =	simm.s32 $0x12540  }
0x1d3: {  	[tilespmem:s24], [sflag:$0x2] =	stream.indirect.gather [hbm4b:s4+s8], $0x20, s22, s8, $0xb8;
	[tilespmem:$0x13800] =	vst v63  }
0x1d4: {  	s26 =	sadd.s32 $0x690, s14;
	s29 =	simm.s32 $0x12B80  }
0x1d5: {  	[tilespmem:s29], [sflag:$0x2] =	stream.indirect.gather [hbm4b:s4+s8], $0x20, s26, s8, $0xb8;
	[tilespmem:$0x13800] =	vst v63  }
0x1d6: {  	s31 =	sadd.s32 $0x6C8, s14  }
0x1d7: {  	[tilespmem:s0], [sflag:$0x2] =	stream.indirect.gather [hbm4b:s4+s8], $0x20, s31, s8, $0xb8;
	[tilespmem:$0x13800] =	vst v63  }
0x1d8: {  	_ =	swait.ge [sflag:s15], $0x640  }
0x1d9: {  	[sflag:s15] =	ssyncset.done $0x0  }
0x1da: {  	[sflag:s15] =	ssyncadd.s32 $0xFFFFF9C0  }
0x1db: {  	_ =	swait.ge [sflag:s15], $0x640  }
0x1dc: {  	[sflag:s15] =	ssyncset.done $0x0  }
0x1dd: {  	[sflag:s15] =	ssyncadd.s32 $0xFFFFF9C0  }
0x1de: {  	_ =	swait.ge [sflag:s15], $0x640  }
0x1df: {  	[sflag:s15] =	ssyncset.done $0x0  }
0x1e0: {  	[sflag:s15] =	ssyncadd.s32 $0xFFFFF9C0  }
0x1e1: {  	_ =	swait.ge [sflag:s15], $0x640  }
0x1e2: {  	[sflag:s15] =	ssyncset.done $0x0  }
0x1e3: {  	[sflag:s15] =	ssyncadd.s32 $0xFFFFF9C0  }
0x1e4: {  	_ =	swait.ge [sflag:s15], $0x640  }
0x1e5: {  	[sflag:s15] =	ssyncset.done $0x0  }
0x1e6: {  	[sflag:s15] =	ssyncadd.s32 $0xFFFFF9C0  }
0x1e7: {  	_ =	swait.ge [sflag:s15], $0x640  }
0x1e8: {  	[sflag:s15] =	ssyncset.done $0x0  }
0x1e9: {  	[sflag:s15] =	ssyncadd.s32 $0xFFFFF9C0  }
0x1ea: {  	_ =	swait.ge [sflag:s15], $0x640  }
0x1eb: {  	[sflag:s15] =	ssyncset.done $0x0  }
0x1ec: {  	[sflag:s15] =	ssyncadd.s32 $0xFFFFF9C0  }
0x1ed: {  	_ =	swait.ge [sflag:s15], $0x640  }
0x1ee: {  	[sflag:s15] =	ssyncset.done $0x0  }
0x1ef: {  	[sflag:s15] =	ssyncadd.s32 $0xFFFFF9C0  }
0x1f0: {  	_ =	swait.ge [sflag:s15], $0x640  }
0x1f1: {  	[sflag:s15] =	ssyncset.done $0x0  }
0x1f2: {  	[sflag:s15] =	ssyncadd.s32 $0xFFFFF9C0  }
0x1f3: {  	_ =	swait.ge [sflag:s15], $0x640  }
0x1f4: {  	[sflag:s15] =	ssyncset.done $0x0  }
0x1f5: {  	[sflag:s15] =	ssyncadd.s32 $0xFFFFF9C0  }
0x1f6: {  	_ =	swait.ge [sflag:s15], $0x640  }
0x1f7: {  	[sflag:s15] =	ssyncset.done $0x0  }
0x1f8: {  	[sflag:s15] =	ssyncadd.s32 $0xFFFFF9C0  }
0x1f9: {  	_ =	swait.ge [sflag:s15], $0x640  }
0x1fa: {  	[sflag:s15] =	ssyncset.done $0x0  }
0x1fb: {  	[sflag:s15] =	ssyncadd.s32 $0xFFFFF9C0  }
0x1fc: {  	_ =	swait.ge [sflag:s15], $0x640  }
0x1fd: {  	[sflag:s15] =	ssyncset.done $0x0  }
0x1fe: {  	[sflag:s15] =	ssyncadd.s32 $0xFFFFF9C0  }
0x1ff: {  	_ =	swait.ge [sflag:s15], $0x640  }
0x200: {  	[sflag:s15] =	ssyncset.done $0x0  }
0x201: {  	[sflag:s15] =	ssyncadd.s32 $0xFFFFF9C0  }
0x202: {  	_ =	swait.ge [sflag:s15], $0x640  }
0x203: {  	[sflag:s15] =	ssyncset.done $0x0  }
0x204: {  	[sflag:s15] =	ssyncadd.s32 $0xFFFFF9C0  }
0x205: {  	_ =	swait.ge [sflag:s15], $0x640  }
0x206: {  	s0 =	rddreg [dreg:$0x3];
	[sflag:s15] =	ssyncset.done $0x0  }
0x207: {  	s3 =	simm.s32 $0x7000;
	[sflag:s15] =	ssyncadd.s32 $0xFFFFF9C0;
	s10 =	sadd.s32 s25, s0  }
0x208: {  	[hbm4b:s10+s17] =	stream.strided.scatter [tilespmem:s3], [sflag:$0x3], $0x640, s19, s17, $0x38;
	[tilespmem:$0x13800] =	vst v63  }
0x209: {  	s12 =	simm.s32 $0x7640;
	s5 =	sadd.s32 $0x380, s10  }
0x20a: {  	[hbm4b:s5+s17] =	stream.strided.scatter [tilespmem:s12], [sflag:$0x3], $0x640, s19, s17, $0x38;
	[tilespmem:$0x13800] =	vst v63  }
0x20b: {  	s18 =	simm.s32 $0x7C80;
	s16 =	sadd.s32 $0x700, s10  }
0x20c: {  	[hbm4b:s16+s17] =	stream.strided.scatter [tilespmem:s18], [sflag:$0x3], $0x640, s19, s17, $0x38;
	[tilespmem:$0x13800] =	vst v63  }
0x20d: {  	s22 =	simm.s32 $0x82C0;
	s20 =	sadd.s32 $0xA80, s10  }
0x20e: {  	[hbm4b:s20+s17] =	stream.strided.scatter [tilespmem:s22], [sflag:$0x3], $0x640, s19, s17, $0x38;
	[tilespmem:$0x13800] =	vst v63  }
0x20f: {  	s26 =	simm.s32 $0x8900;
	s24 =	sadd.s32 $0xE00, s10;
	s18 =	rddreg [dreg:$0xe]  }
0x210: {  	[hbm4b:s24+s17] =	stream.strided.scatter [tilespmem:s26], [sflag:$0x3], $0x640, s19, s17, $0x38;
	[tilespmem:$0x13800] =	vst v63  }
0x211: {  	s3 =	simm.s32 $0x8F40;
	s29 =	sadd.s32 s25, s18;
	s22 =	rddreg [dreg:$0xd]  }
0x212: {  	[hbm4b:s29+s17] =	stream.strided.scatter [tilespmem:s3], [sflag:$0x3], $0x640, s19, s17, $0x38;
	[tilespmem:$0x13800] =	vst v63  }
0x213: {  	s31 =	rddreg [dreg:$0xc];
	s16 =	simm.s32 $0x9580;
	s5 =	sadd.s32 s25, s22  }
0x214: {  	[hbm4b:s5+s17] =	stream.strided.scatter [tilespmem:s16], [sflag:$0x3], $0x640, s19, s17, $0x38;
	[tilespmem:$0x13800] =	vst v63  }
0x215: {  	s12 =	rddreg [dreg:$0xb];
	s18 =	sadd.s32 s25, s31;
	s24 =	simm.s32 $0x9BC0  }
0x216: {  	[hbm4b:s18+s17] =	stream.strided.scatter [tilespmem:s24], [sflag:$0x3], $0x640, s19, s17, $0x38;
	[tilespmem:$0x13800] =	vst v63  }
0x217: {  	s31 =	simm.s32 $0xA200;
	s20 =	rddreg [dreg:$0xa];
	s26 =	sadd.s32 s25, s12  }
0x218: {  	[hbm4b:s26+s17] =	stream.strided.scatter [tilespmem:s31], [sflag:$0x3], $0x640, s19, s17, $0x38;
	[tilespmem:$0x13800] =	vst v63  }
0x219: {  	s12 =	simm.s32 $0xA840;
	s29 =	rddreg [dreg:$0x9];
	s3 =	sadd.s32 s25, s20  }
0x21a: {  	[hbm4b:s3+s17] =	stream.strided.scatter [tilespmem:s12], [sflag:$0x3], $0x640, s19, s17, $0x38;
	[tilespmem:$0x13800] =	vst v63  }
0x21b: {  	s5 =	rddreg [dreg:$0x8];
	s16 =	sadd.s32 s25, s29;
	s24 =	simm.s32 $0xAE80  }
0x21c: {  	[hbm4b:s16+s17] =	stream.strided.scatter [tilespmem:s24], [sflag:$0x3], $0x640, s19, s17, $0x38;
	[tilespmem:$0x13800] =	vst v63  }
0x21d: {  	s20 =	rddreg [dreg:$0x7];
	s26 =	sadd.s32 s25, s5;
	s31 =	simm.s32 $0xB4C0  }
0x21e: {  	[hbm4b:s26+s17] =	stream.strided.scatter [tilespmem:s31], [sflag:$0x3], $0x640, s19, s17, $0x38;
	[tilespmem:$0x13800] =	vst v63  }
0x21f: {  	s0 =	sadd.s32 s25, s20;
	s29 =	rddreg [dreg:$0x6];
	s5 =	simm.s32 $0xBB00  }
0x220: {  	[hbm4b:s0+s17] =	stream.strided.scatter [tilespmem:s5], [sflag:$0x3], $0x640, s19, s17, $0x38;
	[tilespmem:$0x13800] =	vst v63  }
0x221: {  	s20 =	simm.s32 $0xC140;
	s3 =	rddreg [dreg:$0x5];
	s12 =	sadd.s32 s25, s29  }
0x222: {  	[hbm4b:s12+s17] =	stream.strided.scatter [tilespmem:s20], [sflag:$0x3], $0x640, s19, s17, $0x38;
	[tilespmem:$0x13800] =	vst v63  }
0x223: {  	s22 =	sadd.s32 s25, s3;
	s16 =	rddreg [dreg:$0x4];
	s24 =	simm.s32 $0xC780  }
0x224: {  	[hbm4b:s22+s17] =	stream.strided.scatter [tilespmem:s24], [sflag:$0x3], $0x640, s19, s17, $0x38;
	[tilespmem:$0x13800] =	vst v63  }
0x225: {  	s29 =	simm.s32 $0xCDC0;
	s26 =	sadd.s32 s25, s16  }
0x226: {  	[hbm4b:s26+s17] =	stream.strided.scatter [tilespmem:s29], [sflag:$0x3], $0x640, s19, s17, $0x38;
	[tilespmem:$0x13800] =	vst v63  }
0x227: {  	_ =	swait.ge [sflag:s21], $0x640  }
0x228: {  	[sflag:s21] =	ssyncset.done $0x0  }
0x229: {  	[sflag:s21] =	ssyncadd.s32 $0xFFFFF9C0  }
0x22a: {  	_ =	swait.ge [sflag:s21], $0x640  }
0x22b: {  	[sflag:s21] =	ssyncset.done $0x0  }
0x22c: {  	[sflag:s21] =	ssyncadd.s32 $0xFFFFF9C0  }
0x22d: {  	_ =	swait.ge [sflag:s21], $0x640  }
0x22e: {  	[sflag:s21] =	ssyncset.done $0x0  }
0x22f: {  	[sflag:s21] =	ssyncadd.s32 $0xFFFFF9C0  }
0x230: {  	_ =	swait.ge [sflag:s21], $0x640  }
0x231: {  	[sflag:s21] =	ssyncset.done $0x0  }
0x232: {  	[sflag:s21] =	ssyncadd.s32 $0xFFFFF9C0  }
0x233: {  	_ =	swait.ge [sflag:s21], $0x640  }
0x234: {  	[sflag:s21] =	ssyncset.done $0x0  }
0x235: {  	[sflag:s21] =	ssyncadd.s32 $0xFFFFF9C0  }
0x236: {  	_ =	swait.ge [sflag:s21], $0x640  }
0x237: {  	[sflag:s21] =	ssyncset.done $0x0  }
0x238: {  	[sflag:s21] =	ssyncadd.s32 $0xFFFFF9C0  }
0x239: {  	_ =	swait.ge [sflag:s21], $0x640  }
0x23a: {  	[sflag:s21] =	ssyncset.done $0x0  }
0x23b: {  	[sflag:s21] =	ssyncadd.s32 $0xFFFFF9C0  }
0x23c: {  	_ =	swait.ge [sflag:s21], $0x640  }
0x23d: {  	[sflag:s21] =	ssyncset.done $0x0  }
0x23e: {  	[sflag:s21] =	ssyncadd.s32 $0xFFFFF9C0  }
0x23f: {  	_ =	swait.ge [sflag:s21], $0x640  }
0x240: {  	[sflag:s21] =	ssyncset.done $0x0  }
0x241: {  	[sflag:s21] =	ssyncadd.s32 $0xFFFFF9C0  }
0x242: {  	_ =	swait.ge [sflag:s21], $0x640  }
0x243: {  	[sflag:s21] =	ssyncset.done $0x0  }
0x244: {  	[sflag:s21] =	ssyncadd.s32 $0xFFFFF9C0  }
0x245: {  	_ =	swait.ge [sflag:s21], $0x640  }
0x246: {  	[sflag:s21] =	ssyncset.done $0x0  }
0x247: {  	[sflag:s21] =	ssyncadd.s32 $0xFFFFF9C0  }
0x248: {  	_ =	swait.ge [sflag:s21], $0x640  }
0x249: {  	[sflag:s21] =	ssyncset.done $0x0  }
0x24a: {  	[sflag:s21] =	ssyncadd.s32 $0xFFFFF9C0  }
0x24b: {  	_ =	swait.ge [sflag:s21], $0x640  }
0x24c: {  	[sflag:s21] =	ssyncset.done $0x0  }
0x24d: {  	[sflag:s21] =	ssyncadd.s32 $0xFFFFF9C0  }
0x24e: {  	_ =	swait.ge [sflag:s21], $0x640  }
0x24f: {  	[sflag:s21] =	ssyncset.done $0x0  }
0x250: {  	[sflag:s21] =	ssyncadd.s32 $0xFFFFF9C0  }
0x251: {  	_ =	swait.ge [sflag:s21], $0x640  }
0x252: {  	[sflag:s21] =	ssyncset.done $0x0  }
0x253: {  	[sflag:s21] =	ssyncadd.s32 $0xFFFFF9C0  }
0x254: {  	_ =	swait.ge [sflag:s21], $0x640  }
0x255: {  	[sflag:s21] =	ssyncset.done $0x0  }
0x256: {  	[sflag:s21] =	ssyncadd.s32 $0xFFFFF9C0  }
0x257: {  	_ =	swait.ge [sflag:s23], $0x640  }
0x258: {  	[sflag:s23] =	ssyncset.done $0x0  }
0x259: {  	[sflag:s23] =	ssyncadd.s32 $0xFFFFF9C0  }
0x25a: {  	_ =	swait.ge [sflag:s23], $0x640  }
0x25b: {  	[sflag:s23] =	ssyncset.done $0x0  }
0x25c: {  	[sflag:s23] =	ssyncadd.s32 $0xFFFFF9C0  }
0x25d: {  	_ =	swait.ge [sflag:s23], $0x640  }
0x25e: {  	[sflag:s23] =	ssyncset.done $0x0  }
0x25f: {  	[sflag:s23] =	ssyncadd.s32 $0xFFFFF9C0  }
0x260: {  	_ =	swait.ge [sflag:s23], $0x640  }
0x261: {  	[sflag:s23] =	ssyncset.done $0x0  }
0x262: {  	[sflag:s23] =	ssyncadd.s32 $0xFFFFF9C0  }
0x263: {  	_ =	swait.ge [sflag:s23], $0x640  }
0x264: {  	[sflag:s23] =	ssyncset.done $0x0  }
0x265: {  	[sflag:s23] =	ssyncadd.s32 $0xFFFFF9C0  }
0x266: {  	_ =	swait.ge [sflag:s23], $0x640  }
0x267: {  	[sflag:s23] =	ssyncset.done $0x0  }
0x268: {  	[sflag:s23] =	ssyncadd.s32 $0xFFFFF9C0  }
0x269: {  	_ =	swait.ge [sflag:s23], $0x640  }
0x26a: {  	[sflag:s23] =	ssyncset.done $0x0  }
0x26b: {  	[sflag:s23] =	ssyncadd.s32 $0xFFFFF9C0  }
0x26c: {  	_ =	swait.ge [sflag:s23], $0x640  }
0x26d: {  	[sflag:s23] =	ssyncset.done $0x0  }
0x26e: {  	[sflag:s23] =	ssyncadd.s32 $0xFFFFF9C0  }
0x26f: {  	_ =	swait.ge [sflag:s23], $0x640  }
0x270: {  	[sflag:s23] =	ssyncset.done $0x0  }
0x271: {  	[sflag:s23] =	ssyncadd.s32 $0xFFFFF9C0  }
0x272: {  	_ =	swait.ge [sflag:s23], $0x640  }
0x273: {  	[sflag:s23] =	ssyncset.done $0x0  }
0x274: {  	[sflag:s23] =	ssyncadd.s32 $0xFFFFF9C0  }
0x275: {  	_ =	swait.ge [sflag:s23], $0x640  }
0x276: {  	[sflag:s23] =	ssyncset.done $0x0  }
0x277: {  	[sflag:s23] =	ssyncadd.s32 $0xFFFFF9C0  }
0x278: {  	_ =	swait.ge [sflag:s23], $0x640  }
0x279: {  	[sflag:s23] =	ssyncset.done $0x0  }
0x27a: {  	[sflag:s23] =	ssyncadd.s32 $0xFFFFF9C0  }
0x27b: {  	_ =	swait.ge [sflag:s23], $0x640  }
0x27c: {  	[sflag:s23] =	ssyncset.done $0x0  }
0x27d: {  	[sflag:s23] =	ssyncadd.s32 $0xFFFFF9C0  }
0x27e: {  	_ =	swait.ge [sflag:s23], $0x640  }
0x27f: {  	[sflag:s23] =	ssyncset.done $0x0  }
0x280: {  	[sflag:s23] =	ssyncadd.s32 $0xFFFFF9C0  }
0x281: {  	_ =	swait.ge [sflag:s23], $0x640  }
0x282: {  	p2 =	seq.s32 s30, $0x0;
	[sflag:s23] =	ssyncset.done $0x0  }
0x283: {  	p0 =	por p2, p2;
	p2 =	seq.s32 s28, $0x1A400;
	[sflag:s23] =	ssyncadd.s32 $0xFFFFF9C0  }
0x284: {  	s1 =	smov.u32 s30;
	s22 =	simm.s32 @!p2 $0x7000;
	_ =	swait.ge [sflag:s23], $0x640  }
0x285: {  	s24 =	sshra.s32 @!p2 s28, $0x2;
	s28 =	smov.u32 s1;
	[sflag:s23] =	ssyncset.done $0x0  }
0x286: {  	s1 =	simm.s32 @!p2 $0x32;
	s26 =	sadd.s32 @!p2 $0x700, s24;
	[sflag:s23] =	ssyncadd.s32 $0xFFFFF9C0  }
0x287: {  	[tilespmem:s22], [sflag:$0x1] =	stream.indirect.gather @!p2 [hbm4b:s4+s1], $0x20, s26, s1, $0xb8;
	[tilespmem:$0x13800] =	vst v63  }
0x288: {  	s22 =	sadd.s32 @!p2 $0x738, s24;
	s26 =	simm.s32 @!p2 $0x7640  }
0x289: {  	[tilespmem:s26], [sflag:$0x1] =	stream.indirect.gather @!p2 [hbm4b:s4+s1], $0x20, s22, s1, $0xb8;
	[tilespmem:$0x13800] =	vst v63  }
0x28a: {  	s29 =	sadd.s32 @!p2 $0x770, s24;
	s22 =	simm.s32 @!p2 $0x7C80  }
0x28b: {  	[tilespmem:s22], [sflag:$0x1] =	stream.indirect.gather @!p2 [hbm4b:s4+s1], $0x20, s29, s1, $0xb8;
	[tilespmem:$0x13800] =	vst v63  }
0x28c: {  	s26 =	sadd.s32 @!p2 $0x7A8, s24;
	s22 =	simm.s32 @!p2 $0x82C0  }
0x28d: {  	[tilespmem:s22], [sflag:$0x1] =	stream.indirect.gather @!p2 [hbm4b:s4+s1], $0x20, s26, s1, $0xb8;
	[tilespmem:$0x13800] =	vst v63  }
0x28e: {  	s31 =	sadd.s32 @!p2 $0x7E0, s24;
	s22 =	simm.s32 @!p2 $0x8900  }
0x28f: {  	[tilespmem:s22], [sflag:$0x1] =	stream.indirect.gather @!p2 [hbm4b:s4+s1], $0x20, s31, s1, $0xb8;
	[tilespmem:$0x13800] =	vst v63  }
0x290: {  	s29 =	sadd.s32 @!p2 $0x818, s24;
	s22 =	simm.s32 @!p2 $0x8F40  }
0x291: {  	[tilespmem:s22], [sflag:$0x1] =	stream.indirect.gather @!p2 [hbm4b:s4+s1], $0x20, s29, s1, $0xb8;
	[tilespmem:$0x13800] =	vst v63  }
0x292: {  	s0 =	sadd.s32 @!p2 $0x850, s24;
	s22 =	simm.s32 @!p2 $0x9580  }
0x293: {  	[tilespmem:s22], [sflag:$0x1] =	stream.indirect.gather @!p2 [hbm4b:s4+s1], $0x20, s0, s1, $0xb8;
	[tilespmem:$0x13800] =	vst v63  }
0x294: {  	s26 =	sadd.s32 @!p2 $0x888, s24;
	s0 =	simm.s32 @!p2 $0x9BC0  }
0x295: {  	[tilespmem:s0], [sflag:$0x1] =	stream.indirect.gather @!p2 [hbm4b:s4+s1], $0x20, s26, s1, $0xb8;
	[tilespmem:$0x13800] =	vst v63  }
0x296: {  	s12 =	sadd.s32 @!p2 $0x8C0, s24;
	s0 =	simm.s32 @!p2 $0xA200  }
0x297: {  	[tilespmem:s0], [sflag:$0x1] =	stream.indirect.gather @!p2 [hbm4b:s4+s1], $0x20, s12, s1, $0xb8;
	[tilespmem:$0x13800] =	vst v63  }
0x298: {  	s31 =	sadd.s32 @!p2 $0x8F8, s24;
	s0 =	simm.s32 @!p2 $0xA840  }
0x299: {  	[tilespmem:s0], [sflag:$0x1] =	stream.indirect.gather @!p2 [hbm4b:s4+s1], $0x20, s31, s1, $0xb8;
	[tilespmem:$0x13800] =	vst v63  }
0x29a: {  	s16 =	sadd.s32 @!p2 $0x930, s24;
	s0 =	simm.s32 @!p2 $0xAE80  }
0x29b: {  	[tilespmem:s0], [sflag:$0x1] =	stream.indirect.gather @!p2 [hbm4b:s4+s1], $0x20, s16, s1, $0xb8;
	[tilespmem:$0x13800] =	vst v63  }
0x29c: {  	s29 =	sadd.s32 @!p2 $0x968, s24;
	s0 =	simm.s32 @!p2 $0xB4C0  }
0x29d: {  	[tilespmem:s0], [sflag:$0x1] =	stream.indirect.gather @!p2 [hbm4b:s4+s1], $0x20, s29, s1, $0xb8;
	[tilespmem:$0x13800] =	vst v63  }
0x29e: {  	s20 =	sadd.s32 @!p2 $0x9A0, s24;
	s0 =	simm.s32 @!p2 $0xBB00  }
0x29f: {  	[tilespmem:s0], [sflag:$0x1] =	stream.indirect.gather @!p2 [hbm4b:s4+s1], $0x20, s20, s1, $0xb8;
	[tilespmem:$0x13800] =	vst v63  }
0x2a0: {  	s3 =	sadd.s32 @!p2 $0x9D8, s24;
	s0 =	simm.s32 @!p2 $0xC140  }
0x2a1: {  	[tilespmem:s0], [sflag:$0x1] =	stream.indirect.gather @!p2 [hbm4b:s4+s1], $0x20, s3, s1, $0xb8;
	[tilespmem:$0x13800] =	vst v63  }
0x2a2: {  	s5 =	sadd.s32 @!p2 $0xA10, s24;
	s0 =	simm.s32 @!p2 $0xC780  }
0x2a3: {  	[tilespmem:s0], [sflag:$0x1] =	stream.indirect.gather @!p2 [hbm4b:s4+s1], $0x20, s5, s1, $0xb8;
	[tilespmem:$0x13800] =	vst v63  }
0x2a4: {  	s24 =	sadd.s32 @!p2 $0xA48, s24;
	s0 =	simm.s32 @!p2 $0xCDC0  }
0x2a5: {  	[tilespmem:s0], [sflag:$0x1] =	stream.indirect.gather @!p2 [hbm4b:s4+s1], $0x20, s24, s1, $0xb8;
	[tilespmem:$0x13800] =	vst v63  }
0x2a6: {  	s18 =	rddreg [dreg:$0x1b];
	s31 =	sadd.s32 $0x3800, s10  }
0x2a7: {  	[hbm4b:s31+s17] =	stream.strided.scatter [tilespmem:s6], [sflag:$0x4], $0x640, s19, s17, $0x38;
	[tilespmem:$0x13800] =	vst v63  }
0x2a8: {  	s14 =	rddreg [dreg:$0x1a];
	s6 =	sadd.s32 $0x3B80, s10  }
0x2a9: {  	[hbm4b:s6+s17] =	stream.strided.scatter [tilespmem:s7], [sflag:$0x4], $0x640, s19, s17, $0x38;
	[tilespmem:$0x13800] =	vst v63  }
0x2aa: {  	s22 =	rddreg [dreg:$0x19];
	s31 =	sadd.s32 $0x3F00, s10  }
0x2ab: {  	[hbm4b:s31+s17] =	stream.strided.scatter [tilespmem:s2], [sflag:$0x4], $0x640, s19, s17, $0x38;
	[tilespmem:$0x13800] =	vst v63  }
0x2ac: {  	s26 =	rddreg [dreg:$0x17];
	s7 =	sadd.s32 s25, s18  }
0x2ad: {  	[hbm4b:s7+s17] =	stream.strided.scatter [tilespmem:s9], [sflag:$0x4], $0x640, s19, s17, $0x38;
	[tilespmem:$0x13800] =	vst v63  }
0x2ae: {  	s12 =	rddreg [dreg:$0x18];
	s9 =	sadd.s32 s25, s14  }
0x2af: {  	[hbm4b:s9+s17] =	stream.strided.scatter [tilespmem:s11], [sflag:$0x4], $0x640, s19, s17, $0x38;
	[tilespmem:$0x13800] =	vst v63  }
0x2b0: {  	s30 =	sadd.s32 $0x1C00, s30;
	s16 =	rddreg [dreg:$0x16];
	s11 =	sadd.s32 s25, s22  }
0x2b1: {  	[hbm4b:s11+s17] =	stream.strided.scatter [tilespmem:s13], [sflag:$0x4], $0x640, s19, s17, $0x38;
	[tilespmem:$0x13800] =	vst v63  }
0x2b2: {  	s29 =	rddreg [dreg:$0x15];
	s18 =	sadd.s32 s25, s12;
	s22 =	simm.s32 $0xF980  }
0x2b3: {  	[hbm4b:s18+s17] =	stream.strided.scatter [tilespmem:s22], [sflag:$0x4], $0x640, s19, s17, $0x38;
	[tilespmem:$0x13800] =	vst v63  }
0x2b4: {  	s26 =	sadd.s32 s25, s26;
	s6 =	rddreg [dreg:$0xf];
	s31 =	simm.s32 $0xFFC0  }
0x2b5: {  	[hbm4b:s26+s17] =	stream.strided.scatter [tilespmem:s31], [sflag:$0x4], $0x640, s19, s17, $0x38;
	[tilespmem:$0x13800] =	vst v63  }
0x2b6: {  	s14 =	sadd.s32 s25, s6;
	s6 =	sadd.s32 s25, s16;
	s7 =	simm.s32 $0x10600  }
0x2b7: {  	[hbm4b:s6+s17] =	stream.strided.scatter [tilespmem:s7], [sflag:$0x4], $0x640, s19, s17, $0x38;
	[tilespmem:$0x13800] =	vst v63  }
0x2b8: {  	s20 =	rddreg [dreg:$0x14];
	s10 =	simm.s32 $0x10C40;
	s9 =	sadd.s32 s25, s29  }
0x2b9: {  	[hbm4b:s9+s17] =	stream.strided.scatter [tilespmem:s10], [sflag:$0x4], $0x640, s19, s17, $0x38;
	[tilespmem:$0x13800] =	vst v63  }
0x2ba: {  	s3 =	rddreg [dreg:$0x13];
	s12 =	simm.s32 $0x11280;
	s11 =	sadd.s32 s25, s20  }
0x2bb: {  	[hbm4b:s11+s17] =	stream.strided.scatter [tilespmem:s12], [sflag:$0x4], $0x640, s19, s17, $0x38;
	[tilespmem:$0x13800] =	vst v63  }
0x2bc: {  	s5 =	rddreg [dreg:$0x12];
	s16 =	simm.s32 $0x118C0;
	s13 =	sadd.s32 s25, s3  }
0x2bd: {  	[hbm4b:s13+s17] =	stream.strided.scatter [tilespmem:s16], [sflag:$0x4], $0x640, s19, s17, $0x38;
	[tilespmem:$0x13800] =	vst v63  }
0x2be: {  	p1 =	sne.s32 s30, $0x1C000;
	s20 =	simm.s32 $0x11F00;
	s18 =	sadd.s32 s25, s5  }
0x2bf: {  	[hbm4b:s18+s17] =	stream.strided.scatter [tilespmem:s20], [sflag:$0x4], $0x640, s19, s17, $0x38;
	[tilespmem:$0x13800] =	vst v63  }
.Ltmp0:
0x2c0: {  	s1 =	rddreg [dreg:$0x11];
	(pc) =	sbr.rel @p1 .LBB2_2-.Ltmp0, $4  }
0x2c1: {  	s24 =	rddreg [dreg:$0x10];
	s22 =	sadd.s32 s25, s1;
	s26 =	simm.s32 $0x12540  }
0x2c2: {  	[hbm4b:s22+s17] =	stream.strided.scatter [tilespmem:s26], [sflag:$0x4], $0x640, s19, s17, $0x38;
	[tilespmem:$0x13800] =	vst v63  }
0x2c3: {  	s29 =	sadd.s32 s25, s24;
	s25 =	sadd.s32 $0x7000, s25;
	s31 =	simm.s32 $0x12B80  }
0x2c4: {  	[hbm4b:s29+s17] =	stream.strided.scatter [tilespmem:s31], [sflag:$0x4], $0x640, s19, s17, $0x38;
	[tilespmem:$0x13800] =	vst v63  }
0x2c5: {  	s0 =	simm.s32 @!p0 $0x4;
	s30 =	simm.s32 $0x131C0  }
0x2c6: {  	[hbm4b:s14+s17] =	stream.strided.scatter [tilespmem:s30], [sflag:$0x4], $0x640, s19, s17, $0x38;
	[tilespmem:$0x13800] =	vst v63  }
0x2c7: {  	_ =	swait.ge @!p0 [sflag:s0], $0x640  }
0x2c8: {  	[sflag:s0] =	ssyncset.done @!p0 $0x0  }
0x2c9: {  	[sflag:s0] =	ssyncadd.s32 @!p0 $0xFFFFF9C0  }
0x2ca: {  	_ =	swait.ge @!p0 [sflag:s0], $0x640  }
0x2cb: {  	[sflag:s0] =	ssyncset.done @!p0 $0x0  }
0x2cc: {  	[sflag:s0] =	ssyncadd.s32 @!p0 $0xFFFFF9C0  }
0x2cd: {  	_ =	swait.ge @!p0 [sflag:s0], $0x640  }
0x2ce: {  	[sflag:s0] =	ssyncset.done @!p0 $0x0  }
0x2cf: {  	[sflag:s0] =	ssyncadd.s32 @!p0 $0xFFFFF9C0  }
0x2d0: {  	_ =	swait.ge @!p0 [sflag:s0], $0x640  }
0x2d1: {  	[sflag:s0] =	ssyncset.done @!p0 $0x0  }
0x2d2: {  	[sflag:s0] =	ssyncadd.s32 @!p0 $0xFFFFF9C0  }
0x2d3: {  	_ =	swait.ge @!p0 [sflag:s0], $0x640  }
0x2d4: {  	[sflag:s0] =	ssyncset.done @!p0 $0x0  }
0x2d5: {  	[sflag:s0] =	ssyncadd.s32 @!p0 $0xFFFFF9C0  }
0x2d6: {  	_ =	swait.ge @!p0 [sflag:s0], $0x640  }
0x2d7: {  	[sflag:s0] =	ssyncset.done @!p0 $0x0  }
0x2d8: {  	[sflag:s0] =	ssyncadd.s32 @!p0 $0xFFFFF9C0  }
0x2d9: {  	_ =	swait.ge @!p0 [sflag:s0], $0x640  }
0x2da: {  	[sflag:s0] =	ssyncset.done @!p0 $0x0  }
0x2db: {  	[sflag:s0] =	ssyncadd.s32 @!p0 $0xFFFFF9C0  }
0x2dc: {  	_ =	swait.ge @!p0 [sflag:s0], $0x640  }
0x2dd: {  	[sflag:s0] =	ssyncset.done @!p0 $0x0  }
0x2de: {  	[sflag:s0] =	ssyncadd.s32 @!p0 $0xFFFFF9C0  }
0x2df: {  	_ =	swait.ge @!p0 [sflag:s0], $0x640  }
0x2e0: {  	[sflag:s0] =	ssyncset.done @!p0 $0x0  }
0x2e1: {  	[sflag:s0] =	ssyncadd.s32 @!p0 $0xFFFFF9C0  }
0x2e2: {  	_ =	swait.ge @!p0 [sflag:s0], $0x640  }
0x2e3: {  	[sflag:s0] =	ssyncset.done @!p0 $0x0  }
0x2e4: {  	[sflag:s0] =	ssyncadd.s32 @!p0 $0xFFFFF9C0  }
0x2e5: {  	_ =	swait.ge @!p0 [sflag:s0], $0x640  }
0x2e6: {  	[sflag:s0] =	ssyncset.done @!p0 $0x0  }
0x2e7: {  	[sflag:s0] =	ssyncadd.s32 @!p0 $0xFFFFF9C0  }
0x2e8: {  	_ =	swait.ge @!p0 [sflag:s0], $0x640  }
0x2e9: {  	[sflag:s0] =	ssyncset.done @!p0 $0x0  }
0x2ea: {  	[sflag:s0] =	ssyncadd.s32 @!p0 $0xFFFFF9C0  }
0x2eb: {  	_ =	swait.ge @!p0 [sflag:s0], $0x640  }
0x2ec: {  	[sflag:s0] =	ssyncset.done @!p0 $0x0  }
0x2ed: {  	[sflag:s0] =	ssyncadd.s32 @!p0 $0xFFFFF9C0  }
0x2ee: {  	_ =	swait.ge @!p0 [sflag:s0], $0x640  }
0x2ef: {  	[sflag:s0] =	ssyncset.done @!p0 $0x0  }
0x2f0: {  	[sflag:s0] =	ssyncadd.s32 @!p0 $0xFFFFF9C0  }
0x2f1: {  	_ =	swait.ge @!p0 [sflag:s0], $0x640  }
0x2f2: {  	[sflag:s0] =	ssyncset.done @!p0 $0x0  }
0x2f3: {  	[sflag:s0] =	ssyncadd.s32 @!p0 $0xFFFFF9C0  }
0x2f4: {  	_ =	swait.ge @!p0 [sflag:s0], $0x640  }
0x2f5: {  	s1 =	sshra.s32 s28, $0x2;
	[sflag:s0] =	ssyncset.done @!p0 $0x0  }
0x2f6: {  	s6 =	simm.s32 $0xD400;
	s7 =	sadd.s32 $0x380, s1;
	[sflag:s0] =	ssyncadd.s32 @!p0 $0xFFFFF9C0  }
0x2f7: {  	[tilespmem:s6], [sflag:$0x2] =	stream.indirect.gather [hbm4b:s4+s8], $0x20, s7, s8, $0xb8;
	[tilespmem:$0x13800] =	vst v63  }
0x2f8: {  	s9 =	sadd.s32 $0x3B8, s1;
	s7 =	simm.s32 $0xDA40  }
0x2f9: {  	[tilespmem:s7], [sflag:$0x2] =	stream.indirect.gather [hbm4b:s4+s8], $0x20, s9, s8, $0xb8;
	[tilespmem:$0x13800] =	vst v63  }
0x2fa: {  	s2 =	simm.s32 $0xE080;
	s10 =	sadd.s32 $0x3F0, s1  }
0x2fb: {  	[tilespmem:s2], [sflag:$0x2] =	stream.indirect.gather [hbm4b:s4+s8], $0x20, s10, s8, $0xb8;
	[tilespmem:$0x13800] =	vst v63  }
0x2fc: {  	s11 =	sadd.s32 $0x428, s1;
	s9 =	simm.s32 $0xE6C0  }
0x2fd: {  	[tilespmem:s9], [sflag:$0x2] =	stream.indirect.gather [hbm4b:s4+s8], $0x20, s11, s8, $0xb8;
	[tilespmem:$0x13800] =	vst v63  }
0x2fe: {  	s12 =	sadd.s32 $0x460, s1;
	s11 =	simm.s32 $0xED00  }
0x2ff: {  	[tilespmem:s11], [sflag:$0x2] =	stream.indirect.gather [hbm4b:s4+s8], $0x20, s12, s8, $0xb8;
	[tilespmem:$0x13800] =	vst v63  }
0x300: {  	s13 =	sadd.s32 $0x498, s1;
	s12 =	simm.s32 $0xF340  }
0x301: {  	[tilespmem:s12], [sflag:$0x2] =	stream.indirect.gather [hbm4b:s4+s8], $0x20, s13, s8, $0xb8;
	[tilespmem:$0x13800] =	vst v63  }
0x302: {  	s14 =	sadd.s32 $0x4D0, s1;
	s13 =	simm.s32 $0xF980  }
0x303: {  	[tilespmem:s13], [sflag:$0x2] =	stream.indirect.gather [hbm4b:s4+s8], $0x20, s14, s8, $0xb8;
	[tilespmem:$0x13800] =	vst v63  }
0x304: {  	s16 =	sadd.s32 $0x508, s1;
	s14 =	simm.s32 $0xFFC0  }
0x305: {  	[tilespmem:s14], [sflag:$0x2] =	stream.indirect.gather [hbm4b:s4+s8], $0x20, s16, s8, $0xb8;
	[tilespmem:$0x13800] =	vst v63  }
0x306: {  	s18 =	sadd.s32 $0x540, s1;
	s16 =	simm.s32 $0x10600  }
0x307: {  	[tilespmem:s16], [sflag:$0x2] =	stream.indirect.gather [hbm4b:s4+s8], $0x20, s18, s8, $0xb8;
	[tilespmem:$0x13800] =	vst v63  }
0x308: {  	s20 =	sadd.s32 $0x578, s1;
	s18 =	simm.s32 $0x10C40  }
0x309: {  	[tilespmem:s18], [sflag:$0x2] =	stream.indirect.gather [hbm4b:s4+s8], $0x20, s20, s8, $0xb8;
	[tilespmem:$0x13800] =	vst v63  }
0x30a: {  	s22 =	sadd.s32 $0x5B0, s1;
	s20 =	simm.s32 $0x11280  }
0x30b: {  	[tilespmem:s20], [sflag:$0x2] =	stream.indirect.gather [hbm4b:s4+s8], $0x20, s22, s8, $0xb8;
	[tilespmem:$0x13800] =	vst v63  }
0x30c: {  	s24 =	sadd.s32 $0x5E8, s1;
	s22 =	simm.s32 $0x118C0  }
0x30d: {  	[tilespmem:s22], [sflag:$0x2] =	stream.indirect.gather [hbm4b:s4+s8], $0x20, s24, s8, $0xb8;
	[tilespmem:$0x13800] =	vst v63  }
0x30e: {  	s26 =	sadd.s32 $0x620, s1;
	s24 =	simm.s32 $0x11F00  }
0x30f: {  	[tilespmem:s24], [sflag:$0x2] =	stream.indirect.gather [hbm4b:s4+s8], $0x20, s26, s8, $0xb8;
	[tilespmem:$0x13800] =	vst v63  }
0x310: {  	s29 =	sadd.s32 $0x658, s1;
	s26 =	simm.s32 $0x12540  }
0x311: {  	[tilespmem:s26], [sflag:$0x2] =	stream.indirect.gather [hbm4b:s4+s8], $0x20, s29, s8, $0xb8;
	[tilespmem:$0x13800] =	vst v63  }
0x312: {  	s31 =	sadd.s32 $0x690, s1;
	s29 =	simm.s32 $0x12B80  }
0x313: {  	[tilespmem:s29], [sflag:$0x2] =	stream.indirect.gather [hbm4b:s4+s8], $0x20, s31, s8, $0xb8;
	[tilespmem:$0x13800] =	vst v63  }
0x314: {  	s3 =	sadd.s32 $0x6C8, s1  }
0x315: {  	[tilespmem:s30], [sflag:$0x2] =	stream.indirect.gather [hbm4b:s4+s8], $0x20, s3, s8, $0xb8;
	[tilespmem:$0x13800] =	vst v63  }
0x316: {  	_ =	swait.ge [sflag:s15], $0x640  }
0x317: {  	[sflag:s15] =	ssyncset.done $0x0  }
0x318: {  	[sflag:s15] =	ssyncadd.s32 $0xFFFFF9C0  }
0x319: {  	_ =	swait.ge [sflag:s15], $0x640  }
0x31a: {  	[sflag:s15] =	ssyncset.done $0x0  }
0x31b: {  	[sflag:s15] =	ssyncadd.s32 $0xFFFFF9C0  }
0x31c: {  	_ =	swait.ge [sflag:s15], $0x640  }
0x31d: {  	[sflag:s15] =	ssyncset.done $0x0  }
0x31e: {  	[sflag:s15] =	ssyncadd.s32 $0xFFFFF9C0  }
0x31f: {  	_ =	swait.ge [sflag:s15], $0x640  }
0x320: {  	[sflag:s15] =	ssyncset.done $0x0  }
0x321: {  	[sflag:s15] =	ssyncadd.s32 $0xFFFFF9C0  }
0x322: {  	_ =	swait.ge [sflag:s15], $0x640  }
0x323: {  	[sflag:s15] =	ssyncset.done $0x0  }
0x324: {  	[sflag:s15] =	ssyncadd.s32 $0xFFFFF9C0  }
0x325: {  	_ =	swait.ge [sflag:s15], $0x640  }
0x326: {  	[sflag:s15] =	ssyncset.done $0x0  }
0x327: {  	[sflag:s15] =	ssyncadd.s32 $0xFFFFF9C0  }
0x328: {  	_ =	swait.ge [sflag:s15], $0x640  }
0x329: {  	[sflag:s15] =	ssyncset.done $0x0  }
0x32a: {  	[sflag:s15] =	ssyncadd.s32 $0xFFFFF9C0  }
0x32b: {  	_ =	swait.ge [sflag:s15], $0x640  }
0x32c: {  	[sflag:s15] =	ssyncset.done $0x0  }
0x32d: {  	[sflag:s15] =	ssyncadd.s32 $0xFFFFF9C0  }
0x32e: {  	_ =	swait.ge [sflag:s15], $0x640  }
0x32f: {  	[sflag:s15] =	ssyncset.done $0x0  }
0x330: {  	[sflag:s15] =	ssyncadd.s32 $0xFFFFF9C0  }
0x331: {  	_ =	swait.ge [sflag:s15], $0x640  }
0x332: {  	[sflag:s15] =	ssyncset.done $0x0  }
0x333: {  	[sflag:s15] =	ssyncadd.s32 $0xFFFFF9C0  }
0x334: {  	_ =	swait.ge [sflag:s15], $0x640  }
0x335: {  	[sflag:s15] =	ssyncset.done $0x0  }
0x336: {  	[sflag:s15] =	ssyncadd.s32 $0xFFFFF9C0  }
0x337: {  	_ =	swait.ge [sflag:s15], $0x640  }
0x338: {  	[sflag:s15] =	ssyncset.done $0x0  }
0x339: {  	[sflag:s15] =	ssyncadd.s32 $0xFFFFF9C0  }
0x33a: {  	_ =	swait.ge [sflag:s15], $0x640  }
0x33b: {  	[sflag:s15] =	ssyncset.done $0x0  }
0x33c: {  	[sflag:s15] =	ssyncadd.s32 $0xFFFFF9C0  }
0x33d: {  	_ =	swait.ge [sflag:s15], $0x640  }
0x33e: {  	[sflag:s15] =	ssyncset.done $0x0  }
0x33f: {  	[sflag:s15] =	ssyncadd.s32 $0xFFFFF9C0  }
0x340: {  	_ =	swait.ge [sflag:s15], $0x640  }
0x341: {  	[sflag:s15] =	ssyncset.done $0x0  }
0x342: {  	[sflag:s15] =	ssyncadd.s32 $0xFFFFF9C0  }
0x343: {  	_ =	swait.ge [sflag:s15], $0x640  }
0x344: {  	s5 =	rddreg [dreg:$0x3];
	[sflag:s15] =	ssyncset.done $0x0  }
0x345: {  	s10 =	simm.s32 $0x7000;
	[sflag:s15] =	ssyncadd.s32 $0xFFFFF9C0;
	s1 =	sadd.s32 s25, s5  }
0x346: {  	[hbm4b:s1+s17] =	stream.strided.scatter [tilespmem:s10], [sflag:$0x3], $0x640, s19, s17, $0x38;
	[tilespmem:$0x13800] =	vst v63  }
0x347: {  	s3 =	simm.s32 $0x7640;
	s31 =	sadd.s32 $0x380, s1  }
0x348: {  	[hbm4b:s31+s17] =	stream.strided.scatter [tilespmem:s3], [sflag:$0x3], $0x640, s19, s17, $0x38;
	[tilespmem:$0x13800] =	vst v63  }
0x349: {  	s5 =	simm.s32 $0x7C80;
	s3 =	sadd.s32 $0x700, s1  }
0x34a: {  	[hbm4b:s3+s17] =	stream.strided.scatter [tilespmem:s5], [sflag:$0x3], $0x640, s19, s17, $0x38;
	[tilespmem:$0x13800] =	vst v63  }
0x34b: {  	s10 =	sadd.s32 $0xA80, s1;
	s5 =	simm.s32 $0x82C0  }
0x34c: {  	[hbm4b:s10+s17] =	stream.strided.scatter [tilespmem:s5], [sflag:$0x3], $0x640, s19, s17, $0x38;
	[tilespmem:$0x13800] =	vst v63  }
0x34d: {  	s31 =	sadd.s32 $0xE00, s1;
	s3 =	rddreg [dreg:$0xe];
	s10 =	simm.s32 $0x8900  }
0x34e: {  	[hbm4b:s31+s17] =	stream.strided.scatter [tilespmem:s10], [sflag:$0x3], $0x640, s19, s17, $0x38;
	[tilespmem:$0x13800] =	vst v63  }
0x34f: {  	s5 =	rddreg [dreg:$0xd];
	s10 =	sadd.s32 s25, s3;
	s31 =	simm.s32 $0x8F40  }
0x350: {  	[hbm4b:s10+s17] =	stream.strided.scatter [tilespmem:s31], [sflag:$0x3], $0x640, s19, s17, $0x38;
	[tilespmem:$0x13800] =	vst v63  }
0x351: {  	s3 =	rddreg [dreg:$0xc];
	s10 =	sadd.s32 s25, s5;
	s31 =	simm.s32 $0x9580  }
0x352: {  	[hbm4b:s10+s17] =	stream.strided.scatter [tilespmem:s31], [sflag:$0x3], $0x640, s19, s17, $0x38;
	[tilespmem:$0x13800] =	vst v63  }
0x353: {  	s5 =	rddreg [dreg:$0xb];
	s10 =	sadd.s32 s25, s3;
	s31 =	simm.s32 $0x9BC0  }
0x354: {  	[hbm4b:s10+s17] =	stream.strided.scatter [tilespmem:s31], [sflag:$0x3], $0x640, s19, s17, $0x38;
	[tilespmem:$0x13800] =	vst v63  }
0x355: {  	s3 =	rddreg [dreg:$0xa];
	s10 =	sadd.s32 s25, s5;
	s31 =	simm.s32 $0xA200  }
0x356: {  	[hbm4b:s10+s17] =	stream.strided.scatter [tilespmem:s31], [sflag:$0x3], $0x640, s19, s17, $0x38;
	[tilespmem:$0x13800] =	vst v63  }
0x357: {  	s5 =	rddreg [dreg:$0x9];
	s10 =	sadd.s32 s25, s3;
	s31 =	simm.s32 $0xA840  }
0x358: {  	[hbm4b:s10+s17] =	stream.strided.scatter [tilespmem:s31], [sflag:$0x3], $0x640, s19, s17, $0x38;
	[tilespmem:$0x13800] =	vst v63  }
0x359: {  	s3 =	rddreg [dreg:$0x8];
	s10 =	sadd.s32 s25, s5;
	s31 =	simm.s32 $0xAE80  }
0x35a: {  	[hbm4b:s10+s17] =	stream.strided.scatter [tilespmem:s31], [sflag:$0x3], $0x640, s19, s17, $0x38;
	[tilespmem:$0x13800] =	vst v63  }
0x35b: {  	s5 =	rddreg [dreg:$0x7];
	s10 =	sadd.s32 s25, s3;
	s31 =	simm.s32 $0xB4C0  }
0x35c: {  	[hbm4b:s10+s17] =	stream.strided.scatter [tilespmem:s31], [sflag:$0x3], $0x640, s19, s17, $0x38;
	[tilespmem:$0x13800] =	vst v63  }
0x35d: {  	s3 =	rddreg [dreg:$0x6];
	s10 =	sadd.s32 s25, s5;
	s31 =	simm.s32 $0xBB00  }
0x35e: {  	[hbm4b:s10+s17] =	stream.strided.scatter [tilespmem:s31], [sflag:$0x3], $0x640, s19, s17, $0x38;
	[tilespmem:$0x13800] =	vst v63  }
0x35f: {  	s5 =	rddreg [dreg:$0x5];
	s10 =	sadd.s32 s25, s3;
	s31 =	simm.s32 $0xC140  }
0x360: {  	[hbm4b:s10+s17] =	stream.strided.scatter [tilespmem:s31], [sflag:$0x3], $0x640, s19, s17, $0x38;
	[tilespmem:$0x13800] =	vst v63  }
0x361: {  	s3 =	rddreg [dreg:$0x4];
	s10 =	sadd.s32 s25, s5;
	s31 =	simm.s32 $0xC780  }
0x362: {  	[hbm4b:s10+s17] =	stream.strided.scatter [tilespmem:s31], [sflag:$0x3], $0x640, s19, s17, $0x38;
	[tilespmem:$0x13800] =	vst v63  }
0x363: {  	s10 =	sadd.s32 s25, s3;
	s31 =	simm.s32 $0xCDC0  }
0x364: {  	[hbm4b:s10+s17] =	stream.strided.scatter [tilespmem:s31], [sflag:$0x3], $0x640, s19, s17, $0x38;
	[tilespmem:$0x13800] =	vst v63  }
0x365: {  	_ =	swait.ge [sflag:s21], $0x640  }
0x366: {  	[sflag:s21] =	ssyncset.done $0x0  }
0x367: {  	[sflag:s21] =	ssyncadd.s32 $0xFFFFF9C0  }
0x368: {  	_ =	swait.ge [sflag:s21], $0x640  }
0x369: {  	[sflag:s21] =	ssyncset.done $0x0  }
0x36a: {  	[sflag:s21] =	ssyncadd.s32 $0xFFFFF9C0  }
0x36b: {  	_ =	swait.ge [sflag:s21], $0x640  }
0x36c: {  	[sflag:s21] =	ssyncset.done $0x0  }
0x36d: {  	[sflag:s21] =	ssyncadd.s32 $0xFFFFF9C0  }
0x36e: {  	_ =	swait.ge [sflag:s21], $0x640  }
0x36f: {  	[sflag:s21] =	ssyncset.done $0x0  }
0x370: {  	[sflag:s21] =	ssyncadd.s32 $0xFFFFF9C0  }
0x371: {  	_ =	swait.ge [sflag:s21], $0x640  }
0x372: {  	[sflag:s21] =	ssyncset.done $0x0  }
0x373: {  	[sflag:s21] =	ssyncadd.s32 $0xFFFFF9C0  }
0x374: {  	_ =	swait.ge [sflag:s21], $0x640  }
0x375: {  	[sflag:s21] =	ssyncset.done $0x0  }
0x376: {  	[sflag:s21] =	ssyncadd.s32 $0xFFFFF9C0  }
0x377: {  	_ =	swait.ge [sflag:s21], $0x640  }
0x378: {  	[sflag:s21] =	ssyncset.done $0x0  }
0x379: {  	[sflag:s21] =	ssyncadd.s32 $0xFFFFF9C0  }
0x37a: {  	_ =	swait.ge [sflag:s21], $0x640  }
0x37b: {  	[sflag:s21] =	ssyncset.done $0x0  }
0x37c: {  	[sflag:s21] =	ssyncadd.s32 $0xFFFFF9C0  }
0x37d: {  	_ =	swait.ge [sflag:s21], $0x640  }
0x37e: {  	[sflag:s21] =	ssyncset.done $0x0  }
0x37f: {  	[sflag:s21] =	ssyncadd.s32 $0xFFFFF9C0  }
0x380: {  	_ =	swait.ge [sflag:s21], $0x640  }
0x381: {  	[sflag:s21] =	ssyncset.done $0x0  }
0x382: {  	[sflag:s21] =	ssyncadd.s32 $0xFFFFF9C0  }
0x383: {  	_ =	swait.ge [sflag:s21], $0x640  }
0x384: {  	[sflag:s21] =	ssyncset.done $0x0  }
0x385: {  	[sflag:s21] =	ssyncadd.s32 $0xFFFFF9C0  }
0x386: {  	_ =	swait.ge [sflag:s21], $0x640  }
0x387: {  	[sflag:s21] =	ssyncset.done $0x0  }
0x388: {  	[sflag:s21] =	ssyncadd.s32 $0xFFFFF9C0  }
0x389: {  	_ =	swait.ge [sflag:s21], $0x640  }
0x38a: {  	[sflag:s21] =	ssyncset.done $0x0  }
0x38b: {  	[sflag:s21] =	ssyncadd.s32 $0xFFFFF9C0  }
0x38c: {  	_ =	swait.ge [sflag:s21], $0x640  }
0x38d: {  	[sflag:s21] =	ssyncset.done $0x0  }
0x38e: {  	[sflag:s21] =	ssyncadd.s32 $0xFFFFF9C0  }
0x38f: {  	_ =	swait.ge [sflag:s21], $0x640  }
0x390: {  	[sflag:s21] =	ssyncset.done $0x0  }
0x391: {  	[sflag:s21] =	ssyncadd.s32 $0xFFFFF9C0  }
0x392: {  	_ =	swait.ge [sflag:s21], $0x640  }
0x393: {  	[sflag:s21] =	ssyncset.done $0x0  }
0x394: {  	[sflag:s21] =	ssyncadd.s32 $0xFFFFF9C0  }
0x395: {  	_ =	swait.ge [sflag:s23], $0x640  }
0x396: {  	[sflag:s23] =	ssyncset.done $0x0  }
0x397: {  	[sflag:s23] =	ssyncadd.s32 $0xFFFFF9C0  }
0x398: {  	_ =	swait.ge [sflag:s23], $0x640  }
0x399: {  	[sflag:s23] =	ssyncset.done $0x0  }
0x39a: {  	[sflag:s23] =	ssyncadd.s32 $0xFFFFF9C0  }
0x39b: {  	_ =	swait.ge [sflag:s23], $0x640  }
0x39c: {  	[sflag:s23] =	ssyncset.done $0x0  }
0x39d: {  	[sflag:s23] =	ssyncadd.s32 $0xFFFFF9C0  }
0x39e: {  	_ =	swait.ge [sflag:s23], $0x640  }
0x39f: {  	[sflag:s23] =	ssyncset.done $0x0  }
0x3a0: {  	[sflag:s23] =	ssyncadd.s32 $0xFFFFF9C0  }
0x3a1: {  	_ =	swait.ge [sflag:s23], $0x640  }
0x3a2: {  	[sflag:s23] =	ssyncset.done $0x0  }
0x3a3: {  	[sflag:s23] =	ssyncadd.s32 $0xFFFFF9C0  }
0x3a4: {  	_ =	swait.ge [sflag:s23], $0x640  }
0x3a5: {  	[sflag:s23] =	ssyncset.done $0x0  }
0x3a6: {  	[sflag:s23] =	ssyncadd.s32 $0xFFFFF9C0  }
0x3a7: {  	_ =	swait.ge [sflag:s23], $0x640  }
0x3a8: {  	[sflag:s23] =	ssyncset.done $0x0  }
0x3a9: {  	[sflag:s23] =	ssyncadd.s32 $0xFFFFF9C0  }
0x3aa: {  	_ =	swait.ge [sflag:s23], $0x640  }
0x3ab: {  	[sflag:s23] =	ssyncset.done $0x0  }
0x3ac: {  	[sflag:s23] =	ssyncadd.s32 $0xFFFFF9C0  }
0x3ad: {  	_ =	swait.ge [sflag:s23], $0x640  }
0x3ae: {  	[sflag:s23] =	ssyncset.done $0x0  }
0x3af: {  	[sflag:s23] =	ssyncadd.s32 $0xFFFFF9C0  }
0x3b0: {  	_ =	swait.ge [sflag:s23], $0x640  }
0x3b1: {  	[sflag:s23] =	ssyncset.done $0x0  }
0x3b2: {  	[sflag:s23] =	ssyncadd.s32 $0xFFFFF9C0  }
0x3b3: {  	_ =	swait.ge [sflag:s23], $0x640  }
0x3b4: {  	[sflag:s23] =	ssyncset.done $0x0  }
0x3b5: {  	[sflag:s23] =	ssyncadd.s32 $0xFFFFF9C0  }
0x3b6: {  	_ =	swait.ge [sflag:s23], $0x640  }
0x3b7: {  	[sflag:s23] =	ssyncset.done $0x0  }
0x3b8: {  	[sflag:s23] =	ssyncadd.s32 $0xFFFFF9C0  }
0x3b9: {  	_ =	swait.ge [sflag:s23], $0x640  }
0x3ba: {  	[sflag:s23] =	ssyncset.done $0x0  }
0x3bb: {  	[sflag:s23] =	ssyncadd.s32 $0xFFFFF9C0  }
0x3bc: {  	_ =	swait.ge [sflag:s23], $0x640  }
0x3bd: {  	[sflag:s23] =	ssyncset.done $0x0  }
0x3be: {  	[sflag:s23] =	ssyncadd.s32 $0xFFFFF9C0  }
0x3bf: {  	_ =	swait.ge [sflag:s23], $0x640  }
0x3c0: {  	[sflag:s23] =	ssyncset.done $0x0  }
0x3c1: {  	[sflag:s23] =	ssyncadd.s32 $0xFFFFF9C0  }
0x3c2: {  	p0 =	seq.s32 s28, $0x1A400;
	_ =	swait.ge [sflag:s23], $0x640  }
0x3c3: {  	s0 =	simm.s32 @!p0 $0x7000;
	s3 =	sshra.s32 @!p0 s28, $0x2;
	[sflag:s23] =	ssyncset.done $0x0  }
0x3c4: {  	s5 =	sadd.s32 @!p0 $0x700, s3;
	s10 =	simm.s32 @!p0 $0x32;
	[sflag:s23] =	ssyncadd.s32 $0xFFFFF9C0  }
0x3c5: {  	[tilespmem:s0], [sflag:$0x1] =	stream.indirect.gather @!p0 [hbm4b:s4+s10], $0x20, s5, s10, $0xb8;
	[tilespmem:$0x13800] =	vst v63  }
0x3c6: {  	s0 =	sadd.s32 @!p0 $0x738, s3;
	s5 =	simm.s32 @!p0 $0x7640  }
0x3c7: {  	[tilespmem:s5], [sflag:$0x1] =	stream.indirect.gather @!p0 [hbm4b:s4+s10], $0x20, s0, s10, $0xb8;
	[tilespmem:$0x13800] =	vst v63  }
0x3c8: {  	s0 =	sadd.s32 @!p0 $0x770, s3;
	s5 =	simm.s32 @!p0 $0x7C80  }
0x3c9: {  	[tilespmem:s5], [sflag:$0x1] =	stream.indirect.gather @!p0 [hbm4b:s4+s10], $0x20, s0, s10, $0xb8;
	[tilespmem:$0x13800] =	vst v63  }
0x3ca: {  	s0 =	sadd.s32 @!p0 $0x7A8, s3;
	s5 =	simm.s32 @!p0 $0x82C0  }
0x3cb: {  	[tilespmem:s5], [sflag:$0x1] =	stream.indirect.gather @!p0 [hbm4b:s4+s10], $0x20, s0, s10, $0xb8;
	[tilespmem:$0x13800] =	vst v63  }
0x3cc: {  	s0 =	sadd.s32 @!p0 $0x7E0, s3;
	s5 =	simm.s32 @!p0 $0x8900  }
0x3cd: {  	[tilespmem:s5], [sflag:$0x1] =	stream.indirect.gather @!p0 [hbm4b:s4+s10], $0x20, s0, s10, $0xb8;
	[tilespmem:$0x13800] =	vst v63  }
0x3ce: {  	s0 =	sadd.s32 @!p0 $0x818, s3;
	s5 =	simm.s32 @!p0 $0x8F40  }
0x3cf: {  	[tilespmem:s5], [sflag:$0x1] =	stream.indirect.gather @!p0 [hbm4b:s4+s10], $0x20, s0, s10, $0xb8;
	[tilespmem:$0x13800] =	vst v63  }
0x3d0: {  	s0 =	sadd.s32 @!p0 $0x850, s3;
	s5 =	simm.s32 @!p0 $0x9580  }
0x3d1: {  	[tilespmem:s5], [sflag:$0x1] =	stream.indirect.gather @!p0 [hbm4b:s4+s10], $0x20, s0, s10, $0xb8;
	[tilespmem:$0x13800] =	vst v63  }
0x3d2: {  	s0 =	sadd.s32 @!p0 $0x888, s3;
	s5 =	simm.s32 @!p0 $0x9BC0  }
0x3d3: {  	[tilespmem:s5], [sflag:$0x1] =	stream.indirect.gather @!p0 [hbm4b:s4+s10], $0x20, s0, s10, $0xb8;
	[tilespmem:$0x13800] =	vst v63  }
0x3d4: {  	s0 =	sadd.s32 @!p0 $0x8C0, s3;
	s5 =	simm.s32 @!p0 $0xA200  }
0x3d5: {  	[tilespmem:s5], [sflag:$0x1] =	stream.indirect.gather @!p0 [hbm4b:s4+s10], $0x20, s0, s10, $0xb8;
	[tilespmem:$0x13800] =	vst v63  }
0x3d6: {  	s0 =	sadd.s32 @!p0 $0x8F8, s3;
	s5 =	simm.s32 @!p0 $0xA840  }
0x3d7: {  	[tilespmem:s5], [sflag:$0x1] =	stream.indirect.gather @!p0 [hbm4b:s4+s10], $0x20, s0, s10, $0xb8;
	[tilespmem:$0x13800] =	vst v63  }
0x3d8: {  	s0 =	sadd.s32 @!p0 $0x930, s3;
	s5 =	simm.s32 @!p0 $0xAE80  }
0x3d9: {  	[tilespmem:s5], [sflag:$0x1] =	stream.indirect.gather @!p0 [hbm4b:s4+s10], $0x20, s0, s10, $0xb8;
	[tilespmem:$0x13800] =	vst v63  }
0x3da: {  	s0 =	sadd.s32 @!p0 $0x968, s3;
	s5 =	simm.s32 @!p0 $0xB4C0  }
0x3db: {  	[tilespmem:s5], [sflag:$0x1] =	stream.indirect.gather @!p0 [hbm4b:s4+s10], $0x20, s0, s10, $0xb8;
	[tilespmem:$0x13800] =	vst v63  }
0x3dc: {  	s0 =	sadd.s32 @!p0 $0x9A0, s3;
	s5 =	simm.s32 @!p0 $0xBB00  }
0x3dd: {  	[tilespmem:s5], [sflag:$0x1] =	stream.indirect.gather @!p0 [hbm4b:s4+s10], $0x20, s0, s10, $0xb8;
	[tilespmem:$0x13800] =	vst v63  }
0x3de: {  	s0 =	sadd.s32 @!p0 $0x9D8, s3;
	s5 =	simm.s32 @!p0 $0xC140  }
0x3df: {  	[tilespmem:s5], [sflag:$0x1] =	stream.indirect.gather @!p0 [hbm4b:s4+s10], $0x20, s0, s10, $0xb8;
	[tilespmem:$0x13800] =	vst v63  }
0x3e0: {  	s0 =	sadd.s32 @!p0 $0xA10, s3;
	s5 =	simm.s32 @!p0 $0xC780  }
0x3e1: {  	[tilespmem:s5], [sflag:$0x1] =	stream.indirect.gather @!p0 [hbm4b:s4+s10], $0x20, s0, s10, $0xb8;
	[tilespmem:$0x13800] =	vst v63  }
0x3e2: {  	s0 =	sadd.s32 @!p0 $0xA48, s3;
	s3 =	simm.s32 @!p0 $0xCDC0  }
0x3e3: {  	[tilespmem:s3], [sflag:$0x1] =	stream.indirect.gather @!p0 [hbm4b:s4+s10], $0x20, s0, s10, $0xb8;
	[tilespmem:$0x13800] =	vst v63  }
0x3e4: {  	s3 =	sadd.s32 $0x3800, s1  }
0x3e5: {  	[hbm4b:s3+s17] =	stream.strided.scatter [tilespmem:s6], [sflag:$0x4], $0x640, s19, s17, $0x38;
	[tilespmem:$0x13800] =	vst v63  }
0x3e6: {  	s5 =	sadd.s32 $0x3B80, s1  }
0x3e7: {  	[hbm4b:s5+s17] =	stream.strided.scatter [tilespmem:s7], [sflag:$0x4], $0x640, s19, s17, $0x38;
	[tilespmem:$0x13800] =	vst v63  }
0x3e8: {  	s1 =	sadd.s32 $0x3F00, s1;
	s6 =	rddreg [dreg:$0x1b]  }
0x3e9: {  	[hbm4b:s1+s17] =	stream.strided.scatter [tilespmem:s2], [sflag:$0x4], $0x640, s19, s17, $0x38;
	[tilespmem:$0x13800] =	vst v63  }
0x3ea: {  	s0 =	sadd.s32 s25, s6;
	s7 =	rddreg [dreg:$0x1a]  }
0x3eb: {  	[hbm4b:s0+s17] =	stream.strided.scatter [tilespmem:s9], [sflag:$0x4], $0x640, s19, s17, $0x38;
	[tilespmem:$0x13800] =	vst v63  }
0x3ec: {  	s10 =	rddreg [dreg:$0x19];
	s1 =	sadd.s32 s25, s7  }
0x3ed: {  	[hbm4b:s1+s17] =	stream.strided.scatter [tilespmem:s11], [sflag:$0x4], $0x640, s19, s17, $0x38;
	[tilespmem:$0x13800] =	vst v63  }
0x3ee: {  	s0 =	sadd.s32 s25, s10;
	s11 =	rddreg [dreg:$0x18]  }
0x3ef: {  	[hbm4b:s0+s17] =	stream.strided.scatter [tilespmem:s12], [sflag:$0x4], $0x640, s19, s17, $0x38;
	[tilespmem:$0x13800] =	vst v63  }
0x3f0: {  	s1 =	sadd.s32 s25, s11;
	s12 =	rddreg [dreg:$0x17]  }
0x3f1: {  	[hbm4b:s1+s17] =	stream.strided.scatter [tilespmem:s13], [sflag:$0x4], $0x640, s19, s17, $0x38;
	[tilespmem:$0x13800] =	vst v63  }
0x3f2: {  	s0 =	sadd.s32 s25, s12;
	s13 =	rddreg [dreg:$0x16]  }
0x3f3: {  	[hbm4b:s0+s17] =	stream.strided.scatter [tilespmem:s14], [sflag:$0x4], $0x640, s19, s17, $0x38;
	[tilespmem:$0x13800] =	vst v63  }
0x3f4: {  	s1 =	sadd.s32 s25, s13;
	s14 =	rddreg [dreg:$0x15]  }
0x3f5: {  	[hbm4b:s1+s17] =	stream.strided.scatter [tilespmem:s16], [sflag:$0x4], $0x640, s19, s17, $0x38;
	[tilespmem:$0x13800] =	vst v63  }
0x3f6: {  	s0 =	sadd.s32 s25, s14;
	s16 =	rddreg [dreg:$0x14]  }
0x3f7: {  	[hbm4b:s0+s17] =	stream.strided.scatter [tilespmem:s18], [sflag:$0x4], $0x640, s19, s17, $0x38;
	[tilespmem:$0x13800] =	vst v63  }
0x3f8: {  	s1 =	sadd.s32 s25, s16;
	s18 =	rddreg [dreg:$0x13]  }
0x3f9: {  	[hbm4b:s1+s17] =	stream.strided.scatter [tilespmem:s20], [sflag:$0x4], $0x640, s19, s17, $0x38;
	[tilespmem:$0x13800] =	vst v63  }
0x3fa: {  	s0 =	sadd.s32 s25, s18;
	s20 =	rddreg [dreg:$0x12]  }
0x3fb: {  	[hbm4b:s0+s17] =	stream.strided.scatter [tilespmem:s22], [sflag:$0x4], $0x640, s19, s17, $0x38;
	[tilespmem:$0x13800] =	vst v63  }
0x3fc: {  	s1 =	sadd.s32 s25, s20;
	s22 =	rddreg [dreg:$0x11]  }
0x3fd: {  	[hbm4b:s1+s17] =	stream.strided.scatter [tilespmem:s24], [sflag:$0x4], $0x640, s19, s17, $0x38;
	[tilespmem:$0x13800] =	vst v63  }
0x3fe: {  	s0 =	sadd.s32 s25, s22;
	s24 =	rddreg [dreg:$0x10]  }
0x3ff: {  	[hbm4b:s0+s17] =	stream.strided.scatter [tilespmem:s26], [sflag:$0x4], $0x640, s19, s17, $0x38;
	[tilespmem:$0x13800] =	vst v63  }
0x400: {  	s28 =	rddreg [dreg:$0xf];
	s1 =	sadd.s32 s25, s24  }
0x401: {  	[hbm4b:s1+s17] =	stream.strided.scatter [tilespmem:s29], [sflag:$0x4], $0x640, s19, s17, $0x38;
	[tilespmem:$0x13800] =	vst v63  }
0x402: {  	s0 =	sadd.s32 s25, s28;
	s29 =	simm.s32 $0x4  }
0x403: {  	[hbm4b:s0+s17] =	stream.strided.scatter [tilespmem:s30], [sflag:$0x4], $0x640, s19, s17, $0x38;
	[tilespmem:$0x13800] =	vst v63  }
0x404: {  	_ =	swait.ge [sflag:s29], $0x640  }
0x405: {  	[sflag:s29] =	ssyncset.done $0x0  }
0x406: {  	[sflag:s29] =	ssyncadd.s32 $0xFFFFF9C0  }
0x407: {  	_ =	swait.ge [sflag:s29], $0x640  }
0x408: {  	[sflag:s29] =	ssyncset.done $0x0  }
0x409: {  	[sflag:s29] =	ssyncadd.s32 $0xFFFFF9C0  }
0x40a: {  	_ =	swait.ge [sflag:s29], $0x640  }
0x40b: {  	[sflag:s29] =	ssyncset.done $0x0  }
0x40c: {  	[sflag:s29] =	ssyncadd.s32 $0xFFFFF9C0  }
0x40d: {  	_ =	swait.ge [sflag:s29], $0x640  }
0x40e: {  	[sflag:s29] =	ssyncset.done $0x0  }
0x40f: {  	[sflag:s29] =	ssyncadd.s32 $0xFFFFF9C0  }
0x410: {  	_ =	swait.ge [sflag:s29], $0x640  }
0x411: {  	[sflag:s29] =	ssyncset.done $0x0  }
0x412: {  	[sflag:s29] =	ssyncadd.s32 $0xFFFFF9C0  }
0x413: {  	_ =	swait.ge [sflag:s29], $0x640  }
0x414: {  	[sflag:s29] =	ssyncset.done $0x0  }
0x415: {  	[sflag:s29] =	ssyncadd.s32 $0xFFFFF9C0  }
0x416: {  	_ =	swait.ge [sflag:s29], $0x640  }
0x417: {  	[sflag:s29] =	ssyncset.done $0x0  }
0x418: {  	[sflag:s29] =	ssyncadd.s32 $0xFFFFF9C0  }
0x419: {  	_ =	swait.ge [sflag:s29], $0x640  }
0x41a: {  	[sflag:s29] =	ssyncset.done $0x0  }
0x41b: {  	[sflag:s29] =	ssyncadd.s32 $0xFFFFF9C0  }
0x41c: {  	_ =	swait.ge [sflag:s29], $0x640  }
0x41d: {  	[sflag:s29] =	ssyncset.done $0x0  }
0x41e: {  	[sflag:s29] =	ssyncadd.s32 $0xFFFFF9C0  }
0x41f: {  	_ =	swait.ge [sflag:s29], $0x640  }
0x420: {  	[sflag:s29] =	ssyncset.done $0x0  }
0x421: {  	[sflag:s29] =	ssyncadd.s32 $0xFFFFF9C0  }
0x422: {  	_ =	swait.ge [sflag:s29], $0x640  }
0x423: {  	[sflag:s29] =	ssyncset.done $0x0  }
0x424: {  	[sflag:s29] =	ssyncadd.s32 $0xFFFFF9C0  }
0x425: {  	_ =	swait.ge [sflag:s29], $0x640  }
0x426: {  	[sflag:s29] =	ssyncset.done $0x0  }
0x427: {  	[sflag:s29] =	ssyncadd.s32 $0xFFFFF9C0  }
0x428: {  	_ =	swait.ge [sflag:s29], $0x640  }
0x429: {  	[sflag:s29] =	ssyncset.done $0x0  }
0x42a: {  	[sflag:s29] =	ssyncadd.s32 $0xFFFFF9C0  }
0x42b: {  	_ =	swait.ge [sflag:s29], $0x640  }
0x42c: {  	[sflag:s29] =	ssyncset.done $0x0  }
0x42d: {  	[sflag:s29] =	ssyncadd.s32 $0xFFFFF9C0  }
0x42e: {  	_ =	swait.ge [sflag:s29], $0x640  }
0x42f: {  	[sflag:s29] =	ssyncset.done $0x0  }
0x430: {  	[sflag:s29] =	ssyncadd.s32 $0xFFFFF9C0  }
0x431: {  	_ =	swait.ge [sflag:s29], $0x640  }
0x432: {  	s30 =	rddreg [dreg:$0x1e]  }
0x433: {  	s31 =	rddreg [dreg:$0x1d];
	s2 =	sadd.s32 $0x1, s30  }
0x434: {  	p0 =	sne.s32 s2, s31  }
.Ltmp1:
0x435: {  	_ = 	snop;
	(pc) =	sbr.rel @p0 .LBB2_1-.Ltmp1, $3  }
0x436: {  	_ =	sdelay $0x1  }
0x437: {  	[sflag:s29] =	ssyncset.done $0x0  }
0x438: {  	s10 =	simm.s32 $0x131C0;
	[sflag:s29] =	ssyncadd.s32 $0xFFFFF9C0  }
0x439: {  	_ =	sfence.sel $0x180000  }
0x43a: {  	[bflag:$0x0] =	sbarrier.arrive $0xFFFF  }
0x43b: {  	_ =	strace $0x90000047  }
0x43c: {  	s0 =	stileid.u32;
	[bflag:$0x2] =	sbarrier.arrive $0xFFFF  }
0x43d: {  	p0 =	sne.s32 s0, $0x0;
	s0 =	rddreg [dreg:$0x2]  }
0x43e: {  	s0 =	sadd.s32 @!p0 $0x100000, s0  }
0x43f: {  	[sflag:s0] =	ssyncadd.tile.s32 @!p0 $0x1;
	_ =	shalt  }
.Lfunc_end2:
_tile_overlayer_lowered:
.L_overlay_start_2:
0x440: {  	(tag) =	ssettag $0x2  }
0x441: {  	s0 =	rddreg [dreg:$0x0];
	s2 =	stileid.u32  }
0x442: {  	s1 =	rddreg [dreg:$0x1];
	p0 =	sne.s32 s2, $0x0  }
0x443: {  	s3 =	rddreg [dreg:$0x2];
	[bflag:$0x3] =	sbarrier.arrive $0xFFFF;
	s2 =	simm.s32 @!p0 $0x1C05  }
0x444: {  	[timem:s3], [sflag:s2] =	dma.local @!p0 [hbm:s0], s1  }
0x445: {  	s0 =	simm.s32 @!p0 $0x5  }
0x446: {  	_ =	swait.ge @!p0 [sflag:s0], s1  }
0x447: {  	s1 =	ssub.s32 @!p0 $0x0, s1;
	[sflag:s0] =	ssyncset.done @!p0 $0x0  }
0x448: {  	[sflag:s0] =	ssyncadd.s32 @!p0 s1  }
0x449: {  	[bflag:$0x3] =	sbarrier.arrive $0xFFFF  }
0x44a: {  	_ =	shalt  }

</sc_bundles>
